<compile_context>
chip_gen: v7x
topology: tpu7x:2x2x1
jax: 0.10.2.dev20260603
libtpu: 0.0.44.dev20260713+nightly
codegen_flags: <defaults>
</compile_context>

<pallas_src>
import functools

import jax
import jax.numpy as jnp
from jax import lax
from jax.experimental import pallas as pl
from jax.experimental.pallas import tpu as pltpu
from jax.experimental.pallas import tpu_sc as plsc

N = 10000
E = 320000
F = 128
FH = 64
D2 = 48
D2H = 24
DDEG = 16
NCLS = 40

NC, NS = 2, 16
NW = NC * NS
C = 128
NCHUNK = E // C
ZROWS = 632
ACC_ROWS = NS * ZROWS
ROW_TAIL = N - (NS - 1) * ZROWS

BM = 2000
GRID = N // BM


def _rowwise(fn):
    def run(s):
        @pl.when(s < NS - 1)
        def _():
            fn(s * ZROWS, ZROWS)

        @pl.when(s == NS - 1)
        def _():
            fn((NS - 1) * ZROWS, ROW_TAIL)
    return run


def _halfwise(c, fn):
    @pl.when(c == 0)
    def _():
        fn(0)

    @pl.when(c == 1)
    def _():
        fn(1)


@functools.lru_cache(maxsize=None)
def _make_sc_agg(DH, NBUF):
    mesh = plsc.VectorSubcoreMesh(core_axis_name="c", subcore_axis_name="s",
                                  num_cores=NC, num_subcores=NS)
    niter_max = -(-NCHUNK // NS)
    full = NCHUNK - NS * (niter_max - 1)

    @functools.partial(
        pl.kernel,
        out_type=jax.ShapeDtypeStruct((N, 2 * DH), jnp.float32),
        mesh=mesh,
        scratch_types=[
            [pltpu.VMEM((C,), jnp.int32) for _ in range(NBUF)],
            [pltpu.VMEM((C,), jnp.int32) for _ in range(NBUF)],
            [pltpu.VMEM((C, DH), jnp.float32) for _ in range(NBUF)],
            pltpu.VMEM_SHARED((N, DH), jnp.float32),
            pltpu.VMEM_SHARED((ACC_ROWS, DH), jnp.float32),
            [pltpu.SemaphoreType.DMA for _ in range(NBUF)],
            [pltpu.SemaphoreType.DMA for _ in range(NBUF)],
            [pltpu.SemaphoreType.DMA for _ in range(NBUF)],
        ],
        compiler_params=pltpu.CompilerParams(use_tc_tiling_on_sc=False),
    )
    def sc_agg(hw_hbm, eidx_hbm, zeros_hbm, dep_hbm, out_hbm,
               srcb, dstb, rows, tab_sh, acc_sh, sem_s, sem_d, sem_g):
        del dep_hbm
        c = lax.axis_index("c")
        s = lax.axis_index("s")
        niter = jnp.where(s < full, niter_max, niter_max - 1)

        _halfwise(c, lambda h: _rowwise(lambda r0, nr: pltpu.sync_copy(
            hw_hbm.at[pl.ds(r0, nr), pl.ds(h * DH, DH)],
            tab_sh.at[pl.ds(r0, nr)]))(s))
        pltpu.sync_copy(zeros_hbm, acc_sh.at[pl.ds(s * ZROWS, ZROWS)])
        plsc.subcore_barrier()

        def g(i):
            return NS * i + s

        def load_idx(i, p):
            pltpu.async_copy(eidx_hbm.at[0, g(i)], srcb[p], sem_s[p])
            pltpu.async_copy(eidx_hbm.at[1, g(i)], dstb[p], sem_d[p])

        def start_gather(i, p):
            pltpu.make_async_copy(eidx_hbm.at[0, g(i)],
                                  srcb[p], sem_s[p]).wait()
            pltpu.async_copy(tab_sh.at[srcb[p]], rows[p], sem_g[p])

        for k in range(NBUF):
            load_idx(k, k)
        for k in range(NBUF - 1):
            start_gather(k, k)

        def stage(i, p):
            qg = (p + NBUF - 1) % NBUF

            @pl.when(i < niter)
            def _():
                pltpu.make_async_copy(tab_sh.at[srcb[p]],
                                      rows[p], sem_g[p]).wait()
                pltpu.make_async_copy(eidx_hbm.at[1, g(i)],
                                      dstb[p], sem_d[p]).wait()
                pltpu.sync_copy(rows[p], acc_sh.at[dstb[p]], add=True)

            @pl.when(i + NBUF < niter)
            def _():
                load_idx(i + NBUF, p)

            @pl.when(i + NBUF - 1 < niter)
            def _():
                start_gather(i + NBUF - 1, qg)

        def body(j, carry):
            for p in range(NBUF):
                stage(NBUF * j + p, p)
            return carry

        nfull = niter_max // NBUF
        lax.fori_loop(0, nfull, body, 0)
        for i in range(NBUF * nfull, niter_max):
            stage(i, i % NBUF)
        plsc.subcore_barrier()

        _halfwise(c, lambda h: _rowwise(lambda r0, nr: pltpu.sync_copy(
            acc_sh.at[pl.ds(r0, nr)],
            out_hbm.at[pl.ds(r0, nr), pl.ds(h * DH, DH)]))(s))

    return sc_agg


@functools.lru_cache(maxsize=None)
def _make_sc_deg():
    NBUF = 4
    mesh = plsc.VectorSubcoreMesh(core_axis_name="c", subcore_axis_name="s",
                                  num_cores=NC, num_subcores=NS)
    niter_max = -(-NCHUNK // NW)
    full = NCHUNK - NW * (niter_max - 1)

    @functools.partial(
        pl.kernel,
        out_type=jax.ShapeDtypeStruct((N, 2 * DDEG), jnp.float32),
        mesh=mesh,
        scratch_types=[
            [pltpu.VMEM((C,), jnp.int32) for _ in range(NBUF)],
            pltpu.VMEM((C, DDEG), jnp.float32),
            pltpu.VMEM_SHARED((ACC_ROWS, DDEG), jnp.float32),
            [pltpu.SemaphoreType.DMA for _ in range(NBUF)],
        ],
        compiler_params=pltpu.CompilerParams(use_tc_tiling_on_sc=False),
    )
    def sc_deg(eidx_hbm, ones_hbm, zeros_hbm, out_hbm,
               dstb, ones_v, acc_sh, sem_d):
        c = lax.axis_index("c")
        s = lax.axis_index("s")
        wid = s * NC + c
        niter = jnp.where(wid < full, niter_max, niter_max - 1)

        pltpu.sync_copy(ones_hbm, ones_v)
        pltpu.sync_copy(zeros_hbm, acc_sh.at[pl.ds(s * ZROWS, ZROWS)])
        plsc.subcore_barrier()

        def g(i):
            return NW * i + wid

        for k in range(NBUF):
            pltpu.async_copy(eidx_hbm.at[1, g(k)], dstb[k], sem_d[k])

        def stage(i, p):
            @pl.when(i < niter)
            def _():
                pltpu.make_async_copy(eidx_hbm.at[1, g(i)],
                                      dstb[p], sem_d[p]).wait()
                pltpu.sync_copy(ones_v, acc_sh.at[dstb[p]], add=True)

            @pl.when(i + NBUF < niter)
            def _():
                pltpu.async_copy(eidx_hbm.at[1, g(i + NBUF)],
                                 dstb[p], sem_d[p])

        def body(j, carry):
            for p in range(NBUF):
                stage(NBUF * j + p, p)
            return carry

        nfull = niter_max // NBUF
        lax.fori_loop(0, nfull, body, 0)
        for i in range(NBUF * nfull, niter_max):
            stage(i, i % NBUF)
        plsc.subcore_barrier()

        _halfwise(c, lambda h: _rowwise(lambda r0, nr: pltpu.sync_copy(
            acc_sh.at[pl.ds(r0, nr)],
            out_hbm.at[pl.ds(r0, nr), pl.ds(h * DDEG, DDEG)]))(s))

    return sc_deg


def _dinv_of(g_ref):
    deg = g_ref[:, 0:1] + g_ref[:, DDEG:DDEG + 1]
    return 1.0 / jnp.maximum(deg, 1.0)


def _tc1_body(x_ref, w_ref, out_ref):
    out_ref[...] = jnp.dot(x_ref[...], w_ref[...],
                           preferred_element_type=jnp.float32)


def _tc1(x, w0):
    return pl.pallas_call(
        _tc1_body,
        grid=(GRID,),
        in_specs=[
            pl.BlockSpec((BM, F), lambda m: (m, 0)),
            pl.BlockSpec((F, F), lambda m: (0, 0)),
        ],
        out_specs=pl.BlockSpec((BM, F), lambda m: (m, 0)),
        out_shape=jax.ShapeDtypeStruct((N, F), jnp.float32),
    )(x, w0)


def _tc23_body(a_ref, g_ref, w_ref, b_ref, out_ref):
    dinv = _dinv_of(g_ref)
    h = jnp.maximum(a_ref[...] * dinv + b_ref[...], 0.0)
    out_ref[...] = jnp.dot(h, w_ref[...], preferred_element_type=jnp.float32)


def _tc23(a, gdeg, w, b, DO):
    return pl.pallas_call(
        _tc23_body,
        grid=(GRID,),
        in_specs=[
            pl.BlockSpec((BM, F), lambda m: (m, 0)),
            pl.BlockSpec((BM, 2 * DDEG), lambda m: (m, 0)),
            pl.BlockSpec((F, DO), lambda m: (0, 0)),
            pl.BlockSpec((1, F), lambda m: (0, 0)),
        ],
        out_specs=pl.BlockSpec((BM, DO), lambda m: (m, 0)),
        out_shape=jax.ShapeDtypeStruct((N, DO), jnp.float32),
    )(a, gdeg, w, b)


def _tc4_body(a_ref, g_ref, b_ref, out_ref):
    dinv = _dinv_of(g_ref)
    out_ref[...] = a_ref[:, :NCLS] * dinv + b_ref[...]


def _tc4(a, gdeg, b2):
    return pl.pallas_call(
        _tc4_body,
        grid=(GRID,),
        in_specs=[
            pl.BlockSpec((BM, D2), lambda m: (m, 0)),
            pl.BlockSpec((BM, 2 * DDEG), lambda m: (m, 0)),
            pl.BlockSpec((1, NCLS), lambda m: (0, 0)),
        ],
        out_specs=pl.BlockSpec((BM, NCLS), lambda m: (m, 0)),
        out_shape=jax.ShapeDtypeStruct((N, NCLS), jnp.float32),
    )(a, gdeg, b2)


def kernel(features, edge_index, W0, b0, W1, b1, W2, b2):
    eidx = edge_index.reshape(2, NCHUNK, C)
    w2p = jnp.pad(W2, ((0, 0), (0, D2 - NCLS)))
    zeros_h = jnp.zeros((ZROWS, FH), jnp.float32)

    gdeg = _make_sc_deg()(eidx, jnp.ones((C, DDEG), jnp.float32),
                          jnp.zeros((ZROWS, DDEG), jnp.float32))

    hw0 = _tc1(features, W0)
    a0 = _make_sc_agg(FH, 4)(hw0, eidx, zeros_h, gdeg)
    hw1 = _tc23(a0, gdeg, W1, b0[None, :], F)
    a1 = _make_sc_agg(FH, 4)(hw1, eidx, zeros_h, gdeg)
    hw2 = _tc23(a1, gdeg, w2p, b1[None, :], D2)
    a2 = _make_sc_agg(D2H, 4)(hw2, eidx,
                              jnp.zeros((ZROWS, D2H), jnp.float32), gdeg)
    return _tc4(a2, gdeg, b2[None, :])

# --- scband reference (transcript-rebuilt; emitter-appended) ---
"""Pipeline reference for scband-gcn-20779051778665 (READ-ONLY COPY).

The authoritative reference and input builder live on the scoring server;
editing this copy changes nothing except your own understanding.
"""

import jax, jax.numpy as jnp
import numpy as np

N_NODES = 10000
N_EDGES = 320000
IN_FEATS = 128
N_HIDDEN = 128
N_CLASSES = 40


def _glorot(key, shape):
    fan_in, fan_out = shape[0], shape[1]
    limit = jnp.sqrt(6.0 / (fan_in + fan_out))
    return jax.random.uniform(key, shape, dtype=jnp.float32, minval=-limit, maxval=limit)


def setup_inputs(seed: int = 0) -> dict:
    key = jax.random.key(seed)
    ks = jax.random.split(key, 8)
    features = jax.random.normal(ks[0], (N_NODES, IN_FEATS), dtype=jnp.float32)
    edge_index = jax.random.randint(ks[1], (2, N_EDGES), 0, N_NODES, dtype=jnp.int32)
    W0 = _glorot(ks[2], (IN_FEATS, N_HIDDEN))
    b0 = jnp.zeros((N_HIDDEN,), dtype=jnp.float32)
    W1 = _glorot(ks[3], (N_HIDDEN, N_HIDDEN))
    b1 = jnp.zeros((N_HIDDEN,), dtype=jnp.float32)
    W2 = _glorot(ks[4], (N_HIDDEN, N_CLASSES))
    b2 = jnp.zeros((N_CLASSES,), dtype=jnp.float32)
    return {"features": features, "edge_index": edge_index,
            "W0": W0, "b0": b0, "W1": W1, "b1": b1, "W2": W2, "b2": b2}


def _graph_conv(h, W, b, src, dst, activation):
    # DGL GraphConv with norm='right': h_dst = (1/in_deg(dst)) * sum_{src->dst} (h_src W) + b
    hw = h @ W
    msgs = jnp.take(hw, src, axis=0)
    agg = jax.ops.segment_sum(msgs, dst, num_segments=N_NODES)
    deg = jax.ops.segment_sum(jnp.ones((src.shape[0],), dtype=jnp.float32), dst, num_segments=N_NODES)
    deg = jnp.clip(deg, 1.0, None)
    out = agg / deg[:, None] + b
    if activation:
        out = jax.nn.relu(out)
    return out


def reference(features, edge_index, W0, b0, W1, b1, W2, b2):
    src = edge_index[0]
    dst = edge_index[1]
    # dropout is identity in eval mode
    h = _graph_conv(features, W0, b0, src, dst, activation=True)
    h = _graph_conv(h, W1, b1, src, dst, activation=True)
    h = _graph_conv(h, W2, b2, src, dst, activation=False)
    return h

if __name__ == "__main__":
    import jax
    _d = setup_inputs()
    print(jax.jit(kernel)(*tuple(_d.values())))

</pallas_src>

<mosaic_0001>
#map = affine_map<(d0, d1) -> (0, 0)>
#map1 = affine_map<(d0, d1) -> (0, 0, 0)>
module attributes {stable_mosaic.version = 14 : i64} {
  func.func @sc_agg(%arg0: i32, %arg1: i32, %arg2: memref<10000x128xf32, #tpu.memory_space<hbm>>, %arg3: memref<2x2500x128xi32, #tpu.memory_space<hbm>>, %arg4: memref<632x64xf32, #tpu.memory_space<hbm>>, %arg5: memref<10000x32xf32, #tpu.memory_space<hbm>>, %arg6: memref<10000x128xf32, #tpu.memory_space<hbm>>, %arg7: memref<128xi32, #tpu.memory_space<vmem>>, %arg8: memref<128xi32, #tpu.memory_space<vmem>>, %arg9: memref<128xi32, #tpu.memory_space<vmem>>, %arg10: memref<128xi32, #tpu.memory_space<vmem>>, %arg11: memref<128xi32, #tpu.memory_space<vmem>>, %arg12: memref<128xi32, #tpu.memory_space<vmem>>, %arg13: memref<128xi32, #tpu.memory_space<vmem>>, %arg14: memref<128xi32, #tpu.memory_space<vmem>>, %arg15: memref<128x64xf32, #tpu.memory_space<vmem>>, %arg16: memref<128x64xf32, #tpu.memory_space<vmem>>, %arg17: memref<128x64xf32, #tpu.memory_space<vmem>>, %arg18: memref<128x64xf32, #tpu.memory_space<vmem>>, %arg19: memref<10000x64xf32, #tpu.memory_space<vmem_shared>>, %arg20: memref<10112x64xf32, #tpu.memory_space<vmem_shared>>, %arg21: memref<!tpu.dma_semaphore, #tpu.memory_space<semaphore_mem>>, %arg22: memref<!tpu.dma_semaphore, #tpu.memory_space<semaphore_mem>>, %arg23: memref<!tpu.dma_semaphore, #tpu.memory_space<semaphore_mem>>, %arg24: memref<!tpu.dma_semaphore, #tpu.memory_space<semaphore_mem>>, %arg25: memref<!tpu.dma_semaphore, #tpu.memory_space<semaphore_mem>>, %arg26: memref<!tpu.dma_semaphore, #tpu.memory_space<semaphore_mem>>, %arg27: memref<!tpu.dma_semaphore, #tpu.memory_space<semaphore_mem>>, %arg28: memref<!tpu.dma_semaphore, #tpu.memory_space<semaphore_mem>>, %arg29: memref<!tpu.dma_semaphore, #tpu.memory_space<semaphore_mem>>, %arg30: memref<!tpu.dma_semaphore, #tpu.memory_space<semaphore_mem>>, %arg31: memref<!tpu.dma_semaphore, #tpu.memory_space<semaphore_mem>>, %arg32: memref<!tpu.dma_semaphore, #tpu.memory_space<semaphore_mem>>) attributes {dimension_semantics = [#tpu.dimension_semantics<core_parallel>, #tpu.dimension_semantics<subcore_parallel>], iteration_bounds = array<i64: 2, 16>, scalar_prefetch = 0 : i64, scratch_operands = 26 : i64, tpu.core_type = #tpu.core_type<sc_vector_subcore>, window_params = [{transform_indices = #map}, {transform_indices = #map1}, {transform_indices = #map}, {transform_indices = #map}, {transform_indices = #map}]} {
    %lt3A = arith.constant 4 : i32
    %lt3A_0 = arith.cmpi slt, %arg1, %lt3A : i32
    %jit3A = arith.constant 157 : i32
    %jit3A_1 = arith.constant 156 : i32
    %select_n3A = arith.select %lt3A_0, %jit3A, %jit3A_1 : i32
    %eq3A = arith.constant 0 : i32
    %eq3A_2 = arith.cmpi eq, %arg0, %eq3A : i32
    %convert_element_type3A = arith.extui %eq3A_2 : i1 to i32
    %cond3A = arith.constant 0 : i32
    %cond3A_3 = arith.cmpi ne, %convert_element_type3A, %cond3A : i32
    scf.if %cond3A_3 {
      %lt3A_145 = arith.constant 15 : i32
      %lt3A_146 = arith.cmpi slt, %arg1, %lt3A_145 : i32
      %convert_element_type3A_147 = arith.extui %lt3A_146 : i1 to i32
      %cond3A_148 = arith.constant 0 : i32
      %cond3A_149 = arith.cmpi ne, %convert_element_type3A_147, %cond3A_148 : i32
      scf.if %cond3A_149 {
        %mul3A_155 = arith.constant 632 : i32
        %mul3A_156 = arith.muli %arg1, %mul3A_155 : i32
        "tpu.region"() ({
          %run_scoped3A = tpu.sem_alloc : memref<!tpu.dma_semaphore, #tpu.memory_space<semaphore_mem>>
          %dma_start3A_157 = arith.constant 0 : i32
          %dma_start3A_158 = tpu.memref_slice %arg19[%mul3A_156, %dma_start3A_157] : memref<10000x64xf32, #tpu.memory_space<vmem_shared>> -> memref<632x64xf32, #tpu.memory_space<vmem_shared>>
          %dma_start3A_159 = arith.constant 0 : i32
          %dma_start3A_160 = tpu.memref_slice %arg2[%mul3A_156, %dma_start3A_159] : memref<10000x128xf32, #tpu.memory_space<hbm>> -> memref<632x64xf32, #tpu.memory_space<hbm>>
          tpu.enqueue_dma source(%dma_start3A_160 : memref<632x64xf32, #tpu.memory_space<hbm>>) target(%dma_start3A_158 : memref<632x64xf32, #tpu.memory_space<vmem_shared>>) target_semaphore(%run_scoped3A : memref<!tpu.dma_semaphore, #tpu.memory_space<semaphore_mem>>)
          %dma_wait3A_161 = arith.constant 0 : i32
          %dma_wait3A_162 = tpu.memref_slice %arg19[%mul3A_156, %dma_wait3A_161] : memref<10000x64xf32, #tpu.memory_space<vmem_shared>> -> memref<632x64xf32, #tpu.memory_space<vmem_shared>>
          %dma_wait3A_163 = arith.constant 0 : i32
          %dma_wait3A_164 = tpu.memref_slice %arg2[%mul3A_156, %dma_wait3A_163] : memref<10000x128xf32, #tpu.memory_space<hbm>> -> memref<632x64xf32, #tpu.memory_space<hbm>>
          tpu.wait_dma2 semaphore(%run_scoped3A : memref<!tpu.dma_semaphore, #tpu.memory_space<semaphore_mem>>) src(%dma_wait3A_164 : memref<632x64xf32, #tpu.memory_space<hbm>>) dst(%dma_wait3A_162 : memref<632x64xf32, #tpu.memory_space<vmem_shared>>)
          tpu.yield
        }) : () -> ()
      } else {
      }
      %eq3A_150 = arith.constant 15 : i32
      %eq3A_151 = arith.cmpi eq, %arg1, %eq3A_150 : i32
      %convert_element_type3A_152 = arith.extui %eq3A_151 : i1 to i32
      %cond3A_153 = arith.constant 0 : i32
      %cond3A_154 = arith.cmpi ne, %convert_element_type3A_152, %cond3A_153 : i32
      scf.if %cond3A_154 {
        "tpu.region"() ({
          %run_scoped3A = tpu.sem_alloc : memref<!tpu.dma_semaphore, #tpu.memory_space<semaphore_mem>>
          %dma_start3A_155 = arith.constant 9480 : i32
          %dma_start3A_156 = arith.constant 0 : i32
          %dma_start3A_157 = tpu.memref_slice %arg19[%dma_start3A_155, %dma_start3A_156] : memref<10000x64xf32, #tpu.memory_space<vmem_shared>> -> memref<520x64xf32, #tpu.memory_space<vmem_shared>>
          %dma_start3A_158 = arith.constant 9480 : i32
          %dma_start3A_159 = arith.constant 0 : i32
          %dma_start3A_160 = tpu.memref_slice %arg2[%dma_start3A_158, %dma_start3A_159] : memref<10000x128xf32, #tpu.memory_space<hbm>> -> memref<520x64xf32, #tpu.memory_space<hbm>>
          tpu.enqueue_dma source(%dma_start3A_160 : memref<520x64xf32, #tpu.memory_space<hbm>>) target(%dma_start3A_157 : memref<520x64xf32, #tpu.memory_space<vmem_shared>>) target_semaphore(%run_scoped3A : memref<!tpu.dma_semaphore, #tpu.memory_space<semaphore_mem>>)
          %dma_wait3A_161 = arith.constant 9480 : i32
          %dma_wait3A_162 = arith.constant 0 : i32
          %dma_wait3A_163 = tpu.memref_slice %arg19[%dma_wait3A_161, %dma_wait3A_162] : memref<10000x64xf32, #tpu.memory_space<vmem_shared>> -> memref<520x64xf32, #tpu.memory_space<vmem_shared>>
          %dma_wait3A_164 = arith.constant 9480 : i32
          %dma_wait3A_165 = arith.constant 0 : i32
          %dma_wait3A_166 = tpu.memref_slice %arg2[%dma_wait3A_164, %dma_wait3A_165] : memref<10000x128xf32, #tpu.memory_space<hbm>> -> memref<520x64xf32, #tpu.memory_space<hbm>>
          tpu.wait_dma2 semaphore(%run_scoped3A : memref<!tpu.dma_semaphore, #tpu.memory_space<semaphore_mem>>) src(%dma_wait3A_166 : memref<520x64xf32, #tpu.memory_space<hbm>>) dst(%dma_wait3A_163 : memref<520x64xf32, #tpu.memory_space<vmem_shared>>)
          tpu.yield
        }) : () -> ()
      } else {
      }
    } else {
    }
    %eq3A_4 = arith.constant 1 : i32
    %eq3A_5 = arith.cmpi eq, %arg0, %eq3A_4 : i32
    %convert_element_type3A_6 = arith.extui %eq3A_5 : i1 to i32
    %cond3A_7 = arith.constant 0 : i32
    %cond3A_8 = arith.cmpi ne, %convert_element_type3A_6, %cond3A_7 : i32
    scf.if %cond3A_8 {
      %lt3A_145 = arith.constant 15 : i32
      %lt3A_146 = arith.cmpi slt, %arg1, %lt3A_145 : i32
      %convert_element_type3A_147 = arith.extui %lt3A_146 : i1 to i32
      %cond3A_148 = arith.constant 0 : i32
      %cond3A_149 = arith.cmpi ne, %convert_element_type3A_147, %cond3A_148 : i32
      scf.if %cond3A_149 {
        %mul3A_155 = arith.constant 632 : i32
        %mul3A_156 = arith.muli %arg1, %mul3A_155 : i32
        "tpu.region"() ({
          %run_scoped3A = tpu.sem_alloc : memref<!tpu.dma_semaphore, #tpu.memory_space<semaphore_mem>>
          %dma_start3A_157 = arith.constant 0 : i32
          %dma_start3A_158 = tpu.memref_slice %arg19[%mul3A_156, %dma_start3A_157] : memref<10000x64xf32, #tpu.memory_space<vmem_shared>> -> memref<632x64xf32, #tpu.memory_space<vmem_shared>>
          %dma_start3A_159 = arith.constant 64 : i32
          %dma_start3A_160 = tpu.memref_slice %arg2[%mul3A_156, %dma_start3A_159] : memref<10000x128xf32, #tpu.memory_space<hbm>> -> memref<632x64xf32, #tpu.memory_space<hbm>>
          tpu.enqueue_dma source(%dma_start3A_160 : memref<632x64xf32, #tpu.memory_space<hbm>>) target(%dma_start3A_158 : memref<632x64xf32, #tpu.memory_space<vmem_shared>>) target_semaphore(%run_scoped3A : memref<!tpu.dma_semaphore, #tpu.memory_space<semaphore_mem>>)
          %dma_wait3A_161 = arith.constant 0 : i32
          %dma_wait3A_162 = tpu.memref_slice %arg19[%mul3A_156, %dma_wait3A_161] : memref<10000x64xf32, #tpu.memory_space<vmem_shared>> -> memref<632x64xf32, #tpu.memory_space<vmem_shared>>
          %dma_wait3A_163 = arith.constant 64 : i32
          %dma_wait3A_164 = tpu.memref_slice %arg2[%mul3A_156, %dma_wait3A_163] : memref<10000x128xf32, #tpu.memory_space<hbm>> -> memref<632x64xf32, #tpu.memory_space<hbm>>
          tpu.wait_dma2 semaphore(%run_scoped3A : memref<!tpu.dma_semaphore, #tpu.memory_space<semaphore_mem>>) src(%dma_wait3A_164 : memref<632x64xf32, #tpu.memory_space<hbm>>) dst(%dma_wait3A_162 : memref<632x64xf32, #tpu.memory_space<vmem_shared>>)
          tpu.yield
        }) : () -> ()
      } else {
      }
      %eq3A_150 = arith.constant 15 : i32
      %eq3A_151 = arith.cmpi eq, %arg1, %eq3A_150 : i32
      %convert_element_type3A_152 = arith.extui %eq3A_151 : i1 to i32
      %cond3A_153 = arith.constant 0 : i32
      %cond3A_154 = arith.cmpi ne, %convert_element_type3A_152, %cond3A_153 : i32
      scf.if %cond3A_154 {
        "tpu.region"() ({
          %run_scoped3A = tpu.sem_alloc : memref<!tpu.dma_semaphore, #tpu.memory_space<semaphore_mem>>
          %dma_start3A_155 = arith.constant 9480 : i32
          %dma_start3A_156 = arith.constant 0 : i32
          %dma_start3A_157 = tpu.memref_slice %arg19[%dma_start3A_155, %dma_start3A_156] : memref<10000x64xf32, #tpu.memory_space<vmem_shared>> -> memref<520x64xf32, #tpu.memory_space<vmem_shared>>
          %dma_start3A_158 = arith.constant 9480 : i32
          %dma_start3A_159 = arith.constant 64 : i32
          %dma_start3A_160 = tpu.memref_slice %arg2[%dma_start3A_158, %dma_start3A_159] : memref<10000x128xf32, #tpu.memory_space<hbm>> -> memref<520x64xf32, #tpu.memory_space<hbm>>
          tpu.enqueue_dma source(%dma_start3A_160 : memref<520x64xf32, #tpu.memory_space<hbm>>) target(%dma_start3A_157 : memref<520x64xf32, #tpu.memory_space<vmem_shared>>) target_semaphore(%run_scoped3A : memref<!tpu.dma_semaphore, #tpu.memory_space<semaphore_mem>>)
          %dma_wait3A_161 = arith.constant 9480 : i32
          %dma_wait3A_162 = arith.constant 0 : i32
          %dma_wait3A_163 = tpu.memref_slice %arg19[%dma_wait3A_161, %dma_wait3A_162] : memref<10000x64xf32, #tpu.memory_space<vmem_shared>> -> memref<520x64xf32, #tpu.memory_space<vmem_shared>>
          %dma_wait3A_164 = arith.constant 9480 : i32
          %dma_wait3A_165 = arith.constant 64 : i32
          %dma_wait3A_166 = tpu.memref_slice %arg2[%dma_wait3A_164, %dma_wait3A_165] : memref<10000x128xf32, #tpu.memory_space<hbm>> -> memref<520x64xf32, #tpu.memory_space<hbm>>
          tpu.wait_dma2 semaphore(%run_scoped3A : memref<!tpu.dma_semaphore, #tpu.memory_space<semaphore_mem>>) src(%dma_wait3A_166 : memref<520x64xf32, #tpu.memory_space<hbm>>) dst(%dma_wait3A_163 : memref<520x64xf32, #tpu.memory_space<vmem_shared>>)
          tpu.yield
        }) : () -> ()
      } else {
      }
    } else {
    }
    %mul3A = arith.constant 632 : i32
    %mul3A_9 = arith.muli %arg1, %mul3A : i32
    "tpu.region"() ({
      %run_scoped3A = tpu.sem_alloc : memref<!tpu.dma_semaphore, #tpu.memory_space<semaphore_mem>>
      %dma_start3A_145 = arith.constant 0 : i32
      %dma_start3A_146 = tpu.memref_slice %arg20[%mul3A_9, %dma_start3A_145] : memref<10112x64xf32, #tpu.memory_space<vmem_shared>> -> memref<632x64xf32, #tpu.memory_space<vmem_shared>>
      tpu.enqueue_dma source(%arg4 : memref<632x64xf32, #tpu.memory_space<hbm>>) target(%dma_start3A_146 : memref<632x64xf32, #tpu.memory_space<vmem_shared>>) target_semaphore(%run_scoped3A : memref<!tpu.dma_semaphore, #tpu.memory_space<semaphore_mem>>)
      %dma_wait3A_147 = arith.constant 0 : i32
      %dma_wait3A_148 = tpu.memref_slice %arg20[%mul3A_9, %dma_wait3A_147] : memref<10112x64xf32, #tpu.memory_space<vmem_shared>> -> memref<632x64xf32, #tpu.memory_space<vmem_shared>>
      tpu.wait_dma2 semaphore(%run_scoped3A : memref<!tpu.dma_semaphore, #tpu.memory_space<semaphore_mem>>) src(%arg4 : memref<632x64xf32, #tpu.memory_space<hbm>>) dst(%dma_wait3A_148 : memref<632x64xf32, #tpu.memory_space<vmem_shared>>)
      tpu.yield
    }) : () -> ()
    %barrier3A = arith.constant 0 : index
    tpu.barrier barrier_id(%barrier3A)
    %add3A = arith.constant 0 : i32
    %add3A_10 = arith.addi %add3A, %arg1 : i32
    %dma_start3A = arith.constant 0 : i32
    %dma_start3A_11 = arith.constant 0 : i32
    %dma_start3A_12 = tpu.memref_slice %arg3[%dma_start3A, %add3A_10, %dma_start3A_11] : memref<2x2500x128xi32, #tpu.memory_space<hbm>> -> memref<1x1x128xi32, #tpu.memory_space<hbm>>
    %dma_start3A_13 = tpu.memref_squeeze %dma_start3A_12 : memref<1x1x128xi32, #tpu.memory_space<hbm>> -> memref<128xi32, #tpu.memory_space<hbm>>
    %dma_start3A_14 = arith.constant 0 : i32
    %dma_start3A_15 = tpu.memref_slice %arg3[%dma_start3A, %add3A_10, %dma_start3A_14] : memref<2x2500x128xi32, #tpu.memory_space<hbm>> -> memref<1x1x128xi32, #tpu.memory_space<hbm>>
    %dma_start3A_16 = tpu.memref_squeeze %dma_start3A_15 : memref<1x1x128xi32, #tpu.memory_space<hbm>> -> memref<128xi32, #tpu.memory_space<hbm>>
    tpu.enqueue_dma source(%dma_start3A_16 : memref<128xi32, #tpu.memory_space<hbm>>) target(%arg7 : memref<128xi32, #tpu.memory_space<vmem>>) target_semaphore(%arg21 : memref<!tpu.dma_semaphore, #tpu.memory_space<semaphore_mem>>)
    %add3A_17 = arith.constant 0 : i32
    %add3A_18 = arith.addi %add3A_17, %arg1 : i32
    %dma_start3A_19 = arith.constant 1 : i32
    %dma_start3A_20 = arith.constant 0 : i32
    %dma_start3A_21 = tpu.memref_slice %arg3[%dma_start3A_19, %add3A_18, %dma_start3A_20] : memref<2x2500x128xi32, #tpu.memory_space<hbm>> -> memref<1x1x128xi32, #tpu.memory_space<hbm>>
    %dma_start3A_22 = tpu.memref_squeeze %dma_start3A_21 : memref<1x1x128xi32, #tpu.memory_space<hbm>> -> memref<128xi32, #tpu.memory_space<hbm>>
    %dma_start3A_23 = arith.constant 0 : i32
    %dma_start3A_24 = tpu.memref_slice %arg3[%dma_start3A_19, %add3A_18, %dma_start3A_23] : memref<2x2500x128xi32, #tpu.memory_space<hbm>> -> memref<1x1x128xi32, #tpu.memory_space<hbm>>
    %dma_start3A_25 = tpu.memref_squeeze %dma_start3A_24 : memref<1x1x128xi32, #tpu.memory_space<hbm>> -> memref<128xi32, #tpu.memory_space<hbm>>
    tpu.enqueue_dma source(%dma_start3A_25 : memref<128xi32, #tpu.memory_space<hbm>>) target(%arg11 : memref<128xi32, #tpu.memory_space<vmem>>) target_semaphore(%arg25 : memref<!tpu.dma_semaphore, #tpu.memory_space<semaphore_mem>>)
    %add3A_26 = arith.constant 16 : i32
    %add3A_27 = arith.addi %add3A_26, %arg1 : i32
    %dma_start3A_28 = arith.constant 0 : i32
    %dma_start3A_29 = arith.constant 0 : i32
    %dma_start3A_30 = tpu.memref_slice %arg3[%dma_start3A_28, %add3A_27, %dma_start3A_29] : memref<2x2500x128xi32, #tpu.memory_space<hbm>> -> memref<1x1x128xi32, #tpu.memory_space<hbm>>
    %dma_start3A_31 = tpu.memref_squeeze %dma_start3A_30 : memref<1x1x128xi32, #tpu.memory_space<hbm>> -> memref<128xi32, #tpu.memory_space<hbm>>
    %dma_start3A_32 = arith.constant 0 : i32
    %dma_start3A_33 = tpu.memref_slice %arg3[%dma_start3A_28, %add3A_27, %dma_start3A_32] : memref<2x2500x128xi32, #tpu.memory_space<hbm>> -> memref<1x1x128xi32, #tpu.memory_space<hbm>>
    %dma_start3A_34 = tpu.memref_squeeze %dma_start3A_33 : memref<1x1x128xi32, #tpu.memory_space<hbm>> -> memref<128xi32, #tpu.memory_space<hbm>>
    tpu.enqueue_dma source(%dma_start3A_34 : memref<128xi32, #tpu.memory_space<hbm>>) target(%arg8 : memref<128xi32, #tpu.memory_space<vmem>>) target_semaphore(%arg22 : memref<!tpu.dma_semaphore, #tpu.memory_space<semaphore_mem>>)
    %add3A_35 = arith.constant 16 : i32
    %add3A_36 = arith.addi %add3A_35, %arg1 : i32
    %dma_start3A_37 = arith.constant 1 : i32
    %dma_start3A_38 = arith.constant 0 : i32
    %dma_start3A_39 = tpu.memref_slice %arg3[%dma_start3A_37, %add3A_36, %dma_start3A_38] : memref<2x2500x128xi32, #tpu.memory_space<hbm>> -> memref<1x1x128xi32, #tpu.memory_space<hbm>>
    %dma_start3A_40 = tpu.memref_squeeze %dma_start3A_39 : memref<1x1x128xi32, #tpu.memory_space<hbm>> -> memref<128xi32, #tpu.memory_space<hbm>>
    %dma_start3A_41 = arith.constant 0 : i32
    %dma_start3A_42 = tpu.memref_slice %arg3[%dma_start3A_37, %add3A_36, %dma_start3A_41] : memref<2x2500x128xi32, #tpu.memory_space<hbm>> -> memref<1x1x128xi32, #tpu.memory_space<hbm>>
    %dma_start3A_43 = tpu.memref_squeeze %dma_start3A_42 : memref<1x1x128xi32, #tpu.memory_space<hbm>> -> memref<128xi32, #tpu.memory_space<hbm>>
    tpu.enqueue_dma source(%dma_start3A_43 : memref<128xi32, #tpu.memory_space<hbm>>) target(%arg12 : memref<128xi32, #tpu.memory_space<vmem>>) target_semaphore(%arg26 : memref<!tpu.dma_semaphore, #tpu.memory_space<semaphore_mem>>)
    %add3A_44 = arith.constant 32 : i32
    %add3A_45 = arith.addi %add3A_44, %arg1 : i32
    %dma_start3A_46 = arith.constant 0 : i32
    %dma_start3A_47 = arith.constant 0 : i32
    %dma_start3A_48 = tpu.memref_slice %arg3[%dma_start3A_46, %add3A_45, %dma_start3A_47] : memref<2x2500x128xi32, #tpu.memory_space<hbm>> -> memref<1x1x128xi32, #tpu.memory_space<hbm>>
    %dma_start3A_49 = tpu.memref_squeeze %dma_start3A_48 : memref<1x1x128xi32, #tpu.memory_space<hbm>> -> memref<128xi32, #tpu.memory_space<hbm>>
    %dma_start3A_50 = arith.constant 0 : i32
    %dma_start3A_51 = tpu.memref_slice %arg3[%dma_start3A_46, %add3A_45, %dma_start3A_50] : memref<2x2500x128xi32, #tpu.memory_space<hbm>> -> memref<1x1x128xi32, #tpu.memory_space<hbm>>
    %dma_start3A_52 = tpu.memref_squeeze %dma_start3A_51 : memref<1x1x128xi32, #tpu.memory_space<hbm>> -> memref<128xi32, #tpu.memory_space<hbm>>
    tpu.enqueue_dma source(%dma_start3A_52 : memref<128xi32, #tpu.memory_space<hbm>>) target(%arg9 : memref<128xi32, #tpu.memory_space<vmem>>) target_semaphore(%arg23 : memref<!tpu.dma_semaphore, #tpu.memory_space<semaphore_mem>>)
    %add3A_53 = arith.constant 32 : i32
    %add3A_54 = arith.addi %add3A_53, %arg1 : i32
    %dma_start3A_55 = arith.constant 1 : i32
    %dma_start3A_56 = arith.constant 0 : i32
    %dma_start3A_57 = tpu.memref_slice %arg3[%dma_start3A_55, %add3A_54, %dma_start3A_56] : memref<2x2500x128xi32, #tpu.memory_space<hbm>> -> memref<1x1x128xi32, #tpu.memory_space<hbm>>
    %dma_start3A_58 = tpu.memref_squeeze %dma_start3A_57 : memref<1x1x128xi32, #tpu.memory_space<hbm>> -> memref<128xi32, #tpu.memory_space<hbm>>
    %dma_start3A_59 = arith.constant 0 : i32
    %dma_start3A_60 = tpu.memref_slice %arg3[%dma_start3A_55, %add3A_54, %dma_start3A_59] : memref<2x2500x128xi32, #tpu.memory_space<hbm>> -> memref<1x1x128xi32, #tpu.memory_space<hbm>>
    %dma_start3A_61 = tpu.memref_squeeze %dma_start3A_60 : memref<1x1x128xi32, #tpu.memory_space<hbm>> -> memref<128xi32, #tpu.memory_space<hbm>>
    tpu.enqueue_dma source(%dma_start3A_61 : memref<128xi32, #tpu.memory_space<hbm>>) target(%arg13 : memref<128xi32, #tpu.memory_space<vmem>>) target_semaphore(%arg27 : memref<!tpu.dma_semaphore, #tpu.memory_space<semaphore_mem>>)
    %add3A_62 = arith.constant 48 : i32
    %add3A_63 = arith.addi %add3A_62, %arg1 : i32
    %dma_start3A_64 = arith.constant 0 : i32
    %dma_start3A_65 = arith.constant 0 : i32
    %dma_start3A_66 = tpu.memref_slice %arg3[%dma_start3A_64, %add3A_63, %dma_start3A_65] : memref<2x2500x128xi32, #tpu.memory_space<hbm>> -> memref<1x1x128xi32, #tpu.memory_space<hbm>>
    %dma_start3A_67 = tpu.memref_squeeze %dma_start3A_66 : memref<1x1x128xi32, #tpu.memory_space<hbm>> -> memref<128xi32, #tpu.memory_space<hbm>>
    %dma_start3A_68 = arith.constant 0 : i32
    %dma_start3A_69 = tpu.memref_slice %arg3[%dma_start3A_64, %add3A_63, %dma_start3A_68] : memref<2x2500x128xi32, #tpu.memory_space<hbm>> -> memref<1x1x128xi32, #tpu.memory_space<hbm>>
    %dma_start3A_70 = tpu.memref_squeeze %dma_start3A_69 : memref<1x1x128xi32, #tpu.memory_space<hbm>> -> memref<128xi32, #tpu.memory_space<hbm>>
    tpu.enqueue_dma source(%dma_start3A_70 : memref<128xi32, #tpu.memory_space<hbm>>) target(%arg10 : memref<128xi32, #tpu.memory_space<vmem>>) target_semaphore(%arg24 : memref<!tpu.dma_semaphore, #tpu.memory_space<semaphore_mem>>)
    %add3A_71 = arith.constant 48 : i32
    %add3A_72 = arith.addi %add3A_71, %arg1 : i32
    %dma_start3A_73 = arith.constant 1 : i32
    %dma_start3A_74 = arith.constant 0 : i32
    %dma_start3A_75 = tpu.memref_slice %arg3[%dma_start3A_73, %add3A_72, %dma_start3A_74] : memref<2x2500x128xi32, #tpu.memory_space<hbm>> -> memref<1x1x128xi32, #tpu.memory_space<hbm>>
    %dma_start3A_76 = tpu.memref_squeeze %dma_start3A_75 : memref<1x1x128xi32, #tpu.memory_space<hbm>> -> memref<128xi32, #tpu.memory_space<hbm>>
    %dma_start3A_77 = arith.constant 0 : i32
    %dma_start3A_78 = tpu.memref_slice %arg3[%dma_start3A_73, %add3A_72, %dma_start3A_77] : memref<2x2500x128xi32, #tpu.memory_space<hbm>> -> memref<1x1x128xi32, #tpu.memory_space<hbm>>
    %dma_start3A_79 = tpu.memref_squeeze %dma_start3A_78 : memref<1x1x128xi32, #tpu.memory_space<hbm>> -> memref<128xi32, #tpu.memory_space<hbm>>
    tpu.enqueue_dma source(%dma_start3A_79 : memref<128xi32, #tpu.memory_space<hbm>>) target(%arg14 : memref<128xi32, #tpu.memory_space<vmem>>) target_semaphore(%arg28 : memref<!tpu.dma_semaphore, #tpu.memory_space<semaphore_mem>>)
    %add3A_80 = arith.constant 0 : i32
    %add3A_81 = arith.addi %add3A_80, %arg1 : i32
    %dma_wait3A = arith.constant 0 : i32
    %dma_wait3A_82 = arith.constant 0 : i32
    %dma_wait3A_83 = tpu.memref_slice %arg3[%dma_wait3A, %add3A_81, %dma_wait3A_82] : memref<2x2500x128xi32, #tpu.memory_space<hbm>> -> memref<1x1x128xi32, #tpu.memory_space<hbm>>
    %dma_wait3A_84 = tpu.memref_squeeze %dma_wait3A_83 : memref<1x1x128xi32, #tpu.memory_space<hbm>> -> memref<128xi32, #tpu.memory_space<hbm>>
    %dma_wait3A_85 = arith.constant 0 : i32
    %dma_wait3A_86 = tpu.memref_slice %arg3[%dma_wait3A, %add3A_81, %dma_wait3A_85] : memref<2x2500x128xi32, #tpu.memory_space<hbm>> -> memref<1x1x128xi32, #tpu.memory_space<hbm>>
    %dma_wait3A_87 = tpu.memref_squeeze %dma_wait3A_86 : memref<1x1x128xi32, #tpu.memory_space<hbm>> -> memref<128xi32, #tpu.memory_space<hbm>>
    tpu.wait_dma2 semaphore(%arg21 : memref<!tpu.dma_semaphore, #tpu.memory_space<semaphore_mem>>) src(%dma_wait3A_87 : memref<128xi32, #tpu.memory_space<hbm>>) dst(%arg7 : memref<128xi32, #tpu.memory_space<vmem>>)
    %dma_start3A_88 = arith.constant 0 : i32
    %dma_start3A_89 = arith.constant 0 : i32
    %dma_start3A_90 = tpu.memref_slice %arg19[%dma_start3A_88, %dma_start3A_89] : memref<10000x64xf32, #tpu.memory_space<vmem_shared>> -> memref<10000x64xf32, #tpu.memory_space<vmem_shared>>
    tpu.enqueue_indirect_dma source(%dma_start3A_90 : memref<10000x64xf32, #tpu.memory_space<vmem_shared>>) target(%arg15 : memref<128x64xf32, #tpu.memory_space<vmem>>) offsets(%arg7 : memref<128xi32, #tpu.memory_space<vmem>>) semaphore(%arg29 : memref<!tpu.dma_semaphore, #tpu.memory_space<semaphore_mem>>)
    %add3A_91 = arith.constant 16 : i32
    %add3A_92 = arith.addi %add3A_91, %arg1 : i32
    %dma_wait3A_93 = arith.constant 0 : i32
    %dma_wait3A_94 = arith.constant 0 : i32
    %dma_wait3A_95 = tpu.memref_slice %arg3[%dma_wait3A_93, %add3A_92, %dma_wait3A_94] : memref<2x2500x128xi32, #tpu.memory_space<hbm>> -> memref<1x1x128xi32, #tpu.memory_space<hbm>>
    %dma_wait3A_96 = tpu.memref_squeeze %dma_wait3A_95 : memref<1x1x128xi32, #tpu.memory_space<hbm>> -> memref<128xi32, #tpu.memory_space<hbm>>
    %dma_wait3A_97 = arith.constant 0 : i32
    %dma_wait3A_98 = tpu.memref_slice %arg3[%dma_wait3A_93, %add3A_92, %dma_wait3A_97] : memref<2x2500x128xi32, #tpu.memory_space<hbm>> -> memref<1x1x128xi32, #tpu.memory_space<hbm>>
    %dma_wait3A_99 = tpu.memref_squeeze %dma_wait3A_98 : memref<1x1x128xi32, #tpu.memory_space<hbm>> -> memref<128xi32, #tpu.memory_space<hbm>>
    tpu.wait_dma2 semaphore(%arg22 : memref<!tpu.dma_semaphore, #tpu.memory_space<semaphore_mem>>) src(%dma_wait3A_99 : memref<128xi32, #tpu.memory_space<hbm>>) dst(%arg8 : memref<128xi32, #tpu.memory_space<vmem>>)
    %dma_start3A_100 = arith.constant 0 : i32
    %dma_start3A_101 = arith.constant 0 : i32
    %dma_start3A_102 = tpu.memref_slice %arg19[%dma_start3A_100, %dma_start3A_101] : memref<10000x64xf32, #tpu.memory_space<vmem_shared>> -> memref<10000x64xf32, #tpu.memory_space<vmem_shared>>
    tpu.enqueue_indirect_dma source(%dma_start3A_102 : memref<10000x64xf32, #tpu.memory_space<vmem_shared>>) target(%arg16 : memref<128x64xf32, #tpu.memory_space<vmem>>) offsets(%arg8 : memref<128xi32, #tpu.memory_space<vmem>>) semaphore(%arg30 : memref<!tpu.dma_semaphore, #tpu.memory_space<semaphore_mem>>)
    %add3A_103 = arith.constant 32 : i32
    %add3A_104 = arith.addi %add3A_103, %arg1 : i32
    %dma_wait3A_105 = arith.constant 0 : i32
    %dma_wait3A_106 = arith.constant 0 : i32
    %dma_wait3A_107 = tpu.memref_slice %arg3[%dma_wait3A_105, %add3A_104, %dma_wait3A_106] : memref<2x2500x128xi32, #tpu.memory_space<hbm>> -> memref<1x1x128xi32, #tpu.memory_space<hbm>>
    %dma_wait3A_108 = tpu.memref_squeeze %dma_wait3A_107 : memref<1x1x128xi32, #tpu.memory_space<hbm>> -> memref<128xi32, #tpu.memory_space<hbm>>
    %dma_wait3A_109 = arith.constant 0 : i32
    %dma_wait3A_110 = tpu.memref_slice %arg3[%dma_wait3A_105, %add3A_104, %dma_wait3A_109] : memref<2x2500x128xi32, #tpu.memory_space<hbm>> -> memref<1x1x128xi32, #tpu.memory_space<hbm>>
    %dma_wait3A_111 = tpu.memref_squeeze %dma_wait3A_110 : memref<1x1x128xi32, #tpu.memory_space<hbm>> -> memref<128xi32, #tpu.memory_space<hbm>>
    tpu.wait_dma2 semaphore(%arg23 : memref<!tpu.dma_semaphore, #tpu.memory_space<semaphore_mem>>) src(%dma_wait3A_111 : memref<128xi32, #tpu.memory_space<hbm>>) dst(%arg9 : memref<128xi32, #tpu.memory_space<vmem>>)
    %dma_start3A_112 = arith.constant 0 : i32
    %dma_start3A_113 = arith.constant 0 : i32
    %dma_start3A_114 = tpu.memref_slice %arg19[%dma_start3A_112, %dma_start3A_113] : memref<10000x64xf32, #tpu.memory_space<vmem_shared>> -> memref<10000x64xf32, #tpu.memory_space<vmem_shared>>
    tpu.enqueue_indirect_dma source(%dma_start3A_114 : memref<10000x64xf32, #tpu.memory_space<vmem_shared>>) target(%arg17 : memref<128x64xf32, #tpu.memory_space<vmem>>) offsets(%arg9 : memref<128xi32, #tpu.memory_space<vmem>>) semaphore(%arg31 : memref<!tpu.dma_semaphore, #tpu.memory_space<semaphore_mem>>)
    %scan3A = arith.constant 0 : i32
    %scan3A_115 = arith.constant 0 : i32
    %scan3A_116 = arith.constant 39 : i32
    %scan3A_117 = arith.addi %scan3A_115, %scan3A_116 : i32
    %scan3A_118 = arith.constant 1 : i32
    scf.for %scan3A_145 = %scan3A_115 to %scan3A_117 step %scan3A_118  : i32 {
      %mul3A_146 = arith.constant 4 : i32
      %mul3A_147 = arith.muli %mul3A_146, %scan3A_145 : i32
      %add3A_148 = arith.constant 0 : i32
      %add3A_149 = arith.addi %mul3A_147, %add3A_148 : i32
      %lt3A_150 = arith.cmpi slt, %add3A_149, %select_n3A : i32
      %convert_element_type3A_151 = arith.extui %lt3A_150 : i1 to i32
      %cond3A_152 = arith.constant 0 : i32
      %cond3A_153 = arith.cmpi ne, %convert_element_type3A_151, %cond3A_152 : i32
      scf.if %cond3A_153 {
        %dma_wait3A_233 = arith.constant 0 : i32
        %dma_wait3A_234 = arith.constant 0 : i32
        %dma_wait3A_235 = tpu.memref_slice %arg19[%dma_wait3A_233, %dma_wait3A_234] : memref<10000x64xf32, #tpu.memory_space<vmem_shared>> -> memref<10000x64xf32, #tpu.memory_space<vmem_shared>>
        tpu.wait_indirect_dma semaphore(%arg29 : memref<!tpu.dma_semaphore, #tpu.memory_space<semaphore_mem>>) src(%dma_wait3A_235 : memref<10000x64xf32, #tpu.memory_space<vmem_shared>>) dst(%arg15 : memref<128x64xf32, #tpu.memory_space<vmem>>)
        %mul3A_236 = arith.constant 16 : i32
        %mul3A_237 = arith.muli %mul3A_236, %add3A_149 : i32
        %add3A_238 = arith.addi %mul3A_237, %arg1 : i32
        %dma_wait3A_239 = arith.constant 1 : i32
        %dma_wait3A_240 = arith.constant 0 : i32
        %dma_wait3A_241 = tpu.memref_slice %arg3[%dma_wait3A_239, %add3A_238, %dma_wait3A_240] : memref<2x2500x128xi32, #tpu.memory_space<hbm>> -> memref<1x1x128xi32, #tpu.memory_space<hbm>>
        %dma_wait3A_242 = tpu.memref_squeeze %dma_wait3A_241 : memref<1x1x128xi32, #tpu.memory_space<hbm>> -> memref<128xi32, #tpu.memory_space<hbm>>
        %dma_wait3A_243 = arith.constant 0 : i32
        %dma_wait3A_244 = tpu.memref_slice %arg3[%dma_wait3A_239, %add3A_238, %dma_wait3A_243] : memref<2x2500x128xi32, #tpu.memory_space<hbm>> -> memref<1x1x128xi32, #tpu.memory_space<hbm>>
        %dma_wait3A_245 = tpu.memref_squeeze %dma_wait3A_244 : memref<1x1x128xi32, #tpu.memory_space<hbm>> -> memref<128xi32, #tpu.memory_space<hbm>>
        tpu.wait_dma2 semaphore(%arg25 : memref<!tpu.dma_semaphore, #tpu.memory_space<semaphore_mem>>) src(%dma_wait3A_245 : memref<128xi32, #tpu.memory_space<hbm>>) dst(%arg11 : memref<128xi32, #tpu.memory_space<vmem>>)
        "tpu.region"() ({
          %run_scoped3A = tpu.sem_alloc : memref<!tpu.dma_semaphore, #tpu.memory_space<semaphore_mem>>
          %dma_start3A_246 = arith.constant 0 : i32
          %dma_start3A_247 = arith.constant 0 : i32
          %dma_start3A_248 = tpu.memref_slice %arg20[%dma_start3A_246, %dma_start3A_247] : memref<10112x64xf32, #tpu.memory_space<vmem_shared>> -> memref<10112x64xf32, #tpu.memory_space<vmem_shared>>
          tpu.enqueue_indirect_dma source(%arg15 : memref<128x64xf32, #tpu.memory_space<vmem>>) target(%dma_start3A_248 : memref<10112x64xf32, #tpu.memory_space<vmem_shared>>) offsets(%arg11 : memref<128xi32, #tpu.memory_space<vmem>>) semaphore(%run_scoped3A : memref<!tpu.dma_semaphore, #tpu.memory_space<semaphore_mem>>) {add = true}
          %dma_wait3A_249 = arith.constant 0 : i32
          %dma_wait3A_250 = arith.constant 0 : i32
          %dma_wait3A_251 = tpu.memref_slice %arg20[%dma_wait3A_249, %dma_wait3A_250] : memref<10112x64xf32, #tpu.memory_space<vmem_shared>> -> memref<10112x64xf32, #tpu.memory_space<vmem_shared>>
          tpu.wait_indirect_dma semaphore(%run_scoped3A : memref<!tpu.dma_semaphore, #tpu.memory_space<semaphore_mem>>) src(%arg15 : memref<128x64xf32, #tpu.memory_space<vmem>>) dst(%dma_wait3A_251 : memref<10112x64xf32, #tpu.memory_space<vmem_shared>>)
          tpu.yield
        }) : () -> ()
      } else {
      }
      %add3A_154 = arith.constant 4 : i32
      %add3A_155 = arith.addi %add3A_149, %add3A_154 : i32
      %lt3A_156 = arith.cmpi slt, %add3A_155, %select_n3A : i32
      %convert_element_type3A_157 = arith.extui %lt3A_156 : i1 to i32
      %cond3A_158 = arith.constant 0 : i32
      %cond3A_159 = arith.cmpi ne, %convert_element_type3A_157, %cond3A_158 : i32
      scf.if %cond3A_159 {
        %add3A_233 = arith.constant 4 : i32
        %add3A_234 = arith.addi %add3A_149, %add3A_233 : i32
        %mul3A_235 = arith.constant 16 : i32
        %mul3A_236 = arith.muli %mul3A_235, %add3A_234 : i32
        %add3A_237 = arith.addi %mul3A_236, %arg1 : i32
        %dma_start3A_238 = arith.constant 0 : i32
        %dma_start3A_239 = arith.constant 0 : i32
        %dma_start3A_240 = tpu.memref_slice %arg3[%dma_start3A_238, %add3A_237, %dma_start3A_239] : memref<2x2500x128xi32, #tpu.memory_space<hbm>> -> memref<1x1x128xi32, #tpu.memory_space<hbm>>
        %dma_start3A_241 = tpu.memref_squeeze %dma_start3A_240 : memref<1x1x128xi32, #tpu.memory_space<hbm>> -> memref<128xi32, #tpu.memory_space<hbm>>
        %dma_start3A_242 = arith.constant 0 : i32
        %dma_start3A_243 = tpu.memref_slice %arg3[%dma_start3A_238, %add3A_237, %dma_start3A_242] : memref<2x2500x128xi32, #tpu.memory_space<hbm>> -> memref<1x1x128xi32, #tpu.memory_space<hbm>>
        %dma_start3A_244 = tpu.memref_squeeze %dma_start3A_243 : memref<1x1x128xi32, #tpu.memory_space<hbm>> -> memref<128xi32, #tpu.memory_space<hbm>>
        tpu.enqueue_dma source(%dma_start3A_244 : memref<128xi32, #tpu.memory_space<hbm>>) target(%arg7 : memref<128xi32, #tpu.memory_space<vmem>>) target_semaphore(%arg21 : memref<!tpu.dma_semaphore, #tpu.memory_space<semaphore_mem>>)
        %mul3A_245 = arith.constant 16 : i32
        %mul3A_246 = arith.muli %mul3A_245, %add3A_234 : i32
        %add3A_247 = arith.addi %mul3A_246, %arg1 : i32
        %dma_start3A_248 = arith.constant 1 : i32
        %dma_start3A_249 = arith.constant 0 : i32
        %dma_start3A_250 = tpu.memref_slice %arg3[%dma_start3A_248, %add3A_247, %dma_start3A_249] : memref<2x2500x128xi32, #tpu.memory_space<hbm>> -> memref<1x1x128xi32, #tpu.memory_space<hbm>>
        %dma_start3A_251 = tpu.memref_squeeze %dma_start3A_250 : memref<1x1x128xi32, #tpu.memory_space<hbm>> -> memref<128xi32, #tpu.memory_space<hbm>>
        %dma_start3A_252 = arith.constant 0 : i32
        %dma_start3A_253 = tpu.memref_slice %arg3[%dma_start3A_248, %add3A_247, %dma_start3A_252] : memref<2x2500x128xi32, #tpu.memory_space<hbm>> -> memref<1x1x128xi32, #tpu.memory_space<hbm>>
        %dma_start3A_254 = tpu.memref_squeeze %dma_start3A_253 : memref<1x1x128xi32, #tpu.memory_space<hbm>> -> memref<128xi32, #tpu.memory_space<hbm>>
        tpu.enqueue_dma source(%dma_start3A_254 : memref<128xi32, #tpu.memory_space<hbm>>) target(%arg11 : memref<128xi32, #tpu.memory_space<vmem>>) target_semaphore(%arg25 : memref<!tpu.dma_semaphore, #tpu.memory_space<semaphore_mem>>)
      } else {
      }
      %add3A_160 = arith.constant 4 : i32
      %add3A_161 = arith.addi %add3A_149, %add3A_160 : i32
      %sub3A = arith.constant 1 : i32
      %sub3A_162 = arith.subi %add3A_161, %sub3A : i32
      %lt3A_163 = arith.cmpi slt, %sub3A_162, %select_n3A : i32
      %convert_element_type3A_164 = arith.extui %lt3A_163 : i1 to i32
      %cond3A_165 = arith.constant 0 : i32
      %cond3A_166 = arith.cmpi ne, %convert_element_type3A_164, %cond3A_165 : i32
      scf.if %cond3A_166 {
        %add3A_233 = arith.constant 4 : i32
        %add3A_234 = arith.addi %add3A_149, %add3A_233 : i32
        %sub3A_235 = arith.constant 1 : i32
        %sub3A_236 = arith.subi %add3A_234, %sub3A_235 : i32
        %mul3A_237 = arith.constant 16 : i32
        %mul3A_238 = arith.muli %mul3A_237, %sub3A_236 : i32
        %add3A_239 = arith.addi %mul3A_238, %arg1 : i32
        %dma_wait3A_240 = arith.constant 0 : i32
        %dma_wait3A_241 = arith.constant 0 : i32
        %dma_wait3A_242 = tpu.memref_slice %arg3[%dma_wait3A_240, %add3A_239, %dma_wait3A_241] : memref<2x2500x128xi32, #tpu.memory_space<hbm>> -> memref<1x1x128xi32, #tpu.memory_space<hbm>>
        %dma_wait3A_243 = tpu.memref_squeeze %dma_wait3A_242 : memref<1x1x128xi32, #tpu.memory_space<hbm>> -> memref<128xi32, #tpu.memory_space<hbm>>
        %dma_wait3A_244 = arith.constant 0 : i32
        %dma_wait3A_245 = tpu.memref_slice %arg3[%dma_wait3A_240, %add3A_239, %dma_wait3A_244] : memref<2x2500x128xi32, #tpu.memory_space<hbm>> -> memref<1x1x128xi32, #tpu.memory_space<hbm>>
        %dma_wait3A_246 = tpu.memref_squeeze %dma_wait3A_245 : memref<1x1x128xi32, #tpu.memory_space<hbm>> -> memref<128xi32, #tpu.memory_space<hbm>>
        tpu.wait_dma2 semaphore(%arg24 : memref<!tpu.dma_semaphore, #tpu.memory_space<semaphore_mem>>) src(%dma_wait3A_246 : memref<128xi32, #tpu.memory_space<hbm>>) dst(%arg10 : memref<128xi32, #tpu.memory_space<vmem>>)
        %dma_start3A_247 = arith.constant 0 : i32
        %dma_start3A_248 = arith.constant 0 : i32
        %dma_start3A_249 = tpu.memref_slice %arg19[%dma_start3A_247, %dma_start3A_248] : memref<10000x64xf32, #tpu.memory_space<vmem_shared>> -> memref<10000x64xf32, #tpu.memory_space<vmem_shared>>
        tpu.enqueue_indirect_dma source(%dma_start3A_249 : memref<10000x64xf32, #tpu.memory_space<vmem_shared>>) target(%arg18 : memref<128x64xf32, #tpu.memory_space<vmem>>) offsets(%arg10 : memref<128xi32, #tpu.memory_space<vmem>>) semaphore(%arg32 : memref<!tpu.dma_semaphore, #tpu.memory_space<semaphore_mem>>)
      } else {
      }
      %mul3A_167 = arith.constant 4 : i32
      %mul3A_168 = arith.muli %mul3A_167, %scan3A_145 : i32
      %add3A_169 = arith.constant 1 : i32
      %add3A_170 = arith.addi %mul3A_168, %add3A_169 : i32
      %lt3A_171 = arith.cmpi slt, %add3A_170, %select_n3A : i32
      %convert_element_type3A_172 = arith.extui %lt3A_171 : i1 to i32
      %cond3A_173 = arith.constant 0 : i32
      %cond3A_174 = arith.cmpi ne, %convert_element_type3A_172, %cond3A_173 : i32
      scf.if %cond3A_174 {
        %dma_wait3A_233 = arith.constant 0 : i32
        %dma_wait3A_234 = arith.constant 0 : i32
        %dma_wait3A_235 = tpu.memref_slice %arg19[%dma_wait3A_233, %dma_wait3A_234] : memref<10000x64xf32, #tpu.memory_space<vmem_shared>> -> memref<10000x64xf32, #tpu.memory_space<vmem_shared>>
        tpu.wait_indirect_dma semaphore(%arg30 : memref<!tpu.dma_semaphore, #tpu.memory_space<semaphore_mem>>) src(%dma_wait3A_235 : memref<10000x64xf32, #tpu.memory_space<vmem_shared>>) dst(%arg16 : memref<128x64xf32, #tpu.memory_space<vmem>>)
        %mul3A_236 = arith.constant 16 : i32
        %mul3A_237 = arith.muli %mul3A_236, %add3A_170 : i32
        %add3A_238 = arith.addi %mul3A_237, %arg1 : i32
        %dma_wait3A_239 = arith.constant 1 : i32
        %dma_wait3A_240 = arith.constant 0 : i32
        %dma_wait3A_241 = tpu.memref_slice %arg3[%dma_wait3A_239, %add3A_238, %dma_wait3A_240] : memref<2x2500x128xi32, #tpu.memory_space<hbm>> -> memref<1x1x128xi32, #tpu.memory_space<hbm>>
        %dma_wait3A_242 = tpu.memref_squeeze %dma_wait3A_241 : memref<1x1x128xi32, #tpu.memory_space<hbm>> -> memref<128xi32, #tpu.memory_space<hbm>>
        %dma_wait3A_243 = arith.constant 0 : i32
        %dma_wait3A_244 = tpu.memref_slice %arg3[%dma_wait3A_239, %add3A_238, %dma_wait3A_243] : memref<2x2500x128xi32, #tpu.memory_space<hbm>> -> memref<1x1x128xi32, #tpu.memory_space<hbm>>
        %dma_wait3A_245 = tpu.memref_squeeze %dma_wait3A_244 : memref<1x1x128xi32, #tpu.memory_space<hbm>> -> memref<128xi32, #tpu.memory_space<hbm>>
        tpu.wait_dma2 semaphore(%arg26 : memref<!tpu.dma_semaphore, #tpu.memory_space<semaphore_mem>>) src(%dma_wait3A_245 : memref<128xi32, #tpu.memory_space<hbm>>) dst(%arg12 : memref<128xi32, #tpu.memory_space<vmem>>)
        "tpu.region"() ({
          %run_scoped3A = tpu.sem_alloc : memref<!tpu.dma_semaphore, #tpu.memory_space<semaphore_mem>>
          %dma_start3A_246 = arith.constant 0 : i32
          %dma_start3A_247 = arith.constant 0 : i32
          %dma_start3A_248 = tpu.memref_slice %arg20[%dma_start3A_246, %dma_start3A_247] : memref<10112x64xf32, #tpu.memory_space<vmem_shared>> -> memref<10112x64xf32, #tpu.memory_space<vmem_shared>>
          tpu.enqueue_indirect_dma source(%arg16 : memref<128x64xf32, #tpu.memory_space<vmem>>) target(%dma_start3A_248 : memref<10112x64xf32, #tpu.memory_space<vmem_shared>>) offsets(%arg12 : memref<128xi32, #tpu.memory_space<vmem>>) semaphore(%run_scoped3A : memref<!tpu.dma_semaphore, #tpu.memory_space<semaphore_mem>>) {add = true}
          %dma_wait3A_249 = arith.constant 0 : i32
          %dma_wait3A_250 = arith.constant 0 : i32
          %dma_wait3A_251 = tpu.memref_slice %arg20[%dma_wait3A_249, %dma_wait3A_250] : memref<10112x64xf32, #tpu.memory_space<vmem_shared>> -> memref<10112x64xf32, #tpu.memory_space<vmem_shared>>
          tpu.wait_indirect_dma semaphore(%run_scoped3A : memref<!tpu.dma_semaphore, #tpu.memory_space<semaphore_mem>>) src(%arg16 : memref<128x64xf32, #tpu.memory_space<vmem>>) dst(%dma_wait3A_251 : memref<10112x64xf32, #tpu.memory_space<vmem_shared>>)
          tpu.yield
        }) : () -> ()
      } else {
      }
      %add3A_175 = arith.constant 4 : i32
      %add3A_176 = arith.addi %add3A_170, %add3A_175 : i32
      %lt3A_177 = arith.cmpi slt, %add3A_176, %select_n3A : i32
      %convert_element_type3A_178 = arith.extui %lt3A_177 : i1 to i32
      %cond3A_179 = arith.constant 0 : i32
      %cond3A_180 = arith.cmpi ne, %convert_element_type3A_178, %cond3A_179 : i32
      scf.if %cond3A_180 {
        %add3A_233 = arith.constant 4 : i32
        %add3A_234 = arith.addi %add3A_170, %add3A_233 : i32
        %mul3A_235 = arith.constant 16 : i32
        %mul3A_236 = arith.muli %mul3A_235, %add3A_234 : i32
        %add3A_237 = arith.addi %mul3A_236, %arg1 : i32
        %dma_start3A_238 = arith.constant 0 : i32
        %dma_start3A_239 = arith.constant 0 : i32
        %dma_start3A_240 = tpu.memref_slice %arg3[%dma_start3A_238, %add3A_237, %dma_start3A_239] : memref<2x2500x128xi32, #tpu.memory_space<hbm>> -> memref<1x1x128xi32, #tpu.memory_space<hbm>>
        %dma_start3A_241 = tpu.memref_squeeze %dma_start3A_240 : memref<1x1x128xi32, #tpu.memory_space<hbm>> -> memref<128xi32, #tpu.memory_space<hbm>>
        %dma_start3A_242 = arith.constant 0 : i32
        %dma_start3A_243 = tpu.memref_slice %arg3[%dma_start3A_238, %add3A_237, %dma_start3A_242] : memref<2x2500x128xi32, #tpu.memory_space<hbm>> -> memref<1x1x128xi32, #tpu.memory_space<hbm>>
        %dma_start3A_244 = tpu.memref_squeeze %dma_start3A_243 : memref<1x1x128xi32, #tpu.memory_space<hbm>> -> memref<128xi32, #tpu.memory_space<hbm>>
        tpu.enqueue_dma source(%dma_start3A_244 : memref<128xi32, #tpu.memory_space<hbm>>) target(%arg8 : memref<128xi32, #tpu.memory_space<vmem>>) target_semaphore(%arg22 : memref<!tpu.dma_semaphore, #tpu.memory_space<semaphore_mem>>)
        %mul3A_245 = arith.constant 16 : i32
        %mul3A_246 = arith.muli %mul3A_245, %add3A_234 : i32
        %add3A_247 = arith.addi %mul3A_246, %arg1 : i32
        %dma_start3A_248 = arith.constant 1 : i32
        %dma_start3A_249 = arith.constant 0 : i32
        %dma_start3A_250 = tpu.memref_slice %arg3[%dma_start3A_248, %add3A_247, %dma_start3A_249] : memref<2x2500x128xi32, #tpu.memory_space<hbm>> -> memref<1x1x128xi32, #tpu.memory_space<hbm>>
        %dma_start3A_251 = tpu.memref_squeeze %dma_start3A_250 : memref<1x1x128xi32, #tpu.memory_space<hbm>> -> memref<128xi32, #tpu.memory_space<hbm>>
        %dma_start3A_252 = arith.constant 0 : i32
        %dma_start3A_253 = tpu.memref_slice %arg3[%dma_start3A_248, %add3A_247, %dma_start3A_252] : memref<2x2500x128xi32, #tpu.memory_space<hbm>> -> memref<1x1x128xi32, #tpu.memory_space<hbm>>
        %dma_start3A_254 = tpu.memref_squeeze %dma_start3A_253 : memref<1x1x128xi32, #tpu.memory_space<hbm>> -> memref<128xi32, #tpu.memory_space<hbm>>
        tpu.enqueue_dma source(%dma_start3A_254 : memref<128xi32, #tpu.memory_space<hbm>>) target(%arg12 : memref<128xi32, #tpu.memory_space<vmem>>) target_semaphore(%arg26 : memref<!tpu.dma_semaphore, #tpu.memory_space<semaphore_mem>>)
      } else {
      }
      %add3A_181 = arith.constant 4 : i32
      %add3A_182 = arith.addi %add3A_170, %add3A_181 : i32
      %sub3A_183 = arith.constant 1 : i32
      %sub3A_184 = arith.subi %add3A_182, %sub3A_183 : i32
      %lt3A_185 = arith.cmpi slt, %sub3A_184, %select_n3A : i32
      %convert_element_type3A_186 = arith.extui %lt3A_185 : i1 to i32
      %cond3A_187 = arith.constant 0 : i32
      %cond3A_188 = arith.cmpi ne, %convert_element_type3A_186, %cond3A_187 : i32
      scf.if %cond3A_188 {
        %add3A_233 = arith.constant 4 : i32
        %add3A_234 = arith.addi %add3A_170, %add3A_233 : i32
        %sub3A_235 = arith.constant 1 : i32
        %sub3A_236 = arith.subi %add3A_234, %sub3A_235 : i32
        %mul3A_237 = arith.constant 16 : i32
        %mul3A_238 = arith.muli %mul3A_237, %sub3A_236 : i32
        %add3A_239 = arith.addi %mul3A_238, %arg1 : i32
        %dma_wait3A_240 = arith.constant 0 : i32
        %dma_wait3A_241 = arith.constant 0 : i32
        %dma_wait3A_242 = tpu.memref_slice %arg3[%dma_wait3A_240, %add3A_239, %dma_wait3A_241] : memref<2x2500x128xi32, #tpu.memory_space<hbm>> -> memref<1x1x128xi32, #tpu.memory_space<hbm>>
        %dma_wait3A_243 = tpu.memref_squeeze %dma_wait3A_242 : memref<1x1x128xi32, #tpu.memory_space<hbm>> -> memref<128xi32, #tpu.memory_space<hbm>>
        %dma_wait3A_244 = arith.constant 0 : i32
        %dma_wait3A_245 = tpu.memref_slice %arg3[%dma_wait3A_240, %add3A_239, %dma_wait3A_244] : memref<2x2500x128xi32, #tpu.memory_space<hbm>> -> memref<1x1x128xi32, #tpu.memory_space<hbm>>
        %dma_wait3A_246 = tpu.memref_squeeze %dma_wait3A_245 : memref<1x1x128xi32, #tpu.memory_space<hbm>> -> memref<128xi32, #tpu.memory_space<hbm>>
        tpu.wait_dma2 semaphore(%arg21 : memref<!tpu.dma_semaphore, #tpu.memory_space<semaphore_mem>>) src(%dma_wait3A_246 : memref<128xi32, #tpu.memory_space<hbm>>) dst(%arg7 : memref<128xi32, #tpu.memory_space<vmem>>)
        %dma_start3A_247 = arith.constant 0 : i32
        %dma_start3A_248 = arith.constant 0 : i32
        %dma_start3A_249 = tpu.memref_slice %arg19[%dma_start3A_247, %dma_start3A_248] : memref<10000x64xf32, #tpu.memory_space<vmem_shared>> -> memref<10000x64xf32, #tpu.memory_space<vmem_shared>>
        tpu.enqueue_indirect_dma source(%dma_start3A_249 : memref<10000x64xf32, #tpu.memory_space<vmem_shared>>) target(%arg15 : memref<128x64xf32, #tpu.memory_space<vmem>>) offsets(%arg7 : memref<128xi32, #tpu.memory_space<vmem>>) semaphore(%arg29 : memref<!tpu.dma_semaphore, #tpu.memory_space<semaphore_mem>>)
      } else {
      }
      %mul3A_189 = arith.constant 4 : i32
      %mul3A_190 = arith.muli %mul3A_189, %scan3A_145 : i32
      %add3A_191 = arith.constant 2 : i32
      %add3A_192 = arith.addi %mul3A_190, %add3A_191 : i32
      %lt3A_193 = arith.cmpi slt, %add3A_192, %select_n3A : i32
      %convert_element_type3A_194 = arith.extui %lt3A_193 : i1 to i32
      %cond3A_195 = arith.constant 0 : i32
      %cond3A_196 = arith.cmpi ne, %convert_element_type3A_194, %cond3A_195 : i32
      scf.if %cond3A_196 {
        %dma_wait3A_233 = arith.constant 0 : i32
        %dma_wait3A_234 = arith.constant 0 : i32
        %dma_wait3A_235 = tpu.memref_slice %arg19[%dma_wait3A_233, %dma_wait3A_234] : memref<10000x64xf32, #tpu.memory_space<vmem_shared>> -> memref<10000x64xf32, #tpu.memory_space<vmem_shared>>
        tpu.wait_indirect_dma semaphore(%arg31 : memref<!tpu.dma_semaphore, #tpu.memory_space<semaphore_mem>>) src(%dma_wait3A_235 : memref<10000x64xf32, #tpu.memory_space<vmem_shared>>) dst(%arg17 : memref<128x64xf32, #tpu.memory_space<vmem>>)
        %mul3A_236 = arith.constant 16 : i32
        %mul3A_237 = arith.muli %mul3A_236, %add3A_192 : i32
        %add3A_238 = arith.addi %mul3A_237, %arg1 : i32
        %dma_wait3A_239 = arith.constant 1 : i32
        %dma_wait3A_240 = arith.constant 0 : i32
        %dma_wait3A_241 = tpu.memref_slice %arg3[%dma_wait3A_239, %add3A_238, %dma_wait3A_240] : memref<2x2500x128xi32, #tpu.memory_space<hbm>> -> memref<1x1x128xi32, #tpu.memory_space<hbm>>
        %dma_wait3A_242 = tpu.memref_squeeze %dma_wait3A_241 : memref<1x1x128xi32, #tpu.memory_space<hbm>> -> memref<128xi32, #tpu.memory_space<hbm>>
        %dma_wait3A_243 = arith.constant 0 : i32
        %dma_wait3A_244 = tpu.memref_slice %arg3[%dma_wait3A_239, %add3A_238, %dma_wait3A_243] : memref<2x2500x128xi32, #tpu.memory_space<hbm>> -> memref<1x1x128xi32, #tpu.memory_space<hbm>>
        %dma_wait3A_245 = tpu.memref_squeeze %dma_wait3A_244 : memref<1x1x128xi32, #tpu.memory_space<hbm>> -> memref<128xi32, #tpu.memory_space<hbm>>
        tpu.wait_dma2 semaphore(%arg27 : memref<!tpu.dma_semaphore, #tpu.memory_space<semaphore_mem>>) src(%dma_wait3A_245 : memref<128xi32, #tpu.memory_space<hbm>>) dst(%arg13 : memref<128xi32, #tpu.memory_space<vmem>>)
        "tpu.region"() ({
          %run_scoped3A = tpu.sem_alloc : memref<!tpu.dma_semaphore, #tpu.memory_space<semaphore_mem>>
          %dma_start3A_246 = arith.constant 0 : i32
          %dma_start3A_247 = arith.constant 0 : i32
          %dma_start3A_248 = tpu.memref_slice %arg20[%dma_start3A_246, %dma_start3A_247] : memref<10112x64xf32, #tpu.memory_space<vmem_shared>> -> memref<10112x64xf32, #tpu.memory_space<vmem_shared>>
          tpu.enqueue_indirect_dma source(%arg17 : memref<128x64xf32, #tpu.memory_space<vmem>>) target(%dma_start3A_248 : memref<10112x64xf32, #tpu.memory_space<vmem_shared>>) offsets(%arg13 : memref<128xi32, #tpu.memory_space<vmem>>) semaphore(%run_scoped3A : memref<!tpu.dma_semaphore, #tpu.memory_space<semaphore_mem>>) {add = true}
          %dma_wait3A_249 = arith.constant 0 : i32
          %dma_wait3A_250 = arith.constant 0 : i32
          %dma_wait3A_251 = tpu.memref_slice %arg20[%dma_wait3A_249, %dma_wait3A_250] : memref<10112x64xf32, #tpu.memory_space<vmem_shared>> -> memref<10112x64xf32, #tpu.memory_space<vmem_shared>>
          tpu.wait_indirect_dma semaphore(%run_scoped3A : memref<!tpu.dma_semaphore, #tpu.memory_space<semaphore_mem>>) src(%arg17 : memref<128x64xf32, #tpu.memory_space<vmem>>) dst(%dma_wait3A_251 : memref<10112x64xf32, #tpu.memory_space<vmem_shared>>)
          tpu.yield
        }) : () -> ()
      } else {
      }
      %add3A_197 = arith.constant 4 : i32
      %add3A_198 = arith.addi %add3A_192, %add3A_197 : i32
      %lt3A_199 = arith.cmpi slt, %add3A_198, %select_n3A : i32
      %convert_element_type3A_200 = arith.extui %lt3A_199 : i1 to i32
      %cond3A_201 = arith.constant 0 : i32
      %cond3A_202 = arith.cmpi ne, %convert_element_type3A_200, %cond3A_201 : i32
      scf.if %cond3A_202 {
        %add3A_233 = arith.constant 4 : i32
        %add3A_234 = arith.addi %add3A_192, %add3A_233 : i32
        %mul3A_235 = arith.constant 16 : i32
        %mul3A_236 = arith.muli %mul3A_235, %add3A_234 : i32
        %add3A_237 = arith.addi %mul3A_236, %arg1 : i32
        %dma_start3A_238 = arith.constant 0 : i32
        %dma_start3A_239 = arith.constant 0 : i32
        %dma_start3A_240 = tpu.memref_slice %arg3[%dma_start3A_238, %add3A_237, %dma_start3A_239] : memref<2x2500x128xi32, #tpu.memory_space<hbm>> -> memref<1x1x128xi32, #tpu.memory_space<hbm>>
        %dma_start3A_241 = tpu.memref_squeeze %dma_start3A_240 : memref<1x1x128xi32, #tpu.memory_space<hbm>> -> memref<128xi32, #tpu.memory_space<hbm>>
        %dma_start3A_242 = arith.constant 0 : i32
        %dma_start3A_243 = tpu.memref_slice %arg3[%dma_start3A_238, %add3A_237, %dma_start3A_242] : memref<2x2500x128xi32, #tpu.memory_space<hbm>> -> memref<1x1x128xi32, #tpu.memory_space<hbm>>
        %dma_start3A_244 = tpu.memref_squeeze %dma_start3A_243 : memref<1x1x128xi32, #tpu.memory_space<hbm>> -> memref<128xi32, #tpu.memory_space<hbm>>
        tpu.enqueue_dma source(%dma_start3A_244 : memref<128xi32, #tpu.memory_space<hbm>>) target(%arg9 : memref<128xi32, #tpu.memory_space<vmem>>) target_semaphore(%arg23 : memref<!tpu.dma_semaphore, #tpu.memory_space<semaphore_mem>>)
        %mul3A_245 = arith.constant 16 : i32
        %mul3A_246 = arith.muli %mul3A_245, %add3A_234 : i32
        %add3A_247 = arith.addi %mul3A_246, %arg1 : i32
        %dma_start3A_248 = arith.constant 1 : i32
        %dma_start3A_249 = arith.constant 0 : i32
        %dma_start3A_250 = tpu.memref_slice %arg3[%dma_start3A_248, %add3A_247, %dma_start3A_249] : memref<2x2500x128xi32, #tpu.memory_space<hbm>> -> memref<1x1x128xi32, #tpu.memory_space<hbm>>
        %dma_start3A_251 = tpu.memref_squeeze %dma_start3A_250 : memref<1x1x128xi32, #tpu.memory_space<hbm>> -> memref<128xi32, #tpu.memory_space<hbm>>
        %dma_start3A_252 = arith.constant 0 : i32
        %dma_start3A_253 = tpu.memref_slice %arg3[%dma_start3A_248, %add3A_247, %dma_start3A_252] : memref<2x2500x128xi32, #tpu.memory_space<hbm>> -> memref<1x1x128xi32, #tpu.memory_space<hbm>>
        %dma_start3A_254 = tpu.memref_squeeze %dma_start3A_253 : memref<1x1x128xi32, #tpu.memory_space<hbm>> -> memref<128xi32, #tpu.memory_space<hbm>>
        tpu.enqueue_dma source(%dma_start3A_254 : memref<128xi32, #tpu.memory_space<hbm>>) target(%arg13 : memref<128xi32, #tpu.memory_space<vmem>>) target_semaphore(%arg27 : memref<!tpu.dma_semaphore, #tpu.memory_space<semaphore_mem>>)
      } else {
      }
      %add3A_203 = arith.constant 4 : i32
      %add3A_204 = arith.addi %add3A_192, %add3A_203 : i32
      %sub3A_205 = arith.constant 1 : i32
      %sub3A_206 = arith.subi %add3A_204, %sub3A_205 : i32
      %lt3A_207 = arith.cmpi slt, %sub3A_206, %select_n3A : i32
      %convert_element_type3A_208 = arith.extui %lt3A_207 : i1 to i32
      %cond3A_209 = arith.constant 0 : i32
      %cond3A_210 = arith.cmpi ne, %convert_element_type3A_208, %cond3A_209 : i32
      scf.if %cond3A_210 {
        %add3A_233 = arith.constant 4 : i32
        %add3A_234 = arith.addi %add3A_192, %add3A_233 : i32
        %sub3A_235 = arith.constant 1 : i32
        %sub3A_236 = arith.subi %add3A_234, %sub3A_235 : i32
        %mul3A_237 = arith.constant 16 : i32
        %mul3A_238 = arith.muli %mul3A_237, %sub3A_236 : i32
        %add3A_239 = arith.addi %mul3A_238, %arg1 : i32
        %dma_wait3A_240 = arith.constant 0 : i32
        %dma_wait3A_241 = arith.constant 0 : i32
        %dma_wait3A_242 = tpu.memref_slice %arg3[%dma_wait3A_240, %add3A_239, %dma_wait3A_241] : memref<2x2500x128xi32, #tpu.memory_space<hbm>> -> memref<1x1x128xi32, #tpu.memory_space<hbm>>
        %dma_wait3A_243 = tpu.memref_squeeze %dma_wait3A_242 : memref<1x1x128xi32, #tpu.memory_space<hbm>> -> memref<128xi32, #tpu.memory_space<hbm>>
        %dma_wait3A_244 = arith.constant 0 : i32
        %dma_wait3A_245 = tpu.memref_slice %arg3[%dma_wait3A_240, %add3A_239, %dma_wait3A_244] : memref<2x2500x128xi32, #tpu.memory_space<hbm>> -> memref<1x1x128xi32, #tpu.memory_space<hbm>>
        %dma_wait3A_246 = tpu.memref_squeeze %dma_wait3A_245 : memref<1x1x128xi32, #tpu.memory_space<hbm>> -> memref<128xi32, #tpu.memory_space<hbm>>
        tpu.wait_dma2 semaphore(%arg22 : memref<!tpu.dma_semaphore, #tpu.memory_space<semaphore_mem>>) src(%dma_wait3A_246 : memref<128xi32, #tpu.memory_space<hbm>>) dst(%arg8 : memref<128xi32, #tpu.memory_space<vmem>>)
        %dma_start3A_247 = arith.constant 0 : i32
        %dma_start3A_248 = arith.constant 0 : i32
        %dma_start3A_249 = tpu.memref_slice %arg19[%dma_start3A_247, %dma_start3A_248] : memref<10000x64xf32, #tpu.memory_space<vmem_shared>> -> memref<10000x64xf32, #tpu.memory_space<vmem_shared>>
        tpu.enqueue_indirect_dma source(%dma_start3A_249 : memref<10000x64xf32, #tpu.memory_space<vmem_shared>>) target(%arg16 : memref<128x64xf32, #tpu.memory_space<vmem>>) offsets(%arg8 : memref<128xi32, #tpu.memory_space<vmem>>) semaphore(%arg30 : memref<!tpu.dma_semaphore, #tpu.memory_space<semaphore_mem>>)
      } else {
      }
      %mul3A_211 = arith.constant 4 : i32
      %mul3A_212 = arith.muli %mul3A_211, %scan3A_145 : i32
      %add3A_213 = arith.constant 3 : i32
      %add3A_214 = arith.addi %mul3A_212, %add3A_213 : i32
      %lt3A_215 = arith.cmpi slt, %add3A_214, %select_n3A : i32
      %convert_element_type3A_216 = arith.extui %lt3A_215 : i1 to i32
      %cond3A_217 = arith.constant 0 : i32
      %cond3A_218 = arith.cmpi ne, %convert_element_type3A_216, %cond3A_217 : i32
      scf.if %cond3A_218 {
        %dma_wait3A_233 = arith.constant 0 : i32
        %dma_wait3A_234 = arith.constant 0 : i32
        %dma_wait3A_235 = tpu.memref_slice %arg19[%dma_wait3A_233, %dma_wait3A_234] : memref<10000x64xf32, #tpu.memory_space<vmem_shared>> -> memref<10000x64xf32, #tpu.memory_space<vmem_shared>>
        tpu.wait_indirect_dma semaphore(%arg32 : memref<!tpu.dma_semaphore, #tpu.memory_space<semaphore_mem>>) src(%dma_wait3A_235 : memref<10000x64xf32, #tpu.memory_space<vmem_shared>>) dst(%arg18 : memref<128x64xf32, #tpu.memory_space<vmem>>)
        %mul3A_236 = arith.constant 16 : i32
        %mul3A_237 = arith.muli %mul3A_236, %add3A_214 : i32
        %add3A_238 = arith.addi %mul3A_237, %arg1 : i32
        %dma_wait3A_239 = arith.constant 1 : i32
        %dma_wait3A_240 = arith.constant 0 : i32
        %dma_wait3A_241 = tpu.memref_slice %arg3[%dma_wait3A_239, %add3A_238, %dma_wait3A_240] : memref<2x2500x128xi32, #tpu.memory_space<hbm>> -> memref<1x1x128xi32, #tpu.memory_space<hbm>>
        %dma_wait3A_242 = tpu.memref_squeeze %dma_wait3A_241 : memref<1x1x128xi32, #tpu.memory_space<hbm>> -> memref<128xi32, #tpu.memory_space<hbm>>
        %dma_wait3A_243 = arith.constant 0 : i32
        %dma_wait3A_244 = tpu.memref_slice %arg3[%dma_wait3A_239, %add3A_238, %dma_wait3A_243] : memref<2x2500x128xi32, #tpu.memory_space<hbm>> -> memref<1x1x128xi32, #tpu.memory_space<hbm>>
        %dma_wait3A_245 = tpu.memref_squeeze %dma_wait3A_244 : memref<1x1x128xi32, #tpu.memory_space<hbm>> -> memref<128xi32, #tpu.memory_space<hbm>>
        tpu.wait_dma2 semaphore(%arg28 : memref<!tpu.dma_semaphore, #tpu.memory_space<semaphore_mem>>) src(%dma_wait3A_245 : memref<128xi32, #tpu.memory_space<hbm>>) dst(%arg14 : memref<128xi32, #tpu.memory_space<vmem>>)
        "tpu.region"() ({
          %run_scoped3A = tpu.sem_alloc : memref<!tpu.dma_semaphore, #tpu.memory_space<semaphore_mem>>
          %dma_start3A_246 = arith.constant 0 : i32
          %dma_start3A_247 = arith.constant 0 : i32
          %dma_start3A_248 = tpu.memref_slice %arg20[%dma_start3A_246, %dma_start3A_247] : memref<10112x64xf32, #tpu.memory_space<vmem_shared>> -> memref<10112x64xf32, #tpu.memory_space<vmem_shared>>
          tpu.enqueue_indirect_dma source(%arg18 : memref<128x64xf32, #tpu.memory_space<vmem>>) target(%dma_start3A_248 : memref<10112x64xf32, #tpu.memory_space<vmem_shared>>) offsets(%arg14 : memref<128xi32, #tpu.memory_space<vmem>>) semaphore(%run_scoped3A : memref<!tpu.dma_semaphore, #tpu.memory_space<semaphore_mem>>) {add = true}
          %dma_wait3A_249 = arith.constant 0 : i32
          %dma_wait3A_250 = arith.constant 0 : i32
          %dma_wait3A_251 = tpu.memref_slice %arg20[%dma_wait3A_249, %dma_wait3A_250] : memref<10112x64xf32, #tpu.memory_space<vmem_shared>> -> memref<10112x64xf32, #tpu.memory_space<vmem_shared>>
          tpu.wait_indirect_dma semaphore(%run_scoped3A : memref<!tpu.dma_semaphore, #tpu.memory_space<semaphore_mem>>) src(%arg18 : memref<128x64xf32, #tpu.memory_space<vmem>>) dst(%dma_wait3A_251 : memref<10112x64xf32, #tpu.memory_space<vmem_shared>>)
          tpu.yield
        }) : () -> ()
      } else {
      }
      %add3A_219 = arith.constant 4 : i32
      %add3A_220 = arith.addi %add3A_214, %add3A_219 : i32
      %lt3A_221 = arith.cmpi slt, %add3A_220, %select_n3A : i32
      %convert_element_type3A_222 = arith.extui %lt3A_221 : i1 to i32
      %cond3A_223 = arith.constant 0 : i32
      %cond3A_224 = arith.cmpi ne, %convert_element_type3A_222, %cond3A_223 : i32
      scf.if %cond3A_224 {
        %add3A_233 = arith.constant 4 : i32
        %add3A_234 = arith.addi %add3A_214, %add3A_233 : i32
        %mul3A_235 = arith.constant 16 : i32
        %mul3A_236 = arith.muli %mul3A_235, %add3A_234 : i32
        %add3A_237 = arith.addi %mul3A_236, %arg1 : i32
        %dma_start3A_238 = arith.constant 0 : i32
        %dma_start3A_239 = arith.constant 0 : i32
        %dma_start3A_240 = tpu.memref_slice %arg3[%dma_start3A_238, %add3A_237, %dma_start3A_239] : memref<2x2500x128xi32, #tpu.memory_space<hbm>> -> memref<1x1x128xi32, #tpu.memory_space<hbm>>
        %dma_start3A_241 = tpu.memref_squeeze %dma_start3A_240 : memref<1x1x128xi32, #tpu.memory_space<hbm>> -> memref<128xi32, #tpu.memory_space<hbm>>
        %dma_start3A_242 = arith.constant 0 : i32
        %dma_start3A_243 = tpu.memref_slice %arg3[%dma_start3A_238, %add3A_237, %dma_start3A_242] : memref<2x2500x128xi32, #tpu.memory_space<hbm>> -> memref<1x1x128xi32, #tpu.memory_space<hbm>>
        %dma_start3A_244 = tpu.memref_squeeze %dma_start3A_243 : memref<1x1x128xi32, #tpu.memory_space<hbm>> -> memref<128xi32, #tpu.memory_space<hbm>>
        tpu.enqueue_dma source(%dma_start3A_244 : memref<128xi32, #tpu.memory_space<hbm>>) target(%arg10 : memref<128xi32, #tpu.memory_space<vmem>>) target_semaphore(%arg24 : memref<!tpu.dma_semaphore, #tpu.memory_space<semaphore_mem>>)
        %mul3A_245 = arith.constant 16 : i32
        %mul3A_246 = arith.muli %mul3A_245, %add3A_234 : i32
        %add3A_247 = arith.addi %mul3A_246, %arg1 : i32
        %dma_start3A_248 = arith.constant 1 : i32
        %dma_start3A_249 = arith.constant 0 : i32
        %dma_start3A_250 = tpu.memref_slice %arg3[%dma_start3A_248, %add3A_247, %dma_start3A_249] : memref<2x2500x128xi32, #tpu.memory_space<hbm>> -> memref<1x1x128xi32, #tpu.memory_space<hbm>>
        %dma_start3A_251 = tpu.memref_squeeze %dma_start3A_250 : memref<1x1x128xi32, #tpu.memory_space<hbm>> -> memref<128xi32, #tpu.memory_space<hbm>>
        %dma_start3A_252 = arith.constant 0 : i32
        %dma_start3A_253 = tpu.memref_slice %arg3[%dma_start3A_248, %add3A_247, %dma_start3A_252] : memref<2x2500x128xi32, #tpu.memory_space<hbm>> -> memref<1x1x128xi32, #tpu.memory_space<hbm>>
        %dma_start3A_254 = tpu.memref_squeeze %dma_start3A_253 : memref<1x1x128xi32, #tpu.memory_space<hbm>> -> memref<128xi32, #tpu.memory_space<hbm>>
        tpu.enqueue_dma source(%dma_start3A_254 : memref<128xi32, #tpu.memory_space<hbm>>) target(%arg14 : memref<128xi32, #tpu.memory_space<vmem>>) target_semaphore(%arg28 : memref<!tpu.dma_semaphore, #tpu.memory_space<semaphore_mem>>)
      } else {
      }
      %add3A_225 = arith.constant 4 : i32
      %add3A_226 = arith.addi %add3A_214, %add3A_225 : i32
      %sub3A_227 = arith.constant 1 : i32
      %sub3A_228 = arith.subi %add3A_226, %sub3A_227 : i32
      %lt3A_229 = arith.cmpi slt, %sub3A_228, %select_n3A : i32
      %convert_element_type3A_230 = arith.extui %lt3A_229 : i1 to i32
      %cond3A_231 = arith.constant 0 : i32
      %cond3A_232 = arith.cmpi ne, %convert_element_type3A_230, %cond3A_231 : i32
      scf.if %cond3A_232 {
        %add3A_233 = arith.constant 4 : i32
        %add3A_234 = arith.addi %add3A_214, %add3A_233 : i32
        %sub3A_235 = arith.constant 1 : i32
        %sub3A_236 = arith.subi %add3A_234, %sub3A_235 : i32
        %mul3A_237 = arith.constant 16 : i32
        %mul3A_238 = arith.muli %mul3A_237, %sub3A_236 : i32
        %add3A_239 = arith.addi %mul3A_238, %arg1 : i32
        %dma_wait3A_240 = arith.constant 0 : i32
        %dma_wait3A_241 = arith.constant 0 : i32
        %dma_wait3A_242 = tpu.memref_slice %arg3[%dma_wait3A_240, %add3A_239, %dma_wait3A_241] : memref<2x2500x128xi32, #tpu.memory_space<hbm>> -> memref<1x1x128xi32, #tpu.memory_space<hbm>>
        %dma_wait3A_243 = tpu.memref_squeeze %dma_wait3A_242 : memref<1x1x128xi32, #tpu.memory_space<hbm>> -> memref<128xi32, #tpu.memory_space<hbm>>
        %dma_wait3A_244 = arith.constant 0 : i32
        %dma_wait3A_245 = tpu.memref_slice %arg3[%dma_wait3A_240, %add3A_239, %dma_wait3A_244] : memref<2x2500x128xi32, #tpu.memory_space<hbm>> -> memref<1x1x128xi32, #tpu.memory_space<hbm>>
        %dma_wait3A_246 = tpu.memref_squeeze %dma_wait3A_245 : memref<1x1x128xi32, #tpu.memory_space<hbm>> -> memref<128xi32, #tpu.memory_space<hbm>>
        tpu.wait_dma2 semaphore(%arg23 : memref<!tpu.dma_semaphore, #tpu.memory_space<semaphore_mem>>) src(%dma_wait3A_246 : memref<128xi32, #tpu.memory_space<hbm>>) dst(%arg9 : memref<128xi32, #tpu.memory_space<vmem>>)
        %dma_start3A_247 = arith.constant 0 : i32
        %dma_start3A_248 = arith.constant 0 : i32
        %dma_start3A_249 = tpu.memref_slice %arg19[%dma_start3A_247, %dma_start3A_248] : memref<10000x64xf32, #tpu.memory_space<vmem_shared>> -> memref<10000x64xf32, #tpu.memory_space<vmem_shared>>
        tpu.enqueue_indirect_dma source(%dma_start3A_249 : memref<10000x64xf32, #tpu.memory_space<vmem_shared>>) target(%arg17 : memref<128x64xf32, #tpu.memory_space<vmem>>) offsets(%arg9 : memref<128xi32, #tpu.memory_space<vmem>>) semaphore(%arg31 : memref<!tpu.dma_semaphore, #tpu.memory_space<semaphore_mem>>)
      } else {
      }
    }
    %scan3A_119 = arith.constant 39 : i32
    %gt3A = arith.constant 156 : i32
    %gt3A_120 = arith.cmpi sgt, %select_n3A, %gt3A : i32
    %convert_element_type3A_121 = arith.extui %gt3A_120 : i1 to i32
    %cond3A_122 = arith.constant 0 : i32
    %cond3A_123 = arith.cmpi ne, %convert_element_type3A_121, %cond3A_122 : i32
    scf.if %cond3A_123 {
      %dma_wait3A_145 = arith.constant 0 : i32
      %dma_wait3A_146 = arith.constant 0 : i32
      %dma_wait3A_147 = tpu.memref_slice %arg19[%dma_wait3A_145, %dma_wait3A_146] : memref<10000x64xf32, #tpu.memory_space<vmem_shared>> -> memref<10000x64xf32, #tpu.memory_space<vmem_shared>>
      tpu.wait_indirect_dma semaphore(%arg29 : memref<!tpu.dma_semaphore, #tpu.memory_space<semaphore_mem>>) src(%dma_wait3A_147 : memref<10000x64xf32, #tpu.memory_space<vmem_shared>>) dst(%arg15 : memref<128x64xf32, #tpu.memory_space<vmem>>)
      %add3A_148 = arith.constant 2496 : i32
      %add3A_149 = arith.addi %add3A_148, %arg1 : i32
      %dma_wait3A_150 = arith.constant 1 : i32
      %dma_wait3A_151 = arith.constant 0 : i32
      %dma_wait3A_152 = tpu.memref_slice %arg3[%dma_wait3A_150, %add3A_149, %dma_wait3A_151] : memref<2x2500x128xi32, #tpu.memory_space<hbm>> -> memref<1x1x128xi32, #tpu.memory_space<hbm>>
      %dma_wait3A_153 = tpu.memref_squeeze %dma_wait3A_152 : memref<1x1x128xi32, #tpu.memory_space<hbm>> -> memref<128xi32, #tpu.memory_space<hbm>>
      %dma_wait3A_154 = arith.constant 0 : i32
      %dma_wait3A_155 = tpu.memref_slice %arg3[%dma_wait3A_150, %add3A_149, %dma_wait3A_154] : memref<2x2500x128xi32, #tpu.memory_space<hbm>> -> memref<1x1x128xi32, #tpu.memory_space<hbm>>
      %dma_wait3A_156 = tpu.memref_squeeze %dma_wait3A_155 : memref<1x1x128xi32, #tpu.memory_space<hbm>> -> memref<128xi32, #tpu.memory_space<hbm>>
      tpu.wait_dma2 semaphore(%arg25 : memref<!tpu.dma_semaphore, #tpu.memory_space<semaphore_mem>>) src(%dma_wait3A_156 : memref<128xi32, #tpu.memory_space<hbm>>) dst(%arg11 : memref<128xi32, #tpu.memory_space<vmem>>)
      "tpu.region"() ({
        %run_scoped3A = tpu.sem_alloc : memref<!tpu.dma_semaphore, #tpu.memory_space<semaphore_mem>>
        %dma_start3A_157 = arith.constant 0 : i32
        %dma_start3A_158 = arith.constant 0 : i32
        %dma_start3A_159 = tpu.memref_slice %arg20[%dma_start3A_157, %dma_start3A_158] : memref<10112x64xf32, #tpu.memory_space<vmem_shared>> -> memref<10112x64xf32, #tpu.memory_space<vmem_shared>>
        tpu.enqueue_indirect_dma source(%arg15 : memref<128x64xf32, #tpu.memory_space<vmem>>) target(%dma_start3A_159 : memref<10112x64xf32, #tpu.memory_space<vmem_shared>>) offsets(%arg11 : memref<128xi32, #tpu.memory_space<vmem>>) semaphore(%run_scoped3A : memref<!tpu.dma_semaphore, #tpu.memory_space<semaphore_mem>>) {add = true}
        %dma_wait3A_160 = arith.constant 0 : i32
        %dma_wait3A_161 = arith.constant 0 : i32
        %dma_wait3A_162 = tpu.memref_slice %arg20[%dma_wait3A_160, %dma_wait3A_161] : memref<10112x64xf32, #tpu.memory_space<vmem_shared>> -> memref<10112x64xf32, #tpu.memory_space<vmem_shared>>
        tpu.wait_indirect_dma semaphore(%run_scoped3A : memref<!tpu.dma_semaphore, #tpu.memory_space<semaphore_mem>>) src(%arg15 : memref<128x64xf32, #tpu.memory_space<vmem>>) dst(%dma_wait3A_162 : memref<10112x64xf32, #tpu.memory_space<vmem_shared>>)
        tpu.yield
      }) : () -> ()
    } else {
    }
    %gt3A_124 = arith.constant 160 : i32
    %gt3A_125 = arith.cmpi sgt, %select_n3A, %gt3A_124 : i32
    %convert_element_type3A_126 = arith.extui %gt3A_125 : i1 to i32
    %cond3A_127 = arith.constant 0 : i32
    %cond3A_128 = arith.cmpi ne, %convert_element_type3A_126, %cond3A_127 : i32
    scf.if %cond3A_128 {
      %add3A_145 = arith.constant 2560 : i32
      %add3A_146 = arith.addi %add3A_145, %arg1 : i32
      %dma_start3A_147 = arith.constant 0 : i32
      %dma_start3A_148 = arith.constant 0 : i32
      %dma_start3A_149 = tpu.memref_slice %arg3[%dma_start3A_147, %add3A_146, %dma_start3A_148] : memref<2x2500x128xi32, #tpu.memory_space<hbm>> -> memref<1x1x128xi32, #tpu.memory_space<hbm>>
      %dma_start3A_150 = tpu.memref_squeeze %dma_start3A_149 : memref<1x1x128xi32, #tpu.memory_space<hbm>> -> memref<128xi32, #tpu.memory_space<hbm>>
      %dma_start3A_151 = arith.constant 0 : i32
      %dma_start3A_152 = tpu.memref_slice %arg3[%dma_start3A_147, %add3A_146, %dma_start3A_151] : memref<2x2500x128xi32, #tpu.memory_space<hbm>> -> memref<1x1x128xi32, #tpu.memory_space<hbm>>
      %dma_start3A_153 = tpu.memref_squeeze %dma_start3A_152 : memref<1x1x128xi32, #tpu.memory_space<hbm>> -> memref<128xi32, #tpu.memory_space<hbm>>
      tpu.enqueue_dma source(%dma_start3A_153 : memref<128xi32, #tpu.memory_space<hbm>>) target(%arg7 : memref<128xi32, #tpu.memory_space<vmem>>) target_semaphore(%arg21 : memref<!tpu.dma_semaphore, #tpu.memory_space<semaphore_mem>>)
      %add3A_154 = arith.constant 2560 : i32
      %add3A_155 = arith.addi %add3A_154, %arg1 : i32
      %dma_start3A_156 = arith.constant 1 : i32
      %dma_start3A_157 = arith.constant 0 : i32
      %dma_start3A_158 = tpu.memref_slice %arg3[%dma_start3A_156, %add3A_155, %dma_start3A_157] : memref<2x2500x128xi32, #tpu.memory_space<hbm>> -> memref<1x1x128xi32, #tpu.memory_space<hbm>>
      %dma_start3A_159 = tpu.memref_squeeze %dma_start3A_158 : memref<1x1x128xi32, #tpu.memory_space<hbm>> -> memref<128xi32, #tpu.memory_space<hbm>>
      %dma_start3A_160 = arith.constant 0 : i32
      %dma_start3A_161 = tpu.memref_slice %arg3[%dma_start3A_156, %add3A_155, %dma_start3A_160] : memref<2x2500x128xi32, #tpu.memory_space<hbm>> -> memref<1x1x128xi32, #tpu.memory_space<hbm>>
      %dma_start3A_162 = tpu.memref_squeeze %dma_start3A_161 : memref<1x1x128xi32, #tpu.memory_space<hbm>> -> memref<128xi32, #tpu.memory_space<hbm>>
      tpu.enqueue_dma source(%dma_start3A_162 : memref<128xi32, #tpu.memory_space<hbm>>) target(%arg11 : memref<128xi32, #tpu.memory_space<vmem>>) target_semaphore(%arg25 : memref<!tpu.dma_semaphore, #tpu.memory_space<semaphore_mem>>)
    } else {
    }
    %gt3A_129 = arith.constant 159 : i32
    %gt3A_130 = arith.cmpi sgt, %select_n3A, %gt3A_129 : i32
    %convert_element_type3A_131 = arith.extui %gt3A_130 : i1 to i32
    %cond3A_132 = arith.constant 0 : i32
    %cond3A_133 = arith.cmpi ne, %convert_element_type3A_131, %cond3A_132 : i32
    scf.if %cond3A_133 {
      %add3A_145 = arith.constant 2544 : i32
      %add3A_146 = arith.addi %add3A_145, %arg1 : i32
      %dma_wait3A_147 = arith.constant 0 : i32
      %dma_wait3A_148 = arith.constant 0 : i32
      %dma_wait3A_149 = tpu.memref_slice %arg3[%dma_wait3A_147, %add3A_146, %dma_wait3A_148] : memref<2x2500x128xi32, #tpu.memory_space<hbm>> -> memref<1x1x128xi32, #tpu.memory_space<hbm>>
      %dma_wait3A_150 = tpu.memref_squeeze %dma_wait3A_149 : memref<1x1x128xi32, #tpu.memory_space<hbm>> -> memref<128xi32, #tpu.memory_space<hbm>>
      %dma_wait3A_151 = arith.constant 0 : i32
      %dma_wait3A_152 = tpu.memref_slice %arg3[%dma_wait3A_147, %add3A_146, %dma_wait3A_151] : memref<2x2500x128xi32, #tpu.memory_space<hbm>> -> memref<1x1x128xi32, #tpu.memory_space<hbm>>
      %dma_wait3A_153 = tpu.memref_squeeze %dma_wait3A_152 : memref<1x1x128xi32, #tpu.memory_space<hbm>> -> memref<128xi32, #tpu.memory_space<hbm>>
      tpu.wait_dma2 semaphore(%arg24 : memref<!tpu.dma_semaphore, #tpu.memory_space<semaphore_mem>>) src(%dma_wait3A_153 : memref<128xi32, #tpu.memory_space<hbm>>) dst(%arg10 : memref<128xi32, #tpu.memory_space<vmem>>)
      %dma_start3A_154 = arith.constant 0 : i32
      %dma_start3A_155 = arith.constant 0 : i32
      %dma_start3A_156 = tpu.memref_slice %arg19[%dma_start3A_154, %dma_start3A_155] : memref<10000x64xf32, #tpu.memory_space<vmem_shared>> -> memref<10000x64xf32, #tpu.memory_space<vmem_shared>>
      tpu.enqueue_indirect_dma source(%dma_start3A_156 : memref<10000x64xf32, #tpu.memory_space<vmem_shared>>) target(%arg18 : memref<128x64xf32, #tpu.memory_space<vmem>>) offsets(%arg10 : memref<128xi32, #tpu.memory_space<vmem>>) semaphore(%arg32 : memref<!tpu.dma_semaphore, #tpu.memory_space<semaphore_mem>>)
    } else {
    }
    %barrier3A_134 = arith.constant 0 : index
    tpu.barrier barrier_id(%barrier3A_134)
    %eq3A_135 = arith.constant 0 : i32
    %eq3A_136 = arith.cmpi eq, %arg0, %eq3A_135 : i32
    %convert_element_type3A_137 = arith.extui %eq3A_136 : i1 to i32
    %cond3A_138 = arith.constant 0 : i32
    %cond3A_139 = arith.cmpi ne, %convert_element_type3A_137, %cond3A_138 : i32
    scf.if %cond3A_139 {
      %lt3A_145 = arith.constant 15 : i32
      %lt3A_146 = arith.cmpi slt, %arg1, %lt3A_145 : i32
      %convert_element_type3A_147 = arith.extui %lt3A_146 : i1 to i32
      %cond3A_148 = arith.constant 0 : i32
      %cond3A_149 = arith.cmpi ne, %convert_element_type3A_147, %cond3A_148 : i32
      scf.if %cond3A_149 {
        %mul3A_155 = arith.constant 632 : i32
        %mul3A_156 = arith.muli %arg1, %mul3A_155 : i32
        "tpu.region"() ({
          %run_scoped3A = tpu.sem_alloc : memref<!tpu.dma_semaphore, #tpu.memory_space<semaphore_mem>>
          %dma_start3A_157 = arith.constant 0 : i32
          %dma_start3A_158 = tpu.memref_slice %arg6[%mul3A_156, %dma_start3A_157] : memref<10000x128xf32, #tpu.memory_space<hbm>> -> memref<632x64xf32, #tpu.memory_space<hbm>>
          %dma_start3A_159 = arith.constant 0 : i32
          %dma_start3A_160 = tpu.memref_slice %arg20[%mul3A_156, %dma_start3A_159] : memref<10112x64xf32, #tpu.memory_space<vmem_shared>> -> memref<632x64xf32, #tpu.memory_space<vmem_shared>>
          tpu.enqueue_dma source(%dma_start3A_160 : memref<632x64xf32, #tpu.memory_space<vmem_shared>>) target(%dma_start3A_158 : memref<632x64xf32, #tpu.memory_space<hbm>>) target_semaphore(%run_scoped3A : memref<!tpu.dma_semaphore, #tpu.memory_space<semaphore_mem>>)
          %dma_wait3A_161 = arith.constant 0 : i32
          %dma_wait3A_162 = tpu.memref_slice %arg6[%mul3A_156, %dma_wait3A_161] : memref<10000x128xf32, #tpu.memory_space<hbm>> -> memref<632x64xf32, #tpu.memory_space<hbm>>
          %dma_wait3A_163 = arith.constant 0 : i32
          %dma_wait3A_164 = tpu.memref_slice %arg20[%mul3A_156, %dma_wait3A_163] : memref<10112x64xf32, #tpu.memory_space<vmem_shared>> -> memref<632x64xf32, #tpu.memory_space<vmem_shared>>
          tpu.wait_dma2 semaphore(%run_scoped3A : memref<!tpu.dma_semaphore, #tpu.memory_space<semaphore_mem>>) src(%dma_wait3A_164 : memref<632x64xf32, #tpu.memory_space<vmem_shared>>) dst(%dma_wait3A_162 : memref<632x64xf32, #tpu.memory_space<hbm>>)
          tpu.yield
        }) : () -> ()
      } else {
      }
      %eq3A_150 = arith.constant 15 : i32
      %eq3A_151 = arith.cmpi eq, %arg1, %eq3A_150 : i32
      %convert_element_type3A_152 = arith.extui %eq3A_151 : i1 to i32
      %cond3A_153 = arith.constant 0 : i32
      %cond3A_154 = arith.cmpi ne, %convert_element_type3A_152, %cond3A_153 : i32
      scf.if %cond3A_154 {
        "tpu.region"() ({
          %run_scoped3A = tpu.sem_alloc : memref<!tpu.dma_semaphore, #tpu.memory_space<semaphore_mem>>
          %dma_start3A_155 = arith.constant 9480 : i32
          %dma_start3A_156 = arith.constant 0 : i32
          %dma_start3A_157 = tpu.memref_slice %arg6[%dma_start3A_155, %dma_start3A_156] : memref<10000x128xf32, #tpu.memory_space<hbm>> -> memref<520x64xf32, #tpu.memory_space<hbm>>
          %dma_start3A_158 = arith.constant 9480 : i32
          %dma_start3A_159 = arith.constant 0 : i32
          %dma_start3A_160 = tpu.memref_slice %arg20[%dma_start3A_158, %dma_start3A_159] : memref<10112x64xf32, #tpu.memory_space<vmem_shared>> -> memref<520x64xf32, #tpu.memory_space<vmem_shared>>
          tpu.enqueue_dma source(%dma_start3A_160 : memref<520x64xf32, #tpu.memory_space<vmem_shared>>) target(%dma_start3A_157 : memref<520x64xf32, #tpu.memory_space<hbm>>) target_semaphore(%run_scoped3A : memref<!tpu.dma_semaphore, #tpu.memory_space<semaphore_mem>>)
          %dma_wait3A_161 = arith.constant 9480 : i32
          %dma_wait3A_162 = arith.constant 0 : i32
          %dma_wait3A_163 = tpu.memref_slice %arg6[%dma_wait3A_161, %dma_wait3A_162] : memref<10000x128xf32, #tpu.memory_space<hbm>> -> memref<520x64xf32, #tpu.memory_space<hbm>>
          %dma_wait3A_164 = arith.constant 9480 : i32
          %dma_wait3A_165 = arith.constant 0 : i32
          %dma_wait3A_166 = tpu.memref_slice %arg20[%dma_wait3A_164, %dma_wait3A_165] : memref<10112x64xf32, #tpu.memory_space<vmem_shared>> -> memref<520x64xf32, #tpu.memory_space<vmem_shared>>
          tpu.wait_dma2 semaphore(%run_scoped3A : memref<!tpu.dma_semaphore, #tpu.memory_space<semaphore_mem>>) src(%dma_wait3A_166 : memref<520x64xf32, #tpu.memory_space<vmem_shared>>) dst(%dma_wait3A_163 : memref<520x64xf32, #tpu.memory_space<hbm>>)
          tpu.yield
        }) : () -> ()
      } else {
      }
    } else {
    }
    %eq3A_140 = arith.constant 1 : i32
    %eq3A_141 = arith.cmpi eq, %arg0, %eq3A_140 : i32
    %convert_element_type3A_142 = arith.extui %eq3A_141 : i1 to i32
    %cond3A_143 = arith.constant 0 : i32
    %cond3A_144 = arith.cmpi ne, %convert_element_type3A_142, %cond3A_143 : i32
    scf.if %cond3A_144 {
      %lt3A_145 = arith.constant 15 : i32
      %lt3A_146 = arith.cmpi slt, %arg1, %lt3A_145 : i32
      %convert_element_type3A_147 = arith.extui %lt3A_146 : i1 to i32
      %cond3A_148 = arith.constant 0 : i32
      %cond3A_149 = arith.cmpi ne, %convert_element_type3A_147, %cond3A_148 : i32
      scf.if %cond3A_149 {
        %mul3A_155 = arith.constant 632 : i32
        %mul3A_156 = arith.muli %arg1, %mul3A_155 : i32
        "tpu.region"() ({
          %run_scoped3A = tpu.sem_alloc : memref<!tpu.dma_semaphore, #tpu.memory_space<semaphore_mem>>
          %dma_start3A_157 = arith.constant 64 : i32
          %dma_start3A_158 = tpu.memref_slice %arg6[%mul3A_156, %dma_start3A_157] : memref<10000x128xf32, #tpu.memory_space<hbm>> -> memref<632x64xf32, #tpu.memory_space<hbm>>
          %dma_start3A_159 = arith.constant 0 : i32
          %dma_start3A_160 = tpu.memref_slice %arg20[%mul3A_156, %dma_start3A_159] : memref<10112x64xf32, #tpu.memory_space<vmem_shared>> -> memref<632x64xf32, #tpu.memory_space<vmem_shared>>
          tpu.enqueue_dma source(%dma_start3A_160 : memref<632x64xf32, #tpu.memory_space<vmem_shared>>) target(%dma_start3A_158 : memref<632x64xf32, #tpu.memory_space<hbm>>) target_semaphore(%run_scoped3A : memref<!tpu.dma_semaphore, #tpu.memory_space<semaphore_mem>>)
          %dma_wait3A_161 = arith.constant 64 : i32
          %dma_wait3A_162 = tpu.memref_slice %arg6[%mul3A_156, %dma_wait3A_161] : memref<10000x128xf32, #tpu.memory_space<hbm>> -> memref<632x64xf32, #tpu.memory_space<hbm>>
          %dma_wait3A_163 = arith.constant 0 : i32
          %dma_wait3A_164 = tpu.memref_slice %arg20[%mul3A_156, %dma_wait3A_163] : memref<10112x64xf32, #tpu.memory_space<vmem_shared>> -> memref<632x64xf32, #tpu.memory_space<vmem_shared>>
          tpu.wait_dma2 semaphore(%run_scoped3A : memref<!tpu.dma_semaphore, #tpu.memory_space<semaphore_mem>>) src(%dma_wait3A_164 : memref<632x64xf32, #tpu.memory_space<vmem_shared>>) dst(%dma_wait3A_162 : memref<632x64xf32, #tpu.memory_space<hbm>>)
          tpu.yield
        }) : () -> ()
      } else {
      }
      %eq3A_150 = arith.constant 15 : i32
      %eq3A_151 = arith.cmpi eq, %arg1, %eq3A_150 : i32
      %convert_element_type3A_152 = arith.extui %eq3A_151 : i1 to i32
      %cond3A_153 = arith.constant 0 : i32
      %cond3A_154 = arith.cmpi ne, %convert_element_type3A_152, %cond3A_153 : i32
      scf.if %cond3A_154 {
        "tpu.region"() ({
          %run_scoped3A = tpu.sem_alloc : memref<!tpu.dma_semaphore, #tpu.memory_space<semaphore_mem>>
          %dma_start3A_155 = arith.constant 9480 : i32
          %dma_start3A_156 = arith.constant 64 : i32
          %dma_start3A_157 = tpu.memref_slice %arg6[%dma_start3A_155, %dma_start3A_156] : memref<10000x128xf32, #tpu.memory_space<hbm>> -> memref<520x64xf32, #tpu.memory_space<hbm>>
          %dma_start3A_158 = arith.constant 9480 : i32
          %dma_start3A_159 = arith.constant 0 : i32
          %dma_start3A_160 = tpu.memref_slice %arg20[%dma_start3A_158, %dma_start3A_159] : memref<10112x64xf32, #tpu.memory_space<vmem_shared>> -> memref<520x64xf32, #tpu.memory_space<vmem_shared>>
          tpu.enqueue_dma source(%dma_start3A_160 : memref<520x64xf32, #tpu.memory_space<vmem_shared>>) target(%dma_start3A_157 : memref<520x64xf32, #tpu.memory_space<hbm>>) target_semaphore(%run_scoped3A : memref<!tpu.dma_semaphore, #tpu.memory_space<semaphore_mem>>)
          %dma_wait3A_161 = arith.constant 9480 : i32
          %dma_wait3A_162 = arith.constant 64 : i32
          %dma_wait3A_163 = tpu.memref_slice %arg6[%dma_wait3A_161, %dma_wait3A_162] : memref<10000x128xf32, #tpu.memory_space<hbm>> -> memref<520x64xf32, #tpu.memory_space<hbm>>
          %dma_wait3A_164 = arith.constant 9480 : i32
          %dma_wait3A_165 = arith.constant 0 : i32
          %dma_wait3A_166 = tpu.memref_slice %arg20[%dma_wait3A_164, %dma_wait3A_165] : memref<10112x64xf32, #tpu.memory_space<vmem_shared>> -> memref<520x64xf32, #tpu.memory_space<vmem_shared>>
          tpu.wait_dma2 semaphore(%run_scoped3A : memref<!tpu.dma_semaphore, #tpu.memory_space<semaphore_mem>>) src(%dma_wait3A_166 : memref<520x64xf32, #tpu.memory_space<vmem_shared>>) dst(%dma_wait3A_163 : memref<520x64xf32, #tpu.memory_space<hbm>>)
          tpu.yield
        }) : () -> ()
      } else {
      }
    } else {
    }
    return
  }
}

#map = affine_map<(d0, d1) -> (0, 0)>
#map1 = affine_map<(d0, d1) -> (0, 0, 0)>
module attributes {stable_mosaic.version = 14 : i64} {
  func.func @sc_agg(%arg0: i32, %arg1: i32, %arg2: memref<10000x128xf32, #tpu.memory_space<hbm>>, %arg3: memref<2x2500x128xi32, #tpu.memory_space<hbm>>, %arg4: memref<632x64xf32, #tpu.memory_space<hbm>>, %arg5: memref<10000x32xf32, #tpu.memory_space<hbm>>, %arg6: memref<10000x128xf32, #tpu.memory_space<hbm>>, %arg7: memref<128xi32, #tpu.memory_space<vmem>>, %arg8: memref<128xi32, #tpu.memory_space<vmem>>, %arg9: memref<128xi32, #tpu.memory_space<vmem>>, %arg10: memref<128xi32, #tpu.memory_space<vmem>>, %arg11: memref<128xi32, #tpu.memory_space<vmem>>, %arg12: memref<128xi32, #tpu.memory_space<vmem>>, %arg13: memref<128xi32, #tpu.memory_space<vmem>>, %arg14: memref<128xi32, #tpu.memory_space<vmem>>, %arg15: memref<128x64xf32, #tpu.memory_space<vmem>>, %arg16: memref<128x64xf32, #tpu.memory_space<vmem>>, %arg17: memref<128x64xf32, #tpu.memory_space<vmem>>, %arg18: memref<128x64xf32, #tpu.memory_space<vmem>>, %arg19: memref<10000x64xf32, #tpu.memory_space<vmem_shared>>, %arg20: memref<10112x64xf32, #tpu.memory_space<vmem_shared>>, %arg21: memref<!tpu.dma_semaphore, #tpu.memory_space<semaphore_mem>>, %arg22: memref<!tpu.dma_semaphore, #tpu.memory_space<semaphore_mem>>, %arg23: memref<!tpu.dma_semaphore, #tpu.memory_space<semaphore_mem>>, %arg24: memref<!tpu.dma_semaphore, #tpu.memory_space<semaphore_mem>>, %arg25: memref<!tpu.dma_semaphore, #tpu.memory_space<semaphore_mem>>, %arg26: memref<!tpu.dma_semaphore, #tpu.memory_space<semaphore_mem>>, %arg27: memref<!tpu.dma_semaphore, #tpu.memory_space<semaphore_mem>>, %arg28: memref<!tpu.dma_semaphore, #tpu.memory_space<semaphore_mem>>, %arg29: memref<!tpu.dma_semaphore, #tpu.memory_space<semaphore_mem>>, %arg30: memref<!tpu.dma_semaphore, #tpu.memory_space<semaphore_mem>>, %arg31: memref<!tpu.dma_semaphore, #tpu.memory_space<semaphore_mem>>, %arg32: memref<!tpu.dma_semaphore, #tpu.memory_space<semaphore_mem>>) attributes {dimension_semantics = [#tpu.dimension_semantics<core_parallel>, #tpu.dimension_semantics<subcore_parallel>], iteration_bounds = array<i64: 2, 16>, scalar_prefetch = 0 : i64, scratch_operands = 26 : i64, tpu.core_type = #tpu.core_type<sc_vector_subcore>, window_params = [{transform_indices = #map}, {transform_indices = #map1}, {transform_indices = #map}, {transform_indices = #map}, {transform_indices = #map}]} {
    %lt3A = arith.constant 4 : i32
    %lt3A_0 = arith.cmpi slt, %arg1, %lt3A : i32
    %jit3A = arith.constant 157 : i32
    %jit3A_1 = arith.constant 156 : i32
    %select_n3A = arith.select %lt3A_0, %jit3A, %jit3A_1 : i32
    %eq3A = arith.constant 0 : i32
    %eq3A_2 = arith.cmpi eq, %arg0, %eq3A : i32
    %convert_element_type3A = arith.extui %eq3A_2 : i1 to i32
    %cond3A = arith.constant 0 : i32
    %cond3A_3 = arith.cmpi ne, %convert_element_type3A, %cond3A : i32
    scf.if %cond3A_3 {
      %lt3A_145 = arith.constant 15 : i32
      %lt3A_146 = arith.cmpi slt, %arg1, %lt3A_145 : i32
      %convert_element_type3A_147 = arith.extui %lt3A_146 : i1 to i32
      %cond3A_148 = arith.constant 0 : i32
      %cond3A_149 = arith.cmpi ne, %convert_element_type3A_147, %cond3A_148 : i32
      scf.if %cond3A_149 {
        %mul3A_155 = arith.constant 632 : i32
        %mul3A_156 = arith.muli %arg1, %mul3A_155 : i32
        "tpu.region"() ({
          %run_scoped3A = tpu.sem_alloc : memref<!tpu.dma_semaphore, #tpu.memory_space<semaphore_mem>>
          %dma_start3A_157 = arith.constant 0 : i32
          %dma_start3A_158 = tpu.memref_slice %arg19[%mul3A_156, %dma_start3A_157] : memref<10000x64xf32, #tpu.memory_space<vmem_shared>> -> memref<632x64xf32, #tpu.memory_space<vmem_shared>>
          %dma_start3A_159 = arith.constant 0 : i32
          %dma_start3A_160 = tpu.memref_slice %arg2[%mul3A_156, %dma_start3A_159] : memref<10000x128xf32, #tpu.memory_space<hbm>> -> memref<632x64xf32, #tpu.memory_space<hbm>>
          tpu.enqueue_dma source(%dma_start3A_160 : memref<632x64xf32, #tpu.memory_space<hbm>>) target(%dma_start3A_158 : memref<632x64xf32, #tpu.memory_space<vmem_shared>>) target_semaphore(%run_scoped3A : memref<!tpu.dma_semaphore, #tpu.memory_space<semaphore_mem>>)
          %dma_wait3A_161 = arith.constant 0 : i32
          %dma_wait3A_162 = tpu.memref_slice %arg19[%mul3A_156, %dma_wait3A_161] : memref<10000x64xf32, #tpu.memory_space<vmem_shared>> -> memref<632x64xf32, #tpu.memory_space<vmem_shared>>
          %dma_wait3A_163 = arith.constant 0 : i32
          %dma_wait3A_164 = tpu.memref_slice %arg2[%mul3A_156, %dma_wait3A_163] : memref<10000x128xf32, #tpu.memory_space<hbm>> -> memref<632x64xf32, #tpu.memory_space<hbm>>
          tpu.wait_dma2 semaphore(%run_scoped3A : memref<!tpu.dma_semaphore, #tpu.memory_space<semaphore_mem>>) src(%dma_wait3A_164 : memref<632x64xf32, #tpu.memory_space<hbm>>) dst(%dma_wait3A_162 : memref<632x64xf32, #tpu.memory_space<vmem_shared>>)
          tpu.yield
        }) : () -> ()
      } else {
      }
      %eq3A_150 = arith.constant 15 : i32
      %eq3A_151 = arith.cmpi eq, %arg1, %eq3A_150 : i32
      %convert_element_type3A_152 = arith.extui %eq3A_151 : i1 to i32
      %cond3A_153 = arith.constant 0 : i32
      %cond3A_154 = arith.cmpi ne, %convert_element_type3A_152, %cond3A_153 : i32
      scf.if %cond3A_154 {
        "tpu.region"() ({
          %run_scoped3A = tpu.sem_alloc : memref<!tpu.dma_semaphore, #tpu.memory_space<semaphore_mem>>
          %dma_start3A_155 = arith.constant 9480 : i32
          %dma_start3A_156 = arith.constant 0 : i32
          %dma_start3A_157 = tpu.memref_slice %arg19[%dma_start3A_155, %dma_start3A_156] : memref<10000x64xf32, #tpu.memory_space<vmem_shared>> -> memref<520x64xf32, #tpu.memory_space<vmem_shared>>
          %dma_start3A_158 = arith.constant 9480 : i32
          %dma_start3A_159 = arith.constant 0 : i32
          %dma_start3A_160 = tpu.memref_slice %arg2[%dma_start3A_158, %dma_start3A_159] : memref<10000x128xf32, #tpu.memory_space<hbm>> -> memref<520x64xf32, #tpu.memory_space<hbm>>
          tpu.enqueue_dma source(%dma_start3A_160 : memref<520x64xf32, #tpu.memory_space<hbm>>) target(%dma_start3A_157 : memref<520x64xf32, #tpu.memory_space<vmem_shared>>) target_semaphore(%run_scoped3A : memref<!tpu.dma_semaphore, #tpu.memory_space<semaphore_mem>>)
          %dma_wait3A_161 = arith.constant 9480 : i32
          %dma_wait3A_162 = arith.constant 0 : i32
          %dma_wait3A_163 = tpu.memref_slice %arg19[%dma_wait3A_161, %dma_wait3A_162] : memref<10000x64xf32, #tpu.memory_space<vmem_shared>> -> memref<520x64xf32, #tpu.memory_space<vmem_shared>>
          %dma_wait3A_164 = arith.constant 9480 : i32
          %dma_wait3A_165 = arith.constant 0 : i32
          %dma_wait3A_166 = tpu.memref_slice %arg2[%dma_wait3A_164, %dma_wait3A_165] : memref<10000x128xf32, #tpu.memory_space<hbm>> -> memref<520x64xf32, #tpu.memory_space<hbm>>
          tpu.wait_dma2 semaphore(%run_scoped3A : memref<!tpu.dma_semaphore, #tpu.memory_space<semaphore_mem>>) src(%dma_wait3A_166 : memref<520x64xf32, #tpu.memory_space<hbm>>) dst(%dma_wait3A_163 : memref<520x64xf32, #tpu.memory_space<vmem_shared>>)
          tpu.yield
        }) : () -> ()
      } else {
      }
    } else {
    }
    %eq3A_4 = arith.constant 1 : i32
    %eq3A_5 = arith.cmpi eq, %arg0, %eq3A_4 : i32
    %convert_element_type3A_6 = arith.extui %eq3A_5 : i1 to i32
    %cond3A_7 = arith.constant 0 : i32
    %cond3A_8 = arith.cmpi ne, %convert_element_type3A_6, %cond3A_7 : i32
    scf.if %cond3A_8 {
      %lt3A_145 = arith.constant 15 : i32
      %lt3A_146 = arith.cmpi slt, %arg1, %lt3A_145 : i32
      %convert_element_type3A_147 = arith.extui %lt3A_146 : i1 to i32
      %cond3A_148 = arith.constant 0 : i32
      %cond3A_149 = arith.cmpi ne, %convert_element_type3A_147, %cond3A_148 : i32
      scf.if %cond3A_149 {
        %mul3A_155 = arith.constant 632 : i32
        %mul3A_156 = arith.muli %arg1, %mul3A_155 : i32
        "tpu.region"() ({
          %run_scoped3A = tpu.sem_alloc : memref<!tpu.dma_semaphore, #tpu.memory_space<semaphore_mem>>
          %dma_start3A_157 = arith.constant 0 : i32
          %dma_start3A_158 = tpu.memref_slice %arg19[%mul3A_156, %dma_start3A_157] : memref<10000x64xf32, #tpu.memory_space<vmem_shared>> -> memref<632x64xf32, #tpu.memory_space<vmem_shared>>
          %dma_start3A_159 = arith.constant 64 : i32
          %dma_start3A_160 = tpu.memref_slice %arg2[%mul3A_156, %dma_start3A_159] : memref<10000x128xf32, #tpu.memory_space<hbm>> -> memref<632x64xf32, #tpu.memory_space<hbm>>
          tpu.enqueue_dma source(%dma_start3A_160 : memref<632x64xf32, #tpu.memory_space<hbm>>) target(%dma_start3A_158 : memref<632x64xf32, #tpu.memory_space<vmem_shared>>) target_semaphore(%run_scoped3A : memref<!tpu.dma_semaphore, #tpu.memory_space<semaphore_mem>>)
          %dma_wait3A_161 = arith.constant 0 : i32
          %dma_wait3A_162 = tpu.memref_slice %arg19[%mul3A_156, %dma_wait3A_161] : memref<10000x64xf32, #tpu.memory_space<vmem_shared>> -> memref<632x64xf32, #tpu.memory_space<vmem_shared>>
          %dma_wait3A_163 = arith.constant 64 : i32
          %dma_wait3A_164 = tpu.memref_slice %arg2[%mul3A_156, %dma_wait3A_163] : memref<10000x128xf32, #tpu.memory_space<hbm>> -> memref<632x64xf32, #tpu.memory_space<hbm>>
          tpu.wait_dma2 semaphore(%run_scoped3A : memref<!tpu.dma_semaphore, #tpu.memory_space<semaphore_mem>>) src(%dma_wait3A_164 : memref<632x64xf32, #tpu.memory_space<hbm>>) dst(%dma_wait3A_162 : memref<632x64xf32, #tpu.memory_space<vmem_shared>>)
          tpu.yield
        }) : () -> ()
      } else {
      }
      %eq3A_150 = arith.constant 15 : i32
      %eq3A_151 = arith.cmpi eq, %arg1, %eq3A_150 : i32
      %convert_element_type3A_152 = arith.extui %eq3A_151 : i1 to i32
      %cond3A_153 = arith.constant 0 : i32
      %cond3A_154 = arith.cmpi ne, %convert_element_type3A_152, %cond3A_153 : i32
      scf.if %cond3A_154 {
        "tpu.region"() ({
          %run_scoped3A = tpu.sem_alloc : memref<!tpu.dma_semaphore, #tpu.memory_space<semaphore_mem>>
          %dma_start3A_155 = arith.constant 9480 : i32
          %dma_start3A_156 = arith.constant 0 : i32
          %dma_start3A_157 = tpu.memref_slice %arg19[%dma_start3A_155, %dma_start3A_156] : memref<10000x64xf32, #tpu.memory_space<vmem_shared>> -> memref<520x64xf32, #tpu.memory_space<vmem_shared>>
          %dma_start3A_158 = arith.constant 9480 : i32
          %dma_start3A_159 = arith.constant 64 : i32
          %dma_start3A_160 = tpu.memref_slice %arg2[%dma_start3A_158, %dma_start3A_159] : memref<10000x128xf32, #tpu.memory_space<hbm>> -> memref<520x64xf32, #tpu.memory_space<hbm>>
          tpu.enqueue_dma source(%dma_start3A_160 : memref<520x64xf32, #tpu.memory_space<hbm>>) target(%dma_start3A_157 : memref<520x64xf32, #tpu.memory_space<vmem_shared>>) target_semaphore(%run_scoped3A : memref<!tpu.dma_semaphore, #tpu.memory_space<semaphore_mem>>)
          %dma_wait3A_161 = arith.constant 9480 : i32
          %dma_wait3A_162 = arith.constant 0 : i32
          %dma_wait3A_163 = tpu.memref_slice %arg19[%dma_wait3A_161, %dma_wait3A_162] : memref<10000x64xf32, #tpu.memory_space<vmem_shared>> -> memref<520x64xf32, #tpu.memory_space<vmem_shared>>
          %dma_wait3A_164 = arith.constant 9480 : i32
          %dma_wait3A_165 = arith.constant 64 : i32
          %dma_wait3A_166 = tpu.memref_slice %arg2[%dma_wait3A_164, %dma_wait3A_165] : memref<10000x128xf32, #tpu.memory_space<hbm>> -> memref<520x64xf32, #tpu.memory_space<hbm>>
          tpu.wait_dma2 semaphore(%run_scoped3A : memref<!tpu.dma_semaphore, #tpu.memory_space<semaphore_mem>>) src(%dma_wait3A_166 : memref<520x64xf32, #tpu.memory_space<hbm>>) dst(%dma_wait3A_163 : memref<520x64xf32, #tpu.memory_space<vmem_shared>>)
          tpu.yield
        }) : () -> ()
      } else {
      }
    } else {
    }
    %mul3A = arith.constant 632 : i32
    %mul3A_9 = arith.muli %arg1, %mul3A : i32
    "tpu.region"() ({
      %run_scoped3A = tpu.sem_alloc : memref<!tpu.dma_semaphore, #tpu.memory_space<semaphore_mem>>
      %dma_start3A_145 = arith.constant 0 : i32
      %dma_start3A_146 = tpu.memref_slice %arg20[%mul3A_9, %dma_start3A_145] : memref<10112x64xf32, #tpu.memory_space<vmem_shared>> -> memref<632x64xf32, #tpu.memory_space<vmem_shared>>
      tpu.enqueue_dma source(%arg4 : memref<632x64xf32, #tpu.memory_space<hbm>>) target(%dma_start3A_146 : memref<632x64xf32, #tpu.memory_space<vmem_shared>>) target_semaphore(%run_scoped3A : memref<!tpu.dma_semaphore, #tpu.memory_space<semaphore_mem>>)
      %dma_wait3A_147 = arith.constant 0 : i32
      %dma_wait3A_148 = tpu.memref_slice %arg20[%mul3A_9, %dma_wait3A_147] : memref<10112x64xf32, #tpu.memory_space<vmem_shared>> -> memref<632x64xf32, #tpu.memory_space<vmem_shared>>
      tpu.wait_dma2 semaphore(%run_scoped3A : memref<!tpu.dma_semaphore, #tpu.memory_space<semaphore_mem>>) src(%arg4 : memref<632x64xf32, #tpu.memory_space<hbm>>) dst(%dma_wait3A_148 : memref<632x64xf32, #tpu.memory_space<vmem_shared>>)
      tpu.yield
    }) : () -> ()
    %barrier3A = arith.constant 0 : index
    tpu.barrier barrier_id(%barrier3A)
    %add3A = arith.constant 0 : i32
    %add3A_10 = arith.addi %add3A, %arg1 : i32
    %dma_start3A = arith.constant 0 : i32
    %dma_start3A_11 = arith.constant 0 : i32
    %dma_start3A_12 = tpu.memref_slice %arg3[%dma_start3A, %add3A_10, %dma_start3A_11] : memref<2x2500x128xi32, #tpu.memory_space<hbm>> -> memref<1x1x128xi32, #tpu.memory_space<hbm>>
    %dma_start3A_13 = tpu.memref_squeeze %dma_start3A_12 : memref<1x1x128xi32, #tpu.memory_space<hbm>> -> memref<128xi32, #tpu.memory_space<hbm>>
    %dma_start3A_14 = arith.constant 0 : i32
    %dma_start3A_15 = tpu.memref_slice %arg3[%dma_start3A, %add3A_10, %dma_start3A_14] : memref<2x2500x128xi32, #tpu.memory_space<hbm>> -> memref<1x1x128xi32, #tpu.memory_space<hbm>>
    %dma_start3A_16 = tpu.memref_squeeze %dma_start3A_15 : memref<1x1x128xi32, #tpu.memory_space<hbm>> -> memref<128xi32, #tpu.memory_space<hbm>>
    tpu.enqueue_dma source(%dma_start3A_16 : memref<128xi32, #tpu.memory_space<hbm>>) target(%arg7 : memref<128xi32, #tpu.memory_space<vmem>>) target_semaphore(%arg21 : memref<!tpu.dma_semaphore, #tpu.memory_space<semaphore_mem>>)
    %add3A_17 = arith.constant 0 : i32
    %add3A_18 = arith.addi %add3A_17, %arg1 : i32
    %dma_start3A_19 = arith.constant 1 : i32
    %dma_start3A_20 = arith.constant 0 : i32
    %dma_start3A_21 = tpu.memref_slice %arg3[%dma_start3A_19, %add3A_18, %dma_start3A_20] : memref<2x2500x128xi32, #tpu.memory_space<hbm>> -> memref<1x1x128xi32, #tpu.memory_space<hbm>>
    %dma_start3A_22 = tpu.memref_squeeze %dma_start3A_21 : memref<1x1x128xi32, #tpu.memory_space<hbm>> -> memref<128xi32, #tpu.memory_space<hbm>>
    %dma_start3A_23 = arith.constant 0 : i32
    %dma_start3A_24 = tpu.memref_slice %arg3[%dma_start3A_19, %add3A_18, %dma_start3A_23] : memref<2x2500x128xi32, #tpu.memory_space<hbm>> -> memref<1x1x128xi32, #tpu.memory_space<hbm>>
    %dma_start3A_25 = tpu.memref_squeeze %dma_start3A_24 : memref<1x1x128xi32, #tpu.memory_space<hbm>> -> memref<128xi32, #tpu.memory_space<hbm>>
    tpu.enqueue_dma source(%dma_start3A_25 : memref<128xi32, #tpu.memory_space<hbm>>) target(%arg11 : memref<128xi32, #tpu.memory_space<vmem>>) target_semaphore(%arg25 : memref<!tpu.dma_semaphore, #tpu.memory_space<semaphore_mem>>)
    %add3A_26 = arith.constant 16 : i32
    %add3A_27 = arith.addi %add3A_26, %arg1 : i32
    %dma_start3A_28 = arith.constant 0 : i32
    %dma_start3A_29 = arith.constant 0 : i32
    %dma_start3A_30 = tpu.memref_slice %arg3[%dma_start3A_28, %add3A_27, %dma_start3A_29] : memref<2x2500x128xi32, #tpu.memory_space<hbm>> -> memref<1x1x128xi32, #tpu.memory_space<hbm>>
    %dma_start3A_31 = tpu.memref_squeeze %dma_start3A_30 : memref<1x1x128xi32, #tpu.memory_space<hbm>> -> memref<128xi32, #tpu.memory_space<hbm>>
    %dma_start3A_32 = arith.constant 0 : i32
    %dma_start3A_33 = tpu.memref_slice %arg3[%dma_start3A_28, %add3A_27, %dma_start3A_32] : memref<2x2500x128xi32, #tpu.memory_space<hbm>> -> memref<1x1x128xi32, #tpu.memory_space<hbm>>
    %dma_start3A_34 = tpu.memref_squeeze %dma_start3A_33 : memref<1x1x128xi32, #tpu.memory_space<hbm>> -> memref<128xi32, #tpu.memory_space<hbm>>
    tpu.enqueue_dma source(%dma_start3A_34 : memref<128xi32, #tpu.memory_space<hbm>>) target(%arg8 : memref<128xi32, #tpu.memory_space<vmem>>) target_semaphore(%arg22 : memref<!tpu.dma_semaphore, #tpu.memory_space<semaphore_mem>>)
    %add3A_35 = arith.constant 16 : i32
    %add3A_36 = arith.addi %add3A_35, %arg1 : i32
    %dma_start3A_37 = arith.constant 1 : i32
    %dma_start3A_38 = arith.constant 0 : i32
    %dma_start3A_39 = tpu.memref_slice %arg3[%dma_start3A_37, %add3A_36, %dma_start3A_38] : memref<2x2500x128xi32, #tpu.memory_space<hbm>> -> memref<1x1x128xi32, #tpu.memory_space<hbm>>
    %dma_start3A_40 = tpu.memref_squeeze %dma_start3A_39 : memref<1x1x128xi32, #tpu.memory_space<hbm>> -> memref<128xi32, #tpu.memory_space<hbm>>
    %dma_start3A_41 = arith.constant 0 : i32
    %dma_start3A_42 = tpu.memref_slice %arg3[%dma_start3A_37, %add3A_36, %dma_start3A_41] : memref<2x2500x128xi32, #tpu.memory_space<hbm>> -> memref<1x1x128xi32, #tpu.memory_space<hbm>>
    %dma_start3A_43 = tpu.memref_squeeze %dma_start3A_42 : memref<1x1x128xi32, #tpu.memory_space<hbm>> -> memref<128xi32, #tpu.memory_space<hbm>>
    tpu.enqueue_dma source(%dma_start3A_43 : memref<128xi32, #tpu.memory_space<hbm>>) target(%arg12 : memref<128xi32, #tpu.memory_space<vmem>>) target_semaphore(%arg26 : memref<!tpu.dma_semaphore, #tpu.memory_space<semaphore_mem>>)
    %add3A_44 = arith.constant 32 : i32
    %add3A_45 = arith.addi %add3A_44, %arg1 : i32
    %dma_start3A_46 = arith.constant 0 : i32
    %dma_start3A_47 = arith.constant 0 : i32
    %dma_start3A_48 = tpu.memref_slice %arg3[%dma_start3A_46, %add3A_45, %dma_start3A_47] : memref<2x2500x128xi32, #tpu.memory_space<hbm>> -> memref<1x1x128xi32, #tpu.memory_space<hbm>>
    %dma_start3A_49 = tpu.memref_squeeze %dma_start3A_48 : memref<1x1x128xi32, #tpu.memory_space<hbm>> -> memref<128xi32, #tpu.memory_space<hbm>>
    %dma_start3A_50 = arith.constant 0 : i32
    %dma_start3A_51 = tpu.memref_slice %arg3[%dma_start3A_46, %add3A_45, %dma_start3A_50] : memref<2x2500x128xi32, #tpu.memory_space<hbm>> -> memref<1x1x128xi32, #tpu.memory_space<hbm>>
    %dma_start3A_52 = tpu.memref_squeeze %dma_start3A_51 : memref<1x1x128xi32, #tpu.memory_space<hbm>> -> memref<128xi32, #tpu.memory_space<hbm>>
    tpu.enqueue_dma source(%dma_start3A_52 : memref<128xi32, #tpu.memory_space<hbm>>) target(%arg9 : memref<128xi32, #tpu.memory_space<vmem>>) target_semaphore(%arg23 : memref<!tpu.dma_semaphore, #tpu.memory_space<semaphore_mem>>)
    %add3A_53 = arith.constant 32 : i32
    %add3A_54 = arith.addi %add3A_53, %arg1 : i32
    %dma_start3A_55 = arith.constant 1 : i32
    %dma_start3A_56 = arith.constant 0 : i32
    %dma_start3A_57 = tpu.memref_slice %arg3[%dma_start3A_55, %add3A_54, %dma_start3A_56] : memref<2x2500x128xi32, #tpu.memory_space<hbm>> -> memref<1x1x128xi32, #tpu.memory_space<hbm>>
    %dma_start3A_58 = tpu.memref_squeeze %dma_start3A_57 : memref<1x1x128xi32, #tpu.memory_space<hbm>> -> memref<128xi32, #tpu.memory_space<hbm>>
    %dma_start3A_59 = arith.constant 0 : i32
    %dma_start3A_60 = tpu.memref_slice %arg3[%dma_start3A_55, %add3A_54, %dma_start3A_59] : memref<2x2500x128xi32, #tpu.memory_space<hbm>> -> memref<1x1x128xi32, #tpu.memory_space<hbm>>
    %dma_start3A_61 = tpu.memref_squeeze %dma_start3A_60 : memref<1x1x128xi32, #tpu.memory_space<hbm>> -> memref<128xi32, #tpu.memory_space<hbm>>
    tpu.enqueue_dma source(%dma_start3A_61 : memref<128xi32, #tpu.memory_space<hbm>>) target(%arg13 : memref<128xi32, #tpu.memory_space<vmem>>) target_semaphore(%arg27 : memref<!tpu.dma_semaphore, #tpu.memory_space<semaphore_mem>>)
    %add3A_62 = arith.constant 48 : i32
    %add3A_63 = arith.addi %add3A_62, %arg1 : i32
    %dma_start3A_64 = arith.constant 0 : i32
    %dma_start3A_65 = arith.constant 0 : i32
    %dma_start3A_66 = tpu.memref_slice %arg3[%dma_start3A_64, %add3A_63, %dma_start3A_65] : memref<2x2500x128xi32, #tpu.memory_space<hbm>> -> memref<1x1x128xi32, #tpu.memory_space<hbm>>
    %dma_start3A_67 = tpu.memref_squeeze %dma_start3A_66 : memref<1x1x128xi32, #tpu.memory_space<hbm>> -> memref<128xi32, #tpu.memory_space<hbm>>
    %dma_start3A_68 = arith.constant 0 : i32
    %dma_start3A_69 = tpu.memref_slice %arg3[%dma_start3A_64, %add3A_63, %dma_start3A_68] : memref<2x2500x128xi32, #tpu.memory_space<hbm>> -> memref<1x1x128xi32, #tpu.memory_space<hbm>>
    %dma_start3A_70 = tpu.memref_squeeze %dma_start3A_69 : memref<1x1x128xi32, #tpu.memory_space<hbm>> -> memref<128xi32, #tpu.memory_space<hbm>>
    tpu.enqueue_dma source(%dma_start3A_70 : memref<128xi32, #tpu.memory_space<hbm>>) target(%arg10 : memref<128xi32, #tpu.memory_space<vmem>>) target_semaphore(%arg24 : memref<!tpu.dma_semaphore, #tpu.memory_space<semaphore_mem>>)
    %add3A_71 = arith.constant 48 : i32
    %add3A_72 = arith.addi %add3A_71, %arg1 : i32
    %dma_start3A_73 = arith.constant 1 : i32
    %dma_start3A_74 = arith.constant 0 : i32
    %dma_start3A_75 = tpu.memref_slice %arg3[%dma_start3A_73, %add3A_72, %dma_start3A_74] : memref<2x2500x128xi32, #tpu.memory_space<hbm>> -> memref<1x1x128xi32, #tpu.memory_space<hbm>>
    %dma_start3A_76 = tpu.memref_squeeze %dma_start3A_75 : memref<1x1x128xi32, #tpu.memory_space<hbm>> -> memref<128xi32, #tpu.memory_space<hbm>>
    %dma_start3A_77 = arith.constant 0 : i32
    %dma_start3A_78 = tpu.memref_slice %arg3[%dma_start3A_73, %add3A_72, %dma_start3A_77] : memref<2x2500x128xi32, #tpu.memory_space<hbm>> -> memref<1x1x128xi32, #tpu.memory_space<hbm>>
    %dma_start3A_79 = tpu.memref_squeeze %dma_start3A_78 : memref<1x1x128xi32, #tpu.memory_space<hbm>> -> memref<128xi32, #tpu.memory_space<hbm>>
    tpu.enqueue_dma source(%dma_start3A_79 : memref<128xi32, #tpu.memory_space<hbm>>) target(%arg14 : memref<128xi32, #tpu.memory_space<vmem>>) target_semaphore(%arg28 : memref<!tpu.dma_semaphore, #tpu.memory_space<semaphore_mem>>)
    %add3A_80 = arith.constant 0 : i32
    %add3A_81 = arith.addi %add3A_80, %arg1 : i32
    %dma_wait3A = arith.constant 0 : i32
    %dma_wait3A_82 = arith.constant 0 : i32
    %dma_wait3A_83 = tpu.memref_slice %arg3[%dma_wait3A, %add3A_81, %dma_wait3A_82] : memref<2x2500x128xi32, #tpu.memory_space<hbm>> -> memref<1x1x128xi32, #tpu.memory_space<hbm>>
    %dma_wait3A_84 = tpu.memref_squeeze %dma_wait3A_83 : memref<1x1x128xi32, #tpu.memory_space<hbm>> -> memref<128xi32, #tpu.memory_space<hbm>>
    %dma_wait3A_85 = arith.constant 0 : i32
    %dma_wait3A_86 = tpu.memref_slice %arg3[%dma_wait3A, %add3A_81, %dma_wait3A_85] : memref<2x2500x128xi32, #tpu.memory_space<hbm>> -> memref<1x1x128xi32, #tpu.memory_space<hbm>>
    %dma_wait3A_87 = tpu.memref_squeeze %dma_wait3A_86 : memref<1x1x128xi32, #tpu.memory_space<hbm>> -> memref<128xi32, #tpu.memory_space<hbm>>
    tpu.wait_dma2 semaphore(%arg21 : memref<!tpu.dma_semaphore, #tpu.memory_space<semaphore_mem>>) src(%dma_wait3A_87 : memref<128xi32, #tpu.memory_space<hbm>>) dst(%arg7 : memref<128xi32, #tpu.memory_space<vmem>>)
    %dma_start3A_88 = arith.constant 0 : i32
    %dma_start3A_89 = arith.constant 0 : i32
    %dma_start3A_90 = tpu.memref_slice %arg19[%dma_start3A_88, %dma_start3A_89] : memref<10000x64xf32, #tpu.memory_space<vmem_shared>> -> memref<10000x64xf32, #tpu.memory_space<vmem_shared>>
    tpu.enqueue_indirect_dma source(%dma_start3A_90 : memref<10000x64xf32, #tpu.memory_space<vmem_shared>>) target(%arg15 : memref<128x64xf32, #tpu.memory_space<vmem>>) offsets(%arg7 : memref<128xi32, #tpu.memory_space<vmem>>) semaphore(%arg29 : memref<!tpu.dma_semaphore, #tpu.memory_space<semaphore_mem>>)
    %add3A_91 = arith.constant 16 : i32
    %add3A_92 = arith.addi %add3A_91, %arg1 : i32
    %dma_wait3A_93 = arith.constant 0 : i32
    %dma_wait3A_94 = arith.constant 0 : i32
    %dma_wait3A_95 = tpu.memref_slice %arg3[%dma_wait3A_93, %add3A_92, %dma_wait3A_94] : memref<2x2500x128xi32, #tpu.memory_space<hbm>> -> memref<1x1x128xi32, #tpu.memory_space<hbm>>
    %dma_wait3A_96 = tpu.memref_squeeze %dma_wait3A_95 : memref<1x1x128xi32, #tpu.memory_space<hbm>> -> memref<128xi32, #tpu.memory_space<hbm>>
    %dma_wait3A_97 = arith.constant 0 : i32
    %dma_wait3A_98 = tpu.memref_slice %arg3[%dma_wait3A_93, %add3A_92, %dma_wait3A_97] : memref<2x2500x128xi32, #tpu.memory_space<hbm>> -> memref<1x1x128xi32, #tpu.memory_space<hbm>>
    %dma_wait3A_99 = tpu.memref_squeeze %dma_wait3A_98 : memref<1x1x128xi32, #tpu.memory_space<hbm>> -> memref<128xi32, #tpu.memory_space<hbm>>
    tpu.wait_dma2 semaphore(%arg22 : memref<!tpu.dma_semaphore, #tpu.memory_space<semaphore_mem>>) src(%dma_wait3A_99 : memref<128xi32, #tpu.memory_space<hbm>>) dst(%arg8 : memref<128xi32, #tpu.memory_space<vmem>>)
    %dma_start3A_100 = arith.constant 0 : i32
    %dma_start3A_101 = arith.constant 0 : i32
    %dma_start3A_102 = tpu.memref_slice %arg19[%dma_start3A_100, %dma_start3A_101] : memref<10000x64xf32, #tpu.memory_space<vmem_shared>> -> memref<10000x64xf32, #tpu.memory_space<vmem_shared>>
    tpu.enqueue_indirect_dma source(%dma_start3A_102 : memref<10000x64xf32, #tpu.memory_space<vmem_shared>>) target(%arg16 : memref<128x64xf32, #tpu.memory_space<vmem>>) offsets(%arg8 : memref<128xi32, #tpu.memory_space<vmem>>) semaphore(%arg30 : memref<!tpu.dma_semaphore, #tpu.memory_space<semaphore_mem>>)
    %add3A_103 = arith.constant 32 : i32
    %add3A_104 = arith.addi %add3A_103, %arg1 : i32
    %dma_wait3A_105 = arith.constant 0 : i32
    %dma_wait3A_106 = arith.constant 0 : i32
    %dma_wait3A_107 = tpu.memref_slice %arg3[%dma_wait3A_105, %add3A_104, %dma_wait3A_106] : memref<2x2500x128xi32, #tpu.memory_space<hbm>> -> memref<1x1x128xi32, #tpu.memory_space<hbm>>
    %dma_wait3A_108 = tpu.memref_squeeze %dma_wait3A_107 : memref<1x1x128xi32, #tpu.memory_space<hbm>> -> memref<128xi32, #tpu.memory_space<hbm>>
    %dma_wait3A_109 = arith.constant 0 : i32
    %dma_wait3A_110 = tpu.memref_slice %arg3[%dma_wait3A_105, %add3A_104, %dma_wait3A_109] : memref<2x2500x128xi32, #tpu.memory_space<hbm>> -> memref<1x1x128xi32, #tpu.memory_space<hbm>>
    %dma_wait3A_111 = tpu.memref_squeeze %dma_wait3A_110 : memref<1x1x128xi32, #tpu.memory_space<hbm>> -> memref<128xi32, #tpu.memory_space<hbm>>
    tpu.wait_dma2 semaphore(%arg23 : memref<!tpu.dma_semaphore, #tpu.memory_space<semaphore_mem>>) src(%dma_wait3A_111 : memref<128xi32, #tpu.memory_space<hbm>>) dst(%arg9 : memref<128xi32, #tpu.memory_space<vmem>>)
    %dma_start3A_112 = arith.constant 0 : i32
    %dma_start3A_113 = arith.constant 0 : i32
    %dma_start3A_114 = tpu.memref_slice %arg19[%dma_start3A_112, %dma_start3A_113] : memref<10000x64xf32, #tpu.memory_space<vmem_shared>> -> memref<10000x64xf32, #tpu.memory_space<vmem_shared>>
    tpu.enqueue_indirect_dma source(%dma_start3A_114 : memref<10000x64xf32, #tpu.memory_space<vmem_shared>>) target(%arg17 : memref<128x64xf32, #tpu.memory_space<vmem>>) offsets(%arg9 : memref<128xi32, #tpu.memory_space<vmem>>) semaphore(%arg31 : memref<!tpu.dma_semaphore, #tpu.memory_space<semaphore_mem>>)
    %scan3A = arith.constant 0 : i32
    %scan3A_115 = arith.constant 0 : i32
    %scan3A_116 = arith.constant 39 : i32
    %scan3A_117 = arith.addi %scan3A_115, %scan3A_116 : i32
    %scan3A_118 = arith.constant 1 : i32
    scf.for %scan3A_145 = %scan3A_115 to %scan3A_117 step %scan3A_118  : i32 {
      %mul3A_146 = arith.constant 4 : i32
      %mul3A_147 = arith.muli %mul3A_146, %scan3A_145 : i32
      %add3A_148 = arith.constant 0 : i32
      %add3A_149 = arith.addi %mul3A_147, %add3A_148 : i32
      %lt3A_150 = arith.cmpi slt, %add3A_149, %select_n3A : i32
      %convert_element_type3A_151 = arith.extui %lt3A_150 : i1 to i32
      %cond3A_152 = arith.constant 0 : i32
      %cond3A_153 = arith.cmpi ne, %convert_element_type3A_151, %cond3A_152 : i32
      scf.if %cond3A_153 {
        %dma_wait3A_233 = arith.constant 0 : i32
        %dma_wait3A_234 = arith.constant 0 : i32
        %dma_wait3A_235 = tpu.memref_slice %arg19[%dma_wait3A_233, %dma_wait3A_234] : memref<10000x64xf32, #tpu.memory_space<vmem_shared>> -> memref<10000x64xf32, #tpu.memory_space<vmem_shared>>
        tpu.wait_indirect_dma semaphore(%arg29 : memref<!tpu.dma_semaphore, #tpu.memory_space<semaphore_mem>>) src(%dma_wait3A_235 : memref<10000x64xf32, #tpu.memory_space<vmem_shared>>) dst(%arg15 : memref<128x64xf32, #tpu.memory_space<vmem>>)
        %mul3A_236 = arith.constant 16 : i32
        %mul3A_237 = arith.muli %mul3A_236, %add3A_149 : i32
        %add3A_238 = arith.addi %mul3A_237, %arg1 : i32
        %dma_wait3A_239 = arith.constant 1 : i32
        %dma_wait3A_240 = arith.constant 0 : i32
        %dma_wait3A_241 = tpu.memref_slice %arg3[%dma_wait3A_239, %add3A_238, %dma_wait3A_240] : memref<2x2500x128xi32, #tpu.memory_space<hbm>> -> memref<1x1x128xi32, #tpu.memory_space<hbm>>
        %dma_wait3A_242 = tpu.memref_squeeze %dma_wait3A_241 : memref<1x1x128xi32, #tpu.memory_space<hbm>> -> memref<128xi32, #tpu.memory_space<hbm>>
        %dma_wait3A_243 = arith.constant 0 : i32
        %dma_wait3A_244 = tpu.memref_slice %arg3[%dma_wait3A_239, %add3A_238, %dma_wait3A_243] : memref<2x2500x128xi32, #tpu.memory_space<hbm>> -> memref<1x1x128xi32, #tpu.memory_space<hbm>>
        %dma_wait3A_245 = tpu.memref_squeeze %dma_wait3A_244 : memref<1x1x128xi32, #tpu.memory_space<hbm>> -> memref<128xi32, #tpu.memory_space<hbm>>
        tpu.wait_dma2 semaphore(%arg25 : memref<!tpu.dma_semaphore, #tpu.memory_space<semaphore_mem>>) src(%dma_wait3A_245 : memref<128xi32, #tpu.memory_space<hbm>>) dst(%arg11 : memref<128xi32, #tpu.memory_space<vmem>>)
        "tpu.region"() ({
          %run_scoped3A = tpu.sem_alloc : memref<!tpu.dma_semaphore, #tpu.memory_space<semaphore_mem>>
          %dma_start3A_246 = arith.constant 0 : i32
          %dma_start3A_247 = arith.constant 0 : i32
          %dma_start3A_248 = tpu.memref_slice %arg20[%dma_start3A_246, %dma_start3A_247] : memref<10112x64xf32, #tpu.memory_space<vmem_shared>> -> memref<10112x64xf32, #tpu.memory_space<vmem_shared>>
          tpu.enqueue_indirect_dma source(%arg15 : memref<128x64xf32, #tpu.memory_space<vmem>>) target(%dma_start3A_248 : memref<10112x64xf32, #tpu.memory_space<vmem_shared>>) offsets(%arg11 : memref<128xi32, #tpu.memory_space<vmem>>) semaphore(%run_scoped3A : memref<!tpu.dma_semaphore, #tpu.memory_space<semaphore_mem>>) {add = true}
          %dma_wait3A_249 = arith.constant 0 : i32
          %dma_wait3A_250 = arith.constant 0 : i32
          %dma_wait3A_251 = tpu.memref_slice %arg20[%dma_wait3A_249, %dma_wait3A_250] : memref<10112x64xf32, #tpu.memory_space<vmem_shared>> -> memref<10112x64xf32, #tpu.memory_space<vmem_shared>>
          tpu.wait_indirect_dma semaphore(%run_scoped3A : memref<!tpu.dma_semaphore, #tpu.memory_space<semaphore_mem>>) src(%arg15 : memref<128x64xf32, #tpu.memory_space<vmem>>) dst(%dma_wait3A_251 : memref<10112x64xf32, #tpu.memory_space<vmem_shared>>)
          tpu.yield
        }) : () -> ()
      } else {
      }
      %add3A_154 = arith.constant 4 : i32
      %add3A_155 = arith.addi %add3A_149, %add3A_154 : i32
      %lt3A_156 = arith.cmpi slt, %add3A_155, %select_n3A : i32
      %convert_element_type3A_157 = arith.extui %lt3A_156 : i1 to i32
      %cond3A_158 = arith.constant 0 : i32
      %cond3A_159 = arith.cmpi ne, %convert_element_type3A_157, %cond3A_158 : i32
      scf.if %cond3A_159 {
        %add3A_233 = arith.constant 4 : i32
        %add3A_234 = arith.addi %add3A_149, %add3A_233 : i32
        %mul3A_235 = arith.constant 16 : i32
        %mul3A_236 = arith.muli %mul3A_235, %add3A_234 : i32
        %add3A_237 = arith.addi %mul3A_236, %arg1 : i32
        %dma_start3A_238 = arith.constant 0 : i32
        %dma_start3A_239 = arith.constant 0 : i32
        %dma_start3A_240 = tpu.memref_slice %arg3[%dma_start3A_238, %add3A_237, %dma_start3A_239] : memref<2x2500x128xi32, #tpu.memory_space<hbm>> -> memref<1x1x128xi32, #tpu.memory_space<hbm>>
        %dma_start3A_241 = tpu.memref_squeeze %dma_start3A_240 : memref<1x1x128xi32, #tpu.memory_space<hbm>> -> memref<128xi32, #tpu.memory_space<hbm>>
        %dma_start3A_242 = arith.constant 0 : i32
        %dma_start3A_243 = tpu.memref_slice %arg3[%dma_start3A_238, %add3A_237, %dma_start3A_242] : memref<2x2500x128xi32, #tpu.memory_space<hbm>> -> memref<1x1x128xi32, #tpu.memory_space<hbm>>
        %dma_start3A_244 = tpu.memref_squeeze %dma_start3A_243 : memref<1x1x128xi32, #tpu.memory_space<hbm>> -> memref<128xi32, #tpu.memory_space<hbm>>
        tpu.enqueue_dma source(%dma_start3A_244 : memref<128xi32, #tpu.memory_space<hbm>>) target(%arg7 : memref<128xi32, #tpu.memory_space<vmem>>) target_semaphore(%arg21 : memref<!tpu.dma_semaphore, #tpu.memory_space<semaphore_mem>>)
        %mul3A_245 = arith.constant 16 : i32
        %mul3A_246 = arith.muli %mul3A_245, %add3A_234 : i32
        %add3A_247 = arith.addi %mul3A_246, %arg1 : i32
        %dma_start3A_248 = arith.constant 1 : i32
        %dma_start3A_249 = arith.constant 0 : i32
        %dma_start3A_250 = tpu.memref_slice %arg3[%dma_start3A_248, %add3A_247, %dma_start3A_249] : memref<2x2500x128xi32, #tpu.memory_space<hbm>> -> memref<1x1x128xi32, #tpu.memory_space<hbm>>
        %dma_start3A_251 = tpu.memref_squeeze %dma_start3A_250 : memref<1x1x128xi32, #tpu.memory_space<hbm>> -> memref<128xi32, #tpu.memory_space<hbm>>
        %dma_start3A_252 = arith.constant 0 : i32
        %dma_start3A_253 = tpu.memref_slice %arg3[%dma_start3A_248, %add3A_247, %dma_start3A_252] : memref<2x2500x128xi32, #tpu.memory_space<hbm>> -> memref<1x1x128xi32, #tpu.memory_space<hbm>>
        %dma_start3A_254 = tpu.memref_squeeze %dma_start3A_253 : memref<1x1x128xi32, #tpu.memory_space<hbm>> -> memref<128xi32, #tpu.memory_space<hbm>>
        tpu.enqueue_dma source(%dma_start3A_254 : memref<128xi32, #tpu.memory_space<hbm>>) target(%arg11 : memref<128xi32, #tpu.memory_space<vmem>>) target_semaphore(%arg25 : memref<!tpu.dma_semaphore, #tpu.memory_space<semaphore_mem>>)
      } else {
      }
      %add3A_160 = arith.constant 4 : i32
      %add3A_161 = arith.addi %add3A_149, %add3A_160 : i32
      %sub3A = arith.constant 1 : i32
      %sub3A_162 = arith.subi %add3A_161, %sub3A : i32
      %lt3A_163 = arith.cmpi slt, %sub3A_162, %select_n3A : i32
      %convert_element_type3A_164 = arith.extui %lt3A_163 : i1 to i32
      %cond3A_165 = arith.constant 0 : i32
      %cond3A_166 = arith.cmpi ne, %convert_element_type3A_164, %cond3A_165 : i32
      scf.if %cond3A_166 {
        %add3A_233 = arith.constant 4 : i32
        %add3A_234 = arith.addi %add3A_149, %add3A_233 : i32
        %sub3A_235 = arith.constant 1 : i32
        %sub3A_236 = arith.subi %add3A_234, %sub3A_235 : i32
        %mul3A_237 = arith.constant 16 : i32
        %mul3A_238 = arith.muli %mul3A_237, %sub3A_236 : i32
        %add3A_239 = arith.addi %mul3A_238, %arg1 : i32
        %dma_wait3A_240 = arith.constant 0 : i32
        %dma_wait3A_241 = arith.constant 0 : i32
        %dma_wait3A_242 = tpu.memref_slice %arg3[%dma_wait3A_240, %add3A_239, %dma_wait3A_241] : memref<2x2500x128xi32, #tpu.memory_space<hbm>> -> memref<1x1x128xi32, #tpu.memory_space<hbm>>
        %dma_wait3A_243 = tpu.memref_squeeze %dma_wait3A_242 : memref<1x1x128xi32, #tpu.memory_space<hbm>> -> memref<128xi32, #tpu.memory_space<hbm>>
        %dma_wait3A_244 = arith.constant 0 : i32
        %dma_wait3A_245 = tpu.memref_slice %arg3[%dma_wait3A_240, %add3A_239, %dma_wait3A_244] : memref<2x2500x128xi32, #tpu.memory_space<hbm>> -> memref<1x1x128xi32, #tpu.memory_space<hbm>>
        %dma_wait3A_246 = tpu.memref_squeeze %dma_wait3A_245 : memref<1x1x128xi32, #tpu.memory_space<hbm>> -> memref<128xi32, #tpu.memory_space<hbm>>
        tpu.wait_dma2 semaphore(%arg24 : memref<!tpu.dma_semaphore, #tpu.memory_space<semaphore_mem>>) src(%dma_wait3A_246 : memref<128xi32, #tpu.memory_space<hbm>>) dst(%arg10 : memref<128xi32, #tpu.memory_space<vmem>>)
        %dma_start3A_247 = arith.constant 0 : i32
        %dma_start3A_248 = arith.constant 0 : i32
        %dma_start3A_249 = tpu.memref_slice %arg19[%dma_start3A_247, %dma_start3A_248] : memref<10000x64xf32, #tpu.memory_space<vmem_shared>> -> memref<10000x64xf32, #tpu.memory_space<vmem_shared>>
        tpu.enqueue_indirect_dma source(%dma_start3A_249 : memref<10000x64xf32, #tpu.memory_space<vmem_shared>>) target(%arg18 : memref<128x64xf32, #tpu.memory_space<vmem>>) offsets(%arg10 : memref<128xi32, #tpu.memory_space<vmem>>) semaphore(%arg32 : memref<!tpu.dma_semaphore, #tpu.memory_space<semaphore_mem>>)
      } else {
      }
      %mul3A_167 = arith.constant 4 : i32
      %mul3A_168 = arith.muli %mul3A_167, %scan3A_145 : i32
      %add3A_169 = arith.constant 1 : i32
      %add3A_170 = arith.addi %mul3A_168, %add3A_169 : i32
      %lt3A_171 = arith.cmpi slt, %add3A_170, %select_n3A : i32
      %convert_element_type3A_172 = arith.extui %lt3A_171 : i1 to i32
      %cond3A_173 = arith.constant 0 : i32
      %cond3A_174 = arith.cmpi ne, %convert_element_type3A_172, %cond3A_173 : i32
      scf.if %cond3A_174 {
        %dma_wait3A_233 = arith.constant 0 : i32
        %dma_wait3A_234 = arith.constant 0 : i32
        %dma_wait3A_235 = tpu.memref_slice %arg19[%dma_wait3A_233, %dma_wait3A_234] : memref<10000x64xf32, #tpu.memory_space<vmem_shared>> -> memref<10000x64xf32, #tpu.memory_space<vmem_shared>>
        tpu.wait_indirect_dma semaphore(%arg30 : memref<!tpu.dma_semaphore, #tpu.memory_space<semaphore_mem>>) src(%dma_wait3A_235 : memref<10000x64xf32, #tpu.memory_space<vmem_shared>>) dst(%arg16 : memref<128x64xf32, #tpu.memory_space<vmem>>)
        %mul3A_236 = arith.constant 16 : i32
        %mul3A_237 = arith.muli %mul3A_236, %add3A_170 : i32
        %add3A_238 = arith.addi %mul3A_237, %arg1 : i32
        %dma_wait3A_239 = arith.constant 1 : i32
        %dma_wait3A_240 = arith.constant 0 : i32
        %dma_wait3A_241 = tpu.memref_slice %arg3[%dma_wait3A_239, %add3A_238, %dma_wait3A_240] : memref<2x2500x128xi32, #tpu.memory_space<hbm>> -> memref<1x1x128xi32, #tpu.memory_space<hbm>>
        %dma_wait3A_242 = tpu.memref_squeeze %dma_wait3A_241 : memref<1x1x128xi32, #tpu.memory_space<hbm>> -> memref<128xi32, #tpu.memory_space<hbm>>
        %dma_wait3A_243 = arith.constant 0 : i32
        %dma_wait3A_244 = tpu.memref_slice %arg3[%dma_wait3A_239, %add3A_238, %dma_wait3A_243] : memref<2x2500x128xi32, #tpu.memory_space<hbm>> -> memref<1x1x128xi32, #tpu.memory_space<hbm>>
        %dma_wait3A_245 = tpu.memref_squeeze %dma_wait3A_244 : memref<1x1x128xi32, #tpu.memory_space<hbm>> -> memref<128xi32, #tpu.memory_space<hbm>>
        tpu.wait_dma2 semaphore(%arg26 : memref<!tpu.dma_semaphore, #tpu.memory_space<semaphore_mem>>) src(%dma_wait3A_245 : memref<128xi32, #tpu.memory_space<hbm>>) dst(%arg12 : memref<128xi32, #tpu.memory_space<vmem>>)
        "tpu.region"() ({
          %run_scoped3A = tpu.sem_alloc : memref<!tpu.dma_semaphore, #tpu.memory_space<semaphore_mem>>
          %dma_start3A_246 = arith.constant 0 : i32
          %dma_start3A_247 = arith.constant 0 : i32
          %dma_start3A_248 = tpu.memref_slice %arg20[%dma_start3A_246, %dma_start3A_247] : memref<10112x64xf32, #tpu.memory_space<vmem_shared>> -> memref<10112x64xf32, #tpu.memory_space<vmem_shared>>
          tpu.enqueue_indirect_dma source(%arg16 : memref<128x64xf32, #tpu.memory_space<vmem>>) target(%dma_start3A_248 : memref<10112x64xf32, #tpu.memory_space<vmem_shared>>) offsets(%arg12 : memref<128xi32, #tpu.memory_space<vmem>>) semaphore(%run_scoped3A : memref<!tpu.dma_semaphore, #tpu.memory_space<semaphore_mem>>) {add = true}
          %dma_wait3A_249 = arith.constant 0 : i32
          %dma_wait3A_250 = arith.constant 0 : i32
          %dma_wait3A_251 = tpu.memref_slice %arg20[%dma_wait3A_249, %dma_wait3A_250] : memref<10112x64xf32, #tpu.memory_space<vmem_shared>> -> memref<10112x64xf32, #tpu.memory_space<vmem_shared>>
          tpu.wait_indirect_dma semaphore(%run_scoped3A : memref<!tpu.dma_semaphore, #tpu.memory_space<semaphore_mem>>) src(%arg16 : memref<128x64xf32, #tpu.memory_space<vmem>>) dst(%dma_wait3A_251 : memref<10112x64xf32, #tpu.memory_space<vmem_shared>>)
          tpu.yield
        }) : () -> ()
      } else {
      }
      %add3A_175 = arith.constant 4 : i32
      %add3A_176 = arith.addi %add3A_170, %add3A_175 : i32
      %lt3A_177 = arith.cmpi slt, %add3A_176, %select_n3A : i32
      %convert_element_type3A_178 = arith.extui %lt3A_177 : i1 to i32
      %cond3A_179 = arith.constant 0 : i32
      %cond3A_180 = arith.cmpi ne, %convert_element_type3A_178, %cond3A_179 : i32
      scf.if %cond3A_180 {
        %add3A_233 = arith.constant 4 : i32
        %add3A_234 = arith.addi %add3A_170, %add3A_233 : i32
        %mul3A_235 = arith.constant 16 : i32
        %mul3A_236 = arith.muli %mul3A_235, %add3A_234 : i32
        %add3A_237 = arith.addi %mul3A_236, %arg1 : i32
        %dma_start3A_238 = arith.constant 0 : i32
        %dma_start3A_239 = arith.constant 0 : i32
        %dma_start3A_240 = tpu.memref_slice %arg3[%dma_start3A_238, %add3A_237, %dma_start3A_239] : memref<2x2500x128xi32, #tpu.memory_space<hbm>> -> memref<1x1x128xi32, #tpu.memory_space<hbm>>
        %dma_start3A_241 = tpu.memref_squeeze %dma_start3A_240 : memref<1x1x128xi32, #tpu.memory_space<hbm>> -> memref<128xi32, #tpu.memory_space<hbm>>
        %dma_start3A_242 = arith.constant 0 : i32
        %dma_start3A_243 = tpu.memref_slice %arg3[%dma_start3A_238, %add3A_237, %dma_start3A_242] : memref<2x2500x128xi32, #tpu.memory_space<hbm>> -> memref<1x1x128xi32, #tpu.memory_space<hbm>>
        %dma_start3A_244 = tpu.memref_squeeze %dma_start3A_243 : memref<1x1x128xi32, #tpu.memory_space<hbm>> -> memref<128xi32, #tpu.memory_space<hbm>>
        tpu.enqueue_dma source(%dma_start3A_244 : memref<128xi32, #tpu.memory_space<hbm>>) target(%arg8 : memref<128xi32, #tpu.memory_space<vmem>>) target_semaphore(%arg22 : memref<!tpu.dma_semaphore, #tpu.memory_space<semaphore_mem>>)
        %mul3A_245 = arith.constant 16 : i32
        %mul3A_246 = arith.muli %mul3A_245, %add3A_234 : i32
        %add3A_247 = arith.addi %mul3A_246, %arg1 : i32
        %dma_start3A_248 = arith.constant 1 : i32
        %dma_start3A_249 = arith.constant 0 : i32
        %dma_start3A_250 = tpu.memref_slice %arg3[%dma_start3A_248, %add3A_247, %dma_start3A_249] : memref<2x2500x128xi32, #tpu.memory_space<hbm>> -> memref<1x1x128xi32, #tpu.memory_space<hbm>>
        %dma_start3A_251 = tpu.memref_squeeze %dma_start3A_250 : memref<1x1x128xi32, #tpu.memory_space<hbm>> -> memref<128xi32, #tpu.memory_space<hbm>>
        %dma_start3A_252 = arith.constant 0 : i32
        %dma_start3A_253 = tpu.memref_slice %arg3[%dma_start3A_248, %add3A_247, %dma_start3A_252] : memref<2x2500x128xi32, #tpu.memory_space<hbm>> -> memref<1x1x128xi32, #tpu.memory_space<hbm>>
        %dma_start3A_254 = tpu.memref_squeeze %dma_start3A_253 : memref<1x1x128xi32, #tpu.memory_space<hbm>> -> memref<128xi32, #tpu.memory_space<hbm>>
        tpu.enqueue_dma source(%dma_start3A_254 : memref<128xi32, #tpu.memory_space<hbm>>) target(%arg12 : memref<128xi32, #tpu.memory_space<vmem>>) target_semaphore(%arg26 : memref<!tpu.dma_semaphore, #tpu.memory_space<semaphore_mem>>)
      } else {
      }
      %add3A_181 = arith.constant 4 : i32
      %add3A_182 = arith.addi %add3A_170, %add3A_181 : i32
      %sub3A_183 = arith.constant 1 : i32
      %sub3A_184 = arith.subi %add3A_182, %sub3A_183 : i32
      %lt3A_185 = arith.cmpi slt, %sub3A_184, %select_n3A : i32
      %convert_element_type3A_186 = arith.extui %lt3A_185 : i1 to i32
      %cond3A_187 = arith.constant 0 : i32
      %cond3A_188 = arith.cmpi ne, %convert_element_type3A_186, %cond3A_187 : i32
      scf.if %cond3A_188 {
        %add3A_233 = arith.constant 4 : i32
        %add3A_234 = arith.addi %add3A_170, %add3A_233 : i32
        %sub3A_235 = arith.constant 1 : i32
        %sub3A_236 = arith.subi %add3A_234, %sub3A_235 : i32
        %mul3A_237 = arith.constant 16 : i32
        %mul3A_238 = arith.muli %mul3A_237, %sub3A_236 : i32
        %add3A_239 = arith.addi %mul3A_238, %arg1 : i32
        %dma_wait3A_240 = arith.constant 0 : i32
        %dma_wait3A_241 = arith.constant 0 : i32
        %dma_wait3A_242 = tpu.memref_slice %arg3[%dma_wait3A_240, %add3A_239, %dma_wait3A_241] : memref<2x2500x128xi32, #tpu.memory_space<hbm>> -> memref<1x1x128xi32, #tpu.memory_space<hbm>>
        %dma_wait3A_243 = tpu.memref_squeeze %dma_wait3A_242 : memref<1x1x128xi32, #tpu.memory_space<hbm>> -> memref<128xi32, #tpu.memory_space<hbm>>
        %dma_wait3A_244 = arith.constant 0 : i32
        %dma_wait3A_245 = tpu.memref_slice %arg3[%dma_wait3A_240, %add3A_239, %dma_wait3A_244] : memref<2x2500x128xi32, #tpu.memory_space<hbm>> -> memref<1x1x128xi32, #tpu.memory_space<hbm>>
        %dma_wait3A_246 = tpu.memref_squeeze %dma_wait3A_245 : memref<1x1x128xi32, #tpu.memory_space<hbm>> -> memref<128xi32, #tpu.memory_space<hbm>>
        tpu.wait_dma2 semaphore(%arg21 : memref<!tpu.dma_semaphore, #tpu.memory_space<semaphore_mem>>) src(%dma_wait3A_246 : memref<128xi32, #tpu.memory_space<hbm>>) dst(%arg7 : memref<128xi32, #tpu.memory_space<vmem>>)
        %dma_start3A_247 = arith.constant 0 : i32
        %dma_start3A_248 = arith.constant 0 : i32
        %dma_start3A_249 = tpu.memref_slice %arg19[%dma_start3A_247, %dma_start3A_248] : memref<10000x64xf32, #tpu.memory_space<vmem_shared>> -> memref<10000x64xf32, #tpu.memory_space<vmem_shared>>
        tpu.enqueue_indirect_dma source(%dma_start3A_249 : memref<10000x64xf32, #tpu.memory_space<vmem_shared>>) target(%arg15 : memref<128x64xf32, #tpu.memory_space<vmem>>) offsets(%arg7 : memref<128xi32, #tpu.memory_space<vmem>>) semaphore(%arg29 : memref<!tpu.dma_semaphore, #tpu.memory_space<semaphore_mem>>)
      } else {
      }
      %mul3A_189 = arith.constant 4 : i32
      %mul3A_190 = arith.muli %mul3A_189, %scan3A_145 : i32
      %add3A_191 = arith.constant 2 : i32
      %add3A_192 = arith.addi %mul3A_190, %add3A_191 : i32
      %lt3A_193 = arith.cmpi slt, %add3A_192, %select_n3A : i32
      %convert_element_type3A_194 = arith.extui %lt3A_193 : i1 to i32
      %cond3A_195 = arith.constant 0 : i32
      %cond3A_196 = arith.cmpi ne, %convert_element_type3A_194, %cond3A_195 : i32
      scf.if %cond3A_196 {
        %dma_wait3A_233 = arith.constant 0 : i32
        %dma_wait3A_234 = arith.constant 0 : i32
        %dma_wait3A_235 = tpu.memref_slice %arg19[%dma_wait3A_233, %dma_wait3A_234] : memref<10000x64xf32, #tpu.memory_space<vmem_shared>> -> memref<10000x64xf32, #tpu.memory_space<vmem_shared>>
        tpu.wait_indirect_dma semaphore(%arg31 : memref<!tpu.dma_semaphore, #tpu.memory_space<semaphore_mem>>) src(%dma_wait3A_235 : memref<10000x64xf32, #tpu.memory_space<vmem_shared>>) dst(%arg17 : memref<128x64xf32, #tpu.memory_space<vmem>>)
        %mul3A_236 = arith.constant 16 : i32
        %mul3A_237 = arith.muli %mul3A_236, %add3A_192 : i32
        %add3A_238 = arith.addi %mul3A_237, %arg1 : i32
        %dma_wait3A_239 = arith.constant 1 : i32
        %dma_wait3A_240 = arith.constant 0 : i32
        %dma_wait3A_241 = tpu.memref_slice %arg3[%dma_wait3A_239, %add3A_238, %dma_wait3A_240] : memref<2x2500x128xi32, #tpu.memory_space<hbm>> -> memref<1x1x128xi32, #tpu.memory_space<hbm>>
        %dma_wait3A_242 = tpu.memref_squeeze %dma_wait3A_241 : memref<1x1x128xi32, #tpu.memory_space<hbm>> -> memref<128xi32, #tpu.memory_space<hbm>>
        %dma_wait3A_243 = arith.constant 0 : i32
        %dma_wait3A_244 = tpu.memref_slice %arg3[%dma_wait3A_239, %add3A_238, %dma_wait3A_243] : memref<2x2500x128xi32, #tpu.memory_space<hbm>> -> memref<1x1x128xi32, #tpu.memory_space<hbm>>
        %dma_wait3A_245 = tpu.memref_squeeze %dma_wait3A_244 : memref<1x1x128xi32, #tpu.memory_space<hbm>> -> memref<128xi32, #tpu.memory_space<hbm>>
        tpu.wait_dma2 semaphore(%arg27 : memref<!tpu.dma_semaphore, #tpu.memory_space<semaphore_mem>>) src(%dma_wait3A_245 : memref<128xi32, #tpu.memory_space<hbm>>) dst(%arg13 : memref<128xi32, #tpu.memory_space<vmem>>)
        "tpu.region"() ({
          %run_scoped3A = tpu.sem_alloc : memref<!tpu.dma_semaphore, #tpu.memory_space<semaphore_mem>>
          %dma_start3A_246 = arith.constant 0 : i32
          %dma_start3A_247 = arith.constant 0 : i32
          %dma_start3A_248 = tpu.memref_slice %arg20[%dma_start3A_246, %dma_start3A_247] : memref<10112x64xf32, #tpu.memory_space<vmem_shared>> -> memref<10112x64xf32, #tpu.memory_space<vmem_shared>>
          tpu.enqueue_indirect_dma source(%arg17 : memref<128x64xf32, #tpu.memory_space<vmem>>) target(%dma_start3A_248 : memref<10112x64xf32, #tpu.memory_space<vmem_shared>>) offsets(%arg13 : memref<128xi32, #tpu.memory_space<vmem>>) semaphore(%run_scoped3A : memref<!tpu.dma_semaphore, #tpu.memory_space<semaphore_mem>>) {add = true}
          %dma_wait3A_249 = arith.constant 0 : i32
          %dma_wait3A_250 = arith.constant 0 : i32
          %dma_wait3A_251 = tpu.memref_slice %arg20[%dma_wait3A_249, %dma_wait3A_250] : memref<10112x64xf32, #tpu.memory_space<vmem_shared>> -> memref<10112x64xf32, #tpu.memory_space<vmem_shared>>
          tpu.wait_indirect_dma semaphore(%run_scoped3A : memref<!tpu.dma_semaphore, #tpu.memory_space<semaphore_mem>>) src(%arg17 : memref<128x64xf32, #tpu.memory_space<vmem>>) dst(%dma_wait3A_251 : memref<10112x64xf32, #tpu.memory_space<vmem_shared>>)
          tpu.yield
        }) : () -> ()
      } else {
      }
      %add3A_197 = arith.constant 4 : i32
      %add3A_198 = arith.addi %add3A_192, %add3A_197 : i32
      %lt3A_199 = arith.cmpi slt, %add3A_198, %select_n3A : i32
      %convert_element_type3A_200 = arith.extui %lt3A_199 : i1 to i32
      %cond3A_201 = arith.constant 0 : i32
      %cond3A_202 = arith.cmpi ne, %convert_element_type3A_200, %cond3A_201 : i32
      scf.if %cond3A_202 {
        %add3A_233 = arith.constant 4 : i32
        %add3A_234 = arith.addi %add3A_192, %add3A_233 : i32
        %mul3A_235 = arith.constant 16 : i32
        %mul3A_236 = arith.muli %mul3A_235, %add3A_234 : i32
        %add3A_237 = arith.addi %mul3A_236, %arg1 : i32
        %dma_start3A_238 = arith.constant 0 : i32
        %dma_start3A_239 = arith.constant 0 : i32
        %dma_start3A_240 = tpu.memref_slice %arg3[%dma_start3A_238, %add3A_237, %dma_start3A_239] : memref<2x2500x128xi32, #tpu.memory_space<hbm>> -> memref<1x1x128xi32, #tpu.memory_space<hbm>>
        %dma_start3A_241 = tpu.memref_squeeze %dma_start3A_240 : memref<1x1x128xi32, #tpu.memory_space<hbm>> -> memref<128xi32, #tpu.memory_space<hbm>>
        %dma_start3A_242 = arith.constant 0 : i32
        %dma_start3A_243 = tpu.memref_slice %arg3[%dma_start3A_238, %add3A_237, %dma_start3A_242] : memref<2x2500x128xi32, #tpu.memory_space<hbm>> -> memref<1x1x128xi32, #tpu.memory_space<hbm>>
        %dma_start3A_244 = tpu.memref_squeeze %dma_start3A_243 : memref<1x1x128xi32, #tpu.memory_space<hbm>> -> memref<128xi32, #tpu.memory_space<hbm>>
        tpu.enqueue_dma source(%dma_start3A_244 : memref<128xi32, #tpu.memory_space<hbm>>) target(%arg9 : memref<128xi32, #tpu.memory_space<vmem>>) target_semaphore(%arg23 : memref<!tpu.dma_semaphore, #tpu.memory_space<semaphore_mem>>)
        %mul3A_245 = arith.constant 16 : i32
        %mul3A_246 = arith.muli %mul3A_245, %add3A_234 : i32
        %add3A_247 = arith.addi %mul3A_246, %arg1 : i32
        %dma_start3A_248 = arith.constant 1 : i32
        %dma_start3A_249 = arith.constant 0 : i32
        %dma_start3A_250 = tpu.memref_slice %arg3[%dma_start3A_248, %add3A_247, %dma_start3A_249] : memref<2x2500x128xi32, #tpu.memory_space<hbm>> -> memref<1x1x128xi32, #tpu.memory_space<hbm>>
        %dma_start3A_251 = tpu.memref_squeeze %dma_start3A_250 : memref<1x1x128xi32, #tpu.memory_space<hbm>> -> memref<128xi32, #tpu.memory_space<hbm>>
        %dma_start3A_252 = arith.constant 0 : i32
        %dma_start3A_253 = tpu.memref_slice %arg3[%dma_start3A_248, %add3A_247, %dma_start3A_252] : memref<2x2500x128xi32, #tpu.memory_space<hbm>> -> memref<1x1x128xi32, #tpu.memory_space<hbm>>
        %dma_start3A_254 = tpu.memref_squeeze %dma_start3A_253 : memref<1x1x128xi32, #tpu.memory_space<hbm>> -> memref<128xi32, #tpu.memory_space<hbm>>
        tpu.enqueue_dma source(%dma_start3A_254 : memref<128xi32, #tpu.memory_space<hbm>>) target(%arg13 : memref<128xi32, #tpu.memory_space<vmem>>) target_semaphore(%arg27 : memref<!tpu.dma_semaphore, #tpu.memory_space<semaphore_mem>>)
      } else {
      }
      %add3A_203 = arith.constant 4 : i32
      %add3A_204 = arith.addi %add3A_192, %add3A_203 : i32
      %sub3A_205 = arith.constant 1 : i32
      %sub3A_206 = arith.subi %add3A_204, %sub3A_205 : i32
      %lt3A_207 = arith.cmpi slt, %sub3A_206, %select_n3A : i32
      %convert_element_type3A_208 = arith.extui %lt3A_207 : i1 to i32
      %cond3A_209 = arith.constant 0 : i32
      %cond3A_210 = arith.cmpi ne, %convert_element_type3A_208, %cond3A_209 : i32
      scf.if %cond3A_210 {
        %add3A_233 = arith.constant 4 : i32
        %add3A_234 = arith.addi %add3A_192, %add3A_233 : i32
        %sub3A_235 = arith.constant 1 : i32
        %sub3A_236 = arith.subi %add3A_234, %sub3A_235 : i32
        %mul3A_237 = arith.constant 16 : i32
        %mul3A_238 = arith.muli %mul3A_237, %sub3A_236 : i32
        %add3A_239 = arith.addi %mul3A_238, %arg1 : i32
        %dma_wait3A_240 = arith.constant 0 : i32
        %dma_wait3A_241 = arith.constant 0 : i32
        %dma_wait3A_242 = tpu.memref_slice %arg3[%dma_wait3A_240, %add3A_239, %dma_wait3A_241] : memref<2x2500x128xi32, #tpu.memory_space<hbm>> -> memref<1x1x128xi32, #tpu.memory_space<hbm>>
        %dma_wait3A_243 = tpu.memref_squeeze %dma_wait3A_242 : memref<1x1x128xi32, #tpu.memory_space<hbm>> -> memref<128xi32, #tpu.memory_space<hbm>>
        %dma_wait3A_244 = arith.constant 0 : i32
        %dma_wait3A_245 = tpu.memref_slice %arg3[%dma_wait3A_240, %add3A_239, %dma_wait3A_244] : memref<2x2500x128xi32, #tpu.memory_space<hbm>> -> memref<1x1x128xi32, #tpu.memory_space<hbm>>
        %dma_wait3A_246 = tpu.memref_squeeze %dma_wait3A_245 : memref<1x1x128xi32, #tpu.memory_space<hbm>> -> memref<128xi32, #tpu.memory_space<hbm>>
        tpu.wait_dma2 semaphore(%arg22 : memref<!tpu.dma_semaphore, #tpu.memory_space<semaphore_mem>>) src(%dma_wait3A_246 : memref<128xi32, #tpu.memory_space<hbm>>) dst(%arg8 : memref<128xi32, #tpu.memory_space<vmem>>)
        %dma_start3A_247 = arith.constant 0 : i32
        %dma_start3A_248 = arith.constant 0 : i32
        %dma_start3A_249 = tpu.memref_slice %arg19[%dma_start3A_247, %dma_start3A_248] : memref<10000x64xf32, #tpu.memory_space<vmem_shared>> -> memref<10000x64xf32, #tpu.memory_space<vmem_shared>>
        tpu.enqueue_indirect_dma source(%dma_start3A_249 : memref<10000x64xf32, #tpu.memory_space<vmem_shared>>) target(%arg16 : memref<128x64xf32, #tpu.memory_space<vmem>>) offsets(%arg8 : memref<128xi32, #tpu.memory_space<vmem>>) semaphore(%arg30 : memref<!tpu.dma_semaphore, #tpu.memory_space<semaphore_mem>>)
      } else {
      }
      %mul3A_211 = arith.constant 4 : i32
      %mul3A_212 = arith.muli %mul3A_211, %scan3A_145 : i32
      %add3A_213 = arith.constant 3 : i32
      %add3A_214 = arith.addi %mul3A_212, %add3A_213 : i32
      %lt3A_215 = arith.cmpi slt, %add3A_214, %select_n3A : i32
      %convert_element_type3A_216 = arith.extui %lt3A_215 : i1 to i32
      %cond3A_217 = arith.constant 0 : i32
      %cond3A_218 = arith.cmpi ne, %convert_element_type3A_216, %cond3A_217 : i32
      scf.if %cond3A_218 {
        %dma_wait3A_233 = arith.constant 0 : i32
        %dma_wait3A_234 = arith.constant 0 : i32
        %dma_wait3A_235 = tpu.memref_slice %arg19[%dma_wait3A_233, %dma_wait3A_234] : memref<10000x64xf32, #tpu.memory_space<vmem_shared>> -> memref<10000x64xf32, #tpu.memory_space<vmem_shared>>
        tpu.wait_indirect_dma semaphore(%arg32 : memref<!tpu.dma_semaphore, #tpu.memory_space<semaphore_mem>>) src(%dma_wait3A_235 : memref<10000x64xf32, #tpu.memory_space<vmem_shared>>) dst(%arg18 : memref<128x64xf32, #tpu.memory_space<vmem>>)
        %mul3A_236 = arith.constant 16 : i32
        %mul3A_237 = arith.muli %mul3A_236, %add3A_214 : i32
        %add3A_238 = arith.addi %mul3A_237, %arg1 : i32
        %dma_wait3A_239 = arith.constant 1 : i32
        %dma_wait3A_240 = arith.constant 0 : i32
        %dma_wait3A_241 = tpu.memref_slice %arg3[%dma_wait3A_239, %add3A_238, %dma_wait3A_240] : memref<2x2500x128xi32, #tpu.memory_space<hbm>> -> memref<1x1x128xi32, #tpu.memory_space<hbm>>
        %dma_wait3A_242 = tpu.memref_squeeze %dma_wait3A_241 : memref<1x1x128xi32, #tpu.memory_space<hbm>> -> memref<128xi32, #tpu.memory_space<hbm>>
        %dma_wait3A_243 = arith.constant 0 : i32
        %dma_wait3A_244 = tpu.memref_slice %arg3[%dma_wait3A_239, %add3A_238, %dma_wait3A_243] : memref<2x2500x128xi32, #tpu.memory_space<hbm>> -> memref<1x1x128xi32, #tpu.memory_space<hbm>>
        %dma_wait3A_245 = tpu.memref_squeeze %dma_wait3A_244 : memref<1x1x128xi32, #tpu.memory_space<hbm>> -> memref<128xi32, #tpu.memory_space<hbm>>
        tpu.wait_dma2 semaphore(%arg28 : memref<!tpu.dma_semaphore, #tpu.memory_space<semaphore_mem>>) src(%dma_wait3A_245 : memref<128xi32, #tpu.memory_space<hbm>>) dst(%arg14 : memref<128xi32, #tpu.memory_space<vmem>>)
        "tpu.region"() ({
          %run_scoped3A = tpu.sem_alloc : memref<!tpu.dma_semaphore, #tpu.memory_space<semaphore_mem>>
          %dma_start3A_246 = arith.constant 0 : i32
          %dma_start3A_247 = arith.constant 0 : i32
          %dma_start3A_248 = tpu.memref_slice %arg20[%dma_start3A_246, %dma_start3A_247] : memref<10112x64xf32, #tpu.memory_space<vmem_shared>> -> memref<10112x64xf32, #tpu.memory_space<vmem_shared>>
          tpu.enqueue_indirect_dma source(%arg18 : memref<128x64xf32, #tpu.memory_space<vmem>>) target(%dma_start3A_248 : memref<10112x64xf32, #tpu.memory_space<vmem_shared>>) offsets(%arg14 : memref<128xi32, #tpu.memory_space<vmem>>) semaphore(%run_scoped3A : memref<!tpu.dma_semaphore, #tpu.memory_space<semaphore_mem>>) {add = true}
          %dma_wait3A_249 = arith.constant 0 : i32
          %dma_wait3A_250 = arith.constant 0 : i32
          %dma_wait3A_251 = tpu.memref_slice %arg20[%dma_wait3A_249, %dma_wait3A_250] : memref<10112x64xf32, #tpu.memory_space<vmem_shared>> -> memref<10112x64xf32, #tpu.memory_space<vmem_shared>>
          tpu.wait_indirect_dma semaphore(%run_scoped3A : memref<!tpu.dma_semaphore, #tpu.memory_space<semaphore_mem>>) src(%arg18 : memref<128x64xf32, #tpu.memory_space<vmem>>) dst(%dma_wait3A_251 : memref<10112x64xf32, #tpu.memory_space<vmem_shared>>)
          tpu.yield
        }) : () -> ()
      } else {
      }
      %add3A_219 = arith.constant 4 : i32
      %add3A_220 = arith.addi %add3A_214, %add3A_219 : i32
      %lt3A_221 = arith.cmpi slt, %add3A_220, %select_n3A : i32
      %convert_element_type3A_222 = arith.extui %lt3A_221 : i1 to i32
      %cond3A_223 = arith.constant 0 : i32
      %cond3A_224 = arith.cmpi ne, %convert_element_type3A_222, %cond3A_223 : i32
      scf.if %cond3A_224 {
        %add3A_233 = arith.constant 4 : i32
        %add3A_234 = arith.addi %add3A_214, %add3A_233 : i32
        %mul3A_235 = arith.constant 16 : i32
        %mul3A_236 = arith.muli %mul3A_235, %add3A_234 : i32
        %add3A_237 = arith.addi %mul3A_236, %arg1 : i32
        %dma_start3A_238 = arith.constant 0 : i32
        %dma_start3A_239 = arith.constant 0 : i32
        %dma_start3A_240 = tpu.memref_slice %arg3[%dma_start3A_238, %add3A_237, %dma_start3A_239] : memref<2x2500x128xi32, #tpu.memory_space<hbm>> -> memref<1x1x128xi32, #tpu.memory_space<hbm>>
        %dma_start3A_241 = tpu.memref_squeeze %dma_start3A_240 : memref<1x1x128xi32, #tpu.memory_space<hbm>> -> memref<128xi32, #tpu.memory_space<hbm>>
        %dma_start3A_242 = arith.constant 0 : i32
        %dma_start3A_243 = tpu.memref_slice %arg3[%dma_start3A_238, %add3A_237, %dma_start3A_242] : memref<2x2500x128xi32, #tpu.memory_space<hbm>> -> memref<1x1x128xi32, #tpu.memory_space<hbm>>
        %dma_start3A_244 = tpu.memref_squeeze %dma_start3A_243 : memref<1x1x128xi32, #tpu.memory_space<hbm>> -> memref<128xi32, #tpu.memory_space<hbm>>
        tpu.enqueue_dma source(%dma_start3A_244 : memref<128xi32, #tpu.memory_space<hbm>>) target(%arg10 : memref<128xi32, #tpu.memory_space<vmem>>) target_semaphore(%arg24 : memref<!tpu.dma_semaphore, #tpu.memory_space<semaphore_mem>>)
        %mul3A_245 = arith.constant 16 : i32
        %mul3A_246 = arith.muli %mul3A_245, %add3A_234 : i32
        %add3A_247 = arith.addi %mul3A_246, %arg1 : i32
        %dma_start3A_248 = arith.constant 1 : i32
        %dma_start3A_249 = arith.constant 0 : i32
        %dma_start3A_250 = tpu.memref_slice %arg3[%dma_start3A_248, %add3A_247, %dma_start3A_249] : memref<2x2500x128xi32, #tpu.memory_space<hbm>> -> memref<1x1x128xi32, #tpu.memory_space<hbm>>
        %dma_start3A_251 = tpu.memref_squeeze %dma_start3A_250 : memref<1x1x128xi32, #tpu.memory_space<hbm>> -> memref<128xi32, #tpu.memory_space<hbm>>
        %dma_start3A_252 = arith.constant 0 : i32
        %dma_start3A_253 = tpu.memref_slice %arg3[%dma_start3A_248, %add3A_247, %dma_start3A_252] : memref<2x2500x128xi32, #tpu.memory_space<hbm>> -> memref<1x1x128xi32, #tpu.memory_space<hbm>>
        %dma_start3A_254 = tpu.memref_squeeze %dma_start3A_253 : memref<1x1x128xi32, #tpu.memory_space<hbm>> -> memref<128xi32, #tpu.memory_space<hbm>>
        tpu.enqueue_dma source(%dma_start3A_254 : memref<128xi32, #tpu.memory_space<hbm>>) target(%arg14 : memref<128xi32, #tpu.memory_space<vmem>>) target_semaphore(%arg28 : memref<!tpu.dma_semaphore, #tpu.memory_space<semaphore_mem>>)
      } else {
      }
      %add3A_225 = arith.constant 4 : i32
      %add3A_226 = arith.addi %add3A_214, %add3A_225 : i32
      %sub3A_227 = arith.constant 1 : i32
      %sub3A_228 = arith.subi %add3A_226, %sub3A_227 : i32
      %lt3A_229 = arith.cmpi slt, %sub3A_228, %select_n3A : i32
      %convert_element_type3A_230 = arith.extui %lt3A_229 : i1 to i32
      %cond3A_231 = arith.constant 0 : i32
      %cond3A_232 = arith.cmpi ne, %convert_element_type3A_230, %cond3A_231 : i32
      scf.if %cond3A_232 {
        %add3A_233 = arith.constant 4 : i32
        %add3A_234 = arith.addi %add3A_214, %add3A_233 : i32
        %sub3A_235 = arith.constant 1 : i32
        %sub3A_236 = arith.subi %add3A_234, %sub3A_235 : i32
        %mul3A_237 = arith.constant 16 : i32
        %mul3A_238 = arith.muli %mul3A_237, %sub3A_236 : i32
        %add3A_239 = arith.addi %mul3A_238, %arg1 : i32
        %dma_wait3A_240 = arith.constant 0 : i32
        %dma_wait3A_241 = arith.constant 0 : i32
        %dma_wait3A_242 = tpu.memref_slice %arg3[%dma_wait3A_240, %add3A_239, %dma_wait3A_241] : memref<2x2500x128xi32, #tpu.memory_space<hbm>> -> memref<1x1x128xi32, #tpu.memory_space<hbm>>
        %dma_wait3A_243 = tpu.memref_squeeze %dma_wait3A_242 : memref<1x1x128xi32, #tpu.memory_space<hbm>> -> memref<128xi32, #tpu.memory_space<hbm>>
        %dma_wait3A_244 = arith.constant 0 : i32
        %dma_wait3A_245 = tpu.memref_slice %arg3[%dma_wait3A_240, %add3A_239, %dma_wait3A_244] : memref<2x2500x128xi32, #tpu.memory_space<hbm>> -> memref<1x1x128xi32, #tpu.memory_space<hbm>>
        %dma_wait3A_246 = tpu.memref_squeeze %dma_wait3A_245 : memref<1x1x128xi32, #tpu.memory_space<hbm>> -> memref<128xi32, #tpu.memory_space<hbm>>
        tpu.wait_dma2 semaphore(%arg23 : memref<!tpu.dma_semaphore, #tpu.memory_space<semaphore_mem>>) src(%dma_wait3A_246 : memref<128xi32, #tpu.memory_space<hbm>>) dst(%arg9 : memref<128xi32, #tpu.memory_space<vmem>>)
        %dma_start3A_247 = arith.constant 0 : i32
        %dma_start3A_248 = arith.constant 0 : i32
        %dma_start3A_249 = tpu.memref_slice %arg19[%dma_start3A_247, %dma_start3A_248] : memref<10000x64xf32, #tpu.memory_space<vmem_shared>> -> memref<10000x64xf32, #tpu.memory_space<vmem_shared>>
        tpu.enqueue_indirect_dma source(%dma_start3A_249 : memref<10000x64xf32, #tpu.memory_space<vmem_shared>>) target(%arg17 : memref<128x64xf32, #tpu.memory_space<vmem>>) offsets(%arg9 : memref<128xi32, #tpu.memory_space<vmem>>) semaphore(%arg31 : memref<!tpu.dma_semaphore, #tpu.memory_space<semaphore_mem>>)
      } else {
      }
    }
    %scan3A_119 = arith.constant 39 : i32
    %gt3A = arith.constant 156 : i32
    %gt3A_120 = arith.cmpi sgt, %select_n3A, %gt3A : i32
    %convert_element_type3A_121 = arith.extui %gt3A_120 : i1 to i32
    %cond3A_122 = arith.constant 0 : i32
    %cond3A_123 = arith.cmpi ne, %convert_element_type3A_121, %cond3A_122 : i32
    scf.if %cond3A_123 {
      %dma_wait3A_145 = arith.constant 0 : i32
      %dma_wait3A_146 = arith.constant 0 : i32
      %dma_wait3A_147 = tpu.memref_slice %arg19[%dma_wait3A_145, %dma_wait3A_146] : memref<10000x64xf32, #tpu.memory_space<vmem_shared>> -> memref<10000x64xf32, #tpu.memory_space<vmem_shared>>
      tpu.wait_indirect_dma semaphore(%arg29 : memref<!tpu.dma_semaphore, #tpu.memory_space<semaphore_mem>>) src(%dma_wait3A_147 : memref<10000x64xf32, #tpu.memory_space<vmem_shared>>) dst(%arg15 : memref<128x64xf32, #tpu.memory_space<vmem>>)
      %add3A_148 = arith.constant 2496 : i32
      %add3A_149 = arith.addi %add3A_148, %arg1 : i32
      %dma_wait3A_150 = arith.constant 1 : i32
      %dma_wait3A_151 = arith.constant 0 : i32
      %dma_wait3A_152 = tpu.memref_slice %arg3[%dma_wait3A_150, %add3A_149, %dma_wait3A_151] : memref<2x2500x128xi32, #tpu.memory_space<hbm>> -> memref<1x1x128xi32, #tpu.memory_space<hbm>>
      %dma_wait3A_153 = tpu.memref_squeeze %dma_wait3A_152 : memref<1x1x128xi32, #tpu.memory_space<hbm>> -> memref<128xi32, #tpu.memory_space<hbm>>
      %dma_wait3A_154 = arith.constant 0 : i32
      %dma_wait3A_155 = tpu.memref_slice %arg3[%dma_wait3A_150, %add3A_149, %dma_wait3A_154] : memref<2x2500x128xi32, #tpu.memory_space<hbm>> -> memref<1x1x128xi32, #tpu.memory_space<hbm>>
      %dma_wait3A_156 = tpu.memref_squeeze %dma_wait3A_155 : memref<1x1x128xi32, #tpu.memory_space<hbm>> -> memref<128xi32, #tpu.memory_space<hbm>>
      tpu.wait_dma2 semaphore(%arg25 : memref<!tpu.dma_semaphore, #tpu.memory_space<semaphore_mem>>) src(%dma_wait3A_156 : memref<128xi32, #tpu.memory_space<hbm>>) dst(%arg11 : memref<128xi32, #tpu.memory_space<vmem>>)
      "tpu.region"() ({
        %run_scoped3A = tpu.sem_alloc : memref<!tpu.dma_semaphore, #tpu.memory_space<semaphore_mem>>
        %dma_start3A_157 = arith.constant 0 : i32
        %dma_start3A_158 = arith.constant 0 : i32
        %dma_start3A_159 = tpu.memref_slice %arg20[%dma_start3A_157, %dma_start3A_158] : memref<10112x64xf32, #tpu.memory_space<vmem_shared>> -> memref<10112x64xf32, #tpu.memory_space<vmem_shared>>
        tpu.enqueue_indirect_dma source(%arg15 : memref<128x64xf32, #tpu.memory_space<vmem>>) target(%dma_start3A_159 : memref<10112x64xf32, #tpu.memory_space<vmem_shared>>) offsets(%arg11 : memref<128xi32, #tpu.memory_space<vmem>>) semaphore(%run_scoped3A : memref<!tpu.dma_semaphore, #tpu.memory_space<semaphore_mem>>) {add = true}
        %dma_wait3A_160 = arith.constant 0 : i32
        %dma_wait3A_161 = arith.constant 0 : i32
        %dma_wait3A_162 = tpu.memref_slice %arg20[%dma_wait3A_160, %dma_wait3A_161] : memref<10112x64xf32, #tpu.memory_space<vmem_shared>> -> memref<10112x64xf32, #tpu.memory_space<vmem_shared>>
        tpu.wait_indirect_dma semaphore(%run_scoped3A : memref<!tpu.dma_semaphore, #tpu.memory_space<semaphore_mem>>) src(%arg15 : memref<128x64xf32, #tpu.memory_space<vmem>>) dst(%dma_wait3A_162 : memref<10112x64xf32, #tpu.memory_space<vmem_shared>>)
        tpu.yield
      }) : () -> ()
    } else {
    }
    %gt3A_124 = arith.constant 160 : i32
    %gt3A_125 = arith.cmpi sgt, %select_n3A, %gt3A_124 : i32
    %convert_element_type3A_126 = arith.extui %gt3A_125 : i1 to i32
    %cond3A_127 = arith.constant 0 : i32
    %cond3A_128 = arith.cmpi ne, %convert_element_type3A_126, %cond3A_127 : i32
    scf.if %cond3A_128 {
      %add3A_145 = arith.constant 2560 : i32
      %add3A_146 = arith.addi %add3A_145, %arg1 : i32
      %dma_start3A_147 = arith.constant 0 : i32
      %dma_start3A_148 = arith.constant 0 : i32
      %dma_start3A_149 = tpu.memref_slice %arg3[%dma_start3A_147, %add3A_146, %dma_start3A_148] : memref<2x2500x128xi32, #tpu.memory_space<hbm>> -> memref<1x1x128xi32, #tpu.memory_space<hbm>>
      %dma_start3A_150 = tpu.memref_squeeze %dma_start3A_149 : memref<1x1x128xi32, #tpu.memory_space<hbm>> -> memref<128xi32, #tpu.memory_space<hbm>>
      %dma_start3A_151 = arith.constant 0 : i32
      %dma_start3A_152 = tpu.memref_slice %arg3[%dma_start3A_147, %add3A_146, %dma_start3A_151] : memref<2x2500x128xi32, #tpu.memory_space<hbm>> -> memref<1x1x128xi32, #tpu.memory_space<hbm>>
      %dma_start3A_153 = tpu.memref_squeeze %dma_start3A_152 : memref<1x1x128xi32, #tpu.memory_space<hbm>> -> memref<128xi32, #tpu.memory_space<hbm>>
      tpu.enqueue_dma source(%dma_start3A_153 : memref<128xi32, #tpu.memory_space<hbm>>) target(%arg7 : memref<128xi32, #tpu.memory_space<vmem>>) target_semaphore(%arg21 : memref<!tpu.dma_semaphore, #tpu.memory_space<semaphore_mem>>)
      %add3A_154 = arith.constant 2560 : i32
      %add3A_155 = arith.addi %add3A_154, %arg1 : i32
      %dma_start3A_156 = arith.constant 1 : i32
      %dma_start3A_157 = arith.constant 0 : i32
      %dma_start3A_158 = tpu.memref_slice %arg3[%dma_start3A_156, %add3A_155, %dma_start3A_157] : memref<2x2500x128xi32, #tpu.memory_space<hbm>> -> memref<1x1x128xi32, #tpu.memory_space<hbm>>
      %dma_start3A_159 = tpu.memref_squeeze %dma_start3A_158 : memref<1x1x128xi32, #tpu.memory_space<hbm>> -> memref<128xi32, #tpu.memory_space<hbm>>
      %dma_start3A_160 = arith.constant 0 : i32
      %dma_start3A_161 = tpu.memref_slice %arg3[%dma_start3A_156, %add3A_155, %dma_start3A_160] : memref<2x2500x128xi32, #tpu.memory_space<hbm>> -> memref<1x1x128xi32, #tpu.memory_space<hbm>>
      %dma_start3A_162 = tpu.memref_squeeze %dma_start3A_161 : memref<1x1x128xi32, #tpu.memory_space<hbm>> -> memref<128xi32, #tpu.memory_space<hbm>>
      tpu.enqueue_dma source(%dma_start3A_162 : memref<128xi32, #tpu.memory_space<hbm>>) target(%arg11 : memref<128xi32, #tpu.memory_space<vmem>>) target_semaphore(%arg25 : memref<!tpu.dma_semaphore, #tpu.memory_space<semaphore_mem>>)
    } else {
    }
    %gt3A_129 = arith.constant 159 : i32
    %gt3A_130 = arith.cmpi sgt, %select_n3A, %gt3A_129 : i32
    %convert_element_type3A_131 = arith.extui %gt3A_130 : i1 to i32
    %cond3A_132 = arith.constant 0 : i32
    %cond3A_133 = arith.cmpi ne, %convert_element_type3A_131, %cond3A_132 : i32
    scf.if %cond3A_133 {
      %add3A_145 = arith.constant 2544 : i32
      %add3A_146 = arith.addi %add3A_145, %arg1 : i32
      %dma_wait3A_147 = arith.constant 0 : i32
      %dma_wait3A_148 = arith.constant 0 : i32
      %dma_wait3A_149 = tpu.memref_slice %arg3[%dma_wait3A_147, %add3A_146, %dma_wait3A_148] : memref<2x2500x128xi32, #tpu.memory_space<hbm>> -> memref<1x1x128xi32, #tpu.memory_space<hbm>>
      %dma_wait3A_150 = tpu.memref_squeeze %dma_wait3A_149 : memref<1x1x128xi32, #tpu.memory_space<hbm>> -> memref<128xi32, #tpu.memory_space<hbm>>
      %dma_wait3A_151 = arith.constant 0 : i32
      %dma_wait3A_152 = tpu.memref_slice %arg3[%dma_wait3A_147, %add3A_146, %dma_wait3A_151] : memref<2x2500x128xi32, #tpu.memory_space<hbm>> -> memref<1x1x128xi32, #tpu.memory_space<hbm>>
      %dma_wait3A_153 = tpu.memref_squeeze %dma_wait3A_152 : memref<1x1x128xi32, #tpu.memory_space<hbm>> -> memref<128xi32, #tpu.memory_space<hbm>>
      tpu.wait_dma2 semaphore(%arg24 : memref<!tpu.dma_semaphore, #tpu.memory_space<semaphore_mem>>) src(%dma_wait3A_153 : memref<128xi32, #tpu.memory_space<hbm>>) dst(%arg10 : memref<128xi32, #tpu.memory_space<vmem>>)
      %dma_start3A_154 = arith.constant 0 : i32
      %dma_start3A_155 = arith.constant 0 : i32
      %dma_start3A_156 = tpu.memref_slice %arg19[%dma_start3A_154, %dma_start3A_155] : memref<10000x64xf32, #tpu.memory_space<vmem_shared>> -> memref<10000x64xf32, #tpu.memory_space<vmem_shared>>
      tpu.enqueue_indirect_dma source(%dma_start3A_156 : memref<10000x64xf32, #tpu.memory_space<vmem_shared>>) target(%arg18 : memref<128x64xf32, #tpu.memory_space<vmem>>) offsets(%arg10 : memref<128xi32, #tpu.memory_space<vmem>>) semaphore(%arg32 : memref<!tpu.dma_semaphore, #tpu.memory_space<semaphore_mem>>)
    } else {
    }
    %barrier3A_134 = arith.constant 0 : index
    tpu.barrier barrier_id(%barrier3A_134)
    %eq3A_135 = arith.constant 0 : i32
    %eq3A_136 = arith.cmpi eq, %arg0, %eq3A_135 : i32
    %convert_element_type3A_137 = arith.extui %eq3A_136 : i1 to i32
    %cond3A_138 = arith.constant 0 : i32
    %cond3A_139 = arith.cmpi ne, %convert_element_type3A_137, %cond3A_138 : i32
    scf.if %cond3A_139 {
      %lt3A_145 = arith.constant 15 : i32
      %lt3A_146 = arith.cmpi slt, %arg1, %lt3A_145 : i32
      %convert_element_type3A_147 = arith.extui %lt3A_146 : i1 to i32
      %cond3A_148 = arith.constant 0 : i32
      %cond3A_149 = arith.cmpi ne, %convert_element_type3A_147, %cond3A_148 : i32
      scf.if %cond3A_149 {
        %mul3A_155 = arith.constant 632 : i32
        %mul3A_156 = arith.muli %arg1, %mul3A_155 : i32
        "tpu.region"() ({
          %run_scoped3A = tpu.sem_alloc : memref<!tpu.dma_semaphore, #tpu.memory_space<semaphore_mem>>
          %dma_start3A_157 = arith.constant 0 : i32
          %dma_start3A_158 = tpu.memref_slice %arg6[%mul3A_156, %dma_start3A_157] : memref<10000x128xf32, #tpu.memory_space<hbm>> -> memref<632x64xf32, #tpu.memory_space<hbm>>
          %dma_start3A_159 = arith.constant 0 : i32
          %dma_start3A_160 = tpu.memref_slice %arg20[%mul3A_156, %dma_start3A_159] : memref<10112x64xf32, #tpu.memory_space<vmem_shared>> -> memref<632x64xf32, #tpu.memory_space<vmem_shared>>
          tpu.enqueue_dma source(%dma_start3A_160 : memref<632x64xf32, #tpu.memory_space<vmem_shared>>) target(%dma_start3A_158 : memref<632x64xf32, #tpu.memory_space<hbm>>) target_semaphore(%run_scoped3A : memref<!tpu.dma_semaphore, #tpu.memory_space<semaphore_mem>>)
          %dma_wait3A_161 = arith.constant 0 : i32
          %dma_wait3A_162 = tpu.memref_slice %arg6[%mul3A_156, %dma_wait3A_161] : memref<10000x128xf32, #tpu.memory_space<hbm>> -> memref<632x64xf32, #tpu.memory_space<hbm>>
          %dma_wait3A_163 = arith.constant 0 : i32
          %dma_wait3A_164 = tpu.memref_slice %arg20[%mul3A_156, %dma_wait3A_163] : memref<10112x64xf32, #tpu.memory_space<vmem_shared>> -> memref<632x64xf32, #tpu.memory_space<vmem_shared>>
          tpu.wait_dma2 semaphore(%run_scoped3A : memref<!tpu.dma_semaphore, #tpu.memory_space<semaphore_mem>>) src(%dma_wait3A_164 : memref<632x64xf32, #tpu.memory_space<vmem_shared>>) dst(%dma_wait3A_162 : memref<632x64xf32, #tpu.memory_space<hbm>>)
          tpu.yield
        }) : () -> ()
      } else {
      }
      %eq3A_150 = arith.constant 15 : i32
      %eq3A_151 = arith.cmpi eq, %arg1, %eq3A_150 : i32
      %convert_element_type3A_152 = arith.extui %eq3A_151 : i1 to i32
      %cond3A_153 = arith.constant 0 : i32
      %cond3A_154 = arith.cmpi ne, %convert_element_type3A_152, %cond3A_153 : i32
      scf.if %cond3A_154 {
        "tpu.region"() ({
          %run_scoped3A = tpu.sem_alloc : memref<!tpu.dma_semaphore, #tpu.memory_space<semaphore_mem>>
          %dma_start3A_155 = arith.constant 9480 : i32
          %dma_start3A_156 = arith.constant 0 : i32
          %dma_start3A_157 = tpu.memref_slice %arg6[%dma_start3A_155, %dma_start3A_156] : memref<10000x128xf32, #tpu.memory_space<hbm>> -> memref<520x64xf32, #tpu.memory_space<hbm>>
          %dma_start3A_158 = arith.constant 9480 : i32
          %dma_start3A_159 = arith.constant 0 : i32
          %dma_start3A_160 = tpu.memref_slice %arg20[%dma_start3A_158, %dma_start3A_159] : memref<10112x64xf32, #tpu.memory_space<vmem_shared>> -> memref<520x64xf32, #tpu.memory_space<vmem_shared>>
          tpu.enqueue_dma source(%dma_start3A_160 : memref<520x64xf32, #tpu.memory_space<vmem_shared>>) target(%dma_start3A_157 : memref<520x64xf32, #tpu.memory_space<hbm>>) target_semaphore(%run_scoped3A : memref<!tpu.dma_semaphore, #tpu.memory_space<semaphore_mem>>)
          %dma_wait3A_161 = arith.constant 9480 : i32
          %dma_wait3A_162 = arith.constant 0 : i32
          %dma_wait3A_163 = tpu.memref_slice %arg6[%dma_wait3A_161, %dma_wait3A_162] : memref<10000x128xf32, #tpu.memory_space<hbm>> -> memref<520x64xf32, #tpu.memory_space<hbm>>
          %dma_wait3A_164 = arith.constant 9480 : i32
          %dma_wait3A_165 = arith.constant 0 : i32
          %dma_wait3A_166 = tpu.memref_slice %arg20[%dma_wait3A_164, %dma_wait3A_165] : memref<10112x64xf32, #tpu.memory_space<vmem_shared>> -> memref<520x64xf32, #tpu.memory_space<vmem_shared>>
          tpu.wait_dma2 semaphore(%run_scoped3A : memref<!tpu.dma_semaphore, #tpu.memory_space<semaphore_mem>>) src(%dma_wait3A_166 : memref<520x64xf32, #tpu.memory_space<vmem_shared>>) dst(%dma_wait3A_163 : memref<520x64xf32, #tpu.memory_space<hbm>>)
          tpu.yield
        }) : () -> ()
      } else {
      }
    } else {
    }
    %eq3A_140 = arith.constant 1 : i32
    %eq3A_141 = arith.cmpi eq, %arg0, %eq3A_140 : i32
    %convert_element_type3A_142 = arith.extui %eq3A_141 : i1 to i32
    %cond3A_143 = arith.constant 0 : i32
    %cond3A_144 = arith.cmpi ne, %convert_element_type3A_142, %cond3A_143 : i32
    scf.if %cond3A_144 {
      %lt3A_145 = arith.constant 15 : i32
      %lt3A_146 = arith.cmpi slt, %arg1, %lt3A_145 : i32
      %convert_element_type3A_147 = arith.extui %lt3A_146 : i1 to i32
      %cond3A_148 = arith.constant 0 : i32
      %cond3A_149 = arith.cmpi ne, %convert_element_type3A_147, %cond3A_148 : i32
      scf.if %cond3A_149 {
        %mul3A_155 = arith.constant 632 : i32
        %mul3A_156 = arith.muli %arg1, %mul3A_155 : i32
        "tpu.region"() ({
          %run_scoped3A = tpu.sem_alloc : memref<!tpu.dma_semaphore, #tpu.memory_space<semaphore_mem>>
          %dma_start3A_157 = arith.constant 64 : i32
          %dma_start3A_158 = tpu.memref_slice %arg6[%mul3A_156, %dma_start3A_157] : memref<10000x128xf32, #tpu.memory_space<hbm>> -> memref<632x64xf32, #tpu.memory_space<hbm>>
          %dma_start3A_159 = arith.constant 0 : i32
          %dma_start3A_160 = tpu.memref_slice %arg20[%mul3A_156, %dma_start3A_159] : memref<10112x64xf32, #tpu.memory_space<vmem_shared>> -> memref<632x64xf32, #tpu.memory_space<vmem_shared>>
          tpu.enqueue_dma source(%dma_start3A_160 : memref<632x64xf32, #tpu.memory_space<vmem_shared>>) target(%dma_start3A_158 : memref<632x64xf32, #tpu.memory_space<hbm>>) target_semaphore(%run_scoped3A : memref<!tpu.dma_semaphore, #tpu.memory_space<semaphore_mem>>)
          %dma_wait3A_161 = arith.constant 64 : i32
          %dma_wait3A_162 = tpu.memref_slice %arg6[%mul3A_156, %dma_wait3A_161] : memref<10000x128xf32, #tpu.memory_space<hbm>> -> memref<632x64xf32, #tpu.memory_space<hbm>>
          %dma_wait3A_163 = arith.constant 0 : i32
          %dma_wait3A_164 = tpu.memref_slice %arg20[%mul3A_156, %dma_wait3A_163] : memref<10112x64xf32, #tpu.memory_space<vmem_shared>> -> memref<632x64xf32, #tpu.memory_space<vmem_shared>>
          tpu.wait_dma2 semaphore(%run_scoped3A : memref<!tpu.dma_semaphore, #tpu.memory_space<semaphore_mem>>) src(%dma_wait3A_164 : memref<632x64xf32, #tpu.memory_space<vmem_shared>>) dst(%dma_wait3A_162 : memref<632x64xf32, #tpu.memory_space<hbm>>)
          tpu.yield
        }) : () -> ()
      } else {
      }
      %eq3A_150 = arith.constant 15 : i32
      %eq3A_151 = arith.cmpi eq, %arg1, %eq3A_150 : i32
      %convert_element_type3A_152 = arith.extui %eq3A_151 : i1 to i32
      %cond3A_153 = arith.constant 0 : i32
      %cond3A_154 = arith.cmpi ne, %convert_element_type3A_152, %cond3A_153 : i32
      scf.if %cond3A_154 {
        "tpu.region"() ({
          %run_scoped3A = tpu.sem_alloc : memref<!tpu.dma_semaphore, #tpu.memory_space<semaphore_mem>>
          %dma_start3A_155 = arith.constant 9480 : i32
          %dma_start3A_156 = arith.constant 64 : i32
          %dma_start3A_157 = tpu.memref_slice %arg6[%dma_start3A_155, %dma_start3A_156] : memref<10000x128xf32, #tpu.memory_space<hbm>> -> memref<520x64xf32, #tpu.memory_space<hbm>>
          %dma_start3A_158 = arith.constant 9480 : i32
          %dma_start3A_159 = arith.constant 0 : i32
          %dma_start3A_160 = tpu.memref_slice %arg20[%dma_start3A_158, %dma_start3A_159] : memref<10112x64xf32, #tpu.memory_space<vmem_shared>> -> memref<520x64xf32, #tpu.memory_space<vmem_shared>>
          tpu.enqueue_dma source(%dma_start3A_160 : memref<520x64xf32, #tpu.memory_space<vmem_shared>>) target(%dma_start3A_157 : memref<520x64xf32, #tpu.memory_space<hbm>>) target_semaphore(%run_scoped3A : memref<!tpu.dma_semaphore, #tpu.memory_space<semaphore_mem>>)
          %dma_wait3A_161 = arith.constant 9480 : i32
          %dma_wait3A_162 = arith.constant 64 : i32
          %dma_wait3A_163 = tpu.memref_slice %arg6[%dma_wait3A_161, %dma_wait3A_162] : memref<10000x128xf32, #tpu.memory_space<hbm>> -> memref<520x64xf32, #tpu.memory_space<hbm>>
          %dma_wait3A_164 = arith.constant 9480 : i32
          %dma_wait3A_165 = arith.constant 0 : i32
          %dma_wait3A_166 = tpu.memref_slice %arg20[%dma_wait3A_164, %dma_wait3A_165] : memref<10112x64xf32, #tpu.memory_space<vmem_shared>> -> memref<520x64xf32, #tpu.memory_space<vmem_shared>>
          tpu.wait_dma2 semaphore(%run_scoped3A : memref<!tpu.dma_semaphore, #tpu.memory_space<semaphore_mem>>) src(%dma_wait3A_166 : memref<520x64xf32, #tpu.memory_space<vmem_shared>>) dst(%dma_wait3A_163 : memref<520x64xf32, #tpu.memory_space<hbm>>)
          tpu.yield
        }) : () -> ()
      } else {
      }
    } else {
    }
    return
  }
}

#map = affine_map<(d0, d1) -> (0, 0, 0)>
#map1 = affine_map<(d0, d1) -> (0, 0)>
module attributes {stable_mosaic.version = 14 : i64} {
  func.func @sc_deg(%arg0: i32, %arg1: i32, %arg2: memref<2x2500x128xi32, #tpu.memory_space<hbm>>, %arg3: memref<128x16xf32, #tpu.memory_space<hbm>>, %arg4: memref<632x16xf32, #tpu.memory_space<hbm>>, %arg5: memref<10000x32xf32, #tpu.memory_space<hbm>>, %arg6: memref<128xi32, #tpu.memory_space<vmem>>, %arg7: memref<128xi32, #tpu.memory_space<vmem>>, %arg8: memref<128xi32, #tpu.memory_space<vmem>>, %arg9: memref<128xi32, #tpu.memory_space<vmem>>, %arg10: memref<128x16xf32, #tpu.memory_space<vmem>>, %arg11: memref<10112x16xf32, #tpu.memory_space<vmem_shared>>, %arg12: memref<!tpu.dma_semaphore, #tpu.memory_space<semaphore_mem>>, %arg13: memref<!tpu.dma_semaphore, #tpu.memory_space<semaphore_mem>>, %arg14: memref<!tpu.dma_semaphore, #tpu.memory_space<semaphore_mem>>, %arg15: memref<!tpu.dma_semaphore, #tpu.memory_space<semaphore_mem>>) attributes {dimension_semantics = [#tpu.dimension_semantics<core_parallel>, #tpu.dimension_semantics<subcore_parallel>], iteration_bounds = array<i64: 2, 16>, scalar_prefetch = 0 : i64, scratch_operands = 10 : i64, tpu.core_type = #tpu.core_type<sc_vector_subcore>, window_params = [{transform_indices = #map}, {transform_indices = #map1}, {transform_indices = #map1}, {transform_indices = #map1}]} {
    %mul3A = arith.constant 2 : i32
    %mul3A_0 = arith.muli %arg1, %mul3A : i32
    %add3A = arith.addi %mul3A_0, %arg0 : i32
    %lt3A = arith.constant 4 : i32
    %lt3A_1 = arith.cmpi slt, %add3A, %lt3A : i32
    %jit3A = arith.constant 79 : i32
    %jit3A_2 = arith.constant 78 : i32
    %select_n3A = arith.select %lt3A_1, %jit3A, %jit3A_2 : i32
    "tpu.region"() ({
      %run_scoped3A = tpu.sem_alloc : memref<!tpu.dma_semaphore, #tpu.memory_space<semaphore_mem>>
      tpu.enqueue_dma source(%arg3 : memref<128x16xf32, #tpu.memory_space<hbm>>) target(%arg10 : memref<128x16xf32, #tpu.memory_space<vmem>>) target_semaphore(%run_scoped3A : memref<!tpu.dma_semaphore, #tpu.memory_space<semaphore_mem>>)
      tpu.wait_dma2 semaphore(%run_scoped3A : memref<!tpu.dma_semaphore, #tpu.memory_space<semaphore_mem>>) src(%arg3 : memref<128x16xf32, #tpu.memory_space<hbm>>) dst(%arg10 : memref<128x16xf32, #tpu.memory_space<vmem>>)
      tpu.yield
    }) : () -> ()
    %mul3A_3 = arith.constant 632 : i32
    %mul3A_4 = arith.muli %arg1, %mul3A_3 : i32
    "tpu.region"() ({
      %run_scoped3A = tpu.sem_alloc : memref<!tpu.dma_semaphore, #tpu.memory_space<semaphore_mem>>
      %dma_start3A_82 = arith.constant 0 : i32
      %dma_start3A_83 = tpu.memref_slice %arg11[%mul3A_4, %dma_start3A_82] : memref<10112x16xf32, #tpu.memory_space<vmem_shared>> -> memref<632x16xf32, #tpu.memory_space<vmem_shared>>
      tpu.enqueue_dma source(%arg4 : memref<632x16xf32, #tpu.memory_space<hbm>>) target(%dma_start3A_83 : memref<632x16xf32, #tpu.memory_space<vmem_shared>>) target_semaphore(%run_scoped3A : memref<!tpu.dma_semaphore, #tpu.memory_space<semaphore_mem>>)
      %dma_wait3A = arith.constant 0 : i32
      %dma_wait3A_84 = tpu.memref_slice %arg11[%mul3A_4, %dma_wait3A] : memref<10112x16xf32, #tpu.memory_space<vmem_shared>> -> memref<632x16xf32, #tpu.memory_space<vmem_shared>>
      tpu.wait_dma2 semaphore(%run_scoped3A : memref<!tpu.dma_semaphore, #tpu.memory_space<semaphore_mem>>) src(%arg4 : memref<632x16xf32, #tpu.memory_space<hbm>>) dst(%dma_wait3A_84 : memref<632x16xf32, #tpu.memory_space<vmem_shared>>)
      tpu.yield
    }) : () -> ()
    %barrier3A = arith.constant 0 : index
    tpu.barrier barrier_id(%barrier3A)
    %add3A_5 = arith.constant 0 : i32
    %add3A_6 = arith.addi %add3A_5, %add3A : i32
    %dma_start3A = arith.constant 1 : i32
    %dma_start3A_7 = arith.constant 0 : i32
    %dma_start3A_8 = tpu.memref_slice %arg2[%dma_start3A, %add3A_6, %dma_start3A_7] : memref<2x2500x128xi32, #tpu.memory_space<hbm>> -> memref<1x1x128xi32, #tpu.memory_space<hbm>>
    %dma_start3A_9 = tpu.memref_squeeze %dma_start3A_8 : memref<1x1x128xi32, #tpu.memory_space<hbm>> -> memref<128xi32, #tpu.memory_space<hbm>>
    %dma_start3A_10 = arith.constant 0 : i32
    %dma_start3A_11 = tpu.memref_slice %arg2[%dma_start3A, %add3A_6, %dma_start3A_10] : memref<2x2500x128xi32, #tpu.memory_space<hbm>> -> memref<1x1x128xi32, #tpu.memory_space<hbm>>
    %dma_start3A_12 = tpu.memref_squeeze %dma_start3A_11 : memref<1x1x128xi32, #tpu.memory_space<hbm>> -> memref<128xi32, #tpu.memory_space<hbm>>
    tpu.enqueue_dma source(%dma_start3A_12 : memref<128xi32, #tpu.memory_space<hbm>>) target(%arg6 : memref<128xi32, #tpu.memory_space<vmem>>) target_semaphore(%arg12 : memref<!tpu.dma_semaphore, #tpu.memory_space<semaphore_mem>>)
    %add3A_13 = arith.constant 32 : i32
    %add3A_14 = arith.addi %add3A_13, %add3A : i32
    %dma_start3A_15 = arith.constant 1 : i32
    %dma_start3A_16 = arith.constant 0 : i32
    %dma_start3A_17 = tpu.memref_slice %arg2[%dma_start3A_15, %add3A_14, %dma_start3A_16] : memref<2x2500x128xi32, #tpu.memory_space<hbm>> -> memref<1x1x128xi32, #tpu.memory_space<hbm>>
    %dma_start3A_18 = tpu.memref_squeeze %dma_start3A_17 : memref<1x1x128xi32, #tpu.memory_space<hbm>> -> memref<128xi32, #tpu.memory_space<hbm>>
    %dma_start3A_19 = arith.constant 0 : i32
    %dma_start3A_20 = tpu.memref_slice %arg2[%dma_start3A_15, %add3A_14, %dma_start3A_19] : memref<2x2500x128xi32, #tpu.memory_space<hbm>> -> memref<1x1x128xi32, #tpu.memory_space<hbm>>
    %dma_start3A_21 = tpu.memref_squeeze %dma_start3A_20 : memref<1x1x128xi32, #tpu.memory_space<hbm>> -> memref<128xi32, #tpu.memory_space<hbm>>
    tpu.enqueue_dma source(%dma_start3A_21 : memref<128xi32, #tpu.memory_space<hbm>>) target(%arg7 : memref<128xi32, #tpu.memory_space<vmem>>) target_semaphore(%arg13 : memref<!tpu.dma_semaphore, #tpu.memory_space<semaphore_mem>>)
    %add3A_22 = arith.constant 64 : i32
    %add3A_23 = arith.addi %add3A_22, %add3A : i32
    %dma_start3A_24 = arith.constant 1 : i32
    %dma_start3A_25 = arith.constant 0 : i32
    %dma_start3A_26 = tpu.memref_slice %arg2[%dma_start3A_24, %add3A_23, %dma_start3A_25] : memref<2x2500x128xi32, #tpu.memory_space<hbm>> -> memref<1x1x128xi32, #tpu.memory_space<hbm>>
    %dma_start3A_27 = tpu.memref_squeeze %dma_start3A_26 : memref<1x1x128xi32, #tpu.memory_space<hbm>> -> memref<128xi32, #tpu.memory_space<hbm>>
    %dma_start3A_28 = arith.constant 0 : i32
    %dma_start3A_29 = tpu.memref_slice %arg2[%dma_start3A_24, %add3A_23, %dma_start3A_28] : memref<2x2500x128xi32, #tpu.memory_space<hbm>> -> memref<1x1x128xi32, #tpu.memory_space<hbm>>
    %dma_start3A_30 = tpu.memref_squeeze %dma_start3A_29 : memref<1x1x128xi32, #tpu.memory_space<hbm>> -> memref<128xi32, #tpu.memory_space<hbm>>
    tpu.enqueue_dma source(%dma_start3A_30 : memref<128xi32, #tpu.memory_space<hbm>>) target(%arg8 : memref<128xi32, #tpu.memory_space<vmem>>) target_semaphore(%arg14 : memref<!tpu.dma_semaphore, #tpu.memory_space<semaphore_mem>>)
    %add3A_31 = arith.constant 96 : i32
    %add3A_32 = arith.addi %add3A_31, %add3A : i32
    %dma_start3A_33 = arith.constant 1 : i32
    %dma_start3A_34 = arith.constant 0 : i32
    %dma_start3A_35 = tpu.memref_slice %arg2[%dma_start3A_33, %add3A_32, %dma_start3A_34] : memref<2x2500x128xi32, #tpu.memory_space<hbm>> -> memref<1x1x128xi32, #tpu.memory_space<hbm>>
    %dma_start3A_36 = tpu.memref_squeeze %dma_start3A_35 : memref<1x1x128xi32, #tpu.memory_space<hbm>> -> memref<128xi32, #tpu.memory_space<hbm>>
    %dma_start3A_37 = arith.constant 0 : i32
    %dma_start3A_38 = tpu.memref_slice %arg2[%dma_start3A_33, %add3A_32, %dma_start3A_37] : memref<2x2500x128xi32, #tpu.memory_space<hbm>> -> memref<1x1x128xi32, #tpu.memory_space<hbm>>
    %dma_start3A_39 = tpu.memref_squeeze %dma_start3A_38 : memref<1x1x128xi32, #tpu.memory_space<hbm>> -> memref<128xi32, #tpu.memory_space<hbm>>
    tpu.enqueue_dma source(%dma_start3A_39 : memref<128xi32, #tpu.memory_space<hbm>>) target(%arg9 : memref<128xi32, #tpu.memory_space<vmem>>) target_semaphore(%arg15 : memref<!tpu.dma_semaphore, #tpu.memory_space<semaphore_mem>>)
    %scan3A = arith.constant 0 : i32
    %scan3A_40 = arith.constant 0 : i32
    %scan3A_41 = arith.constant 19 : i32
    %scan3A_42 = arith.addi %scan3A_40, %scan3A_41 : i32
    %scan3A_43 = arith.constant 1 : i32
    scf.for %scan3A_82 = %scan3A_40 to %scan3A_42 step %scan3A_43  : i32 {
      %mul3A_83 = arith.constant 4 : i32
      %mul3A_84 = arith.muli %mul3A_83, %scan3A_82 : i32
      %add3A_85 = arith.constant 0 : i32
      %add3A_86 = arith.addi %mul3A_84, %add3A_85 : i32
      %lt3A_87 = arith.cmpi slt, %add3A_86, %select_n3A : i32
      %convert_element_type3A_88 = arith.extui %lt3A_87 : i1 to i32
      %cond3A_89 = arith.constant 0 : i32
      %cond3A_90 = arith.cmpi ne, %convert_element_type3A_88, %cond3A_89 : i32
      scf.if %cond3A_90 {
        %mul3A_139 = arith.constant 32 : i32
        %mul3A_140 = arith.muli %mul3A_139, %add3A_86 : i32
        %add3A_141 = arith.addi %mul3A_140, %add3A : i32
        %dma_wait3A = arith.constant 1 : i32
        %dma_wait3A_142 = arith.constant 0 : i32
        %dma_wait3A_143 = tpu.memref_slice %arg2[%dma_wait3A, %add3A_141, %dma_wait3A_142] : memref<2x2500x128xi32, #tpu.memory_space<hbm>> -> memref<1x1x128xi32, #tpu.memory_space<hbm>>
        %dma_wait3A_144 = tpu.memref_squeeze %dma_wait3A_143 : memref<1x1x128xi32, #tpu.memory_space<hbm>> -> memref<128xi32, #tpu.memory_space<hbm>>
        %dma_wait3A_145 = arith.constant 0 : i32
        %dma_wait3A_146 = tpu.memref_slice %arg2[%dma_wait3A, %add3A_141, %dma_wait3A_145] : memref<2x2500x128xi32, #tpu.memory_space<hbm>> -> memref<1x1x128xi32, #tpu.memory_space<hbm>>
        %dma_wait3A_147 = tpu.memref_squeeze %dma_wait3A_146 : memref<1x1x128xi32, #tpu.memory_space<hbm>> -> memref<128xi32, #tpu.memory_space<hbm>>
        tpu.wait_dma2 semaphore(%arg12 : memref<!tpu.dma_semaphore, #tpu.memory_space<semaphore_mem>>) src(%dma_wait3A_147 : memref<128xi32, #tpu.memory_space<hbm>>) dst(%arg6 : memref<128xi32, #tpu.memory_space<vmem>>)
        "tpu.region"() ({
          %run_scoped3A = tpu.sem_alloc : memref<!tpu.dma_semaphore, #tpu.memory_space<semaphore_mem>>
          %dma_start3A_148 = arith.constant 0 : i32
          %dma_start3A_149 = arith.constant 0 : i32
          %dma_start3A_150 = tpu.memref_slice %arg11[%dma_start3A_148, %dma_start3A_149] : memref<10112x16xf32, #tpu.memory_space<vmem_shared>> -> memref<10112x16xf32, #tpu.memory_space<vmem_shared>>
          tpu.enqueue_indirect_dma source(%arg10 : memref<128x16xf32, #tpu.memory_space<vmem>>) target(%dma_start3A_150 : memref<10112x16xf32, #tpu.memory_space<vmem_shared>>) offsets(%arg6 : memref<128xi32, #tpu.memory_space<vmem>>) semaphore(%run_scoped3A : memref<!tpu.dma_semaphore, #tpu.memory_space<semaphore_mem>>) {add = true}
          %dma_wait3A_151 = arith.constant 0 : i32
          %dma_wait3A_152 = arith.constant 0 : i32
          %dma_wait3A_153 = tpu.memref_slice %arg11[%dma_wait3A_151, %dma_wait3A_152] : memref<10112x16xf32, #tpu.memory_space<vmem_shared>> -> memref<10112x16xf32, #tpu.memory_space<vmem_shared>>
          tpu.wait_indirect_dma semaphore(%run_scoped3A : memref<!tpu.dma_semaphore, #tpu.memory_space<semaphore_mem>>) src(%arg10 : memref<128x16xf32, #tpu.memory_space<vmem>>) dst(%dma_wait3A_153 : memref<10112x16xf32, #tpu.memory_space<vmem_shared>>)
          tpu.yield
        }) : () -> ()
      } else {
      }
      %add3A_91 = arith.constant 4 : i32
      %add3A_92 = arith.addi %add3A_86, %add3A_91 : i32
      %lt3A_93 = arith.cmpi slt, %add3A_92, %select_n3A : i32
      %convert_element_type3A_94 = arith.extui %lt3A_93 : i1 to i32
      %cond3A_95 = arith.constant 0 : i32
      %cond3A_96 = arith.cmpi ne, %convert_element_type3A_94, %cond3A_95 : i32
      scf.if %cond3A_96 {
        %add3A_139 = arith.constant 4 : i32
        %add3A_140 = arith.addi %add3A_86, %add3A_139 : i32
        %mul3A_141 = arith.constant 32 : i32
        %mul3A_142 = arith.muli %mul3A_141, %add3A_140 : i32
        %add3A_143 = arith.addi %mul3A_142, %add3A : i32
        %dma_start3A_144 = arith.constant 1 : i32
        %dma_start3A_145 = arith.constant 0 : i32
        %dma_start3A_146 = tpu.memref_slice %arg2[%dma_start3A_144, %add3A_143, %dma_start3A_145] : memref<2x2500x128xi32, #tpu.memory_space<hbm>> -> memref<1x1x128xi32, #tpu.memory_space<hbm>>
        %dma_start3A_147 = tpu.memref_squeeze %dma_start3A_146 : memref<1x1x128xi32, #tpu.memory_space<hbm>> -> memref<128xi32, #tpu.memory_space<hbm>>
        %dma_start3A_148 = arith.constant 0 : i32
        %dma_start3A_149 = tpu.memref_slice %arg2[%dma_start3A_144, %add3A_143, %dma_start3A_148] : memref<2x2500x128xi32, #tpu.memory_space<hbm>> -> memref<1x1x128xi32, #tpu.memory_space<hbm>>
        %dma_start3A_150 = tpu.memref_squeeze %dma_start3A_149 : memref<1x1x128xi32, #tpu.memory_space<hbm>> -> memref<128xi32, #tpu.memory_space<hbm>>
        tpu.enqueue_dma source(%dma_start3A_150 : memref<128xi32, #tpu.memory_space<hbm>>) target(%arg6 : memref<128xi32, #tpu.memory_space<vmem>>) target_semaphore(%arg12 : memref<!tpu.dma_semaphore, #tpu.memory_space<semaphore_mem>>)
      } else {
      }
      %mul3A_97 = arith.constant 4 : i32
      %mul3A_98 = arith.muli %mul3A_97, %scan3A_82 : i32
      %add3A_99 = arith.constant 1 : i32
      %add3A_100 = arith.addi %mul3A_98, %add3A_99 : i32
      %lt3A_101 = arith.cmpi slt, %add3A_100, %select_n3A : i32
      %convert_element_type3A_102 = arith.extui %lt3A_101 : i1 to i32
      %cond3A_103 = arith.constant 0 : i32
      %cond3A_104 = arith.cmpi ne, %convert_element_type3A_102, %cond3A_103 : i32
      scf.if %cond3A_104 {
        %mul3A_139 = arith.constant 32 : i32
        %mul3A_140 = arith.muli %mul3A_139, %add3A_100 : i32
        %add3A_141 = arith.addi %mul3A_140, %add3A : i32
        %dma_wait3A = arith.constant 1 : i32
        %dma_wait3A_142 = arith.constant 0 : i32
        %dma_wait3A_143 = tpu.memref_slice %arg2[%dma_wait3A, %add3A_141, %dma_wait3A_142] : memref<2x2500x128xi32, #tpu.memory_space<hbm>> -> memref<1x1x128xi32, #tpu.memory_space<hbm>>
        %dma_wait3A_144 = tpu.memref_squeeze %dma_wait3A_143 : memref<1x1x128xi32, #tpu.memory_space<hbm>> -> memref<128xi32, #tpu.memory_space<hbm>>
        %dma_wait3A_145 = arith.constant 0 : i32
        %dma_wait3A_146 = tpu.memref_slice %arg2[%dma_wait3A, %add3A_141, %dma_wait3A_145] : memref<2x2500x128xi32, #tpu.memory_space<hbm>> -> memref<1x1x128xi32, #tpu.memory_space<hbm>>
        %dma_wait3A_147 = tpu.memref_squeeze %dma_wait3A_146 : memref<1x1x128xi32, #tpu.memory_space<hbm>> -> memref<128xi32, #tpu.memory_space<hbm>>
        tpu.wait_dma2 semaphore(%arg13 : memref<!tpu.dma_semaphore, #tpu.memory_space<semaphore_mem>>) src(%dma_wait3A_147 : memref<128xi32, #tpu.memory_space<hbm>>) dst(%arg7 : memref<128xi32, #tpu.memory_space<vmem>>)
        "tpu.region"() ({
          %run_scoped3A = tpu.sem_alloc : memref<!tpu.dma_semaphore, #tpu.memory_space<semaphore_mem>>
          %dma_start3A_148 = arith.constant 0 : i32
          %dma_start3A_149 = arith.constant 0 : i32
          %dma_start3A_150 = tpu.memref_slice %arg11[%dma_start3A_148, %dma_start3A_149] : memref<10112x16xf32, #tpu.memory_space<vmem_shared>> -> memref<10112x16xf32, #tpu.memory_space<vmem_shared>>
          tpu.enqueue_indirect_dma source(%arg10 : memref<128x16xf32, #tpu.memory_space<vmem>>) target(%dma_start3A_150 : memref<10112x16xf32, #tpu.memory_space<vmem_shared>>) offsets(%arg7 : memref<128xi32, #tpu.memory_space<vmem>>) semaphore(%run_scoped3A : memref<!tpu.dma_semaphore, #tpu.memory_space<semaphore_mem>>) {add = true}
          %dma_wait3A_151 = arith.constant 0 : i32
          %dma_wait3A_152 = arith.constant 0 : i32
          %dma_wait3A_153 = tpu.memref_slice %arg11[%dma_wait3A_151, %dma_wait3A_152] : memref<10112x16xf32, #tpu.memory_space<vmem_shared>> -> memref<10112x16xf32, #tpu.memory_space<vmem_shared>>
          tpu.wait_indirect_dma semaphore(%run_scoped3A : memref<!tpu.dma_semaphore, #tpu.memory_space<semaphore_mem>>) src(%arg10 : memref<128x16xf32, #tpu.memory_space<vmem>>) dst(%dma_wait3A_153 : memref<10112x16xf32, #tpu.memory_space<vmem_shared>>)
          tpu.yield
        }) : () -> ()
      } else {
      }
      %add3A_105 = arith.constant 4 : i32
      %add3A_106 = arith.addi %add3A_100, %add3A_105 : i32
      %lt3A_107 = arith.cmpi slt, %add3A_106, %select_n3A : i32
      %convert_element_type3A_108 = arith.extui %lt3A_107 : i1 to i32
      %cond3A_109 = arith.constant 0 : i32
      %cond3A_110 = arith.cmpi ne, %convert_element_type3A_108, %cond3A_109 : i32
      scf.if %cond3A_110 {
        %add3A_139 = arith.constant 4 : i32
        %add3A_140 = arith.addi %add3A_100, %add3A_139 : i32
        %mul3A_141 = arith.constant 32 : i32
        %mul3A_142 = arith.muli %mul3A_141, %add3A_140 : i32
        %add3A_143 = arith.addi %mul3A_142, %add3A : i32
        %dma_start3A_144 = arith.constant 1 : i32
        %dma_start3A_145 = arith.constant 0 : i32
        %dma_start3A_146 = tpu.memref_slice %arg2[%dma_start3A_144, %add3A_143, %dma_start3A_145] : memref<2x2500x128xi32, #tpu.memory_space<hbm>> -> memref<1x1x128xi32, #tpu.memory_space<hbm>>
        %dma_start3A_147 = tpu.memref_squeeze %dma_start3A_146 : memref<1x1x128xi32, #tpu.memory_space<hbm>> -> memref<128xi32, #tpu.memory_space<hbm>>
        %dma_start3A_148 = arith.constant 0 : i32
        %dma_start3A_149 = tpu.memref_slice %arg2[%dma_start3A_144, %add3A_143, %dma_start3A_148] : memref<2x2500x128xi32, #tpu.memory_space<hbm>> -> memref<1x1x128xi32, #tpu.memory_space<hbm>>
        %dma_start3A_150 = tpu.memref_squeeze %dma_start3A_149 : memref<1x1x128xi32, #tpu.memory_space<hbm>> -> memref<128xi32, #tpu.memory_space<hbm>>
        tpu.enqueue_dma source(%dma_start3A_150 : memref<128xi32, #tpu.memory_space<hbm>>) target(%arg7 : memref<128xi32, #tpu.memory_space<vmem>>) target_semaphore(%arg13 : memref<!tpu.dma_semaphore, #tpu.memory_space<semaphore_mem>>)
      } else {
      }
      %mul3A_111 = arith.constant 4 : i32
      %mul3A_112 = arith.muli %mul3A_111, %scan3A_82 : i32
      %add3A_113 = arith.constant 2 : i32
      %add3A_114 = arith.addi %mul3A_112, %add3A_113 : i32
      %lt3A_115 = arith.cmpi slt, %add3A_114, %select_n3A : i32
      %convert_element_type3A_116 = arith.extui %lt3A_115 : i1 to i32
      %cond3A_117 = arith.constant 0 : i32
      %cond3A_118 = arith.cmpi ne, %convert_element_type3A_116, %cond3A_117 : i32
      scf.if %cond3A_118 {
        %mul3A_139 = arith.constant 32 : i32
        %mul3A_140 = arith.muli %mul3A_139, %add3A_114 : i32
        %add3A_141 = arith.addi %mul3A_140, %add3A : i32
        %dma_wait3A = arith.constant 1 : i32
        %dma_wait3A_142 = arith.constant 0 : i32
        %dma_wait3A_143 = tpu.memref_slice %arg2[%dma_wait3A, %add3A_141, %dma_wait3A_142] : memref<2x2500x128xi32, #tpu.memory_space<hbm>> -> memref<1x1x128xi32, #tpu.memory_space<hbm>>
        %dma_wait3A_144 = tpu.memref_squeeze %dma_wait3A_143 : memref<1x1x128xi32, #tpu.memory_space<hbm>> -> memref<128xi32, #tpu.memory_space<hbm>>
        %dma_wait3A_145 = arith.constant 0 : i32
        %dma_wait3A_146 = tpu.memref_slice %arg2[%dma_wait3A, %add3A_141, %dma_wait3A_145] : memref<2x2500x128xi32, #tpu.memory_space<hbm>> -> memref<1x1x128xi32, #tpu.memory_space<hbm>>
        %dma_wait3A_147 = tpu.memref_squeeze %dma_wait3A_146 : memref<1x1x128xi32, #tpu.memory_space<hbm>> -> memref<128xi32, #tpu.memory_space<hbm>>
        tpu.wait_dma2 semaphore(%arg14 : memref<!tpu.dma_semaphore, #tpu.memory_space<semaphore_mem>>) src(%dma_wait3A_147 : memref<128xi32, #tpu.memory_space<hbm>>) dst(%arg8 : memref<128xi32, #tpu.memory_space<vmem>>)
        "tpu.region"() ({
          %run_scoped3A = tpu.sem_alloc : memref<!tpu.dma_semaphore, #tpu.memory_space<semaphore_mem>>
          %dma_start3A_148 = arith.constant 0 : i32
          %dma_start3A_149 = arith.constant 0 : i32
          %dma_start3A_150 = tpu.memref_slice %arg11[%dma_start3A_148, %dma_start3A_149] : memref<10112x16xf32, #tpu.memory_space<vmem_shared>> -> memref<10112x16xf32, #tpu.memory_space<vmem_shared>>
          tpu.enqueue_indirect_dma source(%arg10 : memref<128x16xf32, #tpu.memory_space<vmem>>) target(%dma_start3A_150 : memref<10112x16xf32, #tpu.memory_space<vmem_shared>>) offsets(%arg8 : memref<128xi32, #tpu.memory_space<vmem>>) semaphore(%run_scoped3A : memref<!tpu.dma_semaphore, #tpu.memory_space<semaphore_mem>>) {add = true}
          %dma_wait3A_151 = arith.constant 0 : i32
          %dma_wait3A_152 = arith.constant 0 : i32
          %dma_wait3A_153 = tpu.memref_slice %arg11[%dma_wait3A_151, %dma_wait3A_152] : memref<10112x16xf32, #tpu.memory_space<vmem_shared>> -> memref<10112x16xf32, #tpu.memory_space<vmem_shared>>
          tpu.wait_indirect_dma semaphore(%run_scoped3A : memref<!tpu.dma_semaphore, #tpu.memory_space<semaphore_mem>>) src(%arg10 : memref<128x16xf32, #tpu.memory_space<vmem>>) dst(%dma_wait3A_153 : memref<10112x16xf32, #tpu.memory_space<vmem_shared>>)
          tpu.yield
        }) : () -> ()
      } else {
      }
      %add3A_119 = arith.constant 4 : i32
      %add3A_120 = arith.addi %add3A_114, %add3A_119 : i32
      %lt3A_121 = arith.cmpi slt, %add3A_120, %select_n3A : i32
      %convert_element_type3A_122 = arith.extui %lt3A_121 : i1 to i32
      %cond3A_123 = arith.constant 0 : i32
      %cond3A_124 = arith.cmpi ne, %convert_element_type3A_122, %cond3A_123 : i32
      scf.if %cond3A_124 {
        %add3A_139 = arith.constant 4 : i32
        %add3A_140 = arith.addi %add3A_114, %add3A_139 : i32
        %mul3A_141 = arith.constant 32 : i32
        %mul3A_142 = arith.muli %mul3A_141, %add3A_140 : i32
        %add3A_143 = arith.addi %mul3A_142, %add3A : i32
        %dma_start3A_144 = arith.constant 1 : i32
        %dma_start3A_145 = arith.constant 0 : i32
        %dma_start3A_146 = tpu.memref_slice %arg2[%dma_start3A_144, %add3A_143, %dma_start3A_145] : memref<2x2500x128xi32, #tpu.memory_space<hbm>> -> memref<1x1x128xi32, #tpu.memory_space<hbm>>
        %dma_start3A_147 = tpu.memref_squeeze %dma_start3A_146 : memref<1x1x128xi32, #tpu.memory_space<hbm>> -> memref<128xi32, #tpu.memory_space<hbm>>
        %dma_start3A_148 = arith.constant 0 : i32
        %dma_start3A_149 = tpu.memref_slice %arg2[%dma_start3A_144, %add3A_143, %dma_start3A_148] : memref<2x2500x128xi32, #tpu.memory_space<hbm>> -> memref<1x1x128xi32, #tpu.memory_space<hbm>>
        %dma_start3A_150 = tpu.memref_squeeze %dma_start3A_149 : memref<1x1x128xi32, #tpu.memory_space<hbm>> -> memref<128xi32, #tpu.memory_space<hbm>>
        tpu.enqueue_dma source(%dma_start3A_150 : memref<128xi32, #tpu.memory_space<hbm>>) target(%arg8 : memref<128xi32, #tpu.memory_space<vmem>>) target_semaphore(%arg14 : memref<!tpu.dma_semaphore, #tpu.memory_space<semaphore_mem>>)
      } else {
      }
      %mul3A_125 = arith.constant 4 : i32
      %mul3A_126 = arith.muli %mul3A_125, %scan3A_82 : i32
      %add3A_127 = arith.constant 3 : i32
      %add3A_128 = arith.addi %mul3A_126, %add3A_127 : i32
      %lt3A_129 = arith.cmpi slt, %add3A_128, %select_n3A : i32
      %convert_element_type3A_130 = arith.extui %lt3A_129 : i1 to i32
      %cond3A_131 = arith.constant 0 : i32
      %cond3A_132 = arith.cmpi ne, %convert_element_type3A_130, %cond3A_131 : i32
      scf.if %cond3A_132 {
        %mul3A_139 = arith.constant 32 : i32
        %mul3A_140 = arith.muli %mul3A_139, %add3A_128 : i32
        %add3A_141 = arith.addi %mul3A_140, %add3A : i32
        %dma_wait3A = arith.constant 1 : i32
        %dma_wait3A_142 = arith.constant 0 : i32
        %dma_wait3A_143 = tpu.memref_slice %arg2[%dma_wait3A, %add3A_141, %dma_wait3A_142] : memref<2x2500x128xi32, #tpu.memory_space<hbm>> -> memref<1x1x128xi32, #tpu.memory_space<hbm>>
        %dma_wait3A_144 = tpu.memref_squeeze %dma_wait3A_143 : memref<1x1x128xi32, #tpu.memory_space<hbm>> -> memref<128xi32, #tpu.memory_space<hbm>>
        %dma_wait3A_145 = arith.constant 0 : i32
        %dma_wait3A_146 = tpu.memref_slice %arg2[%dma_wait3A, %add3A_141, %dma_wait3A_145] : memref<2x2500x128xi32, #tpu.memory_space<hbm>> -> memref<1x1x128xi32, #tpu.memory_space<hbm>>
        %dma_wait3A_147 = tpu.memref_squeeze %dma_wait3A_146 : memref<1x1x128xi32, #tpu.memory_space<hbm>> -> memref<128xi32, #tpu.memory_space<hbm>>
        tpu.wait_dma2 semaphore(%arg15 : memref<!tpu.dma_semaphore, #tpu.memory_space<semaphore_mem>>) src(%dma_wait3A_147 : memref<128xi32, #tpu.memory_space<hbm>>) dst(%arg9 : memref<128xi32, #tpu.memory_space<vmem>>)
        "tpu.region"() ({
          %run_scoped3A = tpu.sem_alloc : memref<!tpu.dma_semaphore, #tpu.memory_space<semaphore_mem>>
          %dma_start3A_148 = arith.constant 0 : i32
          %dma_start3A_149 = arith.constant 0 : i32
          %dma_start3A_150 = tpu.memref_slice %arg11[%dma_start3A_148, %dma_start3A_149] : memref<10112x16xf32, #tpu.memory_space<vmem_shared>> -> memref<10112x16xf32, #tpu.memory_space<vmem_shared>>
          tpu.enqueue_indirect_dma source(%arg10 : memref<128x16xf32, #tpu.memory_space<vmem>>) target(%dma_start3A_150 : memref<10112x16xf32, #tpu.memory_space<vmem_shared>>) offsets(%arg9 : memref<128xi32, #tpu.memory_space<vmem>>) semaphore(%run_scoped3A : memref<!tpu.dma_semaphore, #tpu.memory_space<semaphore_mem>>) {add = true}
          %dma_wait3A_151 = arith.constant 0 : i32
          %dma_wait3A_152 = arith.constant 0 : i32
          %dma_wait3A_153 = tpu.memref_slice %arg11[%dma_wait3A_151, %dma_wait3A_152] : memref<10112x16xf32, #tpu.memory_space<vmem_shared>> -> memref<10112x16xf32, #tpu.memory_space<vmem_shared>>
          tpu.wait_indirect_dma semaphore(%run_scoped3A : memref<!tpu.dma_semaphore, #tpu.memory_space<semaphore_mem>>) src(%arg10 : memref<128x16xf32, #tpu.memory_space<vmem>>) dst(%dma_wait3A_153 : memref<10112x16xf32, #tpu.memory_space<vmem_shared>>)
          tpu.yield
        }) : () -> ()
      } else {
      }
      %add3A_133 = arith.constant 4 : i32
      %add3A_134 = arith.addi %add3A_128, %add3A_133 : i32
      %lt3A_135 = arith.cmpi slt, %add3A_134, %select_n3A : i32
      %convert_element_type3A_136 = arith.extui %lt3A_135 : i1 to i32
      %cond3A_137 = arith.constant 0 : i32
      %cond3A_138 = arith.cmpi ne, %convert_element_type3A_136, %cond3A_137 : i32
      scf.if %cond3A_138 {
        %add3A_139 = arith.constant 4 : i32
        %add3A_140 = arith.addi %add3A_128, %add3A_139 : i32
        %mul3A_141 = arith.constant 32 : i32
        %mul3A_142 = arith.muli %mul3A_141, %add3A_140 : i32
        %add3A_143 = arith.addi %mul3A_142, %add3A : i32
        %dma_start3A_144 = arith.constant 1 : i32
        %dma_start3A_145 = arith.constant 0 : i32
        %dma_start3A_146 = tpu.memref_slice %arg2[%dma_start3A_144, %add3A_143, %dma_start3A_145] : memref<2x2500x128xi32, #tpu.memory_space<hbm>> -> memref<1x1x128xi32, #tpu.memory_space<hbm>>
        %dma_start3A_147 = tpu.memref_squeeze %dma_start3A_146 : memref<1x1x128xi32, #tpu.memory_space<hbm>> -> memref<128xi32, #tpu.memory_space<hbm>>
        %dma_start3A_148 = arith.constant 0 : i32
        %dma_start3A_149 = tpu.memref_slice %arg2[%dma_start3A_144, %add3A_143, %dma_start3A_148] : memref<2x2500x128xi32, #tpu.memory_space<hbm>> -> memref<1x1x128xi32, #tpu.memory_space<hbm>>
        %dma_start3A_150 = tpu.memref_squeeze %dma_start3A_149 : memref<1x1x128xi32, #tpu.memory_space<hbm>> -> memref<128xi32, #tpu.memory_space<hbm>>
        tpu.enqueue_dma source(%dma_start3A_150 : memref<128xi32, #tpu.memory_space<hbm>>) target(%arg9 : memref<128xi32, #tpu.memory_space<vmem>>) target_semaphore(%arg15 : memref<!tpu.dma_semaphore, #tpu.memory_space<semaphore_mem>>)
      } else {
      }
    }
    %scan3A_44 = arith.constant 19 : i32
    %gt3A = arith.constant 76 : i32
    %gt3A_45 = arith.cmpi sgt, %select_n3A, %gt3A : i32
    %convert_element_type3A = arith.extui %gt3A_45 : i1 to i32
    %cond3A = arith.constant 0 : i32
    %cond3A_46 = arith.cmpi ne, %convert_element_type3A, %cond3A : i32
    scf.if %cond3A_46 {
      %add3A_82 = arith.constant 2432 : i32
      %add3A_83 = arith.addi %add3A_82, %add3A : i32
      %dma_wait3A = arith.constant 1 : i32
      %dma_wait3A_84 = arith.constant 0 : i32
      %dma_wait3A_85 = tpu.memref_slice %arg2[%dma_wait3A, %add3A_83, %dma_wait3A_84] : memref<2x2500x128xi32, #tpu.memory_space<hbm>> -> memref<1x1x128xi32, #tpu.memory_space<hbm>>
      %dma_wait3A_86 = tpu.memref_squeeze %dma_wait3A_85 : memref<1x1x128xi32, #tpu.memory_space<hbm>> -> memref<128xi32, #tpu.memory_space<hbm>>
      %dma_wait3A_87 = arith.constant 0 : i32
      %dma_wait3A_88 = tpu.memref_slice %arg2[%dma_wait3A, %add3A_83, %dma_wait3A_87] : memref<2x2500x128xi32, #tpu.memory_space<hbm>> -> memref<1x1x128xi32, #tpu.memory_space<hbm>>
      %dma_wait3A_89 = tpu.memref_squeeze %dma_wait3A_88 : memref<1x1x128xi32, #tpu.memory_space<hbm>> -> memref<128xi32, #tpu.memory_space<hbm>>
      tpu.wait_dma2 semaphore(%arg12 : memref<!tpu.dma_semaphore, #tpu.memory_space<semaphore_mem>>) src(%dma_wait3A_89 : memref<128xi32, #tpu.memory_space<hbm>>) dst(%arg6 : memref<128xi32, #tpu.memory_space<vmem>>)
      "tpu.region"() ({
        %run_scoped3A = tpu.sem_alloc : memref<!tpu.dma_semaphore, #tpu.memory_space<semaphore_mem>>
        %dma_start3A_90 = arith.constant 0 : i32
        %dma_start3A_91 = arith.constant 0 : i32
        %dma_start3A_92 = tpu.memref_slice %arg11[%dma_start3A_90, %dma_start3A_91] : memref<10112x16xf32, #tpu.memory_space<vmem_shared>> -> memref<10112x16xf32, #tpu.memory_space<vmem_shared>>
        tpu.enqueue_indirect_dma source(%arg10 : memref<128x16xf32, #tpu.memory_space<vmem>>) target(%dma_start3A_92 : memref<10112x16xf32, #tpu.memory_space<vmem_shared>>) offsets(%arg6 : memref<128xi32, #tpu.memory_space<vmem>>) semaphore(%run_scoped3A : memref<!tpu.dma_semaphore, #tpu.memory_space<semaphore_mem>>) {add = true}
        %dma_wait3A_93 = arith.constant 0 : i32
        %dma_wait3A_94 = arith.constant 0 : i32
        %dma_wait3A_95 = tpu.memref_slice %arg11[%dma_wait3A_93, %dma_wait3A_94] : memref<10112x16xf32, #tpu.memory_space<vmem_shared>> -> memref<10112x16xf32, #tpu.memory_space<vmem_shared>>
        tpu.wait_indirect_dma semaphore(%run_scoped3A : memref<!tpu.dma_semaphore, #tpu.memory_space<semaphore_mem>>) src(%arg10 : memref<128x16xf32, #tpu.memory_space<vmem>>) dst(%dma_wait3A_95 : memref<10112x16xf32, #tpu.memory_space<vmem_shared>>)
        tpu.yield
      }) : () -> ()
    } else {
    }
    %gt3A_47 = arith.constant 80 : i32
    %gt3A_48 = arith.cmpi sgt, %select_n3A, %gt3A_47 : i32
    %convert_element_type3A_49 = arith.extui %gt3A_48 : i1 to i32
    %cond3A_50 = arith.constant 0 : i32
    %cond3A_51 = arith.cmpi ne, %convert_element_type3A_49, %cond3A_50 : i32
    scf.if %cond3A_51 {
      %add3A_82 = arith.constant 2560 : i32
      %add3A_83 = arith.addi %add3A_82, %add3A : i32
      %dma_start3A_84 = arith.constant 1 : i32
      %dma_start3A_85 = arith.constant 0 : i32
      %dma_start3A_86 = tpu.memref_slice %arg2[%dma_start3A_84, %add3A_83, %dma_start3A_85] : memref<2x2500x128xi32, #tpu.memory_space<hbm>> -> memref<1x1x128xi32, #tpu.memory_space<hbm>>
      %dma_start3A_87 = tpu.memref_squeeze %dma_start3A_86 : memref<1x1x128xi32, #tpu.memory_space<hbm>> -> memref<128xi32, #tpu.memory_space<hbm>>
      %dma_start3A_88 = arith.constant 0 : i32
      %dma_start3A_89 = tpu.memref_slice %arg2[%dma_start3A_84, %add3A_83, %dma_start3A_88] : memref<2x2500x128xi32, #tpu.memory_space<hbm>> -> memref<1x1x128xi32, #tpu.memory_space<hbm>>
      %dma_start3A_90 = tpu.memref_squeeze %dma_start3A_89 : memref<1x1x128xi32, #tpu.memory_space<hbm>> -> memref<128xi32, #tpu.memory_space<hbm>>
      tpu.enqueue_dma source(%dma_start3A_90 : memref<128xi32, #tpu.memory_space<hbm>>) target(%arg6 : memref<128xi32, #tpu.memory_space<vmem>>) target_semaphore(%arg12 : memref<!tpu.dma_semaphore, #tpu.memory_space<semaphore_mem>>)
    } else {
    }
    %gt3A_52 = arith.constant 77 : i32
    %gt3A_53 = arith.cmpi sgt, %select_n3A, %gt3A_52 : i32
    %convert_element_type3A_54 = arith.extui %gt3A_53 : i1 to i32
    %cond3A_55 = arith.constant 0 : i32
    %cond3A_56 = arith.cmpi ne, %convert_element_type3A_54, %cond3A_55 : i32
    scf.if %cond3A_56 {
      %add3A_82 = arith.constant 2464 : i32
      %add3A_83 = arith.addi %add3A_82, %add3A : i32
      %dma_wait3A = arith.constant 1 : i32
      %dma_wait3A_84 = arith.constant 0 : i32
      %dma_wait3A_85 = tpu.memref_slice %arg2[%dma_wait3A, %add3A_83, %dma_wait3A_84] : memref<2x2500x128xi32, #tpu.memory_space<hbm>> -> memref<1x1x128xi32, #tpu.memory_space<hbm>>
      %dma_wait3A_86 = tpu.memref_squeeze %dma_wait3A_85 : memref<1x1x128xi32, #tpu.memory_space<hbm>> -> memref<128xi32, #tpu.memory_space<hbm>>
      %dma_wait3A_87 = arith.constant 0 : i32
      %dma_wait3A_88 = tpu.memref_slice %arg2[%dma_wait3A, %add3A_83, %dma_wait3A_87] : memref<2x2500x128xi32, #tpu.memory_space<hbm>> -> memref<1x1x128xi32, #tpu.memory_space<hbm>>
      %dma_wait3A_89 = tpu.memref_squeeze %dma_wait3A_88 : memref<1x1x128xi32, #tpu.memory_space<hbm>> -> memref<128xi32, #tpu.memory_space<hbm>>
      tpu.wait_dma2 semaphore(%arg13 : memref<!tpu.dma_semaphore, #tpu.memory_space<semaphore_mem>>) src(%dma_wait3A_89 : memref<128xi32, #tpu.memory_space<hbm>>) dst(%arg7 : memref<128xi32, #tpu.memory_space<vmem>>)
      "tpu.region"() ({
        %run_scoped3A = tpu.sem_alloc : memref<!tpu.dma_semaphore, #tpu.memory_space<semaphore_mem>>
        %dma_start3A_90 = arith.constant 0 : i32
        %dma_start3A_91 = arith.constant 0 : i32
        %dma_start3A_92 = tpu.memref_slice %arg11[%dma_start3A_90, %dma_start3A_91] : memref<10112x16xf32, #tpu.memory_space<vmem_shared>> -> memref<10112x16xf32, #tpu.memory_space<vmem_shared>>
        tpu.enqueue_indirect_dma source(%arg10 : memref<128x16xf32, #tpu.memory_space<vmem>>) target(%dma_start3A_92 : memref<10112x16xf32, #tpu.memory_space<vmem_shared>>) offsets(%arg7 : memref<128xi32, #tpu.memory_space<vmem>>) semaphore(%run_scoped3A : memref<!tpu.dma_semaphore, #tpu.memory_space<semaphore_mem>>) {add = true}
        %dma_wait3A_93 = arith.constant 0 : i32
        %dma_wait3A_94 = arith.constant 0 : i32
        %dma_wait3A_95 = tpu.memref_slice %arg11[%dma_wait3A_93, %dma_wait3A_94] : memref<10112x16xf32, #tpu.memory_space<vmem_shared>> -> memref<10112x16xf32, #tpu.memory_space<vmem_shared>>
        tpu.wait_indirect_dma semaphore(%run_scoped3A : memref<!tpu.dma_semaphore, #tpu.memory_space<semaphore_mem>>) src(%arg10 : memref<128x16xf32, #tpu.memory_space<vmem>>) dst(%dma_wait3A_95 : memref<10112x16xf32, #tpu.memory_space<vmem_shared>>)
        tpu.yield
      }) : () -> ()
    } else {
    }
    %gt3A_57 = arith.constant 81 : i32
    %gt3A_58 = arith.cmpi sgt, %select_n3A, %gt3A_57 : i32
    %convert_element_type3A_59 = arith.extui %gt3A_58 : i1 to i32
    %cond3A_60 = arith.constant 0 : i32
    %cond3A_61 = arith.cmpi ne, %convert_element_type3A_59, %cond3A_60 : i32
    scf.if %cond3A_61 {
      %add3A_82 = arith.constant 2592 : i32
      %add3A_83 = arith.addi %add3A_82, %add3A : i32
      %dma_start3A_84 = arith.constant 1 : i32
      %dma_start3A_85 = arith.constant 0 : i32
      %dma_start3A_86 = tpu.memref_slice %arg2[%dma_start3A_84, %add3A_83, %dma_start3A_85] : memref<2x2500x128xi32, #tpu.memory_space<hbm>> -> memref<1x1x128xi32, #tpu.memory_space<hbm>>
      %dma_start3A_87 = tpu.memref_squeeze %dma_start3A_86 : memref<1x1x128xi32, #tpu.memory_space<hbm>> -> memref<128xi32, #tpu.memory_space<hbm>>
      %dma_start3A_88 = arith.constant 0 : i32
      %dma_start3A_89 = tpu.memref_slice %arg2[%dma_start3A_84, %add3A_83, %dma_start3A_88] : memref<2x2500x128xi32, #tpu.memory_space<hbm>> -> memref<1x1x128xi32, #tpu.memory_space<hbm>>
      %dma_start3A_90 = tpu.memref_squeeze %dma_start3A_89 : memref<1x1x128xi32, #tpu.memory_space<hbm>> -> memref<128xi32, #tpu.memory_space<hbm>>
      tpu.enqueue_dma source(%dma_start3A_90 : memref<128xi32, #tpu.memory_space<hbm>>) target(%arg7 : memref<128xi32, #tpu.memory_space<vmem>>) target_semaphore(%arg13 : memref<!tpu.dma_semaphore, #tpu.memory_space<semaphore_mem>>)
    } else {
    }
    %gt3A_62 = arith.constant 78 : i32
    %gt3A_63 = arith.cmpi sgt, %select_n3A, %gt3A_62 : i32
    %convert_element_type3A_64 = arith.extui %gt3A_63 : i1 to i32
    %cond3A_65 = arith.constant 0 : i32
    %cond3A_66 = arith.cmpi ne, %convert_element_type3A_64, %cond3A_65 : i32
    scf.if %cond3A_66 {
      %add3A_82 = arith.constant 2496 : i32
      %add3A_83 = arith.addi %add3A_82, %add3A : i32
      %dma_wait3A = arith.constant 1 : i32
      %dma_wait3A_84 = arith.constant 0 : i32
      %dma_wait3A_85 = tpu.memref_slice %arg2[%dma_wait3A, %add3A_83, %dma_wait3A_84] : memref<2x2500x128xi32, #tpu.memory_space<hbm>> -> memref<1x1x128xi32, #tpu.memory_space<hbm>>
      %dma_wait3A_86 = tpu.memref_squeeze %dma_wait3A_85 : memref<1x1x128xi32, #tpu.memory_space<hbm>> -> memref<128xi32, #tpu.memory_space<hbm>>
      %dma_wait3A_87 = arith.constant 0 : i32
      %dma_wait3A_88 = tpu.memref_slice %arg2[%dma_wait3A, %add3A_83, %dma_wait3A_87] : memref<2x2500x128xi32, #tpu.memory_space<hbm>> -> memref<1x1x128xi32, #tpu.memory_space<hbm>>
      %dma_wait3A_89 = tpu.memref_squeeze %dma_wait3A_88 : memref<1x1x128xi32, #tpu.memory_space<hbm>> -> memref<128xi32, #tpu.memory_space<hbm>>
      tpu.wait_dma2 semaphore(%arg14 : memref<!tpu.dma_semaphore, #tpu.memory_space<semaphore_mem>>) src(%dma_wait3A_89 : memref<128xi32, #tpu.memory_space<hbm>>) dst(%arg8 : memref<128xi32, #tpu.memory_space<vmem>>)
      "tpu.region"() ({
        %run_scoped3A = tpu.sem_alloc : memref<!tpu.dma_semaphore, #tpu.memory_space<semaphore_mem>>
        %dma_start3A_90 = arith.constant 0 : i32
        %dma_start3A_91 = arith.constant 0 : i32
        %dma_start3A_92 = tpu.memref_slice %arg11[%dma_start3A_90, %dma_start3A_91] : memref<10112x16xf32, #tpu.memory_space<vmem_shared>> -> memref<10112x16xf32, #tpu.memory_space<vmem_shared>>
        tpu.enqueue_indirect_dma source(%arg10 : memref<128x16xf32, #tpu.memory_space<vmem>>) target(%dma_start3A_92 : memref<10112x16xf32, #tpu.memory_space<vmem_shared>>) offsets(%arg8 : memref<128xi32, #tpu.memory_space<vmem>>) semaphore(%run_scoped3A : memref<!tpu.dma_semaphore, #tpu.memory_space<semaphore_mem>>) {add = true}
        %dma_wait3A_93 = arith.constant 0 : i32
        %dma_wait3A_94 = arith.constant 0 : i32
        %dma_wait3A_95 = tpu.memref_slice %arg11[%dma_wait3A_93, %dma_wait3A_94] : memref<10112x16xf32, #tpu.memory_space<vmem_shared>> -> memref<10112x16xf32, #tpu.memory_space<vmem_shared>>
        tpu.wait_indirect_dma semaphore(%run_scoped3A : memref<!tpu.dma_semaphore, #tpu.memory_space<semaphore_mem>>) src(%arg10 : memref<128x16xf32, #tpu.memory_space<vmem>>) dst(%dma_wait3A_95 : memref<10112x16xf32, #tpu.memory_space<vmem_shared>>)
        tpu.yield
      }) : () -> ()
    } else {
    }
    %gt3A_67 = arith.constant 82 : i32
    %gt3A_68 = arith.cmpi sgt, %select_n3A, %gt3A_67 : i32
    %convert_element_type3A_69 = arith.extui %gt3A_68 : i1 to i32
    %cond3A_70 = arith.constant 0 : i32
    %cond3A_71 = arith.cmpi ne, %convert_element_type3A_69, %cond3A_70 : i32
    scf.if %cond3A_71 {
      %add3A_82 = arith.constant 2624 : i32
      %add3A_83 = arith.addi %add3A_82, %add3A : i32
      %dma_start3A_84 = arith.constant 1 : i32
      %dma_start3A_85 = arith.constant 0 : i32
      %dma_start3A_86 = tpu.memref_slice %arg2[%dma_start3A_84, %add3A_83, %dma_start3A_85] : memref<2x2500x128xi32, #tpu.memory_space<hbm>> -> memref<1x1x128xi32, #tpu.memory_space<hbm>>
      %dma_start3A_87 = tpu.memref_squeeze %dma_start3A_86 : memref<1x1x128xi32, #tpu.memory_space<hbm>> -> memref<128xi32, #tpu.memory_space<hbm>>
      %dma_start3A_88 = arith.constant 0 : i32
      %dma_start3A_89 = tpu.memref_slice %arg2[%dma_start3A_84, %add3A_83, %dma_start3A_88] : memref<2x2500x128xi32, #tpu.memory_space<hbm>> -> memref<1x1x128xi32, #tpu.memory_space<hbm>>
      %dma_start3A_90 = tpu.memref_squeeze %dma_start3A_89 : memref<1x1x128xi32, #tpu.memory_space<hbm>> -> memref<128xi32, #tpu.memory_space<hbm>>
      tpu.enqueue_dma source(%dma_start3A_90 : memref<128xi32, #tpu.memory_space<hbm>>) target(%arg8 : memref<128xi32, #tpu.memory_space<vmem>>) target_semaphore(%arg14 : memref<!tpu.dma_semaphore, #tpu.memory_space<semaphore_mem>>)
    } else {
    }
    %barrier3A_72 = arith.constant 0 : index
    tpu.barrier barrier_id(%barrier3A_72)
    %eq3A = arith.constant 0 : i32
    %eq3A_73 = arith.cmpi eq, %arg0, %eq3A : i32
    %convert_element_type3A_74 = arith.extui %eq3A_73 : i1 to i32
    %cond3A_75 = arith.constant 0 : i32
    %cond3A_76 = arith.cmpi ne, %convert_element_type3A_74, %cond3A_75 : i32
    scf.if %cond3A_76 {
      %lt3A_82 = arith.constant 15 : i32
      %lt3A_83 = arith.cmpi slt, %arg1, %lt3A_82 : i32
      %convert_element_type3A_84 = arith.extui %lt3A_83 : i1 to i32
      %cond3A_85 = arith.constant 0 : i32
      %cond3A_86 = arith.cmpi ne, %convert_element_type3A_84, %cond3A_85 : i32
      scf.if %cond3A_86 {
        %mul3A_92 = arith.constant 632 : i32
        %mul3A_93 = arith.muli %arg1, %mul3A_92 : i32
        "tpu.region"() ({
          %run_scoped3A = tpu.sem_alloc : memref<!tpu.dma_semaphore, #tpu.memory_space<semaphore_mem>>
          %dma_start3A_94 = arith.constant 0 : i32
          %dma_start3A_95 = tpu.memref_slice %arg5[%mul3A_93, %dma_start3A_94] : memref<10000x32xf32, #tpu.memory_space<hbm>> -> memref<632x16xf32, #tpu.memory_space<hbm>>
          %dma_start3A_96 = arith.constant 0 : i32
          %dma_start3A_97 = tpu.memref_slice %arg11[%mul3A_93, %dma_start3A_96] : memref<10112x16xf32, #tpu.memory_space<vmem_shared>> -> memref<632x16xf32, #tpu.memory_space<vmem_shared>>
          tpu.enqueue_dma source(%dma_start3A_97 : memref<632x16xf32, #tpu.memory_space<vmem_shared>>) target(%dma_start3A_95 : memref<632x16xf32, #tpu.memory_space<hbm>>) target_semaphore(%run_scoped3A : memref<!tpu.dma_semaphore, #tpu.memory_space<semaphore_mem>>)
          %dma_wait3A = arith.constant 0 : i32
          %dma_wait3A_98 = tpu.memref_slice %arg5[%mul3A_93, %dma_wait3A] : memref<10000x32xf32, #tpu.memory_space<hbm>> -> memref<632x16xf32, #tpu.memory_space<hbm>>
          %dma_wait3A_99 = arith.constant 0 : i32
          %dma_wait3A_100 = tpu.memref_slice %arg11[%mul3A_93, %dma_wait3A_99] : memref<10112x16xf32, #tpu.memory_space<vmem_shared>> -> memref<632x16xf32, #tpu.memory_space<vmem_shared>>
          tpu.wait_dma2 semaphore(%run_scoped3A : memref<!tpu.dma_semaphore, #tpu.memory_space<semaphore_mem>>) src(%dma_wait3A_100 : memref<632x16xf32, #tpu.memory_space<vmem_shared>>) dst(%dma_wait3A_98 : memref<632x16xf32, #tpu.memory_space<hbm>>)
          tpu.yield
        }) : () -> ()
      } else {
      }
      %eq3A_87 = arith.constant 15 : i32
      %eq3A_88 = arith.cmpi eq, %arg1, %eq3A_87 : i32
      %convert_element_type3A_89 = arith.extui %eq3A_88 : i1 to i32
      %cond3A_90 = arith.constant 0 : i32
      %cond3A_91 = arith.cmpi ne, %convert_element_type3A_89, %cond3A_90 : i32
      scf.if %cond3A_91 {
        "tpu.region"() ({
          %run_scoped3A = tpu.sem_alloc : memref<!tpu.dma_semaphore, #tpu.memory_space<semaphore_mem>>
          %dma_start3A_92 = arith.constant 9480 : i32
          %dma_start3A_93 = arith.constant 0 : i32
          %dma_start3A_94 = tpu.memref_slice %arg5[%dma_start3A_92, %dma_start3A_93] : memref<10000x32xf32, #tpu.memory_space<hbm>> -> memref<520x16xf32, #tpu.memory_space<hbm>>
          %dma_start3A_95 = arith.constant 9480 : i32
          %dma_start3A_96 = arith.constant 0 : i32
          %dma_start3A_97 = tpu.memref_slice %arg11[%dma_start3A_95, %dma_start3A_96] : memref<10112x16xf32, #tpu.memory_space<vmem_shared>> -> memref<520x16xf32, #tpu.memory_space<vmem_shared>>
          tpu.enqueue_dma source(%dma_start3A_97 : memref<520x16xf32, #tpu.memory_space<vmem_shared>>) target(%dma_start3A_94 : memref<520x16xf32, #tpu.memory_space<hbm>>) target_semaphore(%run_scoped3A : memref<!tpu.dma_semaphore, #tpu.memory_space<semaphore_mem>>)
          %dma_wait3A = arith.constant 9480 : i32
          %dma_wait3A_98 = arith.constant 0 : i32
          %dma_wait3A_99 = tpu.memref_slice %arg5[%dma_wait3A, %dma_wait3A_98] : memref<10000x32xf32, #tpu.memory_space<hbm>> -> memref<520x16xf32, #tpu.memory_space<hbm>>
          %dma_wait3A_100 = arith.constant 9480 : i32
          %dma_wait3A_101 = arith.constant 0 : i32
          %dma_wait3A_102 = tpu.memref_slice %arg11[%dma_wait3A_100, %dma_wait3A_101] : memref<10112x16xf32, #tpu.memory_space<vmem_shared>> -> memref<520x16xf32, #tpu.memory_space<vmem_shared>>
          tpu.wait_dma2 semaphore(%run_scoped3A : memref<!tpu.dma_semaphore, #tpu.memory_space<semaphore_mem>>) src(%dma_wait3A_102 : memref<520x16xf32, #tpu.memory_space<vmem_shared>>) dst(%dma_wait3A_99 : memref<520x16xf32, #tpu.memory_space<hbm>>)
          tpu.yield
        }) : () -> ()
      } else {
      }
    } else {
    }
    %eq3A_77 = arith.constant 1 : i32
    %eq3A_78 = arith.cmpi eq, %arg0, %eq3A_77 : i32
    %convert_element_type3A_79 = arith.extui %eq3A_78 : i1 to i32
    %cond3A_80 = arith.constant 0 : i32
    %cond3A_81 = arith.cmpi ne, %convert_element_type3A_79, %cond3A_80 : i32
    scf.if %cond3A_81 {
      %lt3A_82 = arith.constant 15 : i32
      %lt3A_83 = arith.cmpi slt, %arg1, %lt3A_82 : i32
      %convert_element_type3A_84 = arith.extui %lt3A_83 : i1 to i32
      %cond3A_85 = arith.constant 0 : i32
      %cond3A_86 = arith.cmpi ne, %convert_element_type3A_84, %cond3A_85 : i32
      scf.if %cond3A_86 {
        %mul3A_92 = arith.constant 632 : i32
        %mul3A_93 = arith.muli %arg1, %mul3A_92 : i32
        "tpu.region"() ({
          %run_scoped3A = tpu.sem_alloc : memref<!tpu.dma_semaphore, #tpu.memory_space<semaphore_mem>>
          %dma_start3A_94 = arith.constant 16 : i32
          %dma_start3A_95 = tpu.memref_slice %arg5[%mul3A_93, %dma_start3A_94] : memref<10000x32xf32, #tpu.memory_space<hbm>> -> memref<632x16xf32, #tpu.memory_space<hbm>>
          %dma_start3A_96 = arith.constant 0 : i32
          %dma_start3A_97 = tpu.memref_slice %arg11[%mul3A_93, %dma_start3A_96] : memref<10112x16xf32, #tpu.memory_space<vmem_shared>> -> memref<632x16xf32, #tpu.memory_space<vmem_shared>>
          tpu.enqueue_dma source(%dma_start3A_97 : memref<632x16xf32, #tpu.memory_space<vmem_shared>>) target(%dma_start3A_95 : memref<632x16xf32, #tpu.memory_space<hbm>>) target_semaphore(%run_scoped3A : memref<!tpu.dma_semaphore, #tpu.memory_space<semaphore_mem>>)
          %dma_wait3A = arith.constant 16 : i32
          %dma_wait3A_98 = tpu.memref_slice %arg5[%mul3A_93, %dma_wait3A] : memref<10000x32xf32, #tpu.memory_space<hbm>> -> memref<632x16xf32, #tpu.memory_space<hbm>>
          %dma_wait3A_99 = arith.constant 0 : i32
          %dma_wait3A_100 = tpu.memref_slice %arg11[%mul3A_93, %dma_wait3A_99] : memref<10112x16xf32, #tpu.memory_space<vmem_shared>> -> memref<632x16xf32, #tpu.memory_space<vmem_shared>>
          tpu.wait_dma2 semaphore(%run_scoped3A : memref<!tpu.dma_semaphore, #tpu.memory_space<semaphore_mem>>) src(%dma_wait3A_100 : memref<632x16xf32, #tpu.memory_space<vmem_shared>>) dst(%dma_wait3A_98 : memref<632x16xf32, #tpu.memory_space<hbm>>)
          tpu.yield
        }) : () -> ()
      } else {
      }
      %eq3A_87 = arith.constant 15 : i32
      %eq3A_88 = arith.cmpi eq, %arg1, %eq3A_87 : i32
      %convert_element_type3A_89 = arith.extui %eq3A_88 : i1 to i32
      %cond3A_90 = arith.constant 0 : i32
      %cond3A_91 = arith.cmpi ne, %convert_element_type3A_89, %cond3A_90 : i32
      scf.if %cond3A_91 {
        "tpu.region"() ({
          %run_scoped3A = tpu.sem_alloc : memref<!tpu.dma_semaphore, #tpu.memory_space<semaphore_mem>>
          %dma_start3A_92 = arith.constant 9480 : i32
          %dma_start3A_93 = arith.constant 16 : i32
          %dma_start3A_94 = tpu.memref_slice %arg5[%dma_start3A_92, %dma_start3A_93] : memref<10000x32xf32, #tpu.memory_space<hbm>> -> memref<520x16xf32, #tpu.memory_space<hbm>>
          %dma_start3A_95 = arith.constant 9480 : i32
          %dma_start3A_96 = arith.constant 0 : i32
          %dma_start3A_97 = tpu.memref_slice %arg11[%dma_start3A_95, %dma_start3A_96] : memref<10112x16xf32, #tpu.memory_space<vmem_shared>> -> memref<520x16xf32, #tpu.memory_space<vmem_shared>>
          tpu.enqueue_dma source(%dma_start3A_97 : memref<520x16xf32, #tpu.memory_space<vmem_shared>>) target(%dma_start3A_94 : memref<520x16xf32, #tpu.memory_space<hbm>>) target_semaphore(%run_scoped3A : memref<!tpu.dma_semaphore, #tpu.memory_space<semaphore_mem>>)
          %dma_wait3A = arith.constant 9480 : i32
          %dma_wait3A_98 = arith.constant 16 : i32
          %dma_wait3A_99 = tpu.memref_slice %arg5[%dma_wait3A, %dma_wait3A_98] : memref<10000x32xf32, #tpu.memory_space<hbm>> -> memref<520x16xf32, #tpu.memory_space<hbm>>
          %dma_wait3A_100 = arith.constant 9480 : i32
          %dma_wait3A_101 = arith.constant 0 : i32
          %dma_wait3A_102 = tpu.memref_slice %arg11[%dma_wait3A_100, %dma_wait3A_101] : memref<10112x16xf32, #tpu.memory_space<vmem_shared>> -> memref<520x16xf32, #tpu.memory_space<vmem_shared>>
          tpu.wait_dma2 semaphore(%run_scoped3A : memref<!tpu.dma_semaphore, #tpu.memory_space<semaphore_mem>>) src(%dma_wait3A_102 : memref<520x16xf32, #tpu.memory_space<vmem_shared>>) dst(%dma_wait3A_99 : memref<520x16xf32, #tpu.memory_space<hbm>>)
          tpu.yield
        }) : () -> ()
      } else {
      }
    } else {
    }
    return
  }
}

#map = affine_map<(d0, d1) -> (0, 0)>
#map1 = affine_map<(d0, d1) -> (0, 0, 0)>
module attributes {stable_mosaic.version = 14 : i64} {
  func.func @sc_agg(%arg0: i32, %arg1: i32, %arg2: memref<10000x48xf32, #tpu.memory_space<hbm>>, %arg3: memref<2x2500x128xi32, #tpu.memory_space<hbm>>, %arg4: memref<632x24xf32, #tpu.memory_space<hbm>>, %arg5: memref<10000x32xf32, #tpu.memory_space<hbm>>, %arg6: memref<10000x48xf32, #tpu.memory_space<hbm>>, %arg7: memref<128xi32, #tpu.memory_space<vmem>>, %arg8: memref<128xi32, #tpu.memory_space<vmem>>, %arg9: memref<128xi32, #tpu.memory_space<vmem>>, %arg10: memref<128xi32, #tpu.memory_space<vmem>>, %arg11: memref<128xi32, #tpu.memory_space<vmem>>, %arg12: memref<128xi32, #tpu.memory_space<vmem>>, %arg13: memref<128xi32, #tpu.memory_space<vmem>>, %arg14: memref<128xi32, #tpu.memory_space<vmem>>, %arg15: memref<128x24xf32, #tpu.memory_space<vmem>>, %arg16: memref<128x24xf32, #tpu.memory_space<vmem>>, %arg17: memref<128x24xf32, #tpu.memory_space<vmem>>, %arg18: memref<128x24xf32, #tpu.memory_space<vmem>>, %arg19: memref<10000x24xf32, #tpu.memory_space<vmem_shared>>, %arg20: memref<10112x24xf32, #tpu.memory_space<vmem_shared>>, %arg21: memref<!tpu.dma_semaphore, #tpu.memory_space<semaphore_mem>>, %arg22: memref<!tpu.dma_semaphore, #tpu.memory_space<semaphore_mem>>, %arg23: memref<!tpu.dma_semaphore, #tpu.memory_space<semaphore_mem>>, %arg24: memref<!tpu.dma_semaphore, #tpu.memory_space<semaphore_mem>>, %arg25: memref<!tpu.dma_semaphore, #tpu.memory_space<semaphore_mem>>, %arg26: memref<!tpu.dma_semaphore, #tpu.memory_space<semaphore_mem>>, %arg27: memref<!tpu.dma_semaphore, #tpu.memory_space<semaphore_mem>>, %arg28: memref<!tpu.dma_semaphore, #tpu.memory_space<semaphore_mem>>, %arg29: memref<!tpu.dma_semaphore, #tpu.memory_space<semaphore_mem>>, %arg30: memref<!tpu.dma_semaphore, #tpu.memory_space<semaphore_mem>>, %arg31: memref<!tpu.dma_semaphore, #tpu.memory_space<semaphore_mem>>, %arg32: memref<!tpu.dma_semaphore, #tpu.memory_space<semaphore_mem>>) attributes {dimension_semantics = [#tpu.dimension_semantics<core_parallel>, #tpu.dimension_semantics<subcore_parallel>], iteration_bounds = array<i64: 2, 16>, scalar_prefetch = 0 : i64, scratch_operands = 26 : i64, tpu.core_type = #tpu.core_type<sc_vector_subcore>, window_params = [{transform_indices = #map}, {transform_indices = #map1}, {transform_indices = #map}, {transform_indices = #map}, {transform_indices = #map}]} {
    %lt3A = arith.constant 4 : i32
    %lt3A_0 = arith.cmpi slt, %arg1, %lt3A : i32
    %jit3A = arith.constant 157 : i32
    %jit3A_1 = arith.constant 156 : i32
    %select_n3A = arith.select %lt3A_0, %jit3A, %jit3A_1 : i32
    %eq3A = arith.constant 0 : i32
    %eq3A_2 = arith.cmpi eq, %arg0, %eq3A : i32
    %convert_element_type3A = arith.extui %eq3A_2 : i1 to i32
    %cond3A = arith.constant 0 : i32
    %cond3A_3 = arith.cmpi ne, %convert_element_type3A, %cond3A : i32
    scf.if %cond3A_3 {
      %lt3A_145 = arith.constant 15 : i32
      %lt3A_146 = arith.cmpi slt, %arg1, %lt3A_145 : i32
      %convert_element_type3A_147 = arith.extui %lt3A_146 : i1 to i32
      %cond3A_148 = arith.constant 0 : i32
      %cond3A_149 = arith.cmpi ne, %convert_element_type3A_147, %cond3A_148 : i32
      scf.if %cond3A_149 {
        %mul3A_155 = arith.constant 632 : i32
        %mul3A_156 = arith.muli %arg1, %mul3A_155 : i32
        "tpu.region"() ({
          %run_scoped3A = tpu.sem_alloc : memref<!tpu.dma_semaphore, #tpu.memory_space<semaphore_mem>>
          %dma_start3A_157 = arith.constant 0 : i32
          %dma_start3A_158 = tpu.memref_slice %arg19[%mul3A_156, %dma_start3A_157] : memref<10000x24xf32, #tpu.memory_space<vmem_shared>> -> memref<632x24xf32, #tpu.memory_space<vmem_shared>>
          %dma_start3A_159 = arith.constant 0 : i32
          %dma_start3A_160 = tpu.memref_slice %arg2[%mul3A_156, %dma_start3A_159] : memref<10000x48xf32, #tpu.memory_space<hbm>> -> memref<632x24xf32, #tpu.memory_space<hbm>>
          tpu.enqueue_dma source(%dma_start3A_160 : memref<632x24xf32, #tpu.memory_space<hbm>>) target(%dma_start3A_158 : memref<632x24xf32, #tpu.memory_space<vmem_shared>>) target_semaphore(%run_scoped3A : memref<!tpu.dma_semaphore, #tpu.memory_space<semaphore_mem>>)
          %dma_wait3A_161 = arith.constant 0 : i32
          %dma_wait3A_162 = tpu.memref_slice %arg19[%mul3A_156, %dma_wait3A_161] : memref<10000x24xf32, #tpu.memory_space<vmem_shared>> -> memref<632x24xf32, #tpu.memory_space<vmem_shared>>
          %dma_wait3A_163 = arith.constant 0 : i32
          %dma_wait3A_164 = tpu.memref_slice %arg2[%mul3A_156, %dma_wait3A_163] : memref<10000x48xf32, #tpu.memory_space<hbm>> -> memref<632x24xf32, #tpu.memory_space<hbm>>
          tpu.wait_dma2 semaphore(%run_scoped3A : memref<!tpu.dma_semaphore, #tpu.memory_space<semaphore_mem>>) src(%dma_wait3A_164 : memref<632x24xf32, #tpu.memory_space<hbm>>) dst(%dma_wait3A_162 : memref<632x24xf32, #tpu.memory_space<vmem_shared>>)
          tpu.yield
        }) : () -> ()
      } else {
      }
      %eq3A_150 = arith.constant 15 : i32
      %eq3A_151 = arith.cmpi eq, %arg1, %eq3A_150 : i32
      %convert_element_type3A_152 = arith.extui %eq3A_151 : i1 to i32
      %cond3A_153 = arith.constant 0 : i32
      %cond3A_154 = arith.cmpi ne, %convert_element_type3A_152, %cond3A_153 : i32
      scf.if %cond3A_154 {
        "tpu.region"() ({
          %run_scoped3A = tpu.sem_alloc : memref<!tpu.dma_semaphore, #tpu.memory_space<semaphore_mem>>
          %dma_start3A_155 = arith.constant 9480 : i32
          %dma_start3A_156 = arith.constant 0 : i32
          %dma_start3A_157 = tpu.memref_slice %arg19[%dma_start3A_155, %dma_start3A_156] : memref<10000x24xf32, #tpu.memory_space<vmem_shared>> -> memref<520x24xf32, #tpu.memory_space<vmem_shared>>
          %dma_start3A_158 = arith.constant 9480 : i32
          %dma_start3A_159 = arith.constant 0 : i32
          %dma_start3A_160 = tpu.memref_slice %arg2[%dma_start3A_158, %dma_start3A_159] : memref<10000x48xf32, #tpu.memory_space<hbm>> -> memref<520x24xf32, #tpu.memory_space<hbm>>
          tpu.enqueue_dma source(%dma_start3A_160 : memref<520x24xf32, #tpu.memory_space<hbm>>) target(%dma_start3A_157 : memref<520x24xf32, #tpu.memory_space<vmem_shared>>) target_semaphore(%run_scoped3A : memref<!tpu.dma_semaphore, #tpu.memory_space<semaphore_mem>>)
          %dma_wait3A_161 = arith.constant 9480 : i32
          %dma_wait3A_162 = arith.constant 0 : i32
          %dma_wait3A_163 = tpu.memref_slice %arg19[%dma_wait3A_161, %dma_wait3A_162] : memref<10000x24xf32, #tpu.memory_space<vmem_shared>> -> memref<520x24xf32, #tpu.memory_space<vmem_shared>>
          %dma_wait3A_164 = arith.constant 9480 : i32
          %dma_wait3A_165 = arith.constant 0 : i32
          %dma_wait3A_166 = tpu.memref_slice %arg2[%dma_wait3A_164, %dma_wait3A_165] : memref<10000x48xf32, #tpu.memory_space<hbm>> -> memref<520x24xf32, #tpu.memory_space<hbm>>
          tpu.wait_dma2 semaphore(%run_scoped3A : memref<!tpu.dma_semaphore, #tpu.memory_space<semaphore_mem>>) src(%dma_wait3A_166 : memref<520x24xf32, #tpu.memory_space<hbm>>) dst(%dma_wait3A_163 : memref<520x24xf32, #tpu.memory_space<vmem_shared>>)
          tpu.yield
        }) : () -> ()
      } else {
      }
    } else {
    }
    %eq3A_4 = arith.constant 1 : i32
    %eq3A_5 = arith.cmpi eq, %arg0, %eq3A_4 : i32
    %convert_element_type3A_6 = arith.extui %eq3A_5 : i1 to i32
    %cond3A_7 = arith.constant 0 : i32
    %cond3A_8 = arith.cmpi ne, %convert_element_type3A_6, %cond3A_7 : i32
    scf.if %cond3A_8 {
      %lt3A_145 = arith.constant 15 : i32
      %lt3A_146 = arith.cmpi slt, %arg1, %lt3A_145 : i32
      %convert_element_type3A_147 = arith.extui %lt3A_146 : i1 to i32
      %cond3A_148 = arith.constant 0 : i32
      %cond3A_149 = arith.cmpi ne, %convert_element_type3A_147, %cond3A_148 : i32
      scf.if %cond3A_149 {
        %mul3A_155 = arith.constant 632 : i32
        %mul3A_156 = arith.muli %arg1, %mul3A_155 : i32
        "tpu.region"() ({
          %run_scoped3A = tpu.sem_alloc : memref<!tpu.dma_semaphore, #tpu.memory_space<semaphore_mem>>
          %dma_start3A_157 = arith.constant 0 : i32
          %dma_start3A_158 = tpu.memref_slice %arg19[%mul3A_156, %dma_start3A_157] : memref<10000x24xf32, #tpu.memory_space<vmem_shared>> -> memref<632x24xf32, #tpu.memory_space<vmem_shared>>
          %dma_start3A_159 = arith.constant 24 : i32
          %dma_start3A_160 = tpu.memref_slice %arg2[%mul3A_156, %dma_start3A_159] : memref<10000x48xf32, #tpu.memory_space<hbm>> -> memref<632x24xf32, #tpu.memory_space<hbm>>
          tpu.enqueue_dma source(%dma_start3A_160 : memref<632x24xf32, #tpu.memory_space<hbm>>) target(%dma_start3A_158 : memref<632x24xf32, #tpu.memory_space<vmem_shared>>) target_semaphore(%run_scoped3A : memref<!tpu.dma_semaphore, #tpu.memory_space<semaphore_mem>>)
          %dma_wait3A_161 = arith.constant 0 : i32
          %dma_wait3A_162 = tpu.memref_slice %arg19[%mul3A_156, %dma_wait3A_161] : memref<10000x24xf32, #tpu.memory_space<vmem_shared>> -> memref<632x24xf32, #tpu.memory_space<vmem_shared>>
          %dma_wait3A_163 = arith.constant 24 : i32
          %dma_wait3A_164 = tpu.memref_slice %arg2[%mul3A_156, %dma_wait3A_163] : memref<10000x48xf32, #tpu.memory_space<hbm>> -> memref<632x24xf32, #tpu.memory_space<hbm>>
          tpu.wait_dma2 semaphore(%run_scoped3A : memref<!tpu.dma_semaphore, #tpu.memory_space<semaphore_mem>>) src(%dma_wait3A_164 : memref<632x24xf32, #tpu.memory_space<hbm>>) dst(%dma_wait3A_162 : memref<632x24xf32, #tpu.memory_space<vmem_shared>>)
          tpu.yield
        }) : () -> ()
      } else {
      }
      %eq3A_150 = arith.constant 15 : i32
      %eq3A_151 = arith.cmpi eq, %arg1, %eq3A_150 : i32
      %convert_element_type3A_152 = arith.extui %eq3A_151 : i1 to i32
      %cond3A_153 = arith.constant 0 : i32
      %cond3A_154 = arith.cmpi ne, %convert_element_type3A_152, %cond3A_153 : i32
      scf.if %cond3A_154 {
        "tpu.region"() ({
          %run_scoped3A = tpu.sem_alloc : memref<!tpu.dma_semaphore, #tpu.memory_space<semaphore_mem>>
          %dma_start3A_155 = arith.constant 9480 : i32
          %dma_start3A_156 = arith.constant 0 : i32
          %dma_start3A_157 = tpu.memref_slice %arg19[%dma_start3A_155, %dma_start3A_156] : memref<10000x24xf32, #tpu.memory_space<vmem_shared>> -> memref<520x24xf32, #tpu.memory_space<vmem_shared>>
          %dma_start3A_158 = arith.constant 9480 : i32
          %dma_start3A_159 = arith.constant 24 : i32
          %dma_start3A_160 = tpu.memref_slice %arg2[%dma_start3A_158, %dma_start3A_159] : memref<10000x48xf32, #tpu.memory_space<hbm>> -> memref<520x24xf32, #tpu.memory_space<hbm>>
          tpu.enqueue_dma source(%dma_start3A_160 : memref<520x24xf32, #tpu.memory_space<hbm>>) target(%dma_start3A_157 : memref<520x24xf32, #tpu.memory_space<vmem_shared>>) target_semaphore(%run_scoped3A : memref<!tpu.dma_semaphore, #tpu.memory_space<semaphore_mem>>)
          %dma_wait3A_161 = arith.constant 9480 : i32
          %dma_wait3A_162 = arith.constant 0 : i32
          %dma_wait3A_163 = tpu.memref_slice %arg19[%dma_wait3A_161, %dma_wait3A_162] : memref<10000x24xf32, #tpu.memory_space<vmem_shared>> -> memref<520x24xf32, #tpu.memory_space<vmem_shared>>
          %dma_wait3A_164 = arith.constant 9480 : i32
          %dma_wait3A_165 = arith.constant 24 : i32
          %dma_wait3A_166 = tpu.memref_slice %arg2[%dma_wait3A_164, %dma_wait3A_165] : memref<10000x48xf32, #tpu.memory_space<hbm>> -> memref<520x24xf32, #tpu.memory_space<hbm>>
          tpu.wait_dma2 semaphore(%run_scoped3A : memref<!tpu.dma_semaphore, #tpu.memory_space<semaphore_mem>>) src(%dma_wait3A_166 : memref<520x24xf32, #tpu.memory_space<hbm>>) dst(%dma_wait3A_163 : memref<520x24xf32, #tpu.memory_space<vmem_shared>>)
          tpu.yield
        }) : () -> ()
      } else {
      }
    } else {
    }
    %mul3A = arith.constant 632 : i32
    %mul3A_9 = arith.muli %arg1, %mul3A : i32
    "tpu.region"() ({
      %run_scoped3A = tpu.sem_alloc : memref<!tpu.dma_semaphore, #tpu.memory_space<semaphore_mem>>
      %dma_start3A_145 = arith.constant 0 : i32
      %dma_start3A_146 = tpu.memref_slice %arg20[%mul3A_9, %dma_start3A_145] : memref<10112x24xf32, #tpu.memory_space<vmem_shared>> -> memref<632x24xf32, #tpu.memory_space<vmem_shared>>
      tpu.enqueue_dma source(%arg4 : memref<632x24xf32, #tpu.memory_space<hbm>>) target(%dma_start3A_146 : memref<632x24xf32, #tpu.memory_space<vmem_shared>>) target_semaphore(%run_scoped3A : memref<!tpu.dma_semaphore, #tpu.memory_space<semaphore_mem>>)
      %dma_wait3A_147 = arith.constant 0 : i32
      %dma_wait3A_148 = tpu.memref_slice %arg20[%mul3A_9, %dma_wait3A_147] : memref<10112x24xf32, #tpu.memory_space<vmem_shared>> -> memref<632x24xf32, #tpu.memory_space<vmem_shared>>
      tpu.wait_dma2 semaphore(%run_scoped3A : memref<!tpu.dma_semaphore, #tpu.memory_space<semaphore_mem>>) src(%arg4 : memref<632x24xf32, #tpu.memory_space<hbm>>) dst(%dma_wait3A_148 : memref<632x24xf32, #tpu.memory_space<vmem_shared>>)
      tpu.yield
    }) : () -> ()
    %barrier3A = arith.constant 0 : index
    tpu.barrier barrier_id(%barrier3A)
    %add3A = arith.constant 0 : i32
    %add3A_10 = arith.addi %add3A, %arg1 : i32
    %dma_start3A = arith.constant 0 : i32
    %dma_start3A_11 = arith.constant 0 : i32
    %dma_start3A_12 = tpu.memref_slice %arg3[%dma_start3A, %add3A_10, %dma_start3A_11] : memref<2x2500x128xi32, #tpu.memory_space<hbm>> -> memref<1x1x128xi32, #tpu.memory_space<hbm>>
    %dma_start3A_13 = tpu.memref_squeeze %dma_start3A_12 : memref<1x1x128xi32, #tpu.memory_space<hbm>> -> memref<128xi32, #tpu.memory_space<hbm>>
    %dma_start3A_14 = arith.constant 0 : i32
    %dma_start3A_15 = tpu.memref_slice %arg3[%dma_start3A, %add3A_10, %dma_start3A_14] : memref<2x2500x128xi32, #tpu.memory_space<hbm>> -> memref<1x1x128xi32, #tpu.memory_space<hbm>>
    %dma_start3A_16 = tpu.memref_squeeze %dma_start3A_15 : memref<1x1x128xi32, #tpu.memory_space<hbm>> -> memref<128xi32, #tpu.memory_space<hbm>>
    tpu.enqueue_dma source(%dma_start3A_16 : memref<128xi32, #tpu.memory_space<hbm>>) target(%arg7 : memref<128xi32, #tpu.memory_space<vmem>>) target_semaphore(%arg21 : memref<!tpu.dma_semaphore, #tpu.memory_space<semaphore_mem>>)
    %add3A_17 = arith.constant 0 : i32
    %add3A_18 = arith.addi %add3A_17, %arg1 : i32
    %dma_start3A_19 = arith.constant 1 : i32
    %dma_start3A_20 = arith.constant 0 : i32
    %dma_start3A_21 = tpu.memref_slice %arg3[%dma_start3A_19, %add3A_18, %dma_start3A_20] : memref<2x2500x128xi32, #tpu.memory_space<hbm>> -> memref<1x1x128xi32, #tpu.memory_space<hbm>>
    %dma_start3A_22 = tpu.memref_squeeze %dma_start3A_21 : memref<1x1x128xi32, #tpu.memory_space<hbm>> -> memref<128xi32, #tpu.memory_space<hbm>>
    %dma_start3A_23 = arith.constant 0 : i32
    %dma_start3A_24 = tpu.memref_slice %arg3[%dma_start3A_19, %add3A_18, %dma_start3A_23] : memref<2x2500x128xi32, #tpu.memory_space<hbm>> -> memref<1x1x128xi32, #tpu.memory_space<hbm>>
    %dma_start3A_25 = tpu.memref_squeeze %dma_start3A_24 : memref<1x1x128xi32, #tpu.memory_space<hbm>> -> memref<128xi32, #tpu.memory_space<hbm>>
    tpu.enqueue_dma source(%dma_start3A_25 : memref<128xi32, #tpu.memory_space<hbm>>) target(%arg11 : memref<128xi32, #tpu.memory_space<vmem>>) target_semaphore(%arg25 : memref<!tpu.dma_semaphore, #tpu.memory_space<semaphore_mem>>)
    %add3A_26 = arith.constant 16 : i32
    %add3A_27 = arith.addi %add3A_26, %arg1 : i32
    %dma_start3A_28 = arith.constant 0 : i32
    %dma_start3A_29 = arith.constant 0 : i32
    %dma_start3A_30 = tpu.memref_slice %arg3[%dma_start3A_28, %add3A_27, %dma_start3A_29] : memref<2x2500x128xi32, #tpu.memory_space<hbm>> -> memref<1x1x128xi32, #tpu.memory_space<hbm>>
    %dma_start3A_31 = tpu.memref_squeeze %dma_start3A_30 : memref<1x1x128xi32, #tpu.memory_space<hbm>> -> memref<128xi32, #tpu.memory_space<hbm>>
    %dma_start3A_32 = arith.constant 0 : i32
    %dma_start3A_33 = tpu.memref_slice %arg3[%dma_start3A_28, %add3A_27, %dma_start3A_32] : memref<2x2500x128xi32, #tpu.memory_space<hbm>> -> memref<1x1x128xi32, #tpu.memory_space<hbm>>
    %dma_start3A_34 = tpu.memref_squeeze %dma_start3A_33 : memref<1x1x128xi32, #tpu.memory_space<hbm>> -> memref<128xi32, #tpu.memory_space<hbm>>
    tpu.enqueue_dma source(%dma_start3A_34 : memref<128xi32, #tpu.memory_space<hbm>>) target(%arg8 : memref<128xi32, #tpu.memory_space<vmem>>) target_semaphore(%arg22 : memref<!tpu.dma_semaphore, #tpu.memory_space<semaphore_mem>>)
    %add3A_35 = arith.constant 16 : i32
    %add3A_36 = arith.addi %add3A_35, %arg1 : i32
    %dma_start3A_37 = arith.constant 1 : i32
    %dma_start3A_38 = arith.constant 0 : i32
    %dma_start3A_39 = tpu.memref_slice %arg3[%dma_start3A_37, %add3A_36, %dma_start3A_38] : memref<2x2500x128xi32, #tpu.memory_space<hbm>> -> memref<1x1x128xi32, #tpu.memory_space<hbm>>
    %dma_start3A_40 = tpu.memref_squeeze %dma_start3A_39 : memref<1x1x128xi32, #tpu.memory_space<hbm>> -> memref<128xi32, #tpu.memory_space<hbm>>
    %dma_start3A_41 = arith.constant 0 : i32
    %dma_start3A_42 = tpu.memref_slice %arg3[%dma_start3A_37, %add3A_36, %dma_start3A_41] : memref<2x2500x128xi32, #tpu.memory_space<hbm>> -> memref<1x1x128xi32, #tpu.memory_space<hbm>>
    %dma_start3A_43 = tpu.memref_squeeze %dma_start3A_42 : memref<1x1x128xi32, #tpu.memory_space<hbm>> -> memref<128xi32, #tpu.memory_space<hbm>>
    tpu.enqueue_dma source(%dma_start3A_43 : memref<128xi32, #tpu.memory_space<hbm>>) target(%arg12 : memref<128xi32, #tpu.memory_space<vmem>>) target_semaphore(%arg26 : memref<!tpu.dma_semaphore, #tpu.memory_space<semaphore_mem>>)
    %add3A_44 = arith.constant 32 : i32
    %add3A_45 = arith.addi %add3A_44, %arg1 : i32
    %dma_start3A_46 = arith.constant 0 : i32
    %dma_start3A_47 = arith.constant 0 : i32
    %dma_start3A_48 = tpu.memref_slice %arg3[%dma_start3A_46, %add3A_45, %dma_start3A_47] : memref<2x2500x128xi32, #tpu.memory_space<hbm>> -> memref<1x1x128xi32, #tpu.memory_space<hbm>>
    %dma_start3A_49 = tpu.memref_squeeze %dma_start3A_48 : memref<1x1x128xi32, #tpu.memory_space<hbm>> -> memref<128xi32, #tpu.memory_space<hbm>>
    %dma_start3A_50 = arith.constant 0 : i32
    %dma_start3A_51 = tpu.memref_slice %arg3[%dma_start3A_46, %add3A_45, %dma_start3A_50] : memref<2x2500x128xi32, #tpu.memory_space<hbm>> -> memref<1x1x128xi32, #tpu.memory_space<hbm>>
    %dma_start3A_52 = tpu.memref_squeeze %dma_start3A_51 : memref<1x1x128xi32, #tpu.memory_space<hbm>> -> memref<128xi32, #tpu.memory_space<hbm>>
    tpu.enqueue_dma source(%dma_start3A_52 : memref<128xi32, #tpu.memory_space<hbm>>) target(%arg9 : memref<128xi32, #tpu.memory_space<vmem>>) target_semaphore(%arg23 : memref<!tpu.dma_semaphore, #tpu.memory_space<semaphore_mem>>)
    %add3A_53 = arith.constant 32 : i32
    %add3A_54 = arith.addi %add3A_53, %arg1 : i32
    %dma_start3A_55 = arith.constant 1 : i32
    %dma_start3A_56 = arith.constant 0 : i32
    %dma_start3A_57 = tpu.memref_slice %arg3[%dma_start3A_55, %add3A_54, %dma_start3A_56] : memref<2x2500x128xi32, #tpu.memory_space<hbm>> -> memref<1x1x128xi32, #tpu.memory_space<hbm>>
    %dma_start3A_58 = tpu.memref_squeeze %dma_start3A_57 : memref<1x1x128xi32, #tpu.memory_space<hbm>> -> memref<128xi32, #tpu.memory_space<hbm>>
    %dma_start3A_59 = arith.constant 0 : i32
    %dma_start3A_60 = tpu.memref_slice %arg3[%dma_start3A_55, %add3A_54, %dma_start3A_59] : memref<2x2500x128xi32, #tpu.memory_space<hbm>> -> memref<1x1x128xi32, #tpu.memory_space<hbm>>
    %dma_start3A_61 = tpu.memref_squeeze %dma_start3A_60 : memref<1x1x128xi32, #tpu.memory_space<hbm>> -> memref<128xi32, #tpu.memory_space<hbm>>
    tpu.enqueue_dma source(%dma_start3A_61 : memref<128xi32, #tpu.memory_space<hbm>>) target(%arg13 : memref<128xi32, #tpu.memory_space<vmem>>) target_semaphore(%arg27 : memref<!tpu.dma_semaphore, #tpu.memory_space<semaphore_mem>>)
    %add3A_62 = arith.constant 48 : i32
    %add3A_63 = arith.addi %add3A_62, %arg1 : i32
    %dma_start3A_64 = arith.constant 0 : i32
    %dma_start3A_65 = arith.constant 0 : i32
    %dma_start3A_66 = tpu.memref_slice %arg3[%dma_start3A_64, %add3A_63, %dma_start3A_65] : memref<2x2500x128xi32, #tpu.memory_space<hbm>> -> memref<1x1x128xi32, #tpu.memory_space<hbm>>
    %dma_start3A_67 = tpu.memref_squeeze %dma_start3A_66 : memref<1x1x128xi32, #tpu.memory_space<hbm>> -> memref<128xi32, #tpu.memory_space<hbm>>
    %dma_start3A_68 = arith.constant 0 : i32
    %dma_start3A_69 = tpu.memref_slice %arg3[%dma_start3A_64, %add3A_63, %dma_start3A_68] : memref<2x2500x128xi32, #tpu.memory_space<hbm>> -> memref<1x1x128xi32, #tpu.memory_space<hbm>>
    %dma_start3A_70 = tpu.memref_squeeze %dma_start3A_69 : memref<1x1x128xi32, #tpu.memory_space<hbm>> -> memref<128xi32, #tpu.memory_space<hbm>>
    tpu.enqueue_dma source(%dma_start3A_70 : memref<128xi32, #tpu.memory_space<hbm>>) target(%arg10 : memref<128xi32, #tpu.memory_space<vmem>>) target_semaphore(%arg24 : memref<!tpu.dma_semaphore, #tpu.memory_space<semaphore_mem>>)
    %add3A_71 = arith.constant 48 : i32
    %add3A_72 = arith.addi %add3A_71, %arg1 : i32
    %dma_start3A_73 = arith.constant 1 : i32
    %dma_start3A_74 = arith.constant 0 : i32
    %dma_start3A_75 = tpu.memref_slice %arg3[%dma_start3A_73, %add3A_72, %dma_start3A_74] : memref<2x2500x128xi32, #tpu.memory_space<hbm>> -> memref<1x1x128xi32, #tpu.memory_space<hbm>>
    %dma_start3A_76 = tpu.memref_squeeze %dma_start3A_75 : memref<1x1x128xi32, #tpu.memory_space<hbm>> -> memref<128xi32, #tpu.memory_space<hbm>>
    %dma_start3A_77 = arith.constant 0 : i32
    %dma_start3A_78 = tpu.memref_slice %arg3[%dma_start3A_73, %add3A_72, %dma_start3A_77] : memref<2x2500x128xi32, #tpu.memory_space<hbm>> -> memref<1x1x128xi32, #tpu.memory_space<hbm>>
    %dma_start3A_79 = tpu.memref_squeeze %dma_start3A_78 : memref<1x1x128xi32, #tpu.memory_space<hbm>> -> memref<128xi32, #tpu.memory_space<hbm>>
    tpu.enqueue_dma source(%dma_start3A_79 : memref<128xi32, #tpu.memory_space<hbm>>) target(%arg14 : memref<128xi32, #tpu.memory_space<vmem>>) target_semaphore(%arg28 : memref<!tpu.dma_semaphore, #tpu.memory_space<semaphore_mem>>)
    %add3A_80 = arith.constant 0 : i32
    %add3A_81 = arith.addi %add3A_80, %arg1 : i32
    %dma_wait3A = arith.constant 0 : i32
    %dma_wait3A_82 = arith.constant 0 : i32
    %dma_wait3A_83 = tpu.memref_slice %arg3[%dma_wait3A, %add3A_81, %dma_wait3A_82] : memref<2x2500x128xi32, #tpu.memory_space<hbm>> -> memref<1x1x128xi32, #tpu.memory_space<hbm>>
    %dma_wait3A_84 = tpu.memref_squeeze %dma_wait3A_83 : memref<1x1x128xi32, #tpu.memory_space<hbm>> -> memref<128xi32, #tpu.memory_space<hbm>>
    %dma_wait3A_85 = arith.constant 0 : i32
    %dma_wait3A_86 = tpu.memref_slice %arg3[%dma_wait3A, %add3A_81, %dma_wait3A_85] : memref<2x2500x128xi32, #tpu.memory_space<hbm>> -> memref<1x1x128xi32, #tpu.memory_space<hbm>>
    %dma_wait3A_87 = tpu.memref_squeeze %dma_wait3A_86 : memref<1x1x128xi32, #tpu.memory_space<hbm>> -> memref<128xi32, #tpu.memory_space<hbm>>
    tpu.wait_dma2 semaphore(%arg21 : memref<!tpu.dma_semaphore, #tpu.memory_space<semaphore_mem>>) src(%dma_wait3A_87 : memref<128xi32, #tpu.memory_space<hbm>>) dst(%arg7 : memref<128xi32, #tpu.memory_space<vmem>>)
    %dma_start3A_88 = arith.constant 0 : i32
    %dma_start3A_89 = arith.constant 0 : i32
    %dma_start3A_90 = tpu.memref_slice %arg19[%dma_start3A_88, %dma_start3A_89] : memref<10000x24xf32, #tpu.memory_space<vmem_shared>> -> memref<10000x24xf32, #tpu.memory_space<vmem_shared>>
    tpu.enqueue_indirect_dma source(%dma_start3A_90 : memref<10000x24xf32, #tpu.memory_space<vmem_shared>>) target(%arg15 : memref<128x24xf32, #tpu.memory_space<vmem>>) offsets(%arg7 : memref<128xi32, #tpu.memory_space<vmem>>) semaphore(%arg29 : memref<!tpu.dma_semaphore, #tpu.memory_space<semaphore_mem>>)
    %add3A_91 = arith.constant 16 : i32
    %add3A_92 = arith.addi %add3A_91, %arg1 : i32
    %dma_wait3A_93 = arith.constant 0 : i32
    %dma_wait3A_94 = arith.constant 0 : i32
    %dma_wait3A_95 = tpu.memref_slice %arg3[%dma_wait3A_93, %add3A_92, %dma_wait3A_94] : memref<2x2500x128xi32, #tpu.memory_space<hbm>> -> memref<1x1x128xi32, #tpu.memory_space<hbm>>
    %dma_wait3A_96 = tpu.memref_squeeze %dma_wait3A_95 : memref<1x1x128xi32, #tpu.memory_space<hbm>> -> memref<128xi32, #tpu.memory_space<hbm>>
    %dma_wait3A_97 = arith.constant 0 : i32
    %dma_wait3A_98 = tpu.memref_slice %arg3[%dma_wait3A_93, %add3A_92, %dma_wait3A_97] : memref<2x2500x128xi32, #tpu.memory_space<hbm>> -> memref<1x1x128xi32, #tpu.memory_space<hbm>>
    %dma_wait3A_99 = tpu.memref_squeeze %dma_wait3A_98 : memref<1x1x128xi32, #tpu.memory_space<hbm>> -> memref<128xi32, #tpu.memory_space<hbm>>
    tpu.wait_dma2 semaphore(%arg22 : memref<!tpu.dma_semaphore, #tpu.memory_space<semaphore_mem>>) src(%dma_wait3A_99 : memref<128xi32, #tpu.memory_space<hbm>>) dst(%arg8 : memref<128xi32, #tpu.memory_space<vmem>>)
    %dma_start3A_100 = arith.constant 0 : i32
    %dma_start3A_101 = arith.constant 0 : i32
    %dma_start3A_102 = tpu.memref_slice %arg19[%dma_start3A_100, %dma_start3A_101] : memref<10000x24xf32, #tpu.memory_space<vmem_shared>> -> memref<10000x24xf32, #tpu.memory_space<vmem_shared>>
    tpu.enqueue_indirect_dma source(%dma_start3A_102 : memref<10000x24xf32, #tpu.memory_space<vmem_shared>>) target(%arg16 : memref<128x24xf32, #tpu.memory_space<vmem>>) offsets(%arg8 : memref<128xi32, #tpu.memory_space<vmem>>) semaphore(%arg30 : memref<!tpu.dma_semaphore, #tpu.memory_space<semaphore_mem>>)
    %add3A_103 = arith.constant 32 : i32
    %add3A_104 = arith.addi %add3A_103, %arg1 : i32
    %dma_wait3A_105 = arith.constant 0 : i32
    %dma_wait3A_106 = arith.constant 0 : i32
    %dma_wait3A_107 = tpu.memref_slice %arg3[%dma_wait3A_105, %add3A_104, %dma_wait3A_106] : memref<2x2500x128xi32, #tpu.memory_space<hbm>> -> memref<1x1x128xi32, #tpu.memory_space<hbm>>
    %dma_wait3A_108 = tpu.memref_squeeze %dma_wait3A_107 : memref<1x1x128xi32, #tpu.memory_space<hbm>> -> memref<128xi32, #tpu.memory_space<hbm>>
    %dma_wait3A_109 = arith.constant 0 : i32
    %dma_wait3A_110 = tpu.memref_slice %arg3[%dma_wait3A_105, %add3A_104, %dma_wait3A_109] : memref<2x2500x128xi32, #tpu.memory_space<hbm>> -> memref<1x1x128xi32, #tpu.memory_space<hbm>>
    %dma_wait3A_111 = tpu.memref_squeeze %dma_wait3A_110 : memref<1x1x128xi32, #tpu.memory_space<hbm>> -> memref<128xi32, #tpu.memory_space<hbm>>
    tpu.wait_dma2 semaphore(%arg23 : memref<!tpu.dma_semaphore, #tpu.memory_space<semaphore_mem>>) src(%dma_wait3A_111 : memref<128xi32, #tpu.memory_space<hbm>>) dst(%arg9 : memref<128xi32, #tpu.memory_space<vmem>>)
    %dma_start3A_112 = arith.constant 0 : i32
    %dma_start3A_113 = arith.constant 0 : i32
    %dma_start3A_114 = tpu.memref_slice %arg19[%dma_start3A_112, %dma_start3A_113] : memref<10000x24xf32, #tpu.memory_space<vmem_shared>> -> memref<10000x24xf32, #tpu.memory_space<vmem_shared>>
    tpu.enqueue_indirect_dma source(%dma_start3A_114 : memref<10000x24xf32, #tpu.memory_space<vmem_shared>>) target(%arg17 : memref<128x24xf32, #tpu.memory_space<vmem>>) offsets(%arg9 : memref<128xi32, #tpu.memory_space<vmem>>) semaphore(%arg31 : memref<!tpu.dma_semaphore, #tpu.memory_space<semaphore_mem>>)
    %scan3A = arith.constant 0 : i32
    %scan3A_115 = arith.constant 0 : i32
    %scan3A_116 = arith.constant 39 : i32
    %scan3A_117 = arith.addi %scan3A_115, %scan3A_116 : i32
    %scan3A_118 = arith.constant 1 : i32
    scf.for %scan3A_145 = %scan3A_115 to %scan3A_117 step %scan3A_118  : i32 {
      %mul3A_146 = arith.constant 4 : i32
      %mul3A_147 = arith.muli %mul3A_146, %scan3A_145 : i32
      %add3A_148 = arith.constant 0 : i32
      %add3A_149 = arith.addi %mul3A_147, %add3A_148 : i32
      %lt3A_150 = arith.cmpi slt, %add3A_149, %select_n3A : i32
      %convert_element_type3A_151 = arith.extui %lt3A_150 : i1 to i32
      %cond3A_152 = arith.constant 0 : i32
      %cond3A_153 = arith.cmpi ne, %convert_element_type3A_151, %cond3A_152 : i32
      scf.if %cond3A_153 {
        %dma_wait3A_233 = arith.constant 0 : i32
        %dma_wait3A_234 = arith.constant 0 : i32
        %dma_wait3A_235 = tpu.memref_slice %arg19[%dma_wait3A_233, %dma_wait3A_234] : memref<10000x24xf32, #tpu.memory_space<vmem_shared>> -> memref<10000x24xf32, #tpu.memory_space<vmem_shared>>
        tpu.wait_indirect_dma semaphore(%arg29 : memref<!tpu.dma_semaphore, #tpu.memory_space<semaphore_mem>>) src(%dma_wait3A_235 : memref<10000x24xf32, #tpu.memory_space<vmem_shared>>) dst(%arg15 : memref<128x24xf32, #tpu.memory_space<vmem>>)
        %mul3A_236 = arith.constant 16 : i32
        %mul3A_237 = arith.muli %mul3A_236, %add3A_149 : i32
        %add3A_238 = arith.addi %mul3A_237, %arg1 : i32
        %dma_wait3A_239 = arith.constant 1 : i32
        %dma_wait3A_240 = arith.constant 0 : i32
        %dma_wait3A_241 = tpu.memref_slice %arg3[%dma_wait3A_239, %add3A_238, %dma_wait3A_240] : memref<2x2500x128xi32, #tpu.memory_space<hbm>> -> memref<1x1x128xi32, #tpu.memory_space<hbm>>
        %dma_wait3A_242 = tpu.memref_squeeze %dma_wait3A_241 : memref<1x1x128xi32, #tpu.memory_space<hbm>> -> memref<128xi32, #tpu.memory_space<hbm>>
        %dma_wait3A_243 = arith.constant 0 : i32
        %dma_wait3A_244 = tpu.memref_slice %arg3[%dma_wait3A_239, %add3A_238, %dma_wait3A_243] : memref<2x2500x128xi32, #tpu.memory_space<hbm>> -> memref<1x1x128xi32, #tpu.memory_space<hbm>>
        %dma_wait3A_245 = tpu.memref_squeeze %dma_wait3A_244 : memref<1x1x128xi32, #tpu.memory_space<hbm>> -> memref<128xi32, #tpu.memory_space<hbm>>
        tpu.wait_dma2 semaphore(%arg25 : memref<!tpu.dma_semaphore, #tpu.memory_space<semaphore_mem>>) src(%dma_wait3A_245 : memref<128xi32, #tpu.memory_space<hbm>>) dst(%arg11 : memref<128xi32, #tpu.memory_space<vmem>>)
        "tpu.region"() ({
          %run_scoped3A = tpu.sem_alloc : memref<!tpu.dma_semaphore, #tpu.memory_space<semaphore_mem>>
          %dma_start3A_246 = arith.constant 0 : i32
          %dma_start3A_247 = arith.constant 0 : i32
          %dma_start3A_248 = tpu.memref_slice %arg20[%dma_start3A_246, %dma_start3A_247] : memref<10112x24xf32, #tpu.memory_space<vmem_shared>> -> memref<10112x24xf32, #tpu.memory_space<vmem_shared>>
          tpu.enqueue_indirect_dma source(%arg15 : memref<128x24xf32, #tpu.memory_space<vmem>>) target(%dma_start3A_248 : memref<10112x24xf32, #tpu.memory_space<vmem_shared>>) offsets(%arg11 : memref<128xi32, #tpu.memory_space<vmem>>) semaphore(%run_scoped3A : memref<!tpu.dma_semaphore, #tpu.memory_space<semaphore_mem>>) {add = true}
          %dma_wait3A_249 = arith.constant 0 : i32
          %dma_wait3A_250 = arith.constant 0 : i32
          %dma_wait3A_251 = tpu.memref_slice %arg20[%dma_wait3A_249, %dma_wait3A_250] : memref<10112x24xf32, #tpu.memory_space<vmem_shared>> -> memref<10112x24xf32, #tpu.memory_space<vmem_shared>>
          tpu.wait_indirect_dma semaphore(%run_scoped3A : memref<!tpu.dma_semaphore, #tpu.memory_space<semaphore_mem>>) src(%arg15 : memref<128x24xf32, #tpu.memory_space<vmem>>) dst(%dma_wait3A_251 : memref<10112x24xf32, #tpu.memory_space<vmem_shared>>)
          tpu.yield
        }) : () -> ()
      } else {
      }
      %add3A_154 = arith.constant 4 : i32
      %add3A_155 = arith.addi %add3A_149, %add3A_154 : i32
      %lt3A_156 = arith.cmpi slt, %add3A_155, %select_n3A : i32
      %convert_element_type3A_157 = arith.extui %lt3A_156 : i1 to i32
      %cond3A_158 = arith.constant 0 : i32
      %cond3A_159 = arith.cmpi ne, %convert_element_type3A_157, %cond3A_158 : i32
      scf.if %cond3A_159 {
        %add3A_233 = arith.constant 4 : i32
        %add3A_234 = arith.addi %add3A_149, %add3A_233 : i32
        %mul3A_235 = arith.constant 16 : i32
        %mul3A_236 = arith.muli %mul3A_235, %add3A_234 : i32
        %add3A_237 = arith.addi %mul3A_236, %arg1 : i32
        %dma_start3A_238 = arith.constant 0 : i32
        %dma_start3A_239 = arith.constant 0 : i32
        %dma_start3A_240 = tpu.memref_slice %arg3[%dma_start3A_238, %add3A_237, %dma_start3A_239] : memref<2x2500x128xi32, #tpu.memory_space<hbm>> -> memref<1x1x128xi32, #tpu.memory_space<hbm>>
        %dma_start3A_241 = tpu.memref_squeeze %dma_start3A_240 : memref<1x1x128xi32, #tpu.memory_space<hbm>> -> memref<128xi32, #tpu.memory_space<hbm>>
        %dma_start3A_242 = arith.constant 0 : i32
        %dma_start3A_243 = tpu.memref_slice %arg3[%dma_start3A_238, %add3A_237, %dma_start3A_242] : memref<2x2500x128xi32, #tpu.memory_space<hbm>> -> memref<1x1x128xi32, #tpu.memory_space<hbm>>
        %dma_start3A_244 = tpu.memref_squeeze %dma_start3A_243 : memref<1x1x128xi32, #tpu.memory_space<hbm>> -> memref<128xi32, #tpu.memory_space<hbm>>
        tpu.enqueue_dma source(%dma_start3A_244 : memref<128xi32, #tpu.memory_space<hbm>>) target(%arg7 : memref<128xi32, #tpu.memory_space<vmem>>) target_semaphore(%arg21 : memref<!tpu.dma_semaphore, #tpu.memory_space<semaphore_mem>>)
        %mul3A_245 = arith.constant 16 : i32
        %mul3A_246 = arith.muli %mul3A_245, %add3A_234 : i32
        %add3A_247 = arith.addi %mul3A_246, %arg1 : i32
        %dma_start3A_248 = arith.constant 1 : i32
        %dma_start3A_249 = arith.constant 0 : i32
        %dma_start3A_250 = tpu.memref_slice %arg3[%dma_start3A_248, %add3A_247, %dma_start3A_249] : memref<2x2500x128xi32, #tpu.memory_space<hbm>> -> memref<1x1x128xi32, #tpu.memory_space<hbm>>
        %dma_start3A_251 = tpu.memref_squeeze %dma_start3A_250 : memref<1x1x128xi32, #tpu.memory_space<hbm>> -> memref<128xi32, #tpu.memory_space<hbm>>
        %dma_start3A_252 = arith.constant 0 : i32
        %dma_start3A_253 = tpu.memref_slice %arg3[%dma_start3A_248, %add3A_247, %dma_start3A_252] : memref<2x2500x128xi32, #tpu.memory_space<hbm>> -> memref<1x1x128xi32, #tpu.memory_space<hbm>>
        %dma_start3A_254 = tpu.memref_squeeze %dma_start3A_253 : memref<1x1x128xi32, #tpu.memory_space<hbm>> -> memref<128xi32, #tpu.memory_space<hbm>>
        tpu.enqueue_dma source(%dma_start3A_254 : memref<128xi32, #tpu.memory_space<hbm>>) target(%arg11 : memref<128xi32, #tpu.memory_space<vmem>>) target_semaphore(%arg25 : memref<!tpu.dma_semaphore, #tpu.memory_space<semaphore_mem>>)
      } else {
      }
      %add3A_160 = arith.constant 4 : i32
      %add3A_161 = arith.addi %add3A_149, %add3A_160 : i32
      %sub3A = arith.constant 1 : i32
      %sub3A_162 = arith.subi %add3A_161, %sub3A : i32
      %lt3A_163 = arith.cmpi slt, %sub3A_162, %select_n3A : i32
      %convert_element_type3A_164 = arith.extui %lt3A_163 : i1 to i32
      %cond3A_165 = arith.constant 0 : i32
      %cond3A_166 = arith.cmpi ne, %convert_element_type3A_164, %cond3A_165 : i32
      scf.if %cond3A_166 {
        %add3A_233 = arith.constant 4 : i32
        %add3A_234 = arith.addi %add3A_149, %add3A_233 : i32
        %sub3A_235 = arith.constant 1 : i32
        %sub3A_236 = arith.subi %add3A_234, %sub3A_235 : i32
        %mul3A_237 = arith.constant 16 : i32
        %mul3A_238 = arith.muli %mul3A_237, %sub3A_236 : i32
        %add3A_239 = arith.addi %mul3A_238, %arg1 : i32
        %dma_wait3A_240 = arith.constant 0 : i32
        %dma_wait3A_241 = arith.constant 0 : i32
        %dma_wait3A_242 = tpu.memref_slice %arg3[%dma_wait3A_240, %add3A_239, %dma_wait3A_241] : memref<2x2500x128xi32, #tpu.memory_space<hbm>> -> memref<1x1x128xi32, #tpu.memory_space<hbm>>
        %dma_wait3A_243 = tpu.memref_squeeze %dma_wait3A_242 : memref<1x1x128xi32, #tpu.memory_space<hbm>> -> memref<128xi32, #tpu.memory_space<hbm>>
        %dma_wait3A_244 = arith.constant 0 : i32
        %dma_wait3A_245 = tpu.memref_slice %arg3[%dma_wait3A_240, %add3A_239, %dma_wait3A_244] : memref<2x2500x128xi32, #tpu.memory_space<hbm>> -> memref<1x1x128xi32, #tpu.memory_space<hbm>>
        %dma_wait3A_246 = tpu.memref_squeeze %dma_wait3A_245 : memref<1x1x128xi32, #tpu.memory_space<hbm>> -> memref<128xi32, #tpu.memory_space<hbm>>
        tpu.wait_dma2 semaphore(%arg24 : memref<!tpu.dma_semaphore, #tpu.memory_space<semaphore_mem>>) src(%dma_wait3A_246 : memref<128xi32, #tpu.memory_space<hbm>>) dst(%arg10 : memref<128xi32, #tpu.memory_space<vmem>>)
        %dma_start3A_247 = arith.constant 0 : i32
        %dma_start3A_248 = arith.constant 0 : i32
        %dma_start3A_249 = tpu.memref_slice %arg19[%dma_start3A_247, %dma_start3A_248] : memref<10000x24xf32, #tpu.memory_space<vmem_shared>> -> memref<10000x24xf32, #tpu.memory_space<vmem_shared>>
        tpu.enqueue_indirect_dma source(%dma_start3A_249 : memref<10000x24xf32, #tpu.memory_space<vmem_shared>>) target(%arg18 : memref<128x24xf32, #tpu.memory_space<vmem>>) offsets(%arg10 : memref<128xi32, #tpu.memory_space<vmem>>) semaphore(%arg32 : memref<!tpu.dma_semaphore, #tpu.memory_space<semaphore_mem>>)
      } else {
      }
      %mul3A_167 = arith.constant 4 : i32
      %mul3A_168 = arith.muli %mul3A_167, %scan3A_145 : i32
      %add3A_169 = arith.constant 1 : i32
      %add3A_170 = arith.addi %mul3A_168, %add3A_169 : i32
      %lt3A_171 = arith.cmpi slt, %add3A_170, %select_n3A : i32
      %convert_element_type3A_172 = arith.extui %lt3A_171 : i1 to i32
      %cond3A_173 = arith.constant 0 : i32
      %cond3A_174 = arith.cmpi ne, %convert_element_type3A_172, %cond3A_173 : i32
      scf.if %cond3A_174 {
        %dma_wait3A_233 = arith.constant 0 : i32
        %dma_wait3A_234 = arith.constant 0 : i32
        %dma_wait3A_235 = tpu.memref_slice %arg19[%dma_wait3A_233, %dma_wait3A_234] : memref<10000x24xf32, #tpu.memory_space<vmem_shared>> -> memref<10000x24xf32, #tpu.memory_space<vmem_shared>>
        tpu.wait_indirect_dma semaphore(%arg30 : memref<!tpu.dma_semaphore, #tpu.memory_space<semaphore_mem>>) src(%dma_wait3A_235 : memref<10000x24xf32, #tpu.memory_space<vmem_shared>>) dst(%arg16 : memref<128x24xf32, #tpu.memory_space<vmem>>)
        %mul3A_236 = arith.constant 16 : i32
        %mul3A_237 = arith.muli %mul3A_236, %add3A_170 : i32
        %add3A_238 = arith.addi %mul3A_237, %arg1 : i32
        %dma_wait3A_239 = arith.constant 1 : i32
        %dma_wait3A_240 = arith.constant 0 : i32
        %dma_wait3A_241 = tpu.memref_slice %arg3[%dma_wait3A_239, %add3A_238, %dma_wait3A_240] : memref<2x2500x128xi32, #tpu.memory_space<hbm>> -> memref<1x1x128xi32, #tpu.memory_space<hbm>>
        %dma_wait3A_242 = tpu.memref_squeeze %dma_wait3A_241 : memref<1x1x128xi32, #tpu.memory_space<hbm>> -> memref<128xi32, #tpu.memory_space<hbm>>
        %dma_wait3A_243 = arith.constant 0 : i32
        %dma_wait3A_244 = tpu.memref_slice %arg3[%dma_wait3A_239, %add3A_238, %dma_wait3A_243] : memref<2x2500x128xi32, #tpu.memory_space<hbm>> -> memref<1x1x128xi32, #tpu.memory_space<hbm>>
        %dma_wait3A_245 = tpu.memref_squeeze %dma_wait3A_244 : memref<1x1x128xi32, #tpu.memory_space<hbm>> -> memref<128xi32, #tpu.memory_space<hbm>>
        tpu.wait_dma2 semaphore(%arg26 : memref<!tpu.dma_semaphore, #tpu.memory_space<semaphore_mem>>) src(%dma_wait3A_245 : memref<128xi32, #tpu.memory_space<hbm>>) dst(%arg12 : memref<128xi32, #tpu.memory_space<vmem>>)
        "tpu.region"() ({
          %run_scoped3A = tpu.sem_alloc : memref<!tpu.dma_semaphore, #tpu.memory_space<semaphore_mem>>
          %dma_start3A_246 = arith.constant 0 : i32
          %dma_start3A_247 = arith.constant 0 : i32
          %dma_start3A_248 = tpu.memref_slice %arg20[%dma_start3A_246, %dma_start3A_247] : memref<10112x24xf32, #tpu.memory_space<vmem_shared>> -> memref<10112x24xf32, #tpu.memory_space<vmem_shared>>
          tpu.enqueue_indirect_dma source(%arg16 : memref<128x24xf32, #tpu.memory_space<vmem>>) target(%dma_start3A_248 : memref<10112x24xf32, #tpu.memory_space<vmem_shared>>) offsets(%arg12 : memref<128xi32, #tpu.memory_space<vmem>>) semaphore(%run_scoped3A : memref<!tpu.dma_semaphore, #tpu.memory_space<semaphore_mem>>) {add = true}
          %dma_wait3A_249 = arith.constant 0 : i32
          %dma_wait3A_250 = arith.constant 0 : i32
          %dma_wait3A_251 = tpu.memref_slice %arg20[%dma_wait3A_249, %dma_wait3A_250] : memref<10112x24xf32, #tpu.memory_space<vmem_shared>> -> memref<10112x24xf32, #tpu.memory_space<vmem_shared>>
          tpu.wait_indirect_dma semaphore(%run_scoped3A : memref<!tpu.dma_semaphore, #tpu.memory_space<semaphore_mem>>) src(%arg16 : memref<128x24xf32, #tpu.memory_space<vmem>>) dst(%dma_wait3A_251 : memref<10112x24xf32, #tpu.memory_space<vmem_shared>>)
          tpu.yield
        }) : () -> ()
      } else {
      }
      %add3A_175 = arith.constant 4 : i32
      %add3A_176 = arith.addi %add3A_170, %add3A_175 : i32
      %lt3A_177 = arith.cmpi slt, %add3A_176, %select_n3A : i32
      %convert_element_type3A_178 = arith.extui %lt3A_177 : i1 to i32
      %cond3A_179 = arith.constant 0 : i32
      %cond3A_180 = arith.cmpi ne, %convert_element_type3A_178, %cond3A_179 : i32
      scf.if %cond3A_180 {
        %add3A_233 = arith.constant 4 : i32
        %add3A_234 = arith.addi %add3A_170, %add3A_233 : i32
        %mul3A_235 = arith.constant 16 : i32
        %mul3A_236 = arith.muli %mul3A_235, %add3A_234 : i32
        %add3A_237 = arith.addi %mul3A_236, %arg1 : i32
        %dma_start3A_238 = arith.constant 0 : i32
        %dma_start3A_239 = arith.constant 0 : i32
        %dma_start3A_240 = tpu.memref_slice %arg3[%dma_start3A_238, %add3A_237, %dma_start3A_239] : memref<2x2500x128xi32, #tpu.memory_space<hbm>> -> memref<1x1x128xi32, #tpu.memory_space<hbm>>
        %dma_start3A_241 = tpu.memref_squeeze %dma_start3A_240 : memref<1x1x128xi32, #tpu.memory_space<hbm>> -> memref<128xi32, #tpu.memory_space<hbm>>
        %dma_start3A_242 = arith.constant 0 : i32
        %dma_start3A_243 = tpu.memref_slice %arg3[%dma_start3A_238, %add3A_237, %dma_start3A_242] : memref<2x2500x128xi32, #tpu.memory_space<hbm>> -> memref<1x1x128xi32, #tpu.memory_space<hbm>>
        %dma_start3A_244 = tpu.memref_squeeze %dma_start3A_243 : memref<1x1x128xi32, #tpu.memory_space<hbm>> -> memref<128xi32, #tpu.memory_space<hbm>>
        tpu.enqueue_dma source(%dma_start3A_244 : memref<128xi32, #tpu.memory_space<hbm>>) target(%arg8 : memref<128xi32, #tpu.memory_space<vmem>>) target_semaphore(%arg22 : memref<!tpu.dma_semaphore, #tpu.memory_space<semaphore_mem>>)
        %mul3A_245 = arith.constant 16 : i32
        %mul3A_246 = arith.muli %mul3A_245, %add3A_234 : i32
        %add3A_247 = arith.addi %mul3A_246, %arg1 : i32
        %dma_start3A_248 = arith.constant 1 : i32
        %dma_start3A_249 = arith.constant 0 : i32
        %dma_start3A_250 = tpu.memref_slice %arg3[%dma_start3A_248, %add3A_247, %dma_start3A_249] : memref<2x2500x128xi32, #tpu.memory_space<hbm>> -> memref<1x1x128xi32, #tpu.memory_space<hbm>>
        %dma_start3A_251 = tpu.memref_squeeze %dma_start3A_250 : memref<1x1x128xi32, #tpu.memory_space<hbm>> -> memref<128xi32, #tpu.memory_space<hbm>>
        %dma_start3A_252 = arith.constant 0 : i32
        %dma_start3A_253 = tpu.memref_slice %arg3[%dma_start3A_248, %add3A_247, %dma_start3A_252] : memref<2x2500x128xi32, #tpu.memory_space<hbm>> -> memref<1x1x128xi32, #tpu.memory_space<hbm>>
        %dma_start3A_254 = tpu.memref_squeeze %dma_start3A_253 : memref<1x1x128xi32, #tpu.memory_space<hbm>> -> memref<128xi32, #tpu.memory_space<hbm>>
        tpu.enqueue_dma source(%dma_start3A_254 : memref<128xi32, #tpu.memory_space<hbm>>) target(%arg12 : memref<128xi32, #tpu.memory_space<vmem>>) target_semaphore(%arg26 : memref<!tpu.dma_semaphore, #tpu.memory_space<semaphore_mem>>)
      } else {
      }
      %add3A_181 = arith.constant 4 : i32
      %add3A_182 = arith.addi %add3A_170, %add3A_181 : i32
      %sub3A_183 = arith.constant 1 : i32
      %sub3A_184 = arith.subi %add3A_182, %sub3A_183 : i32
      %lt3A_185 = arith.cmpi slt, %sub3A_184, %select_n3A : i32
      %convert_element_type3A_186 = arith.extui %lt3A_185 : i1 to i32
      %cond3A_187 = arith.constant 0 : i32
      %cond3A_188 = arith.cmpi ne, %convert_element_type3A_186, %cond3A_187 : i32
      scf.if %cond3A_188 {
        %add3A_233 = arith.constant 4 : i32
        %add3A_234 = arith.addi %add3A_170, %add3A_233 : i32
        %sub3A_235 = arith.constant 1 : i32
        %sub3A_236 = arith.subi %add3A_234, %sub3A_235 : i32
        %mul3A_237 = arith.constant 16 : i32
        %mul3A_238 = arith.muli %mul3A_237, %sub3A_236 : i32
        %add3A_239 = arith.addi %mul3A_238, %arg1 : i32
        %dma_wait3A_240 = arith.constant 0 : i32
        %dma_wait3A_241 = arith.constant 0 : i32
        %dma_wait3A_242 = tpu.memref_slice %arg3[%dma_wait3A_240, %add3A_239, %dma_wait3A_241] : memref<2x2500x128xi32, #tpu.memory_space<hbm>> -> memref<1x1x128xi32, #tpu.memory_space<hbm>>
        %dma_wait3A_243 = tpu.memref_squeeze %dma_wait3A_242 : memref<1x1x128xi32, #tpu.memory_space<hbm>> -> memref<128xi32, #tpu.memory_space<hbm>>
        %dma_wait3A_244 = arith.constant 0 : i32
        %dma_wait3A_245 = tpu.memref_slice %arg3[%dma_wait3A_240, %add3A_239, %dma_wait3A_244] : memref<2x2500x128xi32, #tpu.memory_space<hbm>> -> memref<1x1x128xi32, #tpu.memory_space<hbm>>
        %dma_wait3A_246 = tpu.memref_squeeze %dma_wait3A_245 : memref<1x1x128xi32, #tpu.memory_space<hbm>> -> memref<128xi32, #tpu.memory_space<hbm>>
        tpu.wait_dma2 semaphore(%arg21 : memref<!tpu.dma_semaphore, #tpu.memory_space<semaphore_mem>>) src(%dma_wait3A_246 : memref<128xi32, #tpu.memory_space<hbm>>) dst(%arg7 : memref<128xi32, #tpu.memory_space<vmem>>)
        %dma_start3A_247 = arith.constant 0 : i32
        %dma_start3A_248 = arith.constant 0 : i32
        %dma_start3A_249 = tpu.memref_slice %arg19[%dma_start3A_247, %dma_start3A_248] : memref<10000x24xf32, #tpu.memory_space<vmem_shared>> -> memref<10000x24xf32, #tpu.memory_space<vmem_shared>>
        tpu.enqueue_indirect_dma source(%dma_start3A_249 : memref<10000x24xf32, #tpu.memory_space<vmem_shared>>) target(%arg15 : memref<128x24xf32, #tpu.memory_space<vmem>>) offsets(%arg7 : memref<128xi32, #tpu.memory_space<vmem>>) semaphore(%arg29 : memref<!tpu.dma_semaphore, #tpu.memory_space<semaphore_mem>>)
      } else {
      }
      %mul3A_189 = arith.constant 4 : i32
      %mul3A_190 = arith.muli %mul3A_189, %scan3A_145 : i32
      %add3A_191 = arith.constant 2 : i32
      %add3A_192 = arith.addi %mul3A_190, %add3A_191 : i32
      %lt3A_193 = arith.cmpi slt, %add3A_192, %select_n3A : i32
      %convert_element_type3A_194 = arith.extui %lt3A_193 : i1 to i32
      %cond3A_195 = arith.constant 0 : i32
      %cond3A_196 = arith.cmpi ne, %convert_element_type3A_194, %cond3A_195 : i32
      scf.if %cond3A_196 {
        %dma_wait3A_233 = arith.constant 0 : i32
        %dma_wait3A_234 = arith.constant 0 : i32
        %dma_wait3A_235 = tpu.memref_slice %arg19[%dma_wait3A_233, %dma_wait3A_234] : memref<10000x24xf32, #tpu.memory_space<vmem_shared>> -> memref<10000x24xf32, #tpu.memory_space<vmem_shared>>
        tpu.wait_indirect_dma semaphore(%arg31 : memref<!tpu.dma_semaphore, #tpu.memory_space<semaphore_mem>>) src(%dma_wait3A_235 : memref<10000x24xf32, #tpu.memory_space<vmem_shared>>) dst(%arg17 : memref<128x24xf32, #tpu.memory_space<vmem>>)
        %mul3A_236 = arith.constant 16 : i32
        %mul3A_237 = arith.muli %mul3A_236, %add3A_192 : i32
        %add3A_238 = arith.addi %mul3A_237, %arg1 : i32
        %dma_wait3A_239 = arith.constant 1 : i32
        %dma_wait3A_240 = arith.constant 0 : i32
        %dma_wait3A_241 = tpu.memref_slice %arg3[%dma_wait3A_239, %add3A_238, %dma_wait3A_240] : memref<2x2500x128xi32, #tpu.memory_space<hbm>> -> memref<1x1x128xi32, #tpu.memory_space<hbm>>
        %dma_wait3A_242 = tpu.memref_squeeze %dma_wait3A_241 : memref<1x1x128xi32, #tpu.memory_space<hbm>> -> memref<128xi32, #tpu.memory_space<hbm>>
        %dma_wait3A_243 = arith.constant 0 : i32
        %dma_wait3A_244 = tpu.memref_slice %arg3[%dma_wait3A_239, %add3A_238, %dma_wait3A_243] : memref<2x2500x128xi32, #tpu.memory_space<hbm>> -> memref<1x1x128xi32, #tpu.memory_space<hbm>>
        %dma_wait3A_245 = tpu.memref_squeeze %dma_wait3A_244 : memref<1x1x128xi32, #tpu.memory_space<hbm>> -> memref<128xi32, #tpu.memory_space<hbm>>
        tpu.wait_dma2 semaphore(%arg27 : memref<!tpu.dma_semaphore, #tpu.memory_space<semaphore_mem>>) src(%dma_wait3A_245 : memref<128xi32, #tpu.memory_space<hbm>>) dst(%arg13 : memref<128xi32, #tpu.memory_space<vmem>>)
        "tpu.region"() ({
          %run_scoped3A = tpu.sem_alloc : memref<!tpu.dma_semaphore, #tpu.memory_space<semaphore_mem>>
          %dma_start3A_246 = arith.constant 0 : i32
          %dma_start3A_247 = arith.constant 0 : i32
          %dma_start3A_248 = tpu.memref_slice %arg20[%dma_start3A_246, %dma_start3A_247] : memref<10112x24xf32, #tpu.memory_space<vmem_shared>> -> memref<10112x24xf32, #tpu.memory_space<vmem_shared>>
          tpu.enqueue_indirect_dma source(%arg17 : memref<128x24xf32, #tpu.memory_space<vmem>>) target(%dma_start3A_248 : memref<10112x24xf32, #tpu.memory_space<vmem_shared>>) offsets(%arg13 : memref<128xi32, #tpu.memory_space<vmem>>) semaphore(%run_scoped3A : memref<!tpu.dma_semaphore, #tpu.memory_space<semaphore_mem>>) {add = true}
          %dma_wait3A_249 = arith.constant 0 : i32
          %dma_wait3A_250 = arith.constant 0 : i32
          %dma_wait3A_251 = tpu.memref_slice %arg20[%dma_wait3A_249, %dma_wait3A_250] : memref<10112x24xf32, #tpu.memory_space<vmem_shared>> -> memref<10112x24xf32, #tpu.memory_space<vmem_shared>>
          tpu.wait_indirect_dma semaphore(%run_scoped3A : memref<!tpu.dma_semaphore, #tpu.memory_space<semaphore_mem>>) src(%arg17 : memref<128x24xf32, #tpu.memory_space<vmem>>) dst(%dma_wait3A_251 : memref<10112x24xf32, #tpu.memory_space<vmem_shared>>)
          tpu.yield
        }) : () -> ()
      } else {
      }
      %add3A_197 = arith.constant 4 : i32
      %add3A_198 = arith.addi %add3A_192, %add3A_197 : i32
      %lt3A_199 = arith.cmpi slt, %add3A_198, %select_n3A : i32
      %convert_element_type3A_200 = arith.extui %lt3A_199 : i1 to i32
      %cond3A_201 = arith.constant 0 : i32
      %cond3A_202 = arith.cmpi ne, %convert_element_type3A_200, %cond3A_201 : i32
      scf.if %cond3A_202 {
        %add3A_233 = arith.constant 4 : i32
        %add3A_234 = arith.addi %add3A_192, %add3A_233 : i32
        %mul3A_235 = arith.constant 16 : i32
        %mul3A_236 = arith.muli %mul3A_235, %add3A_234 : i32
        %add3A_237 = arith.addi %mul3A_236, %arg1 : i32
        %dma_start3A_238 = arith.constant 0 : i32
        %dma_start3A_239 = arith.constant 0 : i32
        %dma_start3A_240 = tpu.memref_slice %arg3[%dma_start3A_238, %add3A_237, %dma_start3A_239] : memref<2x2500x128xi32, #tpu.memory_space<hbm>> -> memref<1x1x128xi32, #tpu.memory_space<hbm>>
        %dma_start3A_241 = tpu.memref_squeeze %dma_start3A_240 : memref<1x1x128xi32, #tpu.memory_space<hbm>> -> memref<128xi32, #tpu.memory_space<hbm>>
        %dma_start3A_242 = arith.constant 0 : i32
        %dma_start3A_243 = tpu.memref_slice %arg3[%dma_start3A_238, %add3A_237, %dma_start3A_242] : memref<2x2500x128xi32, #tpu.memory_space<hbm>> -> memref<1x1x128xi32, #tpu.memory_space<hbm>>
        %dma_start3A_244 = tpu.memref_squeeze %dma_start3A_243 : memref<1x1x128xi32, #tpu.memory_space<hbm>> -> memref<128xi32, #tpu.memory_space<hbm>>
        tpu.enqueue_dma source(%dma_start3A_244 : memref<128xi32, #tpu.memory_space<hbm>>) target(%arg9 : memref<128xi32, #tpu.memory_space<vmem>>) target_semaphore(%arg23 : memref<!tpu.dma_semaphore, #tpu.memory_space<semaphore_mem>>)
        %mul3A_245 = arith.constant 16 : i32
        %mul3A_246 = arith.muli %mul3A_245, %add3A_234 : i32
        %add3A_247 = arith.addi %mul3A_246, %arg1 : i32
        %dma_start3A_248 = arith.constant 1 : i32
        %dma_start3A_249 = arith.constant 0 : i32
        %dma_start3A_250 = tpu.memref_slice %arg3[%dma_start3A_248, %add3A_247, %dma_start3A_249] : memref<2x2500x128xi32, #tpu.memory_space<hbm>> -> memref<1x1x128xi32, #tpu.memory_space<hbm>>
        %dma_start3A_251 = tpu.memref_squeeze %dma_start3A_250 : memref<1x1x128xi32, #tpu.memory_space<hbm>> -> memref<128xi32, #tpu.memory_space<hbm>>
        %dma_start3A_252 = arith.constant 0 : i32
        %dma_start3A_253 = tpu.memref_slice %arg3[%dma_start3A_248, %add3A_247, %dma_start3A_252] : memref<2x2500x128xi32, #tpu.memory_space<hbm>> -> memref<1x1x128xi32, #tpu.memory_space<hbm>>
        %dma_start3A_254 = tpu.memref_squeeze %dma_start3A_253 : memref<1x1x128xi32, #tpu.memory_space<hbm>> -> memref<128xi32, #tpu.memory_space<hbm>>
        tpu.enqueue_dma source(%dma_start3A_254 : memref<128xi32, #tpu.memory_space<hbm>>) target(%arg13 : memref<128xi32, #tpu.memory_space<vmem>>) target_semaphore(%arg27 : memref<!tpu.dma_semaphore, #tpu.memory_space<semaphore_mem>>)
      } else {
      }
      %add3A_203 = arith.constant 4 : i32
      %add3A_204 = arith.addi %add3A_192, %add3A_203 : i32
      %sub3A_205 = arith.constant 1 : i32
      %sub3A_206 = arith.subi %add3A_204, %sub3A_205 : i32
      %lt3A_207 = arith.cmpi slt, %sub3A_206, %select_n3A : i32
      %convert_element_type3A_208 = arith.extui %lt3A_207 : i1 to i32
      %cond3A_209 = arith.constant 0 : i32
      %cond3A_210 = arith.cmpi ne, %convert_element_type3A_208, %cond3A_209 : i32
      scf.if %cond3A_210 {
        %add3A_233 = arith.constant 4 : i32
        %add3A_234 = arith.addi %add3A_192, %add3A_233 : i32
        %sub3A_235 = arith.constant 1 : i32
        %sub3A_236 = arith.subi %add3A_234, %sub3A_235 : i32
        %mul3A_237 = arith.constant 16 : i32
        %mul3A_238 = arith.muli %mul3A_237, %sub3A_236 : i32
        %add3A_239 = arith.addi %mul3A_238, %arg1 : i32
        %dma_wait3A_240 = arith.constant 0 : i32
        %dma_wait3A_241 = arith.constant 0 : i32
        %dma_wait3A_242 = tpu.memref_slice %arg3[%dma_wait3A_240, %add3A_239, %dma_wait3A_241] : memref<2x2500x128xi32, #tpu.memory_space<hbm>> -> memref<1x1x128xi32, #tpu.memory_space<hbm>>
        %dma_wait3A_243 = tpu.memref_squeeze %dma_wait3A_242 : memref<1x1x128xi32, #tpu.memory_space<hbm>> -> memref<128xi32, #tpu.memory_space<hbm>>
        %dma_wait3A_244 = arith.constant 0 : i32
        %dma_wait3A_245 = tpu.memref_slice %arg3[%dma_wait3A_240, %add3A_239, %dma_wait3A_244] : memref<2x2500x128xi32, #tpu.memory_space<hbm>> -> memref<1x1x128xi32, #tpu.memory_space<hbm>>
        %dma_wait3A_246 = tpu.memref_squeeze %dma_wait3A_245 : memref<1x1x128xi32, #tpu.memory_space<hbm>> -> memref<128xi32, #tpu.memory_space<hbm>>
        tpu.wait_dma2 semaphore(%arg22 : memref<!tpu.dma_semaphore, #tpu.memory_space<semaphore_mem>>) src(%dma_wait3A_246 : memref<128xi32, #tpu.memory_space<hbm>>) dst(%arg8 : memref<128xi32, #tpu.memory_space<vmem>>)
        %dma_start3A_247 = arith.constant 0 : i32
        %dma_start3A_248 = arith.constant 0 : i32
        %dma_start3A_249 = tpu.memref_slice %arg19[%dma_start3A_247, %dma_start3A_248] : memref<10000x24xf32, #tpu.memory_space<vmem_shared>> -> memref<10000x24xf32, #tpu.memory_space<vmem_shared>>
        tpu.enqueue_indirect_dma source(%dma_start3A_249 : memref<10000x24xf32, #tpu.memory_space<vmem_shared>>) target(%arg16 : memref<128x24xf32, #tpu.memory_space<vmem>>) offsets(%arg8 : memref<128xi32, #tpu.memory_space<vmem>>) semaphore(%arg30 : memref<!tpu.dma_semaphore, #tpu.memory_space<semaphore_mem>>)
      } else {
      }
      %mul3A_211 = arith.constant 4 : i32
      %mul3A_212 = arith.muli %mul3A_211, %scan3A_145 : i32
      %add3A_213 = arith.constant 3 : i32
      %add3A_214 = arith.addi %mul3A_212, %add3A_213 : i32
      %lt3A_215 = arith.cmpi slt, %add3A_214, %select_n3A : i32
      %convert_element_type3A_216 = arith.extui %lt3A_215 : i1 to i32
      %cond3A_217 = arith.constant 0 : i32
      %cond3A_218 = arith.cmpi ne, %convert_element_type3A_216, %cond3A_217 : i32
      scf.if %cond3A_218 {
        %dma_wait3A_233 = arith.constant 0 : i32
        %dma_wait3A_234 = arith.constant 0 : i32
        %dma_wait3A_235 = tpu.memref_slice %arg19[%dma_wait3A_233, %dma_wait3A_234] : memref<10000x24xf32, #tpu.memory_space<vmem_shared>> -> memref<10000x24xf32, #tpu.memory_space<vmem_shared>>
        tpu.wait_indirect_dma semaphore(%arg32 : memref<!tpu.dma_semaphore, #tpu.memory_space<semaphore_mem>>) src(%dma_wait3A_235 : memref<10000x24xf32, #tpu.memory_space<vmem_shared>>) dst(%arg18 : memref<128x24xf32, #tpu.memory_space<vmem>>)
        %mul3A_236 = arith.constant 16 : i32
        %mul3A_237 = arith.muli %mul3A_236, %add3A_214 : i32
        %add3A_238 = arith.addi %mul3A_237, %arg1 : i32
        %dma_wait3A_239 = arith.constant 1 : i32
        %dma_wait3A_240 = arith.constant 0 : i32
        %dma_wait3A_241 = tpu.memref_slice %arg3[%dma_wait3A_239, %add3A_238, %dma_wait3A_240] : memref<2x2500x128xi32, #tpu.memory_space<hbm>> -> memref<1x1x128xi32, #tpu.memory_space<hbm>>
        %dma_wait3A_242 = tpu.memref_squeeze %dma_wait3A_241 : memref<1x1x128xi32, #tpu.memory_space<hbm>> -> memref<128xi32, #tpu.memory_space<hbm>>
        %dma_wait3A_243 = arith.constant 0 : i32
        %dma_wait3A_244 = tpu.memref_slice %arg3[%dma_wait3A_239, %add3A_238, %dma_wait3A_243] : memref<2x2500x128xi32, #tpu.memory_space<hbm>> -> memref<1x1x128xi32, #tpu.memory_space<hbm>>
        %dma_wait3A_245 = tpu.memref_squeeze %dma_wait3A_244 : memref<1x1x128xi32, #tpu.memory_space<hbm>> -> memref<128xi32, #tpu.memory_space<hbm>>
        tpu.wait_dma2 semaphore(%arg28 : memref<!tpu.dma_semaphore, #tpu.memory_space<semaphore_mem>>) src(%dma_wait3A_245 : memref<128xi32, #tpu.memory_space<hbm>>) dst(%arg14 : memref<128xi32, #tpu.memory_space<vmem>>)
        "tpu.region"() ({
          %run_scoped3A = tpu.sem_alloc : memref<!tpu.dma_semaphore, #tpu.memory_space<semaphore_mem>>
          %dma_start3A_246 = arith.constant 0 : i32
          %dma_start3A_247 = arith.constant 0 : i32
          %dma_start3A_248 = tpu.memref_slice %arg20[%dma_start3A_246, %dma_start3A_247] : memref<10112x24xf32, #tpu.memory_space<vmem_shared>> -> memref<10112x24xf32, #tpu.memory_space<vmem_shared>>
          tpu.enqueue_indirect_dma source(%arg18 : memref<128x24xf32, #tpu.memory_space<vmem>>) target(%dma_start3A_248 : memref<10112x24xf32, #tpu.memory_space<vmem_shared>>) offsets(%arg14 : memref<128xi32, #tpu.memory_space<vmem>>) semaphore(%run_scoped3A : memref<!tpu.dma_semaphore, #tpu.memory_space<semaphore_mem>>) {add = true}
          %dma_wait3A_249 = arith.constant 0 : i32
          %dma_wait3A_250 = arith.constant 0 : i32
          %dma_wait3A_251 = tpu.memref_slice %arg20[%dma_wait3A_249, %dma_wait3A_250] : memref<10112x24xf32, #tpu.memory_space<vmem_shared>> -> memref<10112x24xf32, #tpu.memory_space<vmem_shared>>
          tpu.wait_indirect_dma semaphore(%run_scoped3A : memref<!tpu.dma_semaphore, #tpu.memory_space<semaphore_mem>>) src(%arg18 : memref<128x24xf32, #tpu.memory_space<vmem>>) dst(%dma_wait3A_251 : memref<10112x24xf32, #tpu.memory_space<vmem_shared>>)
          tpu.yield
        }) : () -> ()
      } else {
      }
      %add3A_219 = arith.constant 4 : i32
      %add3A_220 = arith.addi %add3A_214, %add3A_219 : i32
      %lt3A_221 = arith.cmpi slt, %add3A_220, %select_n3A : i32
      %convert_element_type3A_222 = arith.extui %lt3A_221 : i1 to i32
      %cond3A_223 = arith.constant 0 : i32
      %cond3A_224 = arith.cmpi ne, %convert_element_type3A_222, %cond3A_223 : i32
      scf.if %cond3A_224 {
        %add3A_233 = arith.constant 4 : i32
        %add3A_234 = arith.addi %add3A_214, %add3A_233 : i32
        %mul3A_235 = arith.constant 16 : i32
        %mul3A_236 = arith.muli %mul3A_235, %add3A_234 : i32
        %add3A_237 = arith.addi %mul3A_236, %arg1 : i32
        %dma_start3A_238 = arith.constant 0 : i32
        %dma_start3A_239 = arith.constant 0 : i32
        %dma_start3A_240 = tpu.memref_slice %arg3[%dma_start3A_238, %add3A_237, %dma_start3A_239] : memref<2x2500x128xi32, #tpu.memory_space<hbm>> -> memref<1x1x128xi32, #tpu.memory_space<hbm>>
        %dma_start3A_241 = tpu.memref_squeeze %dma_start3A_240 : memref<1x1x128xi32, #tpu.memory_space<hbm>> -> memref<128xi32, #tpu.memory_space<hbm>>
        %dma_start3A_242 = arith.constant 0 : i32
        %dma_start3A_243 = tpu.memref_slice %arg3[%dma_start3A_238, %add3A_237, %dma_start3A_242] : memref<2x2500x128xi32, #tpu.memory_space<hbm>> -> memref<1x1x128xi32, #tpu.memory_space<hbm>>
        %dma_start3A_244 = tpu.memref_squeeze %dma_start3A_243 : memref<1x1x128xi32, #tpu.memory_space<hbm>> -> memref<128xi32, #tpu.memory_space<hbm>>
        tpu.enqueue_dma source(%dma_start3A_244 : memref<128xi32, #tpu.memory_space<hbm>>) target(%arg10 : memref<128xi32, #tpu.memory_space<vmem>>) target_semaphore(%arg24 : memref<!tpu.dma_semaphore, #tpu.memory_space<semaphore_mem>>)
        %mul3A_245 = arith.constant 16 : i32
        %mul3A_246 = arith.muli %mul3A_245, %add3A_234 : i32
        %add3A_247 = arith.addi %mul3A_246, %arg1 : i32
        %dma_start3A_248 = arith.constant 1 : i32
        %dma_start3A_249 = arith.constant 0 : i32
        %dma_start3A_250 = tpu.memref_slice %arg3[%dma_start3A_248, %add3A_247, %dma_start3A_249] : memref<2x2500x128xi32, #tpu.memory_space<hbm>> -> memref<1x1x128xi32, #tpu.memory_space<hbm>>
        %dma_start3A_251 = tpu.memref_squeeze %dma_start3A_250 : memref<1x1x128xi32, #tpu.memory_space<hbm>> -> memref<128xi32, #tpu.memory_space<hbm>>
        %dma_start3A_252 = arith.constant 0 : i32
        %dma_start3A_253 = tpu.memref_slice %arg3[%dma_start3A_248, %add3A_247, %dma_start3A_252] : memref<2x2500x128xi32, #tpu.memory_space<hbm>> -> memref<1x1x128xi32, #tpu.memory_space<hbm>>
        %dma_start3A_254 = tpu.memref_squeeze %dma_start3A_253 : memref<1x1x128xi32, #tpu.memory_space<hbm>> -> memref<128xi32, #tpu.memory_space<hbm>>
        tpu.enqueue_dma source(%dma_start3A_254 : memref<128xi32, #tpu.memory_space<hbm>>) target(%arg14 : memref<128xi32, #tpu.memory_space<vmem>>) target_semaphore(%arg28 : memref<!tpu.dma_semaphore, #tpu.memory_space<semaphore_mem>>)
      } else {
      }
      %add3A_225 = arith.constant 4 : i32
      %add3A_226 = arith.addi %add3A_214, %add3A_225 : i32
      %sub3A_227 = arith.constant 1 : i32
      %sub3A_228 = arith.subi %add3A_226, %sub3A_227 : i32
      %lt3A_229 = arith.cmpi slt, %sub3A_228, %select_n3A : i32
      %convert_element_type3A_230 = arith.extui %lt3A_229 : i1 to i32
      %cond3A_231 = arith.constant 0 : i32
      %cond3A_232 = arith.cmpi ne, %convert_element_type3A_230, %cond3A_231 : i32
      scf.if %cond3A_232 {
        %add3A_233 = arith.constant 4 : i32
        %add3A_234 = arith.addi %add3A_214, %add3A_233 : i32
        %sub3A_235 = arith.constant 1 : i32
        %sub3A_236 = arith.subi %add3A_234, %sub3A_235 : i32
        %mul3A_237 = arith.constant 16 : i32
        %mul3A_238 = arith.muli %mul3A_237, %sub3A_236 : i32
        %add3A_239 = arith.addi %mul3A_238, %arg1 : i32
        %dma_wait3A_240 = arith.constant 0 : i32
        %dma_wait3A_241 = arith.constant 0 : i32
        %dma_wait3A_242 = tpu.memref_slice %arg3[%dma_wait3A_240, %add3A_239, %dma_wait3A_241] : memref<2x2500x128xi32, #tpu.memory_space<hbm>> -> memref<1x1x128xi32, #tpu.memory_space<hbm>>
        %dma_wait3A_243 = tpu.memref_squeeze %dma_wait3A_242 : memref<1x1x128xi32, #tpu.memory_space<hbm>> -> memref<128xi32, #tpu.memory_space<hbm>>
        %dma_wait3A_244 = arith.constant 0 : i32
        %dma_wait3A_245 = tpu.memref_slice %arg3[%dma_wait3A_240, %add3A_239, %dma_wait3A_244] : memref<2x2500x128xi32, #tpu.memory_space<hbm>> -> memref<1x1x128xi32, #tpu.memory_space<hbm>>
        %dma_wait3A_246 = tpu.memref_squeeze %dma_wait3A_245 : memref<1x1x128xi32, #tpu.memory_space<hbm>> -> memref<128xi32, #tpu.memory_space<hbm>>
        tpu.wait_dma2 semaphore(%arg23 : memref<!tpu.dma_semaphore, #tpu.memory_space<semaphore_mem>>) src(%dma_wait3A_246 : memref<128xi32, #tpu.memory_space<hbm>>) dst(%arg9 : memref<128xi32, #tpu.memory_space<vmem>>)
        %dma_start3A_247 = arith.constant 0 : i32
        %dma_start3A_248 = arith.constant 0 : i32
        %dma_start3A_249 = tpu.memref_slice %arg19[%dma_start3A_247, %dma_start3A_248] : memref<10000x24xf32, #tpu.memory_space<vmem_shared>> -> memref<10000x24xf32, #tpu.memory_space<vmem_shared>>
        tpu.enqueue_indirect_dma source(%dma_start3A_249 : memref<10000x24xf32, #tpu.memory_space<vmem_shared>>) target(%arg17 : memref<128x24xf32, #tpu.memory_space<vmem>>) offsets(%arg9 : memref<128xi32, #tpu.memory_space<vmem>>) semaphore(%arg31 : memref<!tpu.dma_semaphore, #tpu.memory_space<semaphore_mem>>)
      } else {
      }
    }
    %scan3A_119 = arith.constant 39 : i32
    %gt3A = arith.constant 156 : i32
    %gt3A_120 = arith.cmpi sgt, %select_n3A, %gt3A : i32
    %convert_element_type3A_121 = arith.extui %gt3A_120 : i1 to i32
    %cond3A_122 = arith.constant 0 : i32
    %cond3A_123 = arith.cmpi ne, %convert_element_type3A_121, %cond3A_122 : i32
    scf.if %cond3A_123 {
      %dma_wait3A_145 = arith.constant 0 : i32
      %dma_wait3A_146 = arith.constant 0 : i32
      %dma_wait3A_147 = tpu.memref_slice %arg19[%dma_wait3A_145, %dma_wait3A_146] : memref<10000x24xf32, #tpu.memory_space<vmem_shared>> -> memref<10000x24xf32, #tpu.memory_space<vmem_shared>>
      tpu.wait_indirect_dma semaphore(%arg29 : memref<!tpu.dma_semaphore, #tpu.memory_space<semaphore_mem>>) src(%dma_wait3A_147 : memref<10000x24xf32, #tpu.memory_space<vmem_shared>>) dst(%arg15 : memref<128x24xf32, #tpu.memory_space<vmem>>)
      %add3A_148 = arith.constant 2496 : i32
      %add3A_149 = arith.addi %add3A_148, %arg1 : i32
      %dma_wait3A_150 = arith.constant 1 : i32
      %dma_wait3A_151 = arith.constant 0 : i32
      %dma_wait3A_152 = tpu.memref_slice %arg3[%dma_wait3A_150, %add3A_149, %dma_wait3A_151] : memref<2x2500x128xi32, #tpu.memory_space<hbm>> -> memref<1x1x128xi32, #tpu.memory_space<hbm>>
      %dma_wait3A_153 = tpu.memref_squeeze %dma_wait3A_152 : memref<1x1x128xi32, #tpu.memory_space<hbm>> -> memref<128xi32, #tpu.memory_space<hbm>>
      %dma_wait3A_154 = arith.constant 0 : i32
      %dma_wait3A_155 = tpu.memref_slice %arg3[%dma_wait3A_150, %add3A_149, %dma_wait3A_154] : memref<2x2500x128xi32, #tpu.memory_space<hbm>> -> memref<1x1x128xi32, #tpu.memory_space<hbm>>
      %dma_wait3A_156 = tpu.memref_squeeze %dma_wait3A_155 : memref<1x1x128xi32, #tpu.memory_space<hbm>> -> memref<128xi32, #tpu.memory_space<hbm>>
      tpu.wait_dma2 semaphore(%arg25 : memref<!tpu.dma_semaphore, #tpu.memory_space<semaphore_mem>>) src(%dma_wait3A_156 : memref<128xi32, #tpu.memory_space<hbm>>) dst(%arg11 : memref<128xi32, #tpu.memory_space<vmem>>)
      "tpu.region"() ({
        %run_scoped3A = tpu.sem_alloc : memref<!tpu.dma_semaphore, #tpu.memory_space<semaphore_mem>>
        %dma_start3A_157 = arith.constant 0 : i32
        %dma_start3A_158 = arith.constant 0 : i32
        %dma_start3A_159 = tpu.memref_slice %arg20[%dma_start3A_157, %dma_start3A_158] : memref<10112x24xf32, #tpu.memory_space<vmem_shared>> -> memref<10112x24xf32, #tpu.memory_space<vmem_shared>>
        tpu.enqueue_indirect_dma source(%arg15 : memref<128x24xf32, #tpu.memory_space<vmem>>) target(%dma_start3A_159 : memref<10112x24xf32, #tpu.memory_space<vmem_shared>>) offsets(%arg11 : memref<128xi32, #tpu.memory_space<vmem>>) semaphore(%run_scoped3A : memref<!tpu.dma_semaphore, #tpu.memory_space<semaphore_mem>>) {add = true}
        %dma_wait3A_160 = arith.constant 0 : i32
        %dma_wait3A_161 = arith.constant 0 : i32
        %dma_wait3A_162 = tpu.memref_slice %arg20[%dma_wait3A_160, %dma_wait3A_161] : memref<10112x24xf32, #tpu.memory_space<vmem_shared>> -> memref<10112x24xf32, #tpu.memory_space<vmem_shared>>
        tpu.wait_indirect_dma semaphore(%run_scoped3A : memref<!tpu.dma_semaphore, #tpu.memory_space<semaphore_mem>>) src(%arg15 : memref<128x24xf32, #tpu.memory_space<vmem>>) dst(%dma_wait3A_162 : memref<10112x24xf32, #tpu.memory_space<vmem_shared>>)
        tpu.yield
      }) : () -> ()
    } else {
    }
    %gt3A_124 = arith.constant 160 : i32
    %gt3A_125 = arith.cmpi sgt, %select_n3A, %gt3A_124 : i32
    %convert_element_type3A_126 = arith.extui %gt3A_125 : i1 to i32
    %cond3A_127 = arith.constant 0 : i32
    %cond3A_128 = arith.cmpi ne, %convert_element_type3A_126, %cond3A_127 : i32
    scf.if %cond3A_128 {
      %add3A_145 = arith.constant 2560 : i32
      %add3A_146 = arith.addi %add3A_145, %arg1 : i32
      %dma_start3A_147 = arith.constant 0 : i32
      %dma_start3A_148 = arith.constant 0 : i32
      %dma_start3A_149 = tpu.memref_slice %arg3[%dma_start3A_147, %add3A_146, %dma_start3A_148] : memref<2x2500x128xi32, #tpu.memory_space<hbm>> -> memref<1x1x128xi32, #tpu.memory_space<hbm>>
      %dma_start3A_150 = tpu.memref_squeeze %dma_start3A_149 : memref<1x1x128xi32, #tpu.memory_space<hbm>> -> memref<128xi32, #tpu.memory_space<hbm>>
      %dma_start3A_151 = arith.constant 0 : i32
      %dma_start3A_152 = tpu.memref_slice %arg3[%dma_start3A_147, %add3A_146, %dma_start3A_151] : memref<2x2500x128xi32, #tpu.memory_space<hbm>> -> memref<1x1x128xi32, #tpu.memory_space<hbm>>
      %dma_start3A_153 = tpu.memref_squeeze %dma_start3A_152 : memref<1x1x128xi32, #tpu.memory_space<hbm>> -> memref<128xi32, #tpu.memory_space<hbm>>
      tpu.enqueue_dma source(%dma_start3A_153 : memref<128xi32, #tpu.memory_space<hbm>>) target(%arg7 : memref<128xi32, #tpu.memory_space<vmem>>) target_semaphore(%arg21 : memref<!tpu.dma_semaphore, #tpu.memory_space<semaphore_mem>>)
      %add3A_154 = arith.constant 2560 : i32
      %add3A_155 = arith.addi %add3A_154, %arg1 : i32
      %dma_start3A_156 = arith.constant 1 : i32
      %dma_start3A_157 = arith.constant 0 : i32
      %dma_start3A_158 = tpu.memref_slice %arg3[%dma_start3A_156, %add3A_155, %dma_start3A_157] : memref<2x2500x128xi32, #tpu.memory_space<hbm>> -> memref<1x1x128xi32, #tpu.memory_space<hbm>>
      %dma_start3A_159 = tpu.memref_squeeze %dma_start3A_158 : memref<1x1x128xi32, #tpu.memory_space<hbm>> -> memref<128xi32, #tpu.memory_space<hbm>>
      %dma_start3A_160 = arith.constant 0 : i32
      %dma_start3A_161 = tpu.memref_slice %arg3[%dma_start3A_156, %add3A_155, %dma_start3A_160] : memref<2x2500x128xi32, #tpu.memory_space<hbm>> -> memref<1x1x128xi32, #tpu.memory_space<hbm>>
      %dma_start3A_162 = tpu.memref_squeeze %dma_start3A_161 : memref<1x1x128xi32, #tpu.memory_space<hbm>> -> memref<128xi32, #tpu.memory_space<hbm>>
      tpu.enqueue_dma source(%dma_start3A_162 : memref<128xi32, #tpu.memory_space<hbm>>) target(%arg11 : memref<128xi32, #tpu.memory_space<vmem>>) target_semaphore(%arg25 : memref<!tpu.dma_semaphore, #tpu.memory_space<semaphore_mem>>)
    } else {
    }
    %gt3A_129 = arith.constant 159 : i32
    %gt3A_130 = arith.cmpi sgt, %select_n3A, %gt3A_129 : i32
    %convert_element_type3A_131 = arith.extui %gt3A_130 : i1 to i32
    %cond3A_132 = arith.constant 0 : i32
    %cond3A_133 = arith.cmpi ne, %convert_element_type3A_131, %cond3A_132 : i32
    scf.if %cond3A_133 {
      %add3A_145 = arith.constant 2544 : i32
      %add3A_146 = arith.addi %add3A_145, %arg1 : i32
      %dma_wait3A_147 = arith.constant 0 : i32
      %dma_wait3A_148 = arith.constant 0 : i32
      %dma_wait3A_149 = tpu.memref_slice %arg3[%dma_wait3A_147, %add3A_146, %dma_wait3A_148] : memref<2x2500x128xi32, #tpu.memory_space<hbm>> -> memref<1x1x128xi32, #tpu.memory_space<hbm>>
      %dma_wait3A_150 = tpu.memref_squeeze %dma_wait3A_149 : memref<1x1x128xi32, #tpu.memory_space<hbm>> -> memref<128xi32, #tpu.memory_space<hbm>>
      %dma_wait3A_151 = arith.constant 0 : i32
      %dma_wait3A_152 = tpu.memref_slice %arg3[%dma_wait3A_147, %add3A_146, %dma_wait3A_151] : memref<2x2500x128xi32, #tpu.memory_space<hbm>> -> memref<1x1x128xi32, #tpu.memory_space<hbm>>
      %dma_wait3A_153 = tpu.memref_squeeze %dma_wait3A_152 : memref<1x1x128xi32, #tpu.memory_space<hbm>> -> memref<128xi32, #tpu.memory_space<hbm>>
      tpu.wait_dma2 semaphore(%arg24 : memref<!tpu.dma_semaphore, #tpu.memory_space<semaphore_mem>>) src(%dma_wait3A_153 : memref<128xi32, #tpu.memory_space<hbm>>) dst(%arg10 : memref<128xi32, #tpu.memory_space<vmem>>)
      %dma_start3A_154 = arith.constant 0 : i32
      %dma_start3A_155 = arith.constant 0 : i32
      %dma_start3A_156 = tpu.memref_slice %arg19[%dma_start3A_154, %dma_start3A_155] : memref<10000x24xf32, #tpu.memory_space<vmem_shared>> -> memref<10000x24xf32, #tpu.memory_space<vmem_shared>>
      tpu.enqueue_indirect_dma source(%dma_start3A_156 : memref<10000x24xf32, #tpu.memory_space<vmem_shared>>) target(%arg18 : memref<128x24xf32, #tpu.memory_space<vmem>>) offsets(%arg10 : memref<128xi32, #tpu.memory_space<vmem>>) semaphore(%arg32 : memref<!tpu.dma_semaphore, #tpu.memory_space<semaphore_mem>>)
    } else {
    }
    %barrier3A_134 = arith.constant 0 : index
    tpu.barrier barrier_id(%barrier3A_134)
    %eq3A_135 = arith.constant 0 : i32
    %eq3A_136 = arith.cmpi eq, %arg0, %eq3A_135 : i32
    %convert_element_type3A_137 = arith.extui %eq3A_136 : i1 to i32
    %cond3A_138 = arith.constant 0 : i32
    %cond3A_139 = arith.cmpi ne, %convert_element_type3A_137, %cond3A_138 : i32
    scf.if %cond3A_139 {
      %lt3A_145 = arith.constant 15 : i32
      %lt3A_146 = arith.cmpi slt, %arg1, %lt3A_145 : i32
      %convert_element_type3A_147 = arith.extui %lt3A_146 : i1 to i32
      %cond3A_148 = arith.constant 0 : i32
      %cond3A_149 = arith.cmpi ne, %convert_element_type3A_147, %cond3A_148 : i32
      scf.if %cond3A_149 {
        %mul3A_155 = arith.constant 632 : i32
        %mul3A_156 = arith.muli %arg1, %mul3A_155 : i32
        "tpu.region"() ({
          %run_scoped3A = tpu.sem_alloc : memref<!tpu.dma_semaphore, #tpu.memory_space<semaphore_mem>>
          %dma_start3A_157 = arith.constant 0 : i32
          %dma_start3A_158 = tpu.memref_slice %arg6[%mul3A_156, %dma_start3A_157] : memref<10000x48xf32, #tpu.memory_space<hbm>> -> memref<632x24xf32, #tpu.memory_space<hbm>>
          %dma_start3A_159 = arith.constant 0 : i32
          %dma_start3A_160 = tpu.memref_slice %arg20[%mul3A_156, %dma_start3A_159] : memref<10112x24xf32, #tpu.memory_space<vmem_shared>> -> memref<632x24xf32, #tpu.memory_space<vmem_shared>>
          tpu.enqueue_dma source(%dma_start3A_160 : memref<632x24xf32, #tpu.memory_space<vmem_shared>>) target(%dma_start3A_158 : memref<632x24xf32, #tpu.memory_space<hbm>>) target_semaphore(%run_scoped3A : memref<!tpu.dma_semaphore, #tpu.memory_space<semaphore_mem>>)
          %dma_wait3A_161 = arith.constant 0 : i32
          %dma_wait3A_162 = tpu.memref_slice %arg6[%mul3A_156, %dma_wait3A_161] : memref<10000x48xf32, #tpu.memory_space<hbm>> -> memref<632x24xf32, #tpu.memory_space<hbm>>
          %dma_wait3A_163 = arith.constant 0 : i32
          %dma_wait3A_164 = tpu.memref_slice %arg20[%mul3A_156, %dma_wait3A_163] : memref<10112x24xf32, #tpu.memory_space<vmem_shared>> -> memref<632x24xf32, #tpu.memory_space<vmem_shared>>
          tpu.wait_dma2 semaphore(%run_scoped3A : memref<!tpu.dma_semaphore, #tpu.memory_space<semaphore_mem>>) src(%dma_wait3A_164 : memref<632x24xf32, #tpu.memory_space<vmem_shared>>) dst(%dma_wait3A_162 : memref<632x24xf32, #tpu.memory_space<hbm>>)
          tpu.yield
        }) : () -> ()
      } else {
      }
      %eq3A_150 = arith.constant 15 : i32
      %eq3A_151 = arith.cmpi eq, %arg1, %eq3A_150 : i32
      %convert_element_type3A_152 = arith.extui %eq3A_151 : i1 to i32
      %cond3A_153 = arith.constant 0 : i32
      %cond3A_154 = arith.cmpi ne, %convert_element_type3A_152, %cond3A_153 : i32
      scf.if %cond3A_154 {
        "tpu.region"() ({
          %run_scoped3A = tpu.sem_alloc : memref<!tpu.dma_semaphore, #tpu.memory_space<semaphore_mem>>
          %dma_start3A_155 = arith.constant 9480 : i32
          %dma_start3A_156 = arith.constant 0 : i32
          %dma_start3A_157 = tpu.memref_slice %arg6[%dma_start3A_155, %dma_start3A_156] : memref<10000x48xf32, #tpu.memory_space<hbm>> -> memref<520x24xf32, #tpu.memory_space<hbm>>
          %dma_start3A_158 = arith.constant 9480 : i32
          %dma_start3A_159 = arith.constant 0 : i32
          %dma_start3A_160 = tpu.memref_slice %arg20[%dma_start3A_158, %dma_start3A_159] : memref<10112x24xf32, #tpu.memory_space<vmem_shared>> -> memref<520x24xf32, #tpu.memory_space<vmem_shared>>
          tpu.enqueue_dma source(%dma_start3A_160 : memref<520x24xf32, #tpu.memory_space<vmem_shared>>) target(%dma_start3A_157 : memref<520x24xf32, #tpu.memory_space<hbm>>) target_semaphore(%run_scoped3A : memref<!tpu.dma_semaphore, #tpu.memory_space<semaphore_mem>>)
          %dma_wait3A_161 = arith.constant 9480 : i32
          %dma_wait3A_162 = arith.constant 0 : i32
          %dma_wait3A_163 = tpu.memref_slice %arg6[%dma_wait3A_161, %dma_wait3A_162] : memref<10000x48xf32, #tpu.memory_space<hbm>> -> memref<520x24xf32, #tpu.memory_space<hbm>>
          %dma_wait3A_164 = arith.constant 9480 : i32
          %dma_wait3A_165 = arith.constant 0 : i32
          %dma_wait3A_166 = tpu.memref_slice %arg20[%dma_wait3A_164, %dma_wait3A_165] : memref<10112x24xf32, #tpu.memory_space<vmem_shared>> -> memref<520x24xf32, #tpu.memory_space<vmem_shared>>
          tpu.wait_dma2 semaphore(%run_scoped3A : memref<!tpu.dma_semaphore, #tpu.memory_space<semaphore_mem>>) src(%dma_wait3A_166 : memref<520x24xf32, #tpu.memory_space<vmem_shared>>) dst(%dma_wait3A_163 : memref<520x24xf32, #tpu.memory_space<hbm>>)
          tpu.yield
        }) : () -> ()
      } else {
      }
    } else {
    }
    %eq3A_140 = arith.constant 1 : i32
    %eq3A_141 = arith.cmpi eq, %arg0, %eq3A_140 : i32
    %convert_element_type3A_142 = arith.extui %eq3A_141 : i1 to i32
    %cond3A_143 = arith.constant 0 : i32
    %cond3A_144 = arith.cmpi ne, %convert_element_type3A_142, %cond3A_143 : i32
    scf.if %cond3A_144 {
      %lt3A_145 = arith.constant 15 : i32
      %lt3A_146 = arith.cmpi slt, %arg1, %lt3A_145 : i32
      %convert_element_type3A_147 = arith.extui %lt3A_146 : i1 to i32
      %cond3A_148 = arith.constant 0 : i32
      %cond3A_149 = arith.cmpi ne, %convert_element_type3A_147, %cond3A_148 : i32
      scf.if %cond3A_149 {
        %mul3A_155 = arith.constant 632 : i32
        %mul3A_156 = arith.muli %arg1, %mul3A_155 : i32
        "tpu.region"() ({
          %run_scoped3A = tpu.sem_alloc : memref<!tpu.dma_semaphore, #tpu.memory_space<semaphore_mem>>
          %dma_start3A_157 = arith.constant 24 : i32
          %dma_start3A_158 = tpu.memref_slice %arg6[%mul3A_156, %dma_start3A_157] : memref<10000x48xf32, #tpu.memory_space<hbm>> -> memref<632x24xf32, #tpu.memory_space<hbm>>
          %dma_start3A_159 = arith.constant 0 : i32
          %dma_start3A_160 = tpu.memref_slice %arg20[%mul3A_156, %dma_start3A_159] : memref<10112x24xf32, #tpu.memory_space<vmem_shared>> -> memref<632x24xf32, #tpu.memory_space<vmem_shared>>
          tpu.enqueue_dma source(%dma_start3A_160 : memref<632x24xf32, #tpu.memory_space<vmem_shared>>) target(%dma_start3A_158 : memref<632x24xf32, #tpu.memory_space<hbm>>) target_semaphore(%run_scoped3A : memref<!tpu.dma_semaphore, #tpu.memory_space<semaphore_mem>>)
          %dma_wait3A_161 = arith.constant 24 : i32
          %dma_wait3A_162 = tpu.memref_slice %arg6[%mul3A_156, %dma_wait3A_161] : memref<10000x48xf32, #tpu.memory_space<hbm>> -> memref<632x24xf32, #tpu.memory_space<hbm>>
          %dma_wait3A_163 = arith.constant 0 : i32
          %dma_wait3A_164 = tpu.memref_slice %arg20[%mul3A_156, %dma_wait3A_163] : memref<10112x24xf32, #tpu.memory_space<vmem_shared>> -> memref<632x24xf32, #tpu.memory_space<vmem_shared>>
          tpu.wait_dma2 semaphore(%run_scoped3A : memref<!tpu.dma_semaphore, #tpu.memory_space<semaphore_mem>>) src(%dma_wait3A_164 : memref<632x24xf32, #tpu.memory_space<vmem_shared>>) dst(%dma_wait3A_162 : memref<632x24xf32, #tpu.memory_space<hbm>>)
          tpu.yield
        }) : () -> ()
      } else {
      }
      %eq3A_150 = arith.constant 15 : i32
      %eq3A_151 = arith.cmpi eq, %arg1, %eq3A_150 : i32
      %convert_element_type3A_152 = arith.extui %eq3A_151 : i1 to i32
      %cond3A_153 = arith.constant 0 : i32
      %cond3A_154 = arith.cmpi ne, %convert_element_type3A_152, %cond3A_153 : i32
      scf.if %cond3A_154 {
        "tpu.region"() ({
          %run_scoped3A = tpu.sem_alloc : memref<!tpu.dma_semaphore, #tpu.memory_space<semaphore_mem>>
          %dma_start3A_155 = arith.constant 9480 : i32
          %dma_start3A_156 = arith.constant 24 : i32
          %dma_start3A_157 = tpu.memref_slice %arg6[%dma_start3A_155, %dma_start3A_156] : memref<10000x48xf32, #tpu.memory_space<hbm>> -> memref<520x24xf32, #tpu.memory_space<hbm>>
          %dma_start3A_158 = arith.constant 9480 : i32
          %dma_start3A_159 = arith.constant 0 : i32
          %dma_start3A_160 = tpu.memref_slice %arg20[%dma_start3A_158, %dma_start3A_159] : memref<10112x24xf32, #tpu.memory_space<vmem_shared>> -> memref<520x24xf32, #tpu.memory_space<vmem_shared>>
          tpu.enqueue_dma source(%dma_start3A_160 : memref<520x24xf32, #tpu.memory_space<vmem_shared>>) target(%dma_start3A_157 : memref<520x24xf32, #tpu.memory_space<hbm>>) target_semaphore(%run_scoped3A : memref<!tpu.dma_semaphore, #tpu.memory_space<semaphore_mem>>)
          %dma_wait3A_161 = arith.constant 9480 : i32
          %dma_wait3A_162 = arith.constant 24 : i32
          %dma_wait3A_163 = tpu.memref_slice %arg6[%dma_wait3A_161, %dma_wait3A_162] : memref<10000x48xf32, #tpu.memory_space<hbm>> -> memref<520x24xf32, #tpu.memory_space<hbm>>
          %dma_wait3A_164 = arith.constant 9480 : i32
          %dma_wait3A_165 = arith.constant 0 : i32
          %dma_wait3A_166 = tpu.memref_slice %arg20[%dma_wait3A_164, %dma_wait3A_165] : memref<10112x24xf32, #tpu.memory_space<vmem_shared>> -> memref<520x24xf32, #tpu.memory_space<vmem_shared>>
          tpu.wait_dma2 semaphore(%run_scoped3A : memref<!tpu.dma_semaphore, #tpu.memory_space<semaphore_mem>>) src(%dma_wait3A_166 : memref<520x24xf32, #tpu.memory_space<vmem_shared>>) dst(%dma_wait3A_163 : memref<520x24xf32, #tpu.memory_space<hbm>>)
          tpu.yield
        }) : () -> ()
      } else {
      }
    } else {
    }
    return
  }
}

module attributes {stable_mosaic.version = 14 : i64} {
  func.func @_tc1_body(%arg0: i32, %arg1: memref<2000x128xf32, #tpu.memory_space<vmem>>, %arg2: memref<128x128xf32, #tpu.memory_space<vmem>>, %arg3: memref<2000x128xf32, #tpu.memory_space<vmem>>) attributes {dimension_semantics = [#tpu.dimension_semantics<arbitrary>], iteration_bounds = array<i64: 5>, scalar_prefetch = 0 : i64, scratch_operands = 0 : i64, tpu.core_type = #tpu.core_type<tc>, window_params = [{transform_indices = @transform_0, window_bounds = array<i64: 2000, 128>}, {pipeline_mode = #tpu.pipeline_mode<synchronous>, transform_indices = @transform_1, window_bounds = array<i64: 128, 128>}, {transform_indices = @transform_2, window_bounds = array<i64: 2000, 128>}]} {
    %get3A = arith.constant 0 : index
    %get3A_0 = arith.constant 0 : index
    %get3A_1 = vector.load %arg1[%get3A, %get3A_0] : memref<2000x128xf32, #tpu.memory_space<vmem>>, vector<2000x128xf32>
    %get3A_2 = arith.constant 0 : index
    %get3A_3 = arith.constant 0 : index
    %get3A_4 = vector.load %arg2[%get3A_2, %get3A_3] : memref<128x128xf32, #tpu.memory_space<vmem>>, vector<128x128xf32>
    %dot_general3A = arith.constant dense<0.000000e+00> : vector<2000x128xf32>
    %dot_general3A_5 = tpu.matmul %get3A_1, %get3A_4, %dot_general3A {dimension_numbers = #tpu.dot_dimension_numbers<[1], [0], [0], [1], [0, 0, 1, 1], [], []>, transpose_lhs_hint = false} : vector<2000x128xf32>, vector<128x128xf32>, vector<2000x128xf32> -> vector<2000x128xf32>
    %swap3A = arith.constant 0 : index
    %swap3A_6 = arith.constant 0 : index
    %swap3A_7 = vector.load %arg3[%swap3A, %swap3A_6] : memref<2000x128xf32, #tpu.memory_space<vmem>>, vector<2000x128xf32>
    tpu.vector_store %arg3[%swap3A, %swap3A_6], %dot_general3A_5 {strides = array<i32>} : memref<2000x128xf32, #tpu.memory_space<vmem>>, vector<2000x128xf32>,
    return
  }
  func.func @transform_0(%arg0: i32) -> (i32, i32) {
    %c0_i32 = arith.constant 0 : i32
    %c0_i32_0 = arith.constant 0 : i32
    return %arg0, %c0_i32 : i32, i32
  }
  func.func @transform_1(%arg0: i32) -> (i32, i32) {
    %c0_i32 = arith.constant 0 : i32
    %c0_i32_0 = arith.constant 0 : i32
    %c0_i32_1 = arith.constant 0 : i32
    return %c0_i32, %c0_i32_0 : i32, i32
  }
  func.func @transform_2(%arg0: i32) -> (i32, i32) {
    %c0_i32 = arith.constant 0 : i32
    %c0_i32_0 = arith.constant 0 : i32
    return %arg0, %c0_i32 : i32, i32
  }
}

module attributes {stable_mosaic.version = 14 : i64} {
  func.func @_tc23_body(%arg0: i32, %arg1: memref<2000x128xf32, #tpu.memory_space<vmem>>, %arg2: memref<2000x32xf32, #tpu.memory_space<vmem>>, %arg3: memref<128x128xf32, #tpu.memory_space<vmem>>, %arg4: memref<1x128xf32, #tpu.memory_space<vmem>>, %arg5: memref<2000x128xf32, #tpu.memory_space<vmem>>) attributes {dimension_semantics = [#tpu.dimension_semantics<arbitrary>], iteration_bounds = array<i64: 5>, scalar_prefetch = 0 : i64, scratch_operands = 0 : i64, tpu.core_type = #tpu.core_type<tc>, window_params = [{transform_indices = @transform_0, window_bounds = array<i64: 2000, 128>}, {transform_indices = @transform_1, window_bounds = array<i64: 2000, 32>}, {pipeline_mode = #tpu.pipeline_mode<synchronous>, transform_indices = @transform_2, window_bounds = array<i64: 128, 128>}, {pipeline_mode = #tpu.pipeline_mode<synchronous>, transform_indices = @transform_3, window_bounds = array<i64: 1, 128>}, {transform_indices = @transform_4, window_bounds = array<i64: 2000, 128>}]} {
    %get3A = arith.constant 0 : index
    %get3A_0 = arith.constant 0 : index
    %get3A_1 = vector.load %arg2[%get3A, %get3A_0] : memref<2000x32xf32, #tpu.memory_space<vmem>>, vector<2000x1xf32>
    %get3A_2 = arith.constant 0 : index
    %get3A_3 = arith.constant 16 : index
    %get3A_4 = vector.load %arg2[%get3A_2, %get3A_3] : memref<2000x32xf32, #tpu.memory_space<vmem>>, vector<2000x1xf32>
    %add3A = arith.addf %get3A_1, %get3A_4 : vector<2000x1xf32>
    %max3A = arith.constant 1.000000e+00 : f32
    %max3A_5 = vector.broadcast %max3A : f32 to vector<2000x1xf32>
    %max3A_6 = arith.maximumf %add3A, %max3A_5 : vector<2000x1xf32>
    %div3A = arith.constant 1.000000e+00 : f32
    %div3A_7 = vector.broadcast %div3A : f32 to vector<2000x1xf32>
    %div3A_8 = arith.divf %div3A_7, %max3A_6 : vector<2000x1xf32>
    %get3A_9 = arith.constant 0 : index
    %get3A_10 = arith.constant 0 : index
    %get3A_11 = vector.load %arg1[%get3A_9, %get3A_10] : memref<2000x128xf32, #tpu.memory_space<vmem>>, vector<2000x128xf32>
    %mul3A = vector.broadcast %div3A_8 : vector<2000x1xf32> to vector<2000x128xf32>
    %mul3A_12 = arith.mulf %get3A_11, %mul3A : vector<2000x128xf32>
    %get3A_13 = arith.constant 0 : index
    %get3A_14 = arith.constant 0 : index
    %get3A_15 = vector.load %arg4[%get3A_13, %get3A_14] : memref<1x128xf32, #tpu.memory_space<vmem>>, vector<1x128xf32>
    %add3A_16 = vector.broadcast %get3A_15 : vector<1x128xf32> to vector<2000x128xf32>
    %add3A_17 = arith.addf %mul3A_12, %add3A_16 : vector<2000x128xf32>
    %max3A_18 = arith.constant 0.000000e+00 : f32
    %max3A_19 = vector.broadcast %max3A_18 : f32 to vector<2000x128xf32>
    %max3A_20 = arith.maximumf %add3A_17, %max3A_19 : vector<2000x128xf32>
    %get3A_21 = arith.constant 0 : index
    %get3A_22 = arith.constant 0 : index
    %get3A_23 = vector.load %arg3[%get3A_21, %get3A_22] : memref<128x128xf32, #tpu.memory_space<vmem>>, vector<128x128xf32>
    %dot_general3A = arith.constant dense<0.000000e+00> : vector<2000x128xf32>
    %dot_general3A_24 = tpu.matmul %max3A_20, %get3A_23, %dot_general3A {dimension_numbers = #tpu.dot_dimension_numbers<[1], [0], [0], [1], [0, 0, 1, 1], [], []>, transpose_lhs_hint = false} : vector<2000x128xf32>, vector<128x128xf32>, vector<2000x128xf32> -> vector<2000x128xf32>
    %swap3A = arith.constant 0 : index
    %swap3A_25 = arith.constant 0 : index
    %swap3A_26 = vector.load %arg5[%swap3A, %swap3A_25] : memref<2000x128xf32, #tpu.memory_space<vmem>>, vector<2000x128xf32>
    tpu.vector_store %arg5[%swap3A, %swap3A_25], %dot_general3A_24 {strides = array<i32>} : memref<2000x128xf32, #tpu.memory_space<vmem>>, vector<2000x128xf32>,
    return
  }
  func.func @transform_0(%arg0: i32) -> (i32, i32) {
    %c0_i32 = arith.constant 0 : i32
    %c0_i32_0 = arith.constant 0 : i32
    return %arg0, %c0_i32 : i32, i32
  }
  func.func @transform_1(%arg0: i32) -> (i32, i32) {
    %c0_i32 = arith.constant 0 : i32
    %c0_i32_0 = arith.constant 0 : i32
    return %arg0, %c0_i32 : i32, i32
  }
  func.func @transform_2(%arg0: i32) -> (i32, i32) {
    %c0_i32 = arith.constant 0 : i32
    %c0_i32_0 = arith.constant 0 : i32
    %c0_i32_1 = arith.constant 0 : i32
    return %c0_i32, %c0_i32_0 : i32, i32
  }
  func.func @transform_3(%arg0: i32) -> (i32, i32) {
    %c0_i32 = arith.constant 0 : i32
    %c0_i32_0 = arith.constant 0 : i32
    %c0_i32_1 = arith.constant 0 : i32
    return %c0_i32, %c0_i32_0 : i32, i32
  }
  func.func @transform_4(%arg0: i32) -> (i32, i32) {
    %c0_i32 = arith.constant 0 : i32
    %c0_i32_0 = arith.constant 0 : i32
    return %arg0, %c0_i32 : i32, i32
  }
}

module attributes {stable_mosaic.version = 14 : i64} {
  func.func @_tc23_body(%arg0: i32, %arg1: memref<2000x128xf32, #tpu.memory_space<vmem>>, %arg2: memref<2000x32xf32, #tpu.memory_space<vmem>>, %arg3: memref<128x48xf32, #tpu.memory_space<vmem>>, %arg4: memref<1x128xf32, #tpu.memory_space<vmem>>, %arg5: memref<2000x48xf32, #tpu.memory_space<vmem>>) attributes {dimension_semantics = [#tpu.dimension_semantics<arbitrary>], iteration_bounds = array<i64: 5>, scalar_prefetch = 0 : i64, scratch_operands = 0 : i64, tpu.core_type = #tpu.core_type<tc>, window_params = [{transform_indices = @transform_0, window_bounds = array<i64: 2000, 128>}, {transform_indices = @transform_1, window_bounds = array<i64: 2000, 32>}, {pipeline_mode = #tpu.pipeline_mode<synchronous>, transform_indices = @transform_2, window_bounds = array<i64: 128, 48>}, {pipeline_mode = #tpu.pipeline_mode<synchronous>, transform_indices = @transform_3, window_bounds = array<i64: 1, 128>}, {transform_indices = @transform_4, window_bounds = array<i64: 2000, 48>}]} {
    %get3A = arith.constant 0 : index
    %get3A_0 = arith.constant 0 : index
    %get3A_1 = vector.load %arg2[%get3A, %get3A_0] : memref<2000x32xf32, #tpu.memory_space<vmem>>, vector<2000x1xf32>
    %get3A_2 = arith.constant 0 : index
    %get3A_3 = arith.constant 16 : index
    %get3A_4 = vector.load %arg2[%get3A_2, %get3A_3] : memref<2000x32xf32, #tpu.memory_space<vmem>>, vector<2000x1xf32>
    %add3A = arith.addf %get3A_1, %get3A_4 : vector<2000x1xf32>
    %max3A = arith.constant 1.000000e+00 : f32
    %max3A_5 = vector.broadcast %max3A : f32 to vector<2000x1xf32>
    %max3A_6 = arith.maximumf %add3A, %max3A_5 : vector<2000x1xf32>
    %div3A = arith.constant 1.000000e+00 : f32
    %div3A_7 = vector.broadcast %div3A : f32 to vector<2000x1xf32>
    %div3A_8 = arith.divf %div3A_7, %max3A_6 : vector<2000x1xf32>
    %get3A_9 = arith.constant 0 : index
    %get3A_10 = arith.constant 0 : index
    %get3A_11 = vector.load %arg1[%get3A_9, %get3A_10] : memref<2000x128xf32, #tpu.memory_space<vmem>>, vector<2000x128xf32>
    %mul3A = vector.broadcast %div3A_8 : vector<2000x1xf32> to vector<2000x128xf32>
    %mul3A_12 = arith.mulf %get3A_11, %mul3A : vector<2000x128xf32>
    %get3A_13 = arith.constant 0 : index
    %get3A_14 = arith.constant 0 : index
    %get3A_15 = vector.load %arg4[%get3A_13, %get3A_14] : memref<1x128xf32, #tpu.memory_space<vmem>>, vector<1x128xf32>
    %add3A_16 = vector.broadcast %get3A_15 : vector<1x128xf32> to vector<2000x128xf32>
    %add3A_17 = arith.addf %mul3A_12, %add3A_16 : vector<2000x128xf32>
    %max3A_18 = arith.constant 0.000000e+00 : f32
    %max3A_19 = vector.broadcast %max3A_18 : f32 to vector<2000x128xf32>
    %max3A_20 = arith.maximumf %add3A_17, %max3A_19 : vector<2000x128xf32>
    %get3A_21 = arith.constant 0 : index
    %get3A_22 = arith.constant 0 : index
    %get3A_23 = vector.load %arg3[%get3A_21, %get3A_22] : memref<128x48xf32, #tpu.memory_space<vmem>>, vector<128x48xf32>
    %dot_general3A = arith.constant dense<0.000000e+00> : vector<2000x48xf32>
    %dot_general3A_24 = tpu.matmul %max3A_20, %get3A_23, %dot_general3A {dimension_numbers = #tpu.dot_dimension_numbers<[1], [0], [0], [1], [0, 0, 1, 1], [], []>, transpose_lhs_hint = false} : vector<2000x128xf32>, vector<128x48xf32>, vector<2000x48xf32> -> vector<2000x48xf32>
    %swap3A = arith.constant 0 : index
    %swap3A_25 = arith.constant 0 : index
    %swap3A_26 = vector.load %arg5[%swap3A, %swap3A_25] : memref<2000x48xf32, #tpu.memory_space<vmem>>, vector<2000x48xf32>
    tpu.vector_store %arg5[%swap3A, %swap3A_25], %dot_general3A_24 {strides = array<i32>} : memref<2000x48xf32, #tpu.memory_space<vmem>>, vector<2000x48xf32>,
    return
  }
  func.func @transform_0(%arg0: i32) -> (i32, i32) {
    %c0_i32 = arith.constant 0 : i32
    %c0_i32_0 = arith.constant 0 : i32
    return %arg0, %c0_i32 : i32, i32
  }
  func.func @transform_1(%arg0: i32) -> (i32, i32) {
    %c0_i32 = arith.constant 0 : i32
    %c0_i32_0 = arith.constant 0 : i32
    return %arg0, %c0_i32 : i32, i32
  }
  func.func @transform_2(%arg0: i32) -> (i32, i32) {
    %c0_i32 = arith.constant 0 : i32
    %c0_i32_0 = arith.constant 0 : i32
    %c0_i32_1 = arith.constant 0 : i32
    return %c0_i32, %c0_i32_0 : i32, i32
  }
  func.func @transform_3(%arg0: i32) -> (i32, i32) {
    %c0_i32 = arith.constant 0 : i32
    %c0_i32_0 = arith.constant 0 : i32
    %c0_i32_1 = arith.constant 0 : i32
    return %c0_i32, %c0_i32_0 : i32, i32
  }
  func.func @transform_4(%arg0: i32) -> (i32, i32) {
    %c0_i32 = arith.constant 0 : i32
    %c0_i32_0 = arith.constant 0 : i32
    return %arg0, %c0_i32 : i32, i32
  }
}

module attributes {stable_mosaic.version = 14 : i64} {
  func.func @_tc4_body(%arg0: i32, %arg1: memref<2000x48xf32, #tpu.memory_space<vmem>>, %arg2: memref<2000x32xf32, #tpu.memory_space<vmem>>, %arg3: memref<1x40xf32, #tpu.memory_space<vmem>>, %arg4: memref<2000x40xf32, #tpu.memory_space<vmem>>) attributes {dimension_semantics = [#tpu.dimension_semantics<arbitrary>], iteration_bounds = array<i64: 5>, scalar_prefetch = 0 : i64, scratch_operands = 0 : i64, tpu.core_type = #tpu.core_type<tc>, window_params = [{transform_indices = @transform_0, window_bounds = array<i64: 2000, 48>}, {transform_indices = @transform_1, window_bounds = array<i64: 2000, 32>}, {pipeline_mode = #tpu.pipeline_mode<synchronous>, transform_indices = @transform_2, window_bounds = array<i64: 1, 40>}, {transform_indices = @transform_3, window_bounds = array<i64: 2000, 40>}]} {
    %get3A = arith.constant 0 : index
    %get3A_0 = arith.constant 0 : index
    %get3A_1 = vector.load %arg2[%get3A, %get3A_0] : memref<2000x32xf32, #tpu.memory_space<vmem>>, vector<2000x1xf32>
    %get3A_2 = arith.constant 0 : index
    %get3A_3 = arith.constant 16 : index
    %get3A_4 = vector.load %arg2[%get3A_2, %get3A_3] : memref<2000x32xf32, #tpu.memory_space<vmem>>, vector<2000x1xf32>
    %add3A = arith.addf %get3A_1, %get3A_4 : vector<2000x1xf32>
    %max3A = arith.constant 1.000000e+00 : f32
    %max3A_5 = vector.broadcast %max3A : f32 to vector<2000x1xf32>
    %max3A_6 = arith.maximumf %add3A, %max3A_5 : vector<2000x1xf32>
    %div3A = arith.constant 1.000000e+00 : f32
    %div3A_7 = vector.broadcast %div3A : f32 to vector<2000x1xf32>
    %div3A_8 = arith.divf %div3A_7, %max3A_6 : vector<2000x1xf32>
    %get3A_9 = arith.constant 0 : index
    %get3A_10 = arith.constant 0 : index
    %get3A_11 = vector.load %arg1[%get3A_9, %get3A_10] : memref<2000x48xf32, #tpu.memory_space<vmem>>, vector<2000x40xf32>
    %mul3A = vector.broadcast %div3A_8 : vector<2000x1xf32> to vector<2000x40xf32>
    %mul3A_12 = arith.mulf %get3A_11, %mul3A : vector<2000x40xf32>
    %get3A_13 = arith.constant 0 : index
    %get3A_14 = arith.constant 0 : index
    %get3A_15 = vector.load %arg3[%get3A_13, %get3A_14] : memref<1x40xf32, #tpu.memory_space<vmem>>, vector<1x40xf32>
    %add3A_16 = vector.broadcast %get3A_15 : vector<1x40xf32> to vector<2000x40xf32>
    %add3A_17 = arith.addf %mul3A_12, %add3A_16 : vector<2000x40xf32>
    %swap3A = arith.constant 0 : index
    %swap3A_18 = arith.constant 0 : index
    %swap3A_19 = vector.load %arg4[%swap3A, %swap3A_18] : memref<2000x40xf32, #tpu.memory_space<vmem>>, vector<2000x40xf32>
    tpu.vector_store %arg4[%swap3A, %swap3A_18], %add3A_17 {strides = array<i32>} : memref<2000x40xf32, #tpu.memory_space<vmem>>, vector<2000x40xf32>,
    return
  }
  func.func @transform_0(%arg0: i32) -> (i32, i32) {
    %c0_i32 = arith.constant 0 : i32
    %c0_i32_0 = arith.constant 0 : i32
    return %arg0, %c0_i32 : i32, i32
  }
  func.func @transform_1(%arg0: i32) -> (i32, i32) {
    %c0_i32 = arith.constant 0 : i32
    %c0_i32_0 = arith.constant 0 : i32
    return %arg0, %c0_i32 : i32, i32
  }
  func.func @transform_2(%arg0: i32) -> (i32, i32) {
    %c0_i32 = arith.constant 0 : i32
    %c0_i32_0 = arith.constant 0 : i32
    %c0_i32_1 = arith.constant 0 : i32
    return %c0_i32, %c0_i32_0 : i32, i32
  }
  func.func @transform_3(%arg0: i32) -> (i32, i32) {
    %c0_i32 = arith.constant 0 : i32
    %c0_i32_0 = arith.constant 0 : i32
    return %arg0, %c0_i32 : i32, i32
  }
}

</mosaic_0001>

<sc_bundles>
// kernel: kernel.10.cloned.1.call-start
scs
__scs_entry_jumppad:
0x0: {  	(pc) =	sbr.rel $0x88, $3  }
0x1: {  	(tag) =	ssettag $0x0;
	lr =	simm.s32 $0x1  }
0x2: {  	[smem:$0x3F99] =	sst lr;
	_ =	strace $0xD0000000  }
0x3: {  	_ = 	snop  }
0x4: {  	_ = 	snop  }
0x5: {  	_ = 	snop  }
0x6: {  	_ = 	snop  }
0x7: {  	_ = 	snop  }
__scs_overlays_trampoline_lowered:
0x8: {  	[smem:$0x3FA8] =	sst s0  }
0x9: {  	[smem:$0x3FA9] =	sst s1  }
0xa: {  	[smem:$0x3FAA] =	sst s2  }
0xb: {  	[smem:$0x3FAB] =	sst s3  }
0xc: {  	[smem:$0x3FAC] =	sst s4  }
0xd: {  	[smem:$0x3FAD] =	sst s5  }
0xe: {  	[smem:$0x3FAE] =	sst s6  }
0xf: {  	[smem:$0x3FAF] =	sst s7  }
0x10: {  	[smem:$0x3FB0] =	sst s8  }
0x11: {  	[smem:$0x3FB1] =	sst s9;
	s0 =	simm.s32 @!p0 $0x0  }
0x12: {  	s1 =	sld [smem:$0x3F97];
	s0 =	simm.s32 @p0 $0x1  }
0x13: {  	[smem:$0x3FB2] =	sst s0;
	s0 =	simm.s32 @!p1 $0x0  }
0x14: {  	s2 =	sld [smem:$0x3F96];
	s0 =	simm.s32 @p1 $0x1  }
0x15: {  	[smem:$0x3FB3] =	sst s0;
	s0 =	simm.s32 @!p2 $0x0  }
0x16: {  	s3 =	sld [smem:$0x3FDB];
	s0 =	simm.s32 @p2 $0x1  }
0x17: {  	s4 =	simm.s32 $0x1BF5;
	[smem:$0x3FB5] =	sst s0  }
0x18: {  	s0 =	sld [smem:$0x3F98];
	_ =	swait.ge [sflag:s4], $0x0  }
0x19: {  	s7 =	sld [smem:$0x3F99]  }
0x1a: {  	s8 =	sadd.s32 $0xFFFFE003, lr  }
0x1b: {  	s9 =	sadd.s32 $0xFFFFFEF7, lr;
	s5 =	simm.s32 $0xFFFFFFFF;
	p2 =	slt.u32 s8, $0xFFFFF086  }
0x1c: {  	p1 =	slt.u32 s9, $0xF7A;
	s5 =	simm.s32 @!p2 $0x0  }
0x1d: {  	s5 =	simm.s32 @p1 $0x1;
	p0 =	seq.s32 s7, s2  }
0x1e: {  	s7 =	smul.u32 @!p0 $0xF7A, s2;
	p2 =	seq.s32 @!p0 s5, $0x0  }
0x1f: {  	s9 =	smul.u32 $0xF7A, s1;
	s8 =	simm.s32 @!p0 $0x1BF5;
	p2 =	por !p2, p0  }
0x20: {  	[sflag:s8] =	ssyncset.s32 @!p0 $0xFFFFF086;
	s6 =	sadd.s32 @!p0 s3, s7;
	s7 =	simm.s32 @!p0 $0x108  }
0x21: {  	s3 =	sadd.s32 s3, s9;
	s6 =	sadd.s32 @!p0 $0x88, s6;
	s7 =	simm.s32 @p2 $0x1082  }
0x22: {  	[simem:s7], [sflag:s8] =	dma.local @!p0 [hbm:s6], $0xF7A  }
0x23: {  	s9 =	sor.u32 $0xD0000000, s2;
	s6 =	simm.s32 $0x108;
	_ =	swait.ge @!p0 [sflag:s8], $0x0  }
0x24: {  	s3 =	sadd.s32 $0x88, s3;
	s6 =	simm.s32 @!p1 $0x1082;
	[sflag:s4] =	ssyncset.s32 $0xFFFFF086  }
0x25: {  	[simem:s6], [sflag:s4] =	dma.local [hbm:s3], $0xF7A  }
0x26: {  	[smem:$0x3F99] =	sst s1;
	(tag) =	ssettag s2;
	_ =	strace s9  }
0x27: {  	s1 =	sld [smem:$0x3FA9]  }
0x28: {  	s2 =	sld [smem:$0x3FAA]  }
0x29: {  	s4 =	sld [smem:$0x3FAC]  }
0x2a: {  	p0 =	seq.s32 s5, $0x0;
	s5 =	sld [smem:$0x3FAD]  }
0x2b: {  	s6 =	sld [smem:$0x3FAE]  }
0x2c: {  	s7 =	sld [smem:$0x3FAF]  }
0x2d: {  	s3 =	simm.s32 $0x108;
	s8 =	sld [smem:$0x3FB0]  }
0x2e: {  	s3 =	simm.s32 @!p0 $0x1082;
	s9 =	sld [smem:$0x3FB1]  }
0x2f: {  	lr =	sadd.s32 s0, s3;
	s0 =	sld [smem:$0x3FA8]  }
0x30: {  	s3 =	sld [smem:$0x3FAB]  }
0x31: {  	[smem:$0x3FB4] =	sst s10  }
0x32: {  	s10 =	sld [smem:$0x3FB2];
	_ =	sdelay $0x3  }
0x33: {  	p0 =	seq.s32 s10, $0x1;
	s10 =	sld [smem:$0x3FB4];
	_ =	sdelay $0x3  }
0x34: {  	[smem:$0x3FB4] =	sst s10  }
0x35: {  	s10 =	sld [smem:$0x3FB3];
	_ =	sdelay $0x3  }
0x36: {  	p1 =	seq.s32 s10, $0x1;
	s10 =	sld [smem:$0x3FB4];
	_ =	sdelay $0x3  }
0x37: {  	[smem:$0x3FB4] =	sst s10  }
0x38: {  	s10 =	sld [smem:$0x3FB5]  }
0x39: {  	_ = 	snop;
	(pc) =	sbr.ind lr, $3  }
0x3a: {  	_ = 	snop  }
0x3b: {  	_ = 	snop  }
0x3c: {  	p2 =	seq.s32 s10, $0x1;
	s10 =	sld [smem:$0x3FB4]  }
0x3d: {  	_ =	shalt  }
0x3e: {  	_ =	shalt  }
0x3f: {  	_ =	shalt  }
0x40: {  	_ =	shalt  }
0x41: {  	_ =	shalt  }
0x42: {  	_ =	shalt  }
0x43: {  	_ =	shalt  }
0x44: {  	_ =	shalt  }
0x45: {  	_ =	shalt  }
0x46: {  	_ =	shalt  }
0x47: {  	_ =	shalt  }
0x48: {  	_ =	shalt  }
0x49: {  	_ =	shalt  }
0x4a: {  	_ =	shalt  }
0x4b: {  	_ =	shalt  }
0x4c: {  	_ =	shalt  }
0x4d: {  	_ =	shalt  }
0x4e: {  	_ =	shalt  }
0x4f: {  	_ =	shalt  }
0x50: {  	_ =	shalt  }
0x51: {  	_ =	shalt  }
0x52: {  	_ =	shalt  }
0x53: {  	_ =	shalt  }
0x54: {  	_ =	shalt  }
0x55: {  	_ =	shalt  }
0x56: {  	_ =	shalt  }
0x57: {  	_ =	shalt  }
0x58: {  	_ =	shalt  }
0x59: {  	_ =	shalt  }
0x5a: {  	_ =	shalt  }
0x5b: {  	_ =	shalt  }
0x5c: {  	_ =	shalt  }
0x5d: {  	_ =	shalt  }
0x5e: {  	_ =	shalt  }
0x5f: {  	_ =	shalt  }
0x60: {  	_ =	shalt  }
0x61: {  	_ =	shalt  }
0x62: {  	_ =	shalt  }
0x63: {  	_ =	shalt  }
0x64: {  	_ =	shalt  }
0x65: {  	_ =	shalt  }
0x66: {  	_ =	shalt  }
0x67: {  	_ =	shalt  }
0x68: {  	_ =	shalt  }
0x69: {  	_ =	shalt  }
0x6a: {  	_ =	shalt  }
0x6b: {  	_ =	shalt  }
0x6c: {  	_ =	shalt  }
0x6d: {  	_ =	shalt  }
0x6e: {  	_ =	shalt  }
0x6f: {  	_ =	shalt  }
0x70: {  	_ =	shalt  }
0x71: {  	_ =	shalt  }
0x72: {  	_ =	shalt  }
0x73: {  	_ =	shalt  }
0x74: {  	_ =	shalt  }
0x75: {  	_ =	shalt  }
0x76: {  	_ =	shalt  }
0x77: {  	_ =	shalt  }
0x78: {  	_ =	shalt  }
0x79: {  	_ =	shalt  }
0x7a: {  	_ =	shalt  }
0x7b: {  	_ =	shalt  }
0x7c: {  	_ =	shalt  }
0x7d: {  	_ =	shalt  }
0x7e: {  	_ =	shalt  }
0x7f: {  	_ =	shalt  }
0x80: {  	_ =	shalt  }
0x81: {  	_ =	shalt  }
0x82: {  	_ =	shalt  }
0x83: {  	_ =	shalt  }
0x84: {  	_ =	shalt  }
0x85: {  	_ =	shalt  }
0x86: {  	_ =	shalt  }
0x87: {  	_ =	shalt  }
.Lfunc_end0:
.L_simem_size_0:
called_computation_lowered:
.L_overlay_start_0:
0x88: {  	s2 =	sld [smem:$0x3FD9]  }
0x89: {  	s3 =	sld [smem:$0x3FFE];
	_ =	sdelay $0x1  }
0x8a: {  	s1 =	srdreg.scid  }
0x8b: {  	s0 =	sand.u32 $0x1, s1  }
0x8c: {  	s17 =	sshll.u32 s0, $0xA;
	s2 =	sadd.s32 s3, s2  }
0x8d: {  	s2 =	sadd.s32 s2, s17  }
0x8e: {  	[smem:$0x3FC0] =	sst s2  }
0x8f: {  	_ = 	snop  }
0x90: {  	s2 =	sld [smem:$0x3FD0];
	(tm) =	ssettm $0x1  }
0x91: {  	s18 =	sld [smem:$0x3FFB];
	_ =	sdelay $0x3  }
0x92: {  	_ =	strace s18  }
0x93: {  	s3 =	sld [smem:$0x3FFC];
	_ =	sdelay $0x3  }
0x94: {  	_ =	strace s3  }
0x95: {  	s3 =	sld [smem:$0x3FFD];
	_ =	sdelay $0x3  }
0x96: {  	_ =	strace s3  }
0x97: {  	_ =	strace $0x8FFFFFFF  }
0x98: {  	s19 =	sld [smem:$0x3FDB];
	_ =	sdelay $0x1  }
0x99: {  	s4 =	simm.s32 $_scs_section_size  }
0x9a: {  	s5 =	simm.s32 $_size__tile_overlayer_lowered;
	s6 =	simm.s32 $_tile_overlayer_lowered  }
0x9b: {  	s22 =	simm.s32 $0x1BFF;
	s21 =	sshll.u32 s6, $0x1;
	s3 =	sadd.s32 s4, s19  }
0x9c: {  	s7 =	simm.s32 $0x0;
	s20 =	sshll.u32 s5, $0x1;
	s5 =	sadd.s32 s21, s3  }
0x9d: {  	[timem:s7], [sflag:s22] =	dma.local [hbm:s5], s20  }
0x9e: {  	_ =	swait.ge [sflag:s22], s20  }
0x9f: {  	s4 =	ssub.s32 $0x0, s20;
	[sflag:s22] =	ssyncset.done $0x0  }
0xa0: {  	[sflag:s22] =	ssyncadd.s32 s4;
	_ =	sdelay $0x1  }
0xa1: {  	s23 =	simm.s32 $0x1B8B  }
0xa2: {  	_ =	swait.ge [sflag:s23], $0x1  }
0xa3: {  	[sflag:s23] =	ssyncset.done $0x0  }
0xa4: {  	s25 =	simm.s32 $0x1B8E;
	s24 =	sld [smem:$0x3FFE];
	[sflag:s23] =	ssyncadd.s32 $0xFFFFFFFF  }
0xa5: {  	s26 =	simm.s32 $execute0_lowered;
	[smem:$0x3FD2] =	sst s25  }
0xa6: {  	s5 =	sshll.u32 s26, $0x1;
	_ =	strace $0x80000046;
	[dreg:$0x1] =	wrdreg $0xFFFFFFFF  }
0xa7: {  	s28 =	simm.s32 $_size_execute0_lowered;
	s3 =	sadd.s32 s3, s5;
	[dreg:$0x0] =	wrdreg $0x0  }
0xa8: {  	s5 =	sshll.u32 s28, $0x1;
	[dreg:$0x2] =	wrdreg s3  }
0xa9: {  	[dreg:$0x3] =	wrdreg s5  }
0xaa: {  	[dreg:$0x4] =	wrdreg $0xC0  }
0xab: {  	_ =	task [dreg:s7], $0x5FFFF  }
0xac: {  	[dreg:$0x1] =	wrdreg $0xFFFFFFFF  }
0xad: {  	[dreg:$0x0] =	wrdreg $0x60  }
0xae: {  	[dreg:$0x2] =	wrdreg s24  }
0xaf: {  	[dreg:$0x3] =	wrdreg s2  }
0xb0: {  	[dreg:$0x4] =	wrdreg $0xA000  }
0xb1: {  	[dreg:$0x5] =	wrdreg $0x9  }
0xb2: {  	_ =	task.clear_ibuf [dreg:s7], $0x6FFFF;
	_ =	strace $0x90000046  }
0xb3: {  	s29 =	simm.s32 $0x9;
	_ =	strace $0x80000048  }
0xb4: {  	_ =	swait.ge [sflag:s29], $0x1  }
0xb5: {  	[sflag:s29] =	ssyncadd.s32 $0xFFFFFFFF  }
0xb6: {  	_ =	strace $0x90000048  }
0xb7: {  	_ =	sfence  }
0xb8: {  	s30 =	sld [smem:$0x0];
	_ =	sdelay $0x2  }
0xb9: {  	s31 =	sshll.u32 s1, $0xD;
	s1 =	sshrl.u32 s1, $0x2  }
0xba: {  	s3 =	sand.u32 $0x4000, s31;
	s1 =	sadd.s32 s1, s30  }
0xbb: {  	s0 =	sor.u32 s3, s0;
	s1 =	sshll.u32 s1, $0x11  }
0xbc: {  	s0 =	sor.u32 s1, s0  }
0xbd: {  	s0 =	sadd.s32 $0x8F2B, s0  }
0xbe: {  	[sflag:s0] =	ssyncadd.remote.s32 $0x1  }
0xbf: {  	_ =	sfence.sel $0xFFFF  }
0xc0: {  	[dreg:$0x0] =	wrdreg $0xFFFFFFFF;
	(pc) =	sbr.abs _section_cstart, $3  }
0xc1: {  	[dreg:$0x1] =	wrdreg $0xFFFFFFFF  }
0xc2: {  	_ =	task.clear_ibuf [dreg:s7], $0x2FFFF;
	_ =	strace $0x9FFFFFFF  }
0xc3: {  	(tm) =	ssettm $0x7FFFFFFF  }
tec
execute0_lowered:
.L_overlay_start_1:
0x0: {  	(tag) =	ssettag $0x1  }
0x1: {  	s0 =	rddreg [dreg:$0x0]  }
0x2: {  	s3 =	rddreg [dreg:$0x1]  }
0x3: {  	s1 =	rddreg [dreg:$0x2];
	s2 =	simm.s32 $0x0;
	s5 =	srdreg.scid  }
0x4: {  	s26 =	stileid.u32;
	s28 =	simm.s32 $0x2;
	s29 =	simm.s32 $0x3  }
0x5: {  	s30 =	simm.s32 $0x4;
	s31 =	simm.s32 $0x0;
	[smem:$0x7FF] =	sst s2  }
0x6: {  	s4 =	sadd.s32 $0x2E00, s0;
	s6 =	sadd.s32 $0x16E00, s0;
	s11 =	sand.u32 $0x1, s5  }
0x7: {  	s0 =	sadd.s32 $0x16800, s0;
	s22 =	smul.u32 $0x9E00, s26;
	s20 =	sshll.u32 s26, $0x5  }
0x8: {  	s12 =	smul.u32 $0x9E0, s26;
	s13 =	sadd.s32 $0x25080, s1;
	s15 =	sadd.s32 $0x9422, s3  }
0x9: {  	p0 =	sgt.u32 s26, $0x1;
	_ =	strace $0x80000047;
	[dreg:$0x4] =	wrdreg s6  }
0xa: {  	[dreg:$0x5] =	wrdreg s0;
	s19 =	ssub.s32 $0x2, s11;
	s21 =	sshll.u32 s11, $0x4  }
0xb: {  	p4 =	seq.s32 s11, $0x1;
	s25 =	sadd.s32 s20, s4;
	s7 =	sshrl.u32 s19, $0x1  }
0xc: {  	s6 =	sshrl.u32 s22, $0x2;
	s23 =	sor.u32 s21, s20;
	s11 =	sadd.s32 s3, s12  }
0xd: {  	s12 =	sadd.s32 $0x9420, s3;
	s20 =	sadd.s32 s21, s25;
	s21 =	simm.s32 $0x200  }
0xe: {  	s22 =	simm.s32 $0x5;
	s25 =	simm.s32 $0x180;
	p2 =	seq.s32 @p4 s26, $0xF  }
0xf: {  	p5 =	seq.s32 @!p4 s26, $0xF;
	s26 =	simm.s32 $0x1;
	s0 =	ssub.s32 s19, s7  }
0x10: {  	s6 =	sadd.s32 s6, s1;
	s19 =	sadd.s32 s4, s23;
	s14 =	sadd.s32 $0x2, s11  }
0x11: {  	s23 =	simm.s32 $0x80;
	p1 =	por !p2, !p4;
	p2 =	por p2, !p4  }
0x12: {  	p3 =	por !p5, p4;
	p4 =	por p5, p4;
	s24 =	sadd.s32 $0x9C40, s19  }
0x13: {  	s8 =	sadd.s32 $0x9E40, s19;
	s9 =	sadd.s32 $0xA040, s19;
	s10 =	sadd.s32 $0xA240, s19  }
0x14: {  	s16 =	smax.u32 s0, $0x1;
	s17 =	sadd.s32 $0x13440, s19;
	s18 =	sadd.s32 $0x13640, s19  }
0x15: {  	s19 =	sadd.s32 $0x13840, s19;
	[dreg:$0x6] =	wrdreg s24;
	s24 =	simm.s32 $0x100  }
.LBB2_1:
0x16: {  	s0 =	rddreg [dreg:$0x4]  }
0x17: {  	[tilespmem:s21], [sflag:$0x5] =	stream.linear.gather [hbm4b:s0+s2], $0x800, $0x38;
	[tilespmem:$0x3180] =	vst v63  }
0x18: {  	s4 =	stileid.u32;
	_ =	swait.ge [sflag:s22], $0x800  }
0x19: {  	s3 =	sshrl.u32 s6, $0x3;
	s0 =	sshll.u32 s4, $0x6;
	[sflag:s22] =	ssyncset.done $0x0  }
0x1a: {  	s0 =	sor.u32 $0x1C05, s0;
	s4 =	rddreg [dreg:$0x5];
	[sflag:s22] =	ssyncadd.s32 $0xFFFFF800  }
0x1b: {  	[spmem:s3], [sflag:s0] =	dma.local [hbm:s4], $0x4F0  }
0x1c: {  	_ =	swait.ge [sflag:s22], $0x4F0  }
0x1d: {  	[sflag:s22] =	ssyncset.done $0x0  }
0x1e: {  	[sflag:s22] =	ssyncadd.s32 $0xFFFFFB10  }
0x1f: {  	[bflag:$0x0] =	sbarrier.arrive $0xFFFF  }
0x20: {  	s5 =	rddreg [dreg:$0x6]  }
0x21: {  	[tilespmem:s2], [sflag:$0x1] =	stream.linear.gather [hbm4b:s5+s2], $0x80, $0x38;
	[tilespmem:$0x3180] =	vst v63  }
0x22: {  	_ = 	snop  }
0x23: {  	[tilespmem:s23], [sflag:$0x2] =	stream.linear.gather [hbm4b:s8+s2], $0x80, $0x38;
	[tilespmem:$0x3180] =	vst v63  }
0x24: {  	_ = 	snop  }
0x25: {  	[tilespmem:s24], [sflag:$0x3] =	stream.linear.gather [hbm4b:s9+s2], $0x80, $0x38;
	[tilespmem:$0x3180] =	vst v63  }
0x26: {  	_ = 	snop  }
0x27: {  	[tilespmem:s25], [sflag:$0x4] =	stream.linear.gather [hbm4b:s10+s2], $0x80, $0x38;
	[tilespmem:$0x3180] =	vst v63  }
0x28: {  	_ =	swait.ge [sflag:s26], $0x80  }
0x29: {  	[sflag:s26] =	ssyncset.done $0x0  }
0x2a: {  	[sflag:s26] =	ssyncadd.s32 $0xFFFFFF80  }
0x2b: {  	[spmem:s1] =	stream.indirect.scatter.add.f32 [tilespmem:s21], [sflag:$0x5], $0x10, s2, s23, $0xb8;
	[tilespmem:$0x3180] =	vst v63  }
0x2c: {  	_ =	swait.ge [sflag:s22], $0x800  }
0x2d: {  	s4 =	sadd.s32 $0x0, s20;
	[sflag:s22] =	ssyncset.done $0x0  }
0x2e: {  	s7 =	sadd.s32 $0xA440, s4;
	[sflag:s22] =	ssyncadd.s32 $0xFFFFF800  }
0x2f: {  	[tilespmem:s2], [sflag:$0x1] =	stream.linear.gather [hbm4b:s7+s2], $0x80, $0x38;
	[tilespmem:$0x3180] =	vst v63  }
0x30: {  	_ =	swait.ge [sflag:s28], $0x80  }
0x31: {  	[sflag:s28] =	ssyncset.done $0x0  }
0x32: {  	[sflag:s28] =	ssyncadd.s32 $0xFFFFFF80  }
0x33: {  	[spmem:s1] =	stream.indirect.scatter.add.f32 [tilespmem:s21], [sflag:$0x5], $0x10, s23, s23, $0xb8;
	[tilespmem:$0x3180] =	vst v63  }
0x34: {  	_ =	swait.ge [sflag:s22], $0x800  }
0x35: {  	[sflag:s22] =	ssyncset.done $0x0  }
0x36: {  	s5 =	sadd.s32 $0xA640, s4;
	[sflag:s22] =	ssyncadd.s32 $0xFFFFF800  }
0x37: {  	[tilespmem:s23], [sflag:$0x2] =	stream.linear.gather [hbm4b:s5+s2], $0x80, $0x38;
	[tilespmem:$0x3180] =	vst v63  }
0x38: {  	_ =	swait.ge [sflag:s29], $0x80  }
0x39: {  	[sflag:s29] =	ssyncset.done $0x0  }
0x3a: {  	[sflag:s29] =	ssyncadd.s32 $0xFFFFFF80  }
0x3b: {  	[spmem:s1] =	stream.indirect.scatter.add.f32 [tilespmem:s21], [sflag:$0x5], $0x10, s24, s23, $0xb8;
	[tilespmem:$0x3180] =	vst v63  }
0x3c: {  	_ =	swait.ge [sflag:s22], $0x800  }
0x3d: {  	[sflag:s22] =	ssyncset.done $0x0  }
0x3e: {  	s7 =	sadd.s32 $0xA840, s4;
	[sflag:s22] =	ssyncadd.s32 $0xFFFFF800  }
0x3f: {  	[tilespmem:s24], [sflag:$0x3] =	stream.linear.gather [hbm4b:s7+s2], $0x80, $0x38;
	[tilespmem:$0x3180] =	vst v63  }
0x40: {  	_ =	swait.ge [sflag:s30], $0x80  }
0x41: {  	[sflag:s30] =	ssyncset.done $0x0  }
0x42: {  	[sflag:s30] =	ssyncadd.s32 $0xFFFFFF80  }
0x43: {  	[spmem:s1] =	stream.indirect.scatter.add.f32 [tilespmem:s21], [sflag:$0x5], $0x10, s25, s23, $0xb8;
	[tilespmem:$0x3180] =	vst v63  }
0x44: {  	_ =	swait.ge [sflag:s22], $0x800  }
0x45: {  	[sflag:s22] =	ssyncset.done $0x0  }
0x46: {  	s3 =	simm.s32 $0x800;
	s4 =	sadd.s32 $0xAA40, s4;
	[sflag:s22] =	ssyncadd.s32 $0xFFFFF800  }
.LBB2_2:
0x47: {  	[tilespmem:s25], [sflag:$0x4] =	stream.linear.gather [hbm4b:s4+s2], $0x80, $0x38;
	[tilespmem:$0x3180] =	vst v63  }
0x48: {  	s4 =	smov.u32 s3  }
0x49: {  	p5 =	sne.s32 s3, $0x8800;
	s3 =	sadd.s32 $0x800, s3;
	_ =	swait.ge [sflag:s26], $0x80  }
0x4a: {  	[sflag:s26] =	ssyncset.done $0x0  }
0x4b: {  	[sflag:s26] =	ssyncadd.s32 $0xFFFFFF80  }
0x4c: {  	[spmem:s1] =	stream.indirect.scatter.add.f32 [tilespmem:s21], [sflag:$0x5], $0x10, s2, s23, $0xb8;
	[tilespmem:$0x3180] =	vst v63  }
0x4d: {  	_ =	swait.ge [sflag:s22], $0x800  }
0x4e: {  	s4 =	sadd.s32 s4, s20;
	[sflag:s22] =	ssyncset.done $0x0  }
0x4f: {  	s5 =	sadd.s32 $0xA440, s4;
	[sflag:s22] =	ssyncadd.s32 $0xFFFFF800  }
0x50: {  	[tilespmem:s2], [sflag:$0x1] =	stream.linear.gather [hbm4b:s5+s2], $0x80, $0x38;
	[tilespmem:$0x3180] =	vst v63  }
0x51: {  	_ =	swait.ge [sflag:s28], $0x80  }
0x52: {  	[sflag:s28] =	ssyncset.done $0x0  }
0x53: {  	[sflag:s28] =	ssyncadd.s32 $0xFFFFFF80  }
0x54: {  	[spmem:s1] =	stream.indirect.scatter.add.f32 [tilespmem:s21], [sflag:$0x5], $0x10, s23, s23, $0xb8;
	[tilespmem:$0x3180] =	vst v63  }
0x55: {  	_ =	swait.ge [sflag:s22], $0x800  }
0x56: {  	[sflag:s22] =	ssyncset.done $0x0  }
0x57: {  	s5 =	sadd.s32 $0xA640, s4;
	[sflag:s22] =	ssyncadd.s32 $0xFFFFF800  }
0x58: {  	[tilespmem:s23], [sflag:$0x2] =	stream.linear.gather [hbm4b:s5+s2], $0x80, $0x38;
	[tilespmem:$0x3180] =	vst v63  }
0x59: {  	_ =	swait.ge [sflag:s29], $0x80  }
0x5a: {  	[sflag:s29] =	ssyncset.done $0x0  }
0x5b: {  	[sflag:s29] =	ssyncadd.s32 $0xFFFFFF80  }
0x5c: {  	[spmem:s1] =	stream.indirect.scatter.add.f32 [tilespmem:s21], [sflag:$0x5], $0x10, s24, s23, $0xb8;
	[tilespmem:$0x3180] =	vst v63  }
0x5d: {  	_ =	swait.ge [sflag:s22], $0x800  }
0x5e: {  	[sflag:s22] =	ssyncset.done $0x0  }
0x5f: {  	s5 =	sadd.s32 $0xA840, s4;
	[sflag:s22] =	ssyncadd.s32 $0xFFFFF800  }
0x60: {  	[tilespmem:s24], [sflag:$0x3] =	stream.linear.gather [hbm4b:s5+s2], $0x80, $0x38;
	[tilespmem:$0x3180] =	vst v63  }
0x61: {  	_ =	swait.ge [sflag:s30], $0x80  }
0x62: {  	[sflag:s30] =	ssyncset.done $0x0  }
.Ltmp0:
0x63: {  	[sflag:s30] =	ssyncadd.s32 $0xFFFFFF80;
	(pc) =	sbr.rel @p5 .LBB2_2-.Ltmp0, $4  }
0x64: {  	[spmem:s1] =	stream.indirect.scatter.add.f32 [tilespmem:s21], [sflag:$0x5], $0x10, s25, s23, $0xb8;
	[tilespmem:$0x3180] =	vst v63  }
0x65: {  	_ =	swait.ge [sflag:s22], $0x800  }
0x66: {  	[sflag:s22] =	ssyncset.done $0x0  }
0x67: {  	s4 =	sadd.s32 $0xAA40, s4;
	[sflag:s22] =	ssyncadd.s32 $0xFFFFF800  }
0x68: {  	[tilespmem:s25], [sflag:$0x4] =	stream.linear.gather [hbm4b:s4+s2], $0x80, $0x38;
	[tilespmem:$0x3180] =	vst v63  }
0x69: {  	_ =	swait.ge [sflag:s26], $0x80  }
0x6a: {  	[sflag:s26] =	ssyncset.done $0x0  }
0x6b: {  	[sflag:s26] =	ssyncadd.s32 $0xFFFFFF80  }
0x6c: {  	[spmem:s1] =	stream.indirect.scatter.add.f32 [tilespmem:s21], [sflag:$0x5], $0x10, s2, s23, $0xb8;
	[tilespmem:$0x3180] =	vst v63  }
0x6d: {  	_ =	swait.ge [sflag:s22], $0x800  }
0x6e: {  	[sflag:s22] =	ssyncset.done $0x0  }
0x6f: {  	[sflag:s22] =	ssyncadd.s32 $0xFFFFF800  }
0x70: {  	[tilespmem:s2], [sflag:$0x1] =	stream.linear.gather [hbm4b:s17+s2], $0x80, $0x38;
	[tilespmem:$0x3180] =	vst v63  }
0x71: {  	_ =	swait.ge [sflag:s28], $0x80  }
0x72: {  	[sflag:s28] =	ssyncset.done $0x0  }
0x73: {  	[sflag:s28] =	ssyncadd.s32 $0xFFFFFF80  }
0x74: {  	[spmem:s1] =	stream.indirect.scatter.add.f32 [tilespmem:s21], [sflag:$0x5], $0x10, s23, s23, $0xb8;
	[tilespmem:$0x3180] =	vst v63  }
0x75: {  	_ =	swait.ge [sflag:s22], $0x800  }
0x76: {  	[sflag:s22] =	ssyncset.done $0x0  }
0x77: {  	[sflag:s22] =	ssyncadd.s32 $0xFFFFF800  }
0x78: {  	[tilespmem:s23], [sflag:$0x2] =	stream.linear.gather [hbm4b:s18+s2], $0x80, $0x38;
	[tilespmem:$0x3180] =	vst v63  }
0x79: {  	_ =	swait.ge [sflag:s29], $0x80  }
0x7a: {  	[sflag:s29] =	ssyncset.done $0x0  }
0x7b: {  	[sflag:s29] =	ssyncadd.s32 $0xFFFFFF80  }
0x7c: {  	[spmem:s1] =	stream.indirect.scatter.add.f32 [tilespmem:s21], [sflag:$0x5], $0x10, s24, s23, $0xb8;
	[tilespmem:$0x3180] =	vst v63  }
0x7d: {  	_ =	swait.ge [sflag:s22], $0x800  }
0x7e: {  	[sflag:s22] =	ssyncset.done $0x0  }
0x7f: {  	s3 =	simm.s32 @!p0 $0x0;
	s4 =	simm.s32 @!p0 $0x100;
	[sflag:s22] =	ssyncadd.s32 $0xFFFFF800  }
0x80: {  	[tilespmem:s4], [sflag:$0x3] =	stream.linear.gather @!p0 [hbm4b:s19+s3], $0x80, $0x38;
	[tilespmem:$0x3180] =	vst v63  }
0x81: {  	_ =	swait.ge [sflag:s30], $0x80  }
0x82: {  	[sflag:s30] =	ssyncset.done $0x0  }
0x83: {  	[sflag:s30] =	ssyncadd.s32 $0xFFFFFF80  }
0x84: {  	[spmem:s1] =	stream.indirect.scatter.add.f32 [tilespmem:s21], [sflag:$0x5], $0x10, s25, s23, $0xb8;
	[tilespmem:$0x3180] =	vst v63  }
0x85: {  	_ =	swait.ge [sflag:s22], $0x800  }
0x86: {  	[sflag:s22] =	ssyncset.done $0x0  }
0x87: {  	[sflag:s22] =	ssyncadd.s32 $0xFFFFF800  }
0x88: {  	_ =	swait.ge [sflag:s26], $0x80  }
0x89: {  	[sflag:s26] =	ssyncset.done $0x0  }
0x8a: {  	[sflag:s26] =	ssyncadd.s32 $0xFFFFFF80  }
0x8b: {  	[spmem:s1] =	stream.indirect.scatter.add.f32 [tilespmem:s21], [sflag:$0x5], $0x10, s2, s23, $0xb8;
	[tilespmem:$0x3180] =	vst v63  }
0x8c: {  	_ =	swait.ge [sflag:s22], $0x800  }
0x8d: {  	[sflag:s22] =	ssyncset.done $0x0  }
0x8e: {  	[sflag:s22] =	ssyncadd.s32 $0xFFFFF800  }
0x8f: {  	_ =	swait.ge [sflag:s28], $0x80  }
0x90: {  	[sflag:s28] =	ssyncset.done $0x0  }
0x91: {  	[sflag:s28] =	ssyncadd.s32 $0xFFFFFF80  }
0x92: {  	[spmem:s1] =	stream.indirect.scatter.add.f32 [tilespmem:s21], [sflag:$0x5], $0x10, s23, s23, $0xb8;
	[tilespmem:$0x3180] =	vst v63  }
0x93: {  	_ =	swait.ge [sflag:s22], $0x800  }
0x94: {  	[sflag:s22] =	ssyncset.done $0x0  }
0x95: {  	s3 =	simm.s32 @!p0 $0x3;
	[sflag:s22] =	ssyncadd.s32 $0xFFFFF800  }
0x96: {  	_ =	swait.ge @!p0 [sflag:s3], $0x80  }
0x97: {  	[sflag:s3] =	ssyncset.done @!p0 $0x0  }
0x98: {  	s5 =	simm.s32 @!p0 $0x200;
	[sflag:s3] =	ssyncadd.s32 @!p0 $0xFFFFFF80;
	s3 =	simm.s32 @!p0 $0x80  }
0x99: {  	[spmem:s1] =	stream.indirect.scatter.add.f32 @!p0 [tilespmem:s5], [sflag:$0x5], $0x10, s4, s3, $0xb8;
	[tilespmem:$0x3180] =	vst v63  }
0x9a: {  	s3 =	simm.s32 @!p0 $0x5  }
0x9b: {  	_ =	swait.ge @!p0 [sflag:s3], $0x800  }
0x9c: {  	[sflag:s3] =	ssyncset.done @!p0 $0x0  }
0x9d: {  	s7 =	simm.s32 @!p1 $0x2;
	s4 =	simm.s32 @!p1 $0x1;
	[sflag:s3] =	ssyncadd.s32 @!p0 $0xFFFFF800  }
0x9e: {  	s5 =	simm.s32 @!p1 $0x4;
	s3 =	sshrl.u32 @!p1 s13, $0x3;
	[bflag:$0x0] =	sbarrier.arrive $0xFFFF  }
0x9f: {  	[hbm:s15@s5], [sflag:s0] =	dma.strided @!p1 [spmem:s3@s7], $0x410, s4, $0x2   }
0xa0: {  	s3 =	simm.s32 @!p1 $0x5  }
0xa1: {  	_ =	swait.ge @!p1 [sflag:s3], $0x410  }
0xa2: {  	s4 =	simm.s32 @!p2 $0x1;
	s5 =	simm.s32 @!p2 $0x4;
	[sflag:s3] =	ssyncset.done @!p1 $0x0  }
0xa3: {  	s7 =	simm.s32 @!p2 $0x2;
	[sflag:s3] =	ssyncadd.s32 @!p1 $0xFFFFFBF0;
	s3 =	sshrl.u32 @!p2 s6, $0x3  }
0xa4: {  	[hbm:s14@s5], [sflag:s0] =	dma.strided @!p2 [spmem:s3@s7], $0x4F0, s4, $0x2   }
0xa5: {  	s3 =	simm.s32 @!p2 $0x5  }
0xa6: {  	_ =	swait.ge @!p2 [sflag:s3], $0x4F0  }
0xa7: {  	s4 =	simm.s32 @!p3 $0x1;
	s5 =	simm.s32 @!p3 $0x4;
	[sflag:s3] =	ssyncset.done @!p2 $0x0  }
0xa8: {  	s7 =	simm.s32 @!p3 $0x2;
	[sflag:s3] =	ssyncadd.s32 @!p2 $0xFFFFFB10;
	s3 =	sshrl.u32 @!p3 s13, $0x3  }
0xa9: {  	[hbm:s12@s5], [sflag:s0] =	dma.strided @!p3 [spmem:s3@s7], $0x410, s4, $0x2   }
0xaa: {  	s31 =	sadd.s32 $0x1, s31;
	s3 =	simm.s32 @!p3 $0x5  }
0xab: {  	p5 =	sne.s32 s31, s16;
	_ =	swait.ge @!p3 [sflag:s3], $0x410  }
0xac: {  	s4 =	simm.s32 @!p4 $0x1;
	s5 =	simm.s32 @!p4 $0x4;
	[sflag:s3] =	ssyncset.done @!p3 $0x0  }
0xad: {  	s7 =	simm.s32 @!p4 $0x2;
	[sflag:s3] =	ssyncadd.s32 @!p3 $0xFFFFFBF0;
	s3 =	sshrl.u32 @!p4 s6, $0x3  }
0xae: {  	[hbm:s11@s5], [sflag:s0] =	dma.strided @!p4 [spmem:s3@s7], $0x4F0, s4, $0x2   }
.Ltmp1:
0xaf: {  	_ = 	snop;
	(pc) =	sbr.rel @p5 .LBB2_1-.Ltmp1, $4  }
0xb0: {  	s0 =	simm.s32 @!p4 $0x5  }
0xb1: {  	_ =	swait.ge @!p4 [sflag:s0], $0x4F0  }
0xb2: {  	[sflag:s0] =	ssyncset.done @!p4 $0x0  }
0xb3: {  	[sflag:s0] =	ssyncadd.s32 @!p4 $0xFFFFFB10  }
0xb4: {  	_ =	sfence.sel $0x180000  }
0xb5: {  	[bflag:$0x0] =	sbarrier.arrive $0xFFFF  }
0xb6: {  	_ =	strace $0x90000047  }
0xb7: {  	s0 =	stileid.u32;
	[bflag:$0x2] =	sbarrier.arrive $0xFFFF  }
0xb8: {  	p0 =	sne.s32 s0, $0x0;
	s0 =	rddreg [dreg:$0x3]  }
0xb9: {  	s0 =	sadd.s32 @!p0 $0x100000, s0  }
0xba: {  	[sflag:s0] =	ssyncadd.tile.s32 @!p0 $0x1;
	_ =	shalt  }
.Lfunc_end2:
_tile_overlayer_lowered:
.L_overlay_start_2:
0xbb: {  	(tag) =	ssettag $0x2  }
0xbc: {  	s0 =	rddreg [dreg:$0x0];
	s2 =	stileid.u32  }
0xbd: {  	s1 =	rddreg [dreg:$0x1];
	p0 =	sne.s32 s2, $0x0  }
0xbe: {  	s3 =	rddreg [dreg:$0x2];
	[bflag:$0x3] =	sbarrier.arrive $0xFFFF;
	s2 =	simm.s32 @!p0 $0x1C05  }
0xbf: {  	[timem:s3], [sflag:s2] =	dma.local @!p0 [hbm:s0], s1  }
0xc0: {  	s0 =	simm.s32 @!p0 $0x5  }
0xc1: {  	_ =	swait.ge @!p0 [sflag:s0], s1  }
0xc2: {  	s1 =	ssub.s32 @!p0 $0x0, s1;
	[sflag:s0] =	ssyncset.done @!p0 $0x0  }
0xc3: {  	[sflag:s0] =	ssyncadd.s32 @!p0 s1  }
0xc4: {  	[bflag:$0x3] =	sbarrier.arrive $0xFFFF  }
0xc5: {  	_ =	shalt  }

// kernel: kernel.13.cloned.1.call-start
scs
__scs_entry_jumppad:
0x0: {  	(pc) =	sbr.rel $0x88, $3  }
0x1: {  	(tag) =	ssettag $0x0;
	lr =	simm.s32 $0x1  }
0x2: {  	[smem:$0x3F99] =	sst lr;
	_ =	strace $0xD0000000  }
0x3: {  	_ = 	snop  }
0x4: {  	_ = 	snop  }
0x5: {  	_ = 	snop  }
0x6: {  	_ = 	snop  }
0x7: {  	_ = 	snop  }
__scs_overlays_trampoline_lowered:
0x8: {  	[smem:$0x3FA8] =	sst s0  }
0x9: {  	[smem:$0x3FA9] =	sst s1  }
0xa: {  	[smem:$0x3FAA] =	sst s2  }
0xb: {  	[smem:$0x3FAB] =	sst s3  }
0xc: {  	[smem:$0x3FAC] =	sst s4  }
0xd: {  	[smem:$0x3FAD] =	sst s5  }
0xe: {  	[smem:$0x3FAE] =	sst s6  }
0xf: {  	[smem:$0x3FAF] =	sst s7  }
0x10: {  	[smem:$0x3FB0] =	sst s8  }
0x11: {  	[smem:$0x3FB1] =	sst s9;
	s0 =	simm.s32 @!p0 $0x0  }
0x12: {  	s1 =	sld [smem:$0x3F97];
	s0 =	simm.s32 @p0 $0x1  }
0x13: {  	[smem:$0x3FB2] =	sst s0;
	s0 =	simm.s32 @!p1 $0x0  }
0x14: {  	s2 =	sld [smem:$0x3F96];
	s0 =	simm.s32 @p1 $0x1  }
0x15: {  	[smem:$0x3FB3] =	sst s0;
	s0 =	simm.s32 @!p2 $0x0  }
0x16: {  	s3 =	sld [smem:$0x3FDB];
	s0 =	simm.s32 @p2 $0x1  }
0x17: {  	s4 =	simm.s32 $0x1BF5;
	[smem:$0x3FB5] =	sst s0  }
0x18: {  	s0 =	sld [smem:$0x3F98];
	_ =	swait.ge [sflag:s4], $0x0  }
0x19: {  	s7 =	sld [smem:$0x3F99]  }
0x1a: {  	s8 =	sadd.s32 $0xFFFFE003, lr  }
0x1b: {  	s9 =	sadd.s32 $0xFFFFFEF7, lr;
	s5 =	simm.s32 $0xFFFFFFFF;
	p2 =	slt.u32 s8, $0xFFFFF086  }
0x1c: {  	p1 =	slt.u32 s9, $0xF7A;
	s5 =	simm.s32 @!p2 $0x0  }
0x1d: {  	s5 =	simm.s32 @p1 $0x1;
	p0 =	seq.s32 s7, s2  }
0x1e: {  	s7 =	smul.u32 @!p0 $0xF7A, s2;
	p2 =	seq.s32 @!p0 s5, $0x0  }
0x1f: {  	s9 =	smul.u32 $0xF7A, s1;
	s8 =	simm.s32 @!p0 $0x1BF5;
	p2 =	por !p2, p0  }
0x20: {  	[sflag:s8] =	ssyncset.s32 @!p0 $0xFFFFF086;
	s6 =	sadd.s32 @!p0 s3, s7;
	s7 =	simm.s32 @!p0 $0x108  }
0x21: {  	s3 =	sadd.s32 s3, s9;
	s6 =	sadd.s32 @!p0 $0x88, s6;
	s7 =	simm.s32 @p2 $0x1082  }
0x22: {  	[simem:s7], [sflag:s8] =	dma.local @!p0 [hbm:s6], $0xF7A  }
0x23: {  	s9 =	sor.u32 $0xD0000000, s2;
	s6 =	simm.s32 $0x108;
	_ =	swait.ge @!p0 [sflag:s8], $0x0  }
0x24: {  	s3 =	sadd.s32 $0x88, s3;
	s6 =	simm.s32 @!p1 $0x1082;
	[sflag:s4] =	ssyncset.s32 $0xFFFFF086  }
0x25: {  	[simem:s6], [sflag:s4] =	dma.local [hbm:s3], $0xF7A  }
0x26: {  	[smem:$0x3F99] =	sst s1;
	(tag) =	ssettag s2;
	_ =	strace s9  }
0x27: {  	s1 =	sld [smem:$0x3FA9]  }
0x28: {  	s2 =	sld [smem:$0x3FAA]  }
0x29: {  	s4 =	sld [smem:$0x3FAC]  }
0x2a: {  	p0 =	seq.s32 s5, $0x0;
	s5 =	sld [smem:$0x3FAD]  }
0x2b: {  	s6 =	sld [smem:$0x3FAE]  }
0x2c: {  	s7 =	sld [smem:$0x3FAF]  }
0x2d: {  	s3 =	simm.s32 $0x108;
	s8 =	sld [smem:$0x3FB0]  }
0x2e: {  	s3 =	simm.s32 @!p0 $0x1082;
	s9 =	sld [smem:$0x3FB1]  }
0x2f: {  	lr =	sadd.s32 s0, s3;
	s0 =	sld [smem:$0x3FA8]  }
0x30: {  	s3 =	sld [smem:$0x3FAB]  }
0x31: {  	[smem:$0x3FB4] =	sst s10  }
0x32: {  	s10 =	sld [smem:$0x3FB2];
	_ =	sdelay $0x3  }
0x33: {  	p0 =	seq.s32 s10, $0x1;
	s10 =	sld [smem:$0x3FB4];
	_ =	sdelay $0x3  }
0x34: {  	[smem:$0x3FB4] =	sst s10  }
0x35: {  	s10 =	sld [smem:$0x3FB3];
	_ =	sdelay $0x3  }
0x36: {  	p1 =	seq.s32 s10, $0x1;
	s10 =	sld [smem:$0x3FB4];
	_ =	sdelay $0x3  }
0x37: {  	[smem:$0x3FB4] =	sst s10  }
0x38: {  	s10 =	sld [smem:$0x3FB5]  }
0x39: {  	_ = 	snop;
	(pc) =	sbr.ind lr, $3  }
0x3a: {  	_ = 	snop  }
0x3b: {  	_ = 	snop  }
0x3c: {  	p2 =	seq.s32 s10, $0x1;
	s10 =	sld [smem:$0x3FB4]  }
0x3d: {  	_ =	shalt  }
0x3e: {  	_ =	shalt  }
0x3f: {  	_ =	shalt  }
0x40: {  	_ =	shalt  }
0x41: {  	_ =	shalt  }
0x42: {  	_ =	shalt  }
0x43: {  	_ =	shalt  }
0x44: {  	_ =	shalt  }
0x45: {  	_ =	shalt  }
0x46: {  	_ =	shalt  }
0x47: {  	_ =	shalt  }
0x48: {  	_ =	shalt  }
0x49: {  	_ =	shalt  }
0x4a: {  	_ =	shalt  }
0x4b: {  	_ =	shalt  }
0x4c: {  	_ =	shalt  }
0x4d: {  	_ =	shalt  }
0x4e: {  	_ =	shalt  }
0x4f: {  	_ =	shalt  }
0x50: {  	_ =	shalt  }
0x51: {  	_ =	shalt  }
0x52: {  	_ =	shalt  }
0x53: {  	_ =	shalt  }
0x54: {  	_ =	shalt  }
0x55: {  	_ =	shalt  }
0x56: {  	_ =	shalt  }
0x57: {  	_ =	shalt  }
0x58: {  	_ =	shalt  }
0x59: {  	_ =	shalt  }
0x5a: {  	_ =	shalt  }
0x5b: {  	_ =	shalt  }
0x5c: {  	_ =	shalt  }
0x5d: {  	_ =	shalt  }
0x5e: {  	_ =	shalt  }
0x5f: {  	_ =	shalt  }
0x60: {  	_ =	shalt  }
0x61: {  	_ =	shalt  }
0x62: {  	_ =	shalt  }
0x63: {  	_ =	shalt  }
0x64: {  	_ =	shalt  }
0x65: {  	_ =	shalt  }
0x66: {  	_ =	shalt  }
0x67: {  	_ =	shalt  }
0x68: {  	_ =	shalt  }
0x69: {  	_ =	shalt  }
0x6a: {  	_ =	shalt  }
0x6b: {  	_ =	shalt  }
0x6c: {  	_ =	shalt  }
0x6d: {  	_ =	shalt  }
0x6e: {  	_ =	shalt  }
0x6f: {  	_ =	shalt  }
0x70: {  	_ =	shalt  }
0x71: {  	_ =	shalt  }
0x72: {  	_ =	shalt  }
0x73: {  	_ =	shalt  }
0x74: {  	_ =	shalt  }
0x75: {  	_ =	shalt  }
0x76: {  	_ =	shalt  }
0x77: {  	_ =	shalt  }
0x78: {  	_ =	shalt  }
0x79: {  	_ =	shalt  }
0x7a: {  	_ =	shalt  }
0x7b: {  	_ =	shalt  }
0x7c: {  	_ =	shalt  }
0x7d: {  	_ =	shalt  }
0x7e: {  	_ =	shalt  }
0x7f: {  	_ =	shalt  }
0x80: {  	_ =	shalt  }
0x81: {  	_ =	shalt  }
0x82: {  	_ =	shalt  }
0x83: {  	_ =	shalt  }
0x84: {  	_ =	shalt  }
0x85: {  	_ =	shalt  }
0x86: {  	_ =	shalt  }
0x87: {  	_ =	shalt  }
.Lfunc_end0:
.L_simem_size_0:
called_computation.1_lowered:
.L_overlay_start_0:
0x88: {  	s2 =	sld [smem:$0x3FD9]  }
0x89: {  	s3 =	sld [smem:$0x3FFE];
	_ =	sdelay $0x1  }
0x8a: {  	s1 =	srdreg.scid  }
0x8b: {  	s0 =	sand.u32 $0x1, s1  }
0x8c: {  	s16 =	sshll.u32 s0, $0xA;
	s2 =	sadd.s32 s3, s2  }
0x8d: {  	s2 =	sadd.s32 s2, s16  }
0x8e: {  	[smem:$0x3FC0] =	sst s2  }
0x8f: {  	_ = 	snop  }
0x90: {  	(tm) =	ssettm $0x1  }
0x91: {  	s17 =	sld [smem:$0x3FFB];
	_ =	sdelay $0x3  }
0x92: {  	_ =	strace s17  }
0x93: {  	s2 =	sld [smem:$0x3FFC];
	_ =	sdelay $0x3  }
0x94: {  	_ =	strace s2  }
0x95: {  	s2 =	sld [smem:$0x3FFD];
	_ =	sdelay $0x3  }
0x96: {  	_ =	strace s2  }
0x97: {  	_ =	strace $0x8FFFFFFF  }
0x98: {  	s18 =	sld [smem:$0x3FDB];
	_ =	sdelay $0x1  }
0x99: {  	s19 =	simm.s32 $_scs_section_size  }
0x9a: {  	s4 =	simm.s32 $_size__tile_overlayer_lowered;
	s5 =	simm.s32 $_tile_overlayer_lowered  }
0x9b: {  	s22 =	simm.s32 $0x1BFF;
	s21 =	sshll.u32 s5, $0x1;
	s2 =	sadd.s32 s19, s18  }
0x9c: {  	s6 =	simm.s32 $0x0;
	s20 =	sshll.u32 s4, $0x1;
	s4 =	sadd.s32 s21, s2  }
0x9d: {  	[timem:s6], [sflag:s22] =	dma.local [hbm:s4], s20  }
0x9e: {  	_ =	swait.ge [sflag:s22], s20  }
0x9f: {  	s3 =	ssub.s32 $0x0, s20;
	[sflag:s22] =	ssyncset.done $0x0  }
0xa0: {  	[sflag:s22] =	ssyncadd.s32 s3;
	_ =	sdelay $0x1  }
0xa1: {  	s23 =	simm.s32 $0x1B8B  }
0xa2: {  	_ =	swait.ge [sflag:s23], $0x1  }
0xa3: {  	[sflag:s23] =	ssyncset.done $0x0  }
0xa4: {  	s25 =	simm.s32 $0x1B8E;
	s24 =	sld [smem:$0x3FFE];
	[sflag:s23] =	ssyncadd.s32 $0xFFFFFFFF  }
0xa5: {  	s26 =	simm.s32 $execute0_lowered;
	[smem:$0x3FD2] =	sst s25  }
0xa6: {  	s4 =	sshll.u32 s26, $0x1;
	_ =	strace $0x80000049;
	[dreg:$0x1] =	wrdreg $0xFFFFFFFF  }
0xa7: {  	s28 =	simm.s32 $_size_execute0_lowered;
	s2 =	sadd.s32 s2, s4;
	[dreg:$0x0] =	wrdreg $0x0  }
0xa8: {  	s4 =	sshll.u32 s28, $0x1;
	[dreg:$0x2] =	wrdreg s2  }
0xa9: {  	[dreg:$0x3] =	wrdreg s4  }
0xaa: {  	[dreg:$0x4] =	wrdreg $0xC0  }
0xab: {  	_ =	task [dreg:s6], $0x5FFFF  }
0xac: {  	[dreg:$0x1] =	wrdreg $0xFFFFFFFF  }
0xad: {  	[dreg:$0x0] =	wrdreg $0x60  }
0xae: {  	[dreg:$0x2] =	wrdreg s24  }
0xaf: {  	[dreg:$0x3] =	wrdreg $0x84000  }
0xb0: {  	[dreg:$0x4] =	wrdreg $0x120400  }
0xb1: {  	[dreg:$0x5] =	wrdreg $0x9  }
0xb2: {  	_ =	task.clear_ibuf [dreg:s6], $0x6FFFF;
	_ =	strace $0x90000049  }
0xb3: {  	s29 =	simm.s32 $0x9;
	_ =	strace $0x8000004B  }
0xb4: {  	_ =	swait.ge [sflag:s29], $0x1  }
0xb5: {  	[sflag:s29] =	ssyncadd.s32 $0xFFFFFFFF  }
0xb6: {  	_ =	strace $0x9000004B  }
0xb7: {  	_ =	sfence  }
0xb8: {  	s30 =	sld [smem:$0x0];
	_ =	sdelay $0x2  }
0xb9: {  	s31 =	sshll.u32 s1, $0xD;
	s1 =	sshrl.u32 s1, $0x2  }
0xba: {  	s3 =	sand.u32 $0x4000, s31;
	s1 =	sadd.s32 s1, s30  }
0xbb: {  	s0 =	sor.u32 s3, s0;
	s1 =	sshll.u32 s1, $0x11  }
0xbc: {  	s0 =	sor.u32 s1, s0  }
0xbd: {  	s0 =	sadd.s32 $0x8F2B, s0  }
0xbe: {  	[sflag:s0] =	ssyncadd.remote.s32 $0x1  }
0xbf: {  	_ =	sfence.sel $0xFFFF  }
0xc0: {  	[dreg:$0x0] =	wrdreg $0xFFFFFFFF;
	(pc) =	sbr.abs _section_cstart, $3  }
0xc1: {  	[dreg:$0x1] =	wrdreg $0xFFFFFFFF  }
0xc2: {  	_ =	task.clear_ibuf [dreg:s6], $0x2FFFF;
	_ =	strace $0x9FFFFFFF  }
0xc3: {  	(tm) =	ssettm $0x7FFFFFFF  }
tec
execute0_lowered:
.L_overlay_start_1:
0x0: {  	(tag) =	ssettag $0x1  }
0x1: {  	s0 =	rddreg [dreg:$0x0]  }
0x2: {  	s1 =	rddreg [dreg:$0x1]  }
0x3: {  	s2 =	rddreg [dreg:$0x2];
	s3 =	simm.s32 $0x0;
	s10 =	stileid.u32  }
0x4: {  	s5 =	srdreg.scid;
	s29 =	simm.s32 $0xD;
	s31 =	simm.s32 $0x80  }
0x5: {  	[smem:$0x7FF] =	sst s3;
	s9 =	sshll.u32 s10, $0x4;
	s4 =	smul.u32 $0x2780, s10  }
0x6: {  	s6 =	sadd.s32 $0x3E200, s0;
	s5 =	sand.u32 $0x1, s5;
	s8 =	smul.u32 $0x27800, s10  }
0x7: {  	s13 =	sadd.s32 $0x3C088, s0;
	_ =	strace $0x8000004A;
	[dreg:$0x4] =	wrdreg s6  }
0x8: {  	p0 =	slt.u32 s10, $0x4;
	s15 =	sadd.s32 $0x3C080, s0;
	[dreg:$0x7] =	wrdreg s13  }
0x9: {  	s23 =	sadd.s32 $0x64688, s0;
	s26 =	sadd.s32 $0x94200, s1;
	[dreg:$0x9] =	wrdreg s15  }
0xa: {  	s28 =	sadd.s32 $0x94200, s2;
	s3 =	sadd.s32 s9, s0;
	[dreg:$0x13] =	wrdreg s23  }
0xb: {  	s7 =	ssub.s32 $0x2, s5;
	s6 =	simm.s32 $0x9D;
	[dreg:$0x17] =	wrdreg s26  }
0xc: {  	p3 =	sne.s32 s5, $0x0;
	[dreg:$0x18] =	wrdreg s28;
	s23 =	simm.s32 $0xA  }
0xd: {  	s5 =	simm.s32 $0x7;
	s4 =	sadd.s32 s4, s0;
	s9 =	sshrl.u32 s7, $0x1  }
0xe: {  	s6 =	simm.s32 @!p0 $0x9C;
	s8 =	sshrl.u32 s8, $0x2;
	s13 =	sadd.s32 $0x2E00, s3  }
0xf: {  	s16 =	sadd.s32 $0xCA40, s3;
	s17 =	sadd.s32 $0x2F00, s3;
	s18 =	sadd.s32 $0xCB40, s3  }
0x10: {  	s19 =	sadd.s32 $0x3000, s3;
	s20 =	sadd.s32 $0xCC40, s3;
	[dreg:$0xb] =	wrdreg s16  }
0x11: {  	s21 =	sadd.s32 $0x3100, s3;
	s3 =	sadd.s32 $0xCD40, s3;
	[dreg:$0xc] =	wrdreg s17  }
0x12: {  	s0 =	sadd.s32 $0x64680, s0;
	p1 =	seq.s32 @p3 s10, $0xF;
	[dreg:$0xd] =	wrdreg s18  }
0x13: {  	p4 =	seq.s32 @!p3 s10, $0xF;
	s7 =	ssub.s32 s7, s9;
	[dreg:$0xe] =	wrdreg s19  }
0x14: {  	s11 =	sadd.s32 s8, s1;
	s12 =	sadd.s32 $0x17008, s4;
	[dreg:$0xf] =	wrdreg s20  }
0x15: {  	s14 =	sadd.s32 $0x17000, s4;
	s30 =	sadd.s32 s8, s2;
	[dreg:$0x10] =	wrdreg s21  }
0x16: {  	[dreg:$0x11] =	wrdreg s3;
	s22 =	sadd.s32 $0x3F608, s4;
	s24 =	sadd.s32 $0x3F600, s4  }
0x17: {  	[dreg:$0x15] =	wrdreg s0;
	p0 =	por !p1, !p3;
	p1 =	por p1, !p3  }
0x18: {  	p2 =	por !p4, p3;
	p3 =	por p4, p3;
	p4 =	sgt.u32 s10, $0x3  }
0x19: {  	s19 =	simm.s32 $0x9;
	s20 =	simm.s32 $0x5;
	[dreg:$0x5] =	wrdreg s11  }
0x1a: {  	s21 =	simm.s32 $0x4;
	s3 =	simm.s32 $0xC;
	[dreg:$0x6] =	wrdreg s12  }
0x1b: {  	s18 =	simm.s32 $0x180;
	s10 =	simm.s32 $0x2400;
	[dreg:$0x8] =	wrdreg s14  }
0x1c: {  	s16 =	simm.s32 $0x300;
	s9 =	simm.s32 $0x4400;
	[dreg:$0x12] =	wrdreg s22  }
0x1d: {  	[dreg:$0x14] =	wrdreg s24;
	s25 =	smax.u32 s7, $0x1;
	s0 =	simm.s32 @!p4 $0x0  }
0x1e: {  	s22 =	simm.s32 $0x6400;
	s24 =	simm.s32 $0x6;
	[dreg:$0xa] =	wrdreg s30  }
0x1f: {  	s11 =	simm.s32 $0x8;
	[dreg:$0x16] =	wrdreg s25;
	s0 =	simm.s32 @p4 $0x1  }
0x20: {  	s7 =	simm.s32 $0x0;
	s25 =	simm.s32 $0xB;
	[smem:$0x7FD] =	sst s0  }
.LBB2_1:
0x21: {  	[dreg:$0x19] =	wrdreg s7  }
0x22: {  	s12 =	rddreg [dreg:$0x17]  }
0x23: {  	s7 =	simm.s32 @!p0 $0x1;
	s15 =	simm.s32 @!p0 $0x8;
	s17 =	simm.s32 @!p0 $0x10  }
0x24: {  	s26 =	simm.s32 @!p0 $0x1FCD;
	s0 =	rddreg [dreg:$0x7];
	s4 =	sshrl.u32 @!p0 s12, $0x3  }
0x25: {  	[spmem:s4@s15], [sflag:s26] =	dma.strided @!p0 [hbm:s0@s17], $0x1040, s7, $0x8   }
0x26: {  	s8 =	stileid.u32;
	s4 =	simm.s32 @!p0 $0xD  }
0x27: {  	s7 =	sshll.u32 @!p1 s8, $0x6;
	_ =	swait.ge @!p0 [sflag:s4], $0x1040  }
0x28: {  	s0 =	simm.s32 @!p1 $0x1;
	s17 =	simm.s32 @!p1 $0x8;
	s15 =	rddreg [dreg:$0x5]  }
0x29: {  	s26 =	simm.s32 @!p1 $0x10;
	[sflag:s4] =	ssyncset.done @!p0 $0x0;
	s28 =	rddreg [dreg:$0x6]  }
0x2a: {  	[sflag:s4] =	ssyncadd.s32 @!p0 $0xFFFFEFC0;
	s4 =	sor.u32 @!p1 $0x1C0D, s7;
	s7 =	sshrl.u32 @!p1 s15, $0x3  }
0x2b: {  	[spmem:s7@s17], [sflag:s4] =	dma.strided @!p1 [hbm:s28@s26], $0x13C0, s0, $0x8   }
0x2c: {  	s4 =	simm.s32 @!p1 $0xD  }
0x2d: {  	s7 =	simm.s32 @!p2 $0x1;
	s17 =	simm.s32 @!p2 $0x10;
	_ =	swait.ge @!p1 [sflag:s4], $0x13C0  }
0x2e: {  	s26 =	simm.s32 @!p2 $0x1FCD;
	[sflag:s4] =	ssyncset.done @!p1 $0x0;
	s28 =	rddreg [dreg:$0x9]  }
0x2f: {  	[sflag:s4] =	ssyncadd.s32 @!p1 $0xFFFFEC40;
	s4 =	sshrl.u32 @!p2 s12, $0x3;
	s12 =	simm.s32 @!p2 $0x8  }
0x30: {  	[spmem:s4@s12], [sflag:s26] =	dma.strided @!p2 [hbm:s28@s17], $0x1040, s7, $0x8   }
0x31: {  	s4 =	simm.s32 @!p2 $0xD  }
0x32: {  	_ =	swait.ge @!p2 [sflag:s4], $0x1040  }
0x33: {  	s7 =	sshll.u32 @!p3 s8, $0x6;
	s12 =	simm.s32 @!p3 $0x1;
	[sflag:s4] =	ssyncset.done @!p2 $0x0  }
0x34: {  	s17 =	simm.s32 @!p3 $0x8;
	s26 =	simm.s32 @!p3 $0x10;
	[sflag:s4] =	ssyncadd.s32 @!p2 $0xFFFFEFC0  }
0x35: {  	s4 =	sor.u32 @!p3 $0x1C0D, s7;
	s7 =	sshrl.u32 @!p3 s15, $0x3;
	s15 =	rddreg [dreg:$0x8]  }
0x36: {  	[spmem:s7@s17], [sflag:s4] =	dma.strided @!p3 [hbm:s15@s26], $0x13C0, s12, $0x8   }
0x37: {  	s4 =	simm.s32 @!p3 $0xD  }
0x38: {  	s17 =	sshll.u32 s8, $0x6;
	s26 =	sshrl.u32 s30, $0x3;
	_ =	swait.ge @!p3 [sflag:s4], $0x13C0  }
0x39: {  	s7 =	sor.u32 $0x1C0D, s17;
	[sflag:s4] =	ssyncset.done @!p3 $0x0;
	s30 =	rddreg [dreg:$0x4]  }
0x3a: {  	[dreg:$0x1a] =	wrdreg s7;
	[sflag:s4] =	ssyncadd.s32 @!p3 $0xFFFFEC40  }
0x3b: {  	[spmem:s26], [sflag:s7] =	dma.local [hbm:s30], $0x13C0  }
0x3c: {  	_ =	swait.ge [sflag:s29], $0x13C0  }
0x3d: {  	[sflag:s29] =	ssyncset.done $0x0  }
0x3e: {  	[sflag:s29] =	ssyncadd.s32 $0xFFFFEC40  }
0x3f: {  	s0 =	simm.s32 $0x0;
	[bflag:$0x0] =	sbarrier.arrive $0xFFFF  }
0x40: {  	[tilespmem:s0], [sflag:$0x1] =	stream.linear.gather [hbm4b:s13+s0], $0x80, $0x38;
	[tilespmem:$0x1BE40] =	vst v63  }
0x41: {  	s12 =	simm.s32 $0x200;
	s7 =	rddreg [dreg:$0xb]  }
0x42: {  	[tilespmem:s12], [sflag:$0x5] =	stream.linear.gather [hbm4b:s7+s0], $0x80, $0x38;
	[tilespmem:$0x1BE40] =	vst v63  }
0x43: {  	s8 =	rddreg [dreg:$0xc]  }
0x44: {  	[tilespmem:s31], [sflag:$0x2] =	stream.linear.gather [hbm4b:s8+s0], $0x80, $0x38;
	[tilespmem:$0x1BE40] =	vst v63  }
0x45: {  	s15 =	simm.s32 $0x280;
	s14 =	rddreg [dreg:$0xd]  }
0x46: {  	[tilespmem:s15], [sflag:$0x6] =	stream.linear.gather [hbm4b:s14+s0], $0x80, $0x38;
	[tilespmem:$0x1BE40] =	vst v63  }
0x47: {  	s17 =	rddreg [dreg:$0xe];
	s7 =	simm.s32 $0x100  }
0x48: {  	[tilespmem:s7], [sflag:$0x3] =	stream.linear.gather [hbm4b:s17+s0], $0x80, $0x38;
	[tilespmem:$0x1BE40] =	vst v63  }
0x49: {  	s26 =	rddreg [dreg:$0xf];
	s17 =	simm.s32 $0x300  }
0x4a: {  	[tilespmem:s17], [sflag:$0x7] =	stream.linear.gather [hbm4b:s26+s0], $0x80, $0x38;
	[tilespmem:$0x1BE40] =	vst v63  }
0x4b: {  	s30 =	rddreg [dreg:$0x10];
	s14 =	simm.s32 $0x180  }
0x4c: {  	[tilespmem:s14], [sflag:$0x4] =	stream.linear.gather [hbm4b:s30+s0], $0x80, $0x38;
	[tilespmem:$0x1BE40] =	vst v63  }
0x4d: {  	s8 =	rddreg [dreg:$0x11];
	s26 =	simm.s32 $0x1;
	s30 =	simm.s32 $0x380  }
0x4e: {  	[tilespmem:s30], [sflag:$0x8] =	stream.linear.gather [hbm4b:s8+s0], $0x80, $0x38;
	[tilespmem:$0x1BE40] =	vst v63  }
0x4f: {  	_ =	swait.ge [sflag:s26], $0x80  }
0x50: {  	[sflag:s26] =	ssyncset.done $0x0  }
0x51: {  	s4 =	simm.s32 $0x400;
	s8 =	simm.s32 $0x2;
	[sflag:s26] =	ssyncadd.s32 $0xFFFFFF80  }
0x52: {  	[tilespmem:s4], [sflag:$0x9] =	stream.indirect.gather [spmem:s1], $0x40, s0, s31, $0xb8;
	[tilespmem:$0x1BE40] =	vst v63  }
0x53: {  	_ =	swait.ge [sflag:s8], $0x80  }
0x54: {  	[sflag:s8] =	ssyncset.done $0x0  }
0x55: {  	s26 =	simm.s32 $0x3;
	[sflag:s8] =	ssyncadd.s32 $0xFFFFFF80;
	s8 =	simm.s32 $0x2400  }
0x56: {  	[tilespmem:s8], [sflag:$0xA] =	stream.indirect.gather [spmem:s1], $0x40, s31, s31, $0xb8;
	[tilespmem:$0x1BE40] =	vst v63  }
0x57: {  	_ =	swait.ge [sflag:s26], $0x80  }
0x58: {  	[sflag:s26] =	ssyncset.done $0x0  }
0x59: {  	s0 =	simm.s32 $0x4400;
	[sflag:s26] =	ssyncadd.s32 $0xFFFFFF80  }
0x5a: {  	[tilespmem:s0], [sflag:$0xB] =	stream.indirect.gather [spmem:s1], $0x40, s7, s31, $0xb8;
	[tilespmem:$0x1BE40] =	vst v63  }
0x5b: {  	_ =	swait.ge [sflag:s19], $0x2000  }
0x5c: {  	[sflag:s19] =	ssyncset.done $0x0  }
0x5d: {  	[sflag:s19] =	ssyncadd.s32 $0xFFFFE000  }
0x5e: {  	_ =	swait.ge [sflag:s20], $0x80  }
0x5f: {  	[sflag:s20] =	ssyncset.done $0x0  }
0x60: {  	[sflag:s20] =	ssyncadd.s32 $0xFFFFFF80  }
0x61: {  	[spmem:s2] =	stream.indirect.scatter.add.f32 [tilespmem:s4], [sflag:$0xD], $0x40, s12, s31, $0xb8;
	[tilespmem:$0x1BE40] =	vst v63  }
0x62: {  	p5 =	sle.u32 s6, $0x4;
	_ =	swait.ge [sflag:s29], $0x2000  }
0x63: {  	s4 =	sadd.s32 @!p5 $0x0, s13;
	[sflag:s29] =	ssyncset.done $0x0  }
0x64: {  	s12 =	simm.s32 @!p5 $0x0;
	s7 =	sadd.s32 @!p5 $0x400, s4;
	[sflag:s29] =	ssyncadd.s32 $0xFFFFE000  }
0x65: {  	[tilespmem:s12], [sflag:$0x1] =	stream.linear.gather @!p5 [hbm4b:s7+s12], $0x80, $0x38;
	[tilespmem:$0x1BE40] =	vst v63  }
0x66: {  	s4 =	sadd.s32 @!p5 $0xA040, s4;
	s7 =	simm.s32 @!p5 $0x200  }
0x67: {  	[tilespmem:s7], [sflag:$0x5] =	stream.linear.gather @!p5 [hbm4b:s4+s12], $0x80, $0x38;
	[tilespmem:$0x1BE40] =	vst v63  }
0x68: {  	_ =	swait.ge [sflag:s21], $0x80  }
0x69: {  	[sflag:s21] =	ssyncset.done $0x0  }
0x6a: {  	[sflag:s21] =	ssyncadd.s32 $0xFFFFFF80  }
0x6b: {  	[tilespmem:s22], [sflag:$0xC] =	stream.indirect.gather [spmem:s1], $0x40, s14, s31, $0xb8;
	[tilespmem:$0x1BE40] =	vst v63  }
0x6c: {  	_ =	swait.ge [sflag:s23], $0x2000  }
0x6d: {  	[sflag:s23] =	ssyncset.done $0x0  }
0x6e: {  	[sflag:s23] =	ssyncadd.s32 $0xFFFFE000  }
0x6f: {  	_ =	swait.ge [sflag:s24], $0x80  }
0x70: {  	[sflag:s24] =	ssyncset.done $0x0  }
0x71: {  	[sflag:s24] =	ssyncadd.s32 $0xFFFFFF80  }
0x72: {  	[spmem:s2] =	stream.indirect.scatter.add.f32 [tilespmem:s8], [sflag:$0xD], $0x40, s15, s31, $0xb8;
	[tilespmem:$0x1BE40] =	vst v63  }
0x73: {  	p4 =	sle.u32 s6, $0x5;
	_ =	swait.ge [sflag:s29], $0x2000  }
0x74: {  	s28 =	simm.s32 @!p4 $0x0;
	s4 =	sadd.s32 @!p4 $0x0, s13;
	[sflag:s29] =	ssyncset.done $0x0  }
0x75: {  	s7 =	simm.s32 @!p4 $0x80;
	s26 =	sadd.s32 @!p4 $0x500, s4;
	[sflag:s29] =	ssyncadd.s32 $0xFFFFE000  }
0x76: {  	[tilespmem:s7], [sflag:$0x2] =	stream.linear.gather @!p4 [hbm4b:s26+s28], $0x80, $0x38;
	[tilespmem:$0x1BE40] =	vst v63  }
0x77: {  	s4 =	sadd.s32 @!p4 $0xA140, s4;
	s26 =	simm.s32 @!p4 $0x280  }
0x78: {  	[tilespmem:s26], [sflag:$0x6] =	stream.linear.gather @!p4 [hbm4b:s4+s28], $0x80, $0x38;
	[tilespmem:$0x1BE40] =	vst v63  }
0x79: {  	s4 =	simm.s32 @!p5 $0x1  }
0x7a: {  	_ =	swait.ge @!p5 [sflag:s4], $0x80  }
0x7b: {  	[sflag:s4] =	ssyncset.done @!p5 $0x0  }
0x7c: {  	s26 =	simm.s32 @!p5 $0x400;
	[sflag:s4] =	ssyncadd.s32 @!p5 $0xFFFFFF80;
	s4 =	simm.s32 @!p5 $0x80  }
0x7d: {  	[tilespmem:s26], [sflag:$0x9] =	stream.indirect.gather @!p5 [spmem:s1], $0x40, s12, s4, $0xb8;
	[tilespmem:$0x1BE40] =	vst v63  }
0x7e: {  	_ =	swait.ge [sflag:s25], $0x2000  }
0x7f: {  	[sflag:s25] =	ssyncset.done $0x0  }
0x80: {  	[sflag:s25] =	ssyncadd.s32 $0xFFFFE000  }
0x81: {  	_ =	swait.ge [sflag:s5], $0x80  }
0x82: {  	[sflag:s5] =	ssyncset.done $0x0  }
0x83: {  	[sflag:s5] =	ssyncadd.s32 $0xFFFFFF80  }
0x84: {  	[spmem:s2] =	stream.indirect.scatter.add.f32 [tilespmem:s0], [sflag:$0xD], $0x40, s17, s31, $0xb8;
	[tilespmem:$0x1BE40] =	vst v63  }
0x85: {  	p6 =	sle.u32 s6, $0x6;
	_ =	swait.ge [sflag:s29], $0x2000  }
0x86: {  	s28 =	simm.s32 @!p6 $0x0;
	s4 =	sadd.s32 @!p6 $0x0, s13;
	[sflag:s29] =	ssyncset.done $0x0  }
0x87: {  	s12 =	simm.s32 @!p6 $0x100;
	s26 =	sadd.s32 @!p6 $0x600, s4;
	[sflag:s29] =	ssyncadd.s32 $0xFFFFE000  }
0x88: {  	[tilespmem:s12], [sflag:$0x3] =	stream.linear.gather @!p6 [hbm4b:s26+s28], $0x80, $0x38;
	[tilespmem:$0x1BE40] =	vst v63  }
0x89: {  	s4 =	sadd.s32 @!p6 $0xA240, s4;
	s26 =	simm.s32 @!p6 $0x300  }
0x8a: {  	[tilespmem:s26], [sflag:$0x7] =	stream.linear.gather @!p6 [hbm4b:s4+s28], $0x80, $0x38;
	[tilespmem:$0x1BE40] =	vst v63  }
0x8b: {  	s4 =	simm.s32 @!p4 $0x2  }
0x8c: {  	_ =	swait.ge @!p4 [sflag:s4], $0x80  }
0x8d: {  	[sflag:s4] =	ssyncset.done @!p4 $0x0  }
0x8e: {  	[sflag:s4] =	ssyncadd.s32 @!p4 $0xFFFFFF80;
	s4 =	simm.s32 @!p4 $0x2400  }
0x8f: {  	[tilespmem:s4], [sflag:$0xA] =	stream.indirect.gather @!p4 [spmem:s1], $0x40, s7, s7, $0xb8;
	[tilespmem:$0x1BE40] =	vst v63  }
0x90: {  	_ =	swait.ge [sflag:s3], $0x2000  }
0x91: {  	[sflag:s3] =	ssyncset.done $0x0  }
0x92: {  	[sflag:s3] =	ssyncadd.s32 $0xFFFFE000  }
0x93: {  	_ =	swait.ge [sflag:s11], $0x80  }
0x94: {  	[sflag:s11] =	ssyncset.done $0x0  }
0x95: {  	[sflag:s11] =	ssyncadd.s32 $0xFFFFFF80  }
0x96: {  	[spmem:s2] =	stream.indirect.scatter.add.f32 [tilespmem:s22], [sflag:$0xD], $0x40, s30, s31, $0xb8;
	[tilespmem:$0x1BE40] =	vst v63  }
0x97: {  	p4 =	sle.u32 s6, $0x7;
	_ =	swait.ge [sflag:s29], $0x2000  }
0x98: {  	s4 =	sadd.s32 @!p4 $0x0, s13;
	s7 =	simm.s32 @!p4 $0x180;
	[sflag:s29] =	ssyncset.done $0x0  }
0x99: {  	s28 =	simm.s32 @!p4 $0x0;
	s26 =	sadd.s32 @!p4 $0x700, s4;
	[sflag:s29] =	ssyncadd.s32 $0xFFFFE000  }
0x9a: {  	[tilespmem:s7], [sflag:$0x4] =	stream.linear.gather @!p4 [hbm4b:s26+s28], $0x80, $0x38;
	[tilespmem:$0x1BE40] =	vst v63  }
0x9b: {  	s17 =	simm.s32 @!p6 $0x3;
	s4 =	sadd.s32 @!p4 $0xA340, s4;
	s7 =	simm.s32 @!p4 $0x380  }
0x9c: {  	[tilespmem:s7], [sflag:$0x8] =	stream.linear.gather @!p4 [hbm4b:s4+s28], $0x80, $0x38;
	[tilespmem:$0x1BE40] =	vst v63  }
0x9d: {  	s14 =	simm.s32 $0x280;
	s8 =	simm.s32 $0x380;
	_ =	swait.ge @!p6 [sflag:s17], $0x80  }
0x9e: {  	s26 =	simm.s32 $0xB;
	s7 =	simm.s32 $0x400;
	[sflag:s17] =	ssyncset.done @!p6 $0x0  }
0x9f: {  	s4 =	simm.s32 @!p6 $0x80;
	s28 =	simm.s32 @!p6 $0x4400;
	[sflag:s17] =	ssyncadd.s32 @!p6 $0xFFFFFF80  }
.LBB2_2:
0xa0: {  	[tilespmem:s28], [sflag:$0xB] =	stream.indirect.gather @!p6 [spmem:s1], $0x40, s12, s4, $0xb8;
	[tilespmem:$0x1BE40] =	vst v63  }
0xa1: {  	s28 =	smov.u32 s7;
	s7 =	sadd.s32 $0x400, s7  }
0xa2: {  	p5 =	sne.s32 s7, $0x9C00;
	_ =	swait.ge [sflag:s19], $0x2000  }
0xa3: {  	[sflag:s19] =	ssyncset.done $0x0  }
0xa4: {  	[sflag:s19] =	ssyncadd.s32 $0xFFFFE000  }
0xa5: {  	_ =	swait.ge [sflag:s20], $0x80  }
0xa6: {  	s4 =	sadd.s32 $0xFFFFFFFD, s26;
	[sflag:s20] =	ssyncset.done $0x0  }
0xa7: {  	s0 =	simm.s32 $0x200;
	s12 =	simm.s32 $0x400;
	[sflag:s20] =	ssyncadd.s32 $0xFFFFFF80  }
0xa8: {  	[spmem:s2] =	stream.indirect.scatter.add.f32 [tilespmem:s12], [sflag:$0xD], $0x40, s0, s31, $0xb8;
	[tilespmem:$0x1BE40] =	vst v63  }
0xa9: {  	p6 =	sge.u32 s4, s6;
	_ =	swait.ge [sflag:s29], $0x2000  }
0xaa: {  	s4 =	sadd.s32 @!p6 s28, s13;
	[sflag:s29] =	ssyncset.done $0x0  }
0xab: {  	s17 =	simm.s32 @!p6 $0x0;
	s12 =	sadd.s32 @!p6 $0x400, s4;
	[sflag:s29] =	ssyncadd.s32 $0xFFFFE000  }
0xac: {  	[tilespmem:s17], [sflag:$0x1] =	stream.linear.gather @!p6 [hbm4b:s12+s17], $0x80, $0x38;
	[tilespmem:$0x1BE40] =	vst v63  }
0xad: {  	s4 =	sadd.s32 @!p6 $0xA040, s4;
	s12 =	simm.s32 @!p6 $0x200  }
0xae: {  	[tilespmem:s12], [sflag:$0x5] =	stream.linear.gather @!p6 [hbm4b:s4+s17], $0x80, $0x38;
	[tilespmem:$0x1BE40] =	vst v63  }
0xaf: {  	_ =	swait.ge [sflag:s21], $0x80  }
0xb0: {  	[sflag:s21] =	ssyncset.done $0x0  }
0xb1: {  	[sflag:s21] =	ssyncadd.s32 $0xFFFFFF80  }
0xb2: {  	[tilespmem:s22], [sflag:$0xC] =	stream.indirect.gather [spmem:s1], $0x40, s18, s31, $0xb8;
	[tilespmem:$0x1BE40] =	vst v63  }
0xb3: {  	_ =	swait.ge [sflag:s23], $0x2000  }
0xb4: {  	[sflag:s23] =	ssyncset.done $0x0  }
0xb5: {  	[sflag:s23] =	ssyncadd.s32 $0xFFFFE000  }
0xb6: {  	_ =	swait.ge [sflag:s24], $0x80  }
0xb7: {  	[sflag:s24] =	ssyncset.done $0x0  }
0xb8: {  	s4 =	sadd.s32 $0xFFFFFFFE, s26;
	[sflag:s24] =	ssyncadd.s32 $0xFFFFFF80  }
0xb9: {  	[spmem:s2] =	stream.indirect.scatter.add.f32 [tilespmem:s10], [sflag:$0xD], $0x40, s14, s31, $0xb8;
	[tilespmem:$0x1BE40] =	vst v63  }
0xba: {  	p4 =	sge.u32 s4, s6;
	_ =	swait.ge [sflag:s29], $0x2000  }
0xbb: {  	s12 =	sadd.s32 @!p4 s28, s13;
	s4 =	simm.s32 @!p4 $0x80;
	[sflag:s29] =	ssyncset.done $0x0  }
0xbc: {  	s30 =	simm.s32 @!p4 $0x0;
	s15 =	sadd.s32 @!p4 $0x500, s12;
	[sflag:s29] =	ssyncadd.s32 $0xFFFFE000  }
0xbd: {  	[tilespmem:s4], [sflag:$0x2] =	stream.linear.gather @!p4 [hbm4b:s15+s30], $0x80, $0x38;
	[tilespmem:$0x1BE40] =	vst v63  }
0xbe: {  	s0 =	simm.s32 @!p6 $0x1;
	s12 =	sadd.s32 @!p4 $0xA140, s12;
	s15 =	simm.s32 @!p4 $0x280  }
0xbf: {  	[tilespmem:s15], [sflag:$0x6] =	stream.linear.gather @!p4 [hbm4b:s12+s30], $0x80, $0x38;
	[tilespmem:$0x1BE40] =	vst v63  }
0xc0: {  	_ =	swait.ge @!p6 [sflag:s0], $0x80  }
0xc1: {  	[sflag:s0] =	ssyncset.done @!p6 $0x0  }
0xc2: {  	s12 =	simm.s32 @!p6 $0x400;
	[sflag:s0] =	ssyncadd.s32 @!p6 $0xFFFFFF80;
	s0 =	simm.s32 @!p6 $0x80  }
0xc3: {  	[tilespmem:s12], [sflag:$0x9] =	stream.indirect.gather @!p6 [spmem:s1], $0x40, s17, s0, $0xb8;
	[tilespmem:$0x1BE40] =	vst v63  }
0xc4: {  	_ =	swait.ge [sflag:s25], $0x2000  }
0xc5: {  	[sflag:s25] =	ssyncset.done $0x0  }
0xc6: {  	[sflag:s25] =	ssyncadd.s32 $0xFFFFE000  }
0xc7: {  	_ =	swait.ge [sflag:s5], $0x80  }
0xc8: {  	[sflag:s5] =	ssyncset.done $0x0  }
0xc9: {  	s0 =	sadd.s32 $0xFFFFFFFF, s26;
	[sflag:s5] =	ssyncadd.s32 $0xFFFFFF80  }
0xca: {  	[spmem:s2] =	stream.indirect.scatter.add.f32 [tilespmem:s9], [sflag:$0xD], $0x40, s16, s31, $0xb8;
	[tilespmem:$0x1BE40] =	vst v63  }
0xcb: {  	p6 =	sge.u32 s0, s6;
	_ =	swait.ge [sflag:s29], $0x2000  }
0xcc: {  	s0 =	sadd.s32 @!p6 s28, s13;
	s12 =	simm.s32 @!p6 $0x100;
	[sflag:s29] =	ssyncset.done $0x0  }
0xcd: {  	s17 =	simm.s32 @!p6 $0x0;
	s15 =	sadd.s32 @!p6 $0x600, s0;
	[sflag:s29] =	ssyncadd.s32 $0xFFFFE000  }
0xce: {  	[tilespmem:s12], [sflag:$0x3] =	stream.linear.gather @!p6 [hbm4b:s15+s17], $0x80, $0x38;
	[tilespmem:$0x1BE40] =	vst v63  }
0xcf: {  	s30 =	simm.s32 @!p4 $0x2;
	s0 =	sadd.s32 @!p6 $0xA240, s0;
	s15 =	simm.s32 @!p6 $0x300  }
0xd0: {  	[tilespmem:s15], [sflag:$0x7] =	stream.linear.gather @!p6 [hbm4b:s0+s17], $0x80, $0x38;
	[tilespmem:$0x1BE40] =	vst v63  }
0xd1: {  	_ =	swait.ge @!p4 [sflag:s30], $0x80  }
0xd2: {  	[sflag:s30] =	ssyncset.done @!p4 $0x0  }
0xd3: {  	s0 =	simm.s32 @!p4 $0x2400;
	[sflag:s30] =	ssyncadd.s32 @!p4 $0xFFFFFF80  }
0xd4: {  	[tilespmem:s0], [sflag:$0xA] =	stream.indirect.gather @!p4 [spmem:s1], $0x40, s4, s4, $0xb8;
	[tilespmem:$0x1BE40] =	vst v63  }
0xd5: {  	_ =	swait.ge [sflag:s3], $0x2000  }
0xd6: {  	[sflag:s3] =	ssyncset.done $0x0  }
0xd7: {  	[sflag:s3] =	ssyncadd.s32 $0xFFFFE000  }
0xd8: {  	_ =	swait.ge [sflag:s11], $0x80  }
0xd9: {  	[sflag:s11] =	ssyncset.done $0x0  }
0xda: {  	p4 =	sge.u32 s26, s6;
	[sflag:s11] =	ssyncadd.s32 $0xFFFFFF80  }
0xdb: {  	[spmem:s2] =	stream.indirect.scatter.add.f32 [tilespmem:s22], [sflag:$0xD], $0x40, s8, s31, $0xb8;
	[tilespmem:$0x1BE40] =	vst v63  }
0xdc: {  	s0 =	sadd.s32 @!p4 s28, s13;
	_ =	swait.ge [sflag:s29], $0x2000  }
0xdd: {  	s4 =	simm.s32 @!p4 $0x180;
	s17 =	simm.s32 @!p4 $0x0;
	[sflag:s29] =	ssyncset.done $0x0  }
0xde: {  	s15 =	sadd.s32 @!p4 $0x700, s0;
	s0 =	sadd.s32 @!p4 $0xA340, s0;
	[sflag:s29] =	ssyncadd.s32 $0xFFFFE000  }
0xdf: {  	[tilespmem:s4], [sflag:$0x4] =	stream.linear.gather @!p4 [hbm4b:s15+s17], $0x80, $0x38;
	[tilespmem:$0x1BE40] =	vst v63  }
.Ltmp0:
0xe0: {  	s4 =	simm.s32 @!p4 $0x380;
	s15 =	simm.s32 @!p6 $0x3;
	(pc) =	sbr.rel @p5 .LBB2_2-.Ltmp0, $4  }
0xe1: {  	[tilespmem:s4], [sflag:$0x8] =	stream.linear.gather @!p4 [hbm4b:s0+s17], $0x80, $0x38;
	[tilespmem:$0x1BE40] =	vst v63  }
0xe2: {  	_ =	swait.ge @!p6 [sflag:s15], $0x80  }
0xe3: {  	s26 =	sadd.s32 $0x4, s26;
	[sflag:s15] =	ssyncset.done @!p6 $0x0  }
0xe4: {  	s28 =	simm.s32 @!p6 $0x4400;
	s4 =	simm.s32 @!p6 $0x80;
	[sflag:s15] =	ssyncadd.s32 @!p6 $0xFFFFFF80  }
0xe5: {  	s0 =	sld [smem:$0x7FD];
	_ =	sdelay $0x1  }
0xe6: {  	[tilespmem:s28], [sflag:$0xB] =	stream.indirect.gather @!p6 [spmem:s1], $0x40, s12, s4, $0xb8;
	[tilespmem:$0x1BE40] =	vst v63  }
0xe7: {  	p4 =	seq.s32 s0, $0x1  }
0xe8: {  	s0 =	simm.s32 @!p4 $0x9  }
0xe9: {  	_ =	swait.ge @!p4 [sflag:s0], $0x2000  }
0xea: {  	[sflag:s0] =	ssyncset.done @!p4 $0x0  }
0xeb: {  	[sflag:s0] =	ssyncadd.s32 @!p4 $0xFFFFE000;
	s0 =	simm.s32 @!p4 $0x5  }
0xec: {  	_ =	swait.ge @!p4 [sflag:s0], $0x80  }
0xed: {  	s4 =	simm.s32 @!p4 $0x200;
	[sflag:s0] =	ssyncset.done @!p4 $0x0  }
0xee: {  	s7 =	simm.s32 @!p4 $0x400;
	[sflag:s0] =	ssyncadd.s32 @!p4 $0xFFFFFF80;
	s0 =	simm.s32 @!p4 $0x80  }
0xef: {  	[spmem:s2] =	stream.indirect.scatter.add.f32 @!p4 [tilespmem:s7], [sflag:$0xD], $0x40, s4, s0, $0xb8;
	[tilespmem:$0x1BE40] =	vst v63  }
0xf0: {  	s0 =	simm.s32 @!p4 $0xD  }
0xf1: {  	_ =	swait.ge @!p4 [sflag:s0], $0x2000  }
0xf2: {  	[sflag:s0] =	ssyncset.done @!p4 $0x0  }
0xf3: {  	[sflag:s0] =	ssyncadd.s32 @!p4 $0xFFFFE000  }
0xf4: {  	[bflag:$0x0] =	sbarrier.arrive $0xFFFF  }
0xf5: {  	s17 =	rddreg [dreg:$0x18]  }
0xf6: {  	s12 =	simm.s32 @!p0 $0x8;
	s4 =	simm.s32 @!p0 $0x1;
	s15 =	rddreg [dreg:$0x13]  }
0xf7: {  	s7 =	simm.s32 @!p0 $0x10;
	s8 =	rddreg [dreg:$0x1a];
	s0 =	sshrl.u32 @!p0 s17, $0x3  }
0xf8: {  	[hbm:s15@s7], [sflag:s8] =	dma.strided @!p0 [spmem:s0@s12], $0x1040, s4, $0x8   }
0xf9: {  	s0 =	simm.s32 @!p0 $0xD  }
0xfa: {  	s4 =	simm.s32 @!p1 $0x1;
	s7 =	simm.s32 @!p1 $0x10;
	_ =	swait.ge @!p0 [sflag:s0], $0x1040  }
0xfb: {  	s12 =	simm.s32 @!p1 $0x8;
	[sflag:s0] =	ssyncset.done @!p0 $0x0;
	s30 =	rddreg [dreg:$0xa]  }
0xfc: {  	s15 =	rddreg [dreg:$0x12];
	[sflag:s0] =	ssyncadd.s32 @!p0 $0xFFFFEFC0;
	s0 =	sshrl.u32 @!p1 s30, $0x3  }
0xfd: {  	[hbm:s15@s7], [sflag:s8] =	dma.strided @!p1 [spmem:s0@s12], $0x13C0, s4, $0x8   }
0xfe: {  	s0 =	simm.s32 @!p1 $0xD  }
0xff: {  	s4 =	simm.s32 @!p2 $0x1;
	_ =	swait.ge @!p1 [sflag:s0], $0x13C0  }
0x100: {  	s7 =	simm.s32 @!p2 $0x10;
	s12 =	simm.s32 @!p2 $0x8;
	[sflag:s0] =	ssyncset.done @!p1 $0x0  }
0x101: {  	s15 =	rddreg [dreg:$0x15];
	[sflag:s0] =	ssyncadd.s32 @!p1 $0xFFFFEC40;
	s0 =	sshrl.u32 @!p2 s17, $0x3  }
0x102: {  	[hbm:s15@s7], [sflag:s8] =	dma.strided @!p2 [spmem:s0@s12], $0x1040, s4, $0x8   }
0x103: {  	s0 =	simm.s32 @!p2 $0xD  }
0x104: {  	s4 =	simm.s32 @!p3 $0x1;
	_ =	swait.ge @!p2 [sflag:s0], $0x1040  }
0x105: {  	s7 =	simm.s32 @!p3 $0x10;
	s12 =	simm.s32 @!p3 $0x8;
	[sflag:s0] =	ssyncset.done @!p2 $0x0  }
0x106: {  	s15 =	rddreg [dreg:$0x14];
	[sflag:s0] =	ssyncadd.s32 @!p2 $0xFFFFEFC0;
	s0 =	sshrl.u32 @!p3 s30, $0x3  }
0x107: {  	[hbm:s15@s7], [sflag:s8] =	dma.strided @!p3 [spmem:s0@s12], $0x13C0, s4, $0x8   }
0x108: {  	s0 =	simm.s32 @!p3 $0xD  }
0x109: {  	_ =	swait.ge @!p3 [sflag:s0], $0x13C0  }
0x10a: {  	s26 =	rddreg [dreg:$0x19]  }
0x10b: {  	s28 =	rddreg [dreg:$0x16];
	s7 =	sadd.s32 $0x1, s26  }
0x10c: {  	p4 =	sne.s32 s7, s28  }
.Ltmp1:
0x10d: {  	_ = 	snop;
	(pc) =	sbr.rel @p4 .LBB2_1-.Ltmp1, $3  }
0x10e: {  	_ =	sdelay $0x1  }
0x10f: {  	[sflag:s0] =	ssyncset.done @!p3 $0x0  }
0x110: {  	[sflag:s0] =	ssyncadd.s32 @!p3 $0xFFFFEC40  }
0x111: {  	_ =	sfence.sel $0x180000  }
0x112: {  	[bflag:$0x0] =	sbarrier.arrive $0xFFFF  }
0x113: {  	_ =	strace $0x9000004A  }
0x114: {  	s0 =	stileid.u32;
	[bflag:$0x2] =	sbarrier.arrive $0xFFFF  }
0x115: {  	p0 =	sne.s32 s0, $0x0;
	s0 =	rddreg [dreg:$0x3]  }
0x116: {  	s0 =	sadd.s32 @!p0 $0x100000, s0  }
0x117: {  	[sflag:s0] =	ssyncadd.tile.s32 @!p0 $0x1;
	_ =	shalt  }
.Lfunc_end2:
_tile_overlayer_lowered:
.L_overlay_start_2:
0x118: {  	(tag) =	ssettag $0x2  }
0x119: {  	s0 =	rddreg [dreg:$0x0];
	s2 =	stileid.u32  }
0x11a: {  	s1 =	rddreg [dreg:$0x1];
	p0 =	sne.s32 s2, $0x0  }
0x11b: {  	s3 =	rddreg [dreg:$0x2];
	[bflag:$0x3] =	sbarrier.arrive $0xFFFF;
	s2 =	simm.s32 @!p0 $0x1C0D  }
0x11c: {  	[timem:s3], [sflag:s2] =	dma.local @!p0 [hbm:s0], s1  }
0x11d: {  	s0 =	simm.s32 @!p0 $0xD  }
0x11e: {  	_ =	swait.ge @!p0 [sflag:s0], s1  }
0x11f: {  	s1 =	ssub.s32 @!p0 $0x0, s1;
	[sflag:s0] =	ssyncset.done @!p0 $0x0  }
0x120: {  	[sflag:s0] =	ssyncadd.s32 @!p0 s1  }
0x121: {  	[bflag:$0x3] =	sbarrier.arrive $0xFFFF  }
0x122: {  	_ =	shalt  }

// kernel: kernel.16.cloned.1.call-start
scs
__scs_entry_jumppad:
0x0: {  	(pc) =	sbr.rel $0x88, $3  }
0x1: {  	(tag) =	ssettag $0x0;
	lr =	simm.s32 $0x1  }
0x2: {  	[smem:$0x3F99] =	sst lr;
	_ =	strace $0xD0000000  }
0x3: {  	_ = 	snop  }
0x4: {  	_ = 	snop  }
0x5: {  	_ = 	snop  }
0x6: {  	_ = 	snop  }
0x7: {  	_ = 	snop  }
__scs_overlays_trampoline_lowered:
0x8: {  	[smem:$0x3FA8] =	sst s0  }
0x9: {  	[smem:$0x3FA9] =	sst s1  }
0xa: {  	[smem:$0x3FAA] =	sst s2  }
0xb: {  	[smem:$0x3FAB] =	sst s3  }
0xc: {  	[smem:$0x3FAC] =	sst s4  }
0xd: {  	[smem:$0x3FAD] =	sst s5  }
0xe: {  	[smem:$0x3FAE] =	sst s6  }
0xf: {  	[smem:$0x3FAF] =	sst s7  }
0x10: {  	[smem:$0x3FB0] =	sst s8  }
0x11: {  	[smem:$0x3FB1] =	sst s9;
	s0 =	simm.s32 @!p0 $0x0  }
0x12: {  	s1 =	sld [smem:$0x3F97];
	s0 =	simm.s32 @p0 $0x1  }
0x13: {  	[smem:$0x3FB2] =	sst s0;
	s0 =	simm.s32 @!p1 $0x0  }
0x14: {  	s2 =	sld [smem:$0x3F96];
	s0 =	simm.s32 @p1 $0x1  }
0x15: {  	[smem:$0x3FB3] =	sst s0;
	s0 =	simm.s32 @!p2 $0x0  }
0x16: {  	s3 =	sld [smem:$0x3FDB];
	s0 =	simm.s32 @p2 $0x1  }
0x17: {  	s4 =	simm.s32 $0x1BF5;
	[smem:$0x3FB5] =	sst s0  }
0x18: {  	s0 =	sld [smem:$0x3F98];
	_ =	swait.ge [sflag:s4], $0x0  }
0x19: {  	s7 =	sld [smem:$0x3F99]  }
0x1a: {  	s8 =	sadd.s32 $0xFFFFE003, lr  }
0x1b: {  	s9 =	sadd.s32 $0xFFFFFEF7, lr;
	s5 =	simm.s32 $0xFFFFFFFF;
	p2 =	slt.u32 s8, $0xFFFFF086  }
0x1c: {  	p1 =	slt.u32 s9, $0xF7A;
	s5 =	simm.s32 @!p2 $0x0  }
0x1d: {  	s5 =	simm.s32 @p1 $0x1;
	p0 =	seq.s32 s7, s2  }
0x1e: {  	s7 =	smul.u32 @!p0 $0xF7A, s2;
	p2 =	seq.s32 @!p0 s5, $0x0  }
0x1f: {  	s9 =	smul.u32 $0xF7A, s1;
	s8 =	simm.s32 @!p0 $0x1BF5;
	p2 =	por !p2, p0  }
0x20: {  	[sflag:s8] =	ssyncset.s32 @!p0 $0xFFFFF086;
	s6 =	sadd.s32 @!p0 s3, s7;
	s7 =	simm.s32 @!p0 $0x108  }
0x21: {  	s3 =	sadd.s32 s3, s9;
	s6 =	sadd.s32 @!p0 $0x88, s6;
	s7 =	simm.s32 @p2 $0x1082  }
0x22: {  	[simem:s7], [sflag:s8] =	dma.local @!p0 [hbm:s6], $0xF7A  }
0x23: {  	s9 =	sor.u32 $0xD0000000, s2;
	s6 =	simm.s32 $0x108;
	_ =	swait.ge @!p0 [sflag:s8], $0x0  }
0x24: {  	s3 =	sadd.s32 $0x88, s3;
	s6 =	simm.s32 @!p1 $0x1082;
	[sflag:s4] =	ssyncset.s32 $0xFFFFF086  }
0x25: {  	[simem:s6], [sflag:s4] =	dma.local [hbm:s3], $0xF7A  }
0x26: {  	[smem:$0x3F99] =	sst s1;
	(tag) =	ssettag s2;
	_ =	strace s9  }
0x27: {  	s1 =	sld [smem:$0x3FA9]  }
0x28: {  	s2 =	sld [smem:$0x3FAA]  }
0x29: {  	s4 =	sld [smem:$0x3FAC]  }
0x2a: {  	p0 =	seq.s32 s5, $0x0;
	s5 =	sld [smem:$0x3FAD]  }
0x2b: {  	s6 =	sld [smem:$0x3FAE]  }
0x2c: {  	s7 =	sld [smem:$0x3FAF]  }
0x2d: {  	s3 =	simm.s32 $0x108;
	s8 =	sld [smem:$0x3FB0]  }
0x2e: {  	s3 =	simm.s32 @!p0 $0x1082;
	s9 =	sld [smem:$0x3FB1]  }
0x2f: {  	lr =	sadd.s32 s0, s3;
	s0 =	sld [smem:$0x3FA8]  }
0x30: {  	s3 =	sld [smem:$0x3FAB]  }
0x31: {  	[smem:$0x3FB4] =	sst s10  }
0x32: {  	s10 =	sld [smem:$0x3FB2];
	_ =	sdelay $0x3  }
0x33: {  	p0 =	seq.s32 s10, $0x1;
	s10 =	sld [smem:$0x3FB4];
	_ =	sdelay $0x3  }
0x34: {  	[smem:$0x3FB4] =	sst s10  }
0x35: {  	s10 =	sld [smem:$0x3FB3];
	_ =	sdelay $0x3  }
0x36: {  	p1 =	seq.s32 s10, $0x1;
	s10 =	sld [smem:$0x3FB4];
	_ =	sdelay $0x3  }
0x37: {  	[smem:$0x3FB4] =	sst s10  }
0x38: {  	s10 =	sld [smem:$0x3FB5]  }
0x39: {  	_ = 	snop;
	(pc) =	sbr.ind lr, $3  }
0x3a: {  	_ = 	snop  }
0x3b: {  	_ = 	snop  }
0x3c: {  	p2 =	seq.s32 s10, $0x1;
	s10 =	sld [smem:$0x3FB4]  }
0x3d: {  	_ =	shalt  }
0x3e: {  	_ =	shalt  }
0x3f: {  	_ =	shalt  }
0x40: {  	_ =	shalt  }
0x41: {  	_ =	shalt  }
0x42: {  	_ =	shalt  }
0x43: {  	_ =	shalt  }
0x44: {  	_ =	shalt  }
0x45: {  	_ =	shalt  }
0x46: {  	_ =	shalt  }
0x47: {  	_ =	shalt  }
0x48: {  	_ =	shalt  }
0x49: {  	_ =	shalt  }
0x4a: {  	_ =	shalt  }
0x4b: {  	_ =	shalt  }
0x4c: {  	_ =	shalt  }
0x4d: {  	_ =	shalt  }
0x4e: {  	_ =	shalt  }
0x4f: {  	_ =	shalt  }
0x50: {  	_ =	shalt  }
0x51: {  	_ =	shalt  }
0x52: {  	_ =	shalt  }
0x53: {  	_ =	shalt  }
0x54: {  	_ =	shalt  }
0x55: {  	_ =	shalt  }
0x56: {  	_ =	shalt  }
0x57: {  	_ =	shalt  }
0x58: {  	_ =	shalt  }
0x59: {  	_ =	shalt  }
0x5a: {  	_ =	shalt  }
0x5b: {  	_ =	shalt  }
0x5c: {  	_ =	shalt  }
0x5d: {  	_ =	shalt  }
0x5e: {  	_ =	shalt  }
0x5f: {  	_ =	shalt  }
0x60: {  	_ =	shalt  }
0x61: {  	_ =	shalt  }
0x62: {  	_ =	shalt  }
0x63: {  	_ =	shalt  }
0x64: {  	_ =	shalt  }
0x65: {  	_ =	shalt  }
0x66: {  	_ =	shalt  }
0x67: {  	_ =	shalt  }
0x68: {  	_ =	shalt  }
0x69: {  	_ =	shalt  }
0x6a: {  	_ =	shalt  }
0x6b: {  	_ =	shalt  }
0x6c: {  	_ =	shalt  }
0x6d: {  	_ =	shalt  }
0x6e: {  	_ =	shalt  }
0x6f: {  	_ =	shalt  }
0x70: {  	_ =	shalt  }
0x71: {  	_ =	shalt  }
0x72: {  	_ =	shalt  }
0x73: {  	_ =	shalt  }
0x74: {  	_ =	shalt  }
0x75: {  	_ =	shalt  }
0x76: {  	_ =	shalt  }
0x77: {  	_ =	shalt  }
0x78: {  	_ =	shalt  }
0x79: {  	_ =	shalt  }
0x7a: {  	_ =	shalt  }
0x7b: {  	_ =	shalt  }
0x7c: {  	_ =	shalt  }
0x7d: {  	_ =	shalt  }
0x7e: {  	_ =	shalt  }
0x7f: {  	_ =	shalt  }
0x80: {  	_ =	shalt  }
0x81: {  	_ =	shalt  }
0x82: {  	_ =	shalt  }
0x83: {  	_ =	shalt  }
0x84: {  	_ =	shalt  }
0x85: {  	_ =	shalt  }
0x86: {  	_ =	shalt  }
0x87: {  	_ =	shalt  }
.Lfunc_end0:
.L_simem_size_0:
called_computation.2_lowered:
.L_overlay_start_0:
0x88: {  	s2 =	sld [smem:$0x3FD9]  }
0x89: {  	s3 =	sld [smem:$0x3FFE];
	_ =	sdelay $0x1  }
0x8a: {  	s1 =	srdreg.scid  }
0x8b: {  	s0 =	sand.u32 $0x1, s1  }
0x8c: {  	s16 =	sshll.u32 s0, $0xA;
	s2 =	sadd.s32 s3, s2  }
0x8d: {  	s2 =	sadd.s32 s2, s16  }
0x8e: {  	[smem:$0x3FC0] =	sst s2  }
0x8f: {  	_ = 	snop  }
0x90: {  	(tm) =	ssettm $0x1  }
0x91: {  	s17 =	sld [smem:$0x3FFB];
	_ =	sdelay $0x3  }
0x92: {  	_ =	strace s17  }
0x93: {  	s2 =	sld [smem:$0x3FFC];
	_ =	sdelay $0x3  }
0x94: {  	_ =	strace s2  }
0x95: {  	s2 =	sld [smem:$0x3FFD];
	_ =	sdelay $0x3  }
0x96: {  	_ =	strace s2  }
0x97: {  	_ =	strace $0x8FFFFFFF  }
0x98: {  	s18 =	sld [smem:$0x3FDB];
	_ =	sdelay $0x1  }
0x99: {  	s19 =	simm.s32 $_scs_section_size  }
0x9a: {  	s4 =	simm.s32 $_size__tile_overlayer_lowered;
	s5 =	simm.s32 $_tile_overlayer_lowered  }
0x9b: {  	s22 =	simm.s32 $0x1BFF;
	s21 =	sshll.u32 s5, $0x1;
	s2 =	sadd.s32 s19, s18  }
0x9c: {  	s6 =	simm.s32 $0x0;
	s20 =	sshll.u32 s4, $0x1;
	s4 =	sadd.s32 s21, s2  }
0x9d: {  	[timem:s6], [sflag:s22] =	dma.local [hbm:s4], s20  }
0x9e: {  	_ =	swait.ge [sflag:s22], s20  }
0x9f: {  	s3 =	ssub.s32 $0x0, s20;
	[sflag:s22] =	ssyncset.done $0x0  }
0xa0: {  	[sflag:s22] =	ssyncadd.s32 s3;
	_ =	sdelay $0x1  }
0xa1: {  	s23 =	simm.s32 $0x1B8B  }
0xa2: {  	_ =	swait.ge [sflag:s23], $0x1  }
0xa3: {  	[sflag:s23] =	ssyncset.done $0x0  }
0xa4: {  	s25 =	simm.s32 $0x1B8E;
	s24 =	sld [smem:$0x3FFE];
	[sflag:s23] =	ssyncadd.s32 $0xFFFFFFFF  }
0xa5: {  	s26 =	simm.s32 $execute0_lowered;
	[smem:$0x3FD2] =	sst s25  }
0xa6: {  	s4 =	sshll.u32 s26, $0x1;
	_ =	strace $0x8000004C;
	[dreg:$0x1] =	wrdreg $0xFFFFFFFF  }
0xa7: {  	s28 =	simm.s32 $_size_execute0_lowered;
	s2 =	sadd.s32 s2, s4;
	[dreg:$0x0] =	wrdreg $0x0  }
0xa8: {  	s4 =	sshll.u32 s28, $0x1;
	[dreg:$0x2] =	wrdreg s2  }
0xa9: {  	[dreg:$0x3] =	wrdreg s4  }
0xaa: {  	[dreg:$0x4] =	wrdreg $0xC0  }
0xab: {  	_ =	task [dreg:s6], $0x5FFFF  }
0xac: {  	[dreg:$0x1] =	wrdreg $0xFFFFFFFF  }
0xad: {  	[dreg:$0x0] =	wrdreg $0x60  }
0xae: {  	[dreg:$0x2] =	wrdreg s24  }
0xaf: {  	[dreg:$0x3] =	wrdreg $0x84000  }
0xb0: {  	[dreg:$0x4] =	wrdreg $0x120400  }
0xb1: {  	[dreg:$0x5] =	wrdreg $0x9  }
0xb2: {  	_ =	task.clear_ibuf [dreg:s6], $0x6FFFF;
	_ =	strace $0x9000004C  }
0xb3: {  	s29 =	simm.s32 $0x9;
	_ =	strace $0x8000004E  }
0xb4: {  	_ =	swait.ge [sflag:s29], $0x1  }
0xb5: {  	[sflag:s29] =	ssyncadd.s32 $0xFFFFFFFF  }
0xb6: {  	_ =	strace $0x9000004E  }
0xb7: {  	_ =	sfence  }
0xb8: {  	s30 =	sld [smem:$0x0];
	_ =	sdelay $0x2  }
0xb9: {  	s31 =	sshll.u32 s1, $0xD;
	s1 =	sshrl.u32 s1, $0x2  }
0xba: {  	s3 =	sand.u32 $0x4000, s31;
	s1 =	sadd.s32 s1, s30  }
0xbb: {  	s0 =	sor.u32 s3, s0;
	s1 =	sshll.u32 s1, $0x11  }
0xbc: {  	s0 =	sor.u32 s1, s0  }
0xbd: {  	s0 =	sadd.s32 $0x8F2B, s0  }
0xbe: {  	[sflag:s0] =	ssyncadd.remote.s32 $0x1  }
0xbf: {  	_ =	sfence.sel $0xFFFF  }
0xc0: {  	[dreg:$0x0] =	wrdreg $0xFFFFFFFF;
	(pc) =	sbr.abs _section_cstart, $3  }
0xc1: {  	[dreg:$0x1] =	wrdreg $0xFFFFFFFF  }
0xc2: {  	_ =	task.clear_ibuf [dreg:s6], $0x2FFFF;
	_ =	strace $0x9FFFFFFF  }
0xc3: {  	(tm) =	ssettm $0x7FFFFFFF  }
tec
execute0_lowered:
.L_overlay_start_1:
0x0: {  	(tag) =	ssettag $0x1  }
0x1: {  	s0 =	rddreg [dreg:$0x0]  }
0x2: {  	s1 =	rddreg [dreg:$0x1]  }
0x3: {  	s2 =	rddreg [dreg:$0x2];
	s3 =	simm.s32 $0x0;
	s10 =	stileid.u32  }
0x4: {  	s5 =	srdreg.scid;
	s29 =	simm.s32 $0xD;
	s31 =	simm.s32 $0x80  }
0x5: {  	[smem:$0x7FF] =	sst s3;
	s9 =	sshll.u32 s10, $0x4;
	s4 =	smul.u32 $0x2780, s10  }
0x6: {  	s6 =	sadd.s32 $0x3E200, s0;
	s5 =	sand.u32 $0x1, s5;
	s8 =	smul.u32 $0x27800, s10  }
0x7: {  	s13 =	sadd.s32 $0x3B888, s0;
	_ =	strace $0x8000004D;
	[dreg:$0x4] =	wrdreg s6  }
0x8: {  	p0 =	slt.u32 s10, $0x4;
	s15 =	sadd.s32 $0x3B880, s0;
	[dreg:$0x7] =	wrdreg s13  }
0x9: {  	s23 =	sadd.s32 $0x64688, s0;
	s26 =	sadd.s32 $0x94200, s1;
	[dreg:$0x9] =	wrdreg s15  }
0xa: {  	s28 =	sadd.s32 $0x94200, s2;
	s3 =	sadd.s32 s9, s0;
	[dreg:$0x13] =	wrdreg s23  }
0xb: {  	s7 =	ssub.s32 $0x2, s5;
	s6 =	simm.s32 $0x9D;
	[dreg:$0x17] =	wrdreg s26  }
0xc: {  	p3 =	sne.s32 s5, $0x0;
	[dreg:$0x18] =	wrdreg s28;
	s23 =	simm.s32 $0xA  }
0xd: {  	s5 =	simm.s32 $0x7;
	s4 =	sadd.s32 s4, s0;
	s9 =	sshrl.u32 s7, $0x1  }
0xe: {  	s6 =	simm.s32 @!p0 $0x9C;
	s8 =	sshrl.u32 s8, $0x2;
	s13 =	sadd.s32 $0x2E00, s3  }
0xf: {  	s16 =	sadd.s32 $0xCA40, s3;
	s17 =	sadd.s32 $0x2F00, s3;
	s18 =	sadd.s32 $0xCB40, s3  }
0x10: {  	s19 =	sadd.s32 $0x3000, s3;
	s20 =	sadd.s32 $0xCC40, s3;
	[dreg:$0xb] =	wrdreg s16  }
0x11: {  	s21 =	sadd.s32 $0x3100, s3;
	s3 =	sadd.s32 $0xCD40, s3;
	[dreg:$0xc] =	wrdreg s17  }
0x12: {  	s0 =	sadd.s32 $0x64680, s0;
	p1 =	seq.s32 @p3 s10, $0xF;
	[dreg:$0xd] =	wrdreg s18  }
0x13: {  	p4 =	seq.s32 @!p3 s10, $0xF;
	s7 =	ssub.s32 s7, s9;
	[dreg:$0xe] =	wrdreg s19  }
0x14: {  	s11 =	sadd.s32 s8, s1;
	s12 =	sadd.s32 $0x16808, s4;
	[dreg:$0xf] =	wrdreg s20  }
0x15: {  	s14 =	sadd.s32 $0x16800, s4;
	s30 =	sadd.s32 s8, s2;
	[dreg:$0x10] =	wrdreg s21  }
0x16: {  	[dreg:$0x11] =	wrdreg s3;
	s22 =	sadd.s32 $0x3F608, s4;
	s24 =	sadd.s32 $0x3F600, s4  }
0x17: {  	[dreg:$0x15] =	wrdreg s0;
	p0 =	por !p1, !p3;
	p1 =	por p1, !p3  }
0x18: {  	p2 =	por !p4, p3;
	p3 =	por p4, p3;
	p4 =	sgt.u32 s10, $0x3  }
0x19: {  	s19 =	simm.s32 $0x9;
	s20 =	simm.s32 $0x5;
	[dreg:$0x5] =	wrdreg s11  }
0x1a: {  	s21 =	simm.s32 $0x4;
	s3 =	simm.s32 $0xC;
	[dreg:$0x6] =	wrdreg s12  }
0x1b: {  	s18 =	simm.s32 $0x180;
	s10 =	simm.s32 $0x2400;
	[dreg:$0x8] =	wrdreg s14  }
0x1c: {  	s16 =	simm.s32 $0x300;
	s9 =	simm.s32 $0x4400;
	[dreg:$0x12] =	wrdreg s22  }
0x1d: {  	[dreg:$0x14] =	wrdreg s24;
	s25 =	smax.u32 s7, $0x1;
	s0 =	simm.s32 @!p4 $0x0  }
0x1e: {  	s22 =	simm.s32 $0x6400;
	s24 =	simm.s32 $0x6;
	[dreg:$0xa] =	wrdreg s30  }
0x1f: {  	s11 =	simm.s32 $0x8;
	[dreg:$0x16] =	wrdreg s25;
	s0 =	simm.s32 @p4 $0x1  }
0x20: {  	s7 =	simm.s32 $0x0;
	s25 =	simm.s32 $0xB;
	[smem:$0x7FD] =	sst s0  }
.LBB2_1:
0x21: {  	[dreg:$0x19] =	wrdreg s7  }
0x22: {  	s12 =	rddreg [dreg:$0x17]  }
0x23: {  	s7 =	simm.s32 @!p0 $0x1;
	s15 =	simm.s32 @!p0 $0x8;
	s17 =	simm.s32 @!p0 $0x10  }
0x24: {  	s26 =	simm.s32 @!p0 $0x1FCD;
	s0 =	rddreg [dreg:$0x7];
	s4 =	sshrl.u32 @!p0 s12, $0x3  }
0x25: {  	[spmem:s4@s15], [sflag:s26] =	dma.strided @!p0 [hbm:s0@s17], $0x1040, s7, $0x8   }
0x26: {  	s8 =	stileid.u32;
	s4 =	simm.s32 @!p0 $0xD  }
0x27: {  	s7 =	sshll.u32 @!p1 s8, $0x6;
	_ =	swait.ge @!p0 [sflag:s4], $0x1040  }
0x28: {  	s0 =	simm.s32 @!p1 $0x1;
	s17 =	simm.s32 @!p1 $0x8;
	s15 =	rddreg [dreg:$0x5]  }
0x29: {  	s26 =	simm.s32 @!p1 $0x10;
	[sflag:s4] =	ssyncset.done @!p0 $0x0;
	s28 =	rddreg [dreg:$0x6]  }
0x2a: {  	[sflag:s4] =	ssyncadd.s32 @!p0 $0xFFFFEFC0;
	s4 =	sor.u32 @!p1 $0x1C0D, s7;
	s7 =	sshrl.u32 @!p1 s15, $0x3  }
0x2b: {  	[spmem:s7@s17], [sflag:s4] =	dma.strided @!p1 [hbm:s28@s26], $0x13C0, s0, $0x8   }
0x2c: {  	s4 =	simm.s32 @!p1 $0xD  }
0x2d: {  	s7 =	simm.s32 @!p2 $0x1;
	s17 =	simm.s32 @!p2 $0x10;
	_ =	swait.ge @!p1 [sflag:s4], $0x13C0  }
0x2e: {  	s26 =	simm.s32 @!p2 $0x1FCD;
	[sflag:s4] =	ssyncset.done @!p1 $0x0;
	s28 =	rddreg [dreg:$0x9]  }
0x2f: {  	[sflag:s4] =	ssyncadd.s32 @!p1 $0xFFFFEC40;
	s4 =	sshrl.u32 @!p2 s12, $0x3;
	s12 =	simm.s32 @!p2 $0x8  }
0x30: {  	[spmem:s4@s12], [sflag:s26] =	dma.strided @!p2 [hbm:s28@s17], $0x1040, s7, $0x8   }
0x31: {  	s4 =	simm.s32 @!p2 $0xD  }
0x32: {  	_ =	swait.ge @!p2 [sflag:s4], $0x1040  }
0x33: {  	s7 =	sshll.u32 @!p3 s8, $0x6;
	s12 =	simm.s32 @!p3 $0x1;
	[sflag:s4] =	ssyncset.done @!p2 $0x0  }
0x34: {  	s17 =	simm.s32 @!p3 $0x8;
	s26 =	simm.s32 @!p3 $0x10;
	[sflag:s4] =	ssyncadd.s32 @!p2 $0xFFFFEFC0  }
0x35: {  	s4 =	sor.u32 @!p3 $0x1C0D, s7;
	s7 =	sshrl.u32 @!p3 s15, $0x3;
	s15 =	rddreg [dreg:$0x8]  }
0x36: {  	[spmem:s7@s17], [sflag:s4] =	dma.strided @!p3 [hbm:s15@s26], $0x13C0, s12, $0x8   }
0x37: {  	s4 =	simm.s32 @!p3 $0xD  }
0x38: {  	s17 =	sshll.u32 s8, $0x6;
	s26 =	sshrl.u32 s30, $0x3;
	_ =	swait.ge @!p3 [sflag:s4], $0x13C0  }
0x39: {  	s7 =	sor.u32 $0x1C0D, s17;
	[sflag:s4] =	ssyncset.done @!p3 $0x0;
	s30 =	rddreg [dreg:$0x4]  }
0x3a: {  	[dreg:$0x1a] =	wrdreg s7;
	[sflag:s4] =	ssyncadd.s32 @!p3 $0xFFFFEC40  }
0x3b: {  	[spmem:s26], [sflag:s7] =	dma.local [hbm:s30], $0x13C0  }
0x3c: {  	_ =	swait.ge [sflag:s29], $0x13C0  }
0x3d: {  	[sflag:s29] =	ssyncset.done $0x0  }
0x3e: {  	[sflag:s29] =	ssyncadd.s32 $0xFFFFEC40  }
0x3f: {  	s0 =	simm.s32 $0x0;
	[bflag:$0x0] =	sbarrier.arrive $0xFFFF  }
0x40: {  	[tilespmem:s0], [sflag:$0x1] =	stream.linear.gather [hbm4b:s13+s0], $0x80, $0x38;
	[tilespmem:$0x1BE40] =	vst v63  }
0x41: {  	s12 =	simm.s32 $0x200;
	s7 =	rddreg [dreg:$0xb]  }
0x42: {  	[tilespmem:s12], [sflag:$0x5] =	stream.linear.gather [hbm4b:s7+s0], $0x80, $0x38;
	[tilespmem:$0x1BE40] =	vst v63  }
0x43: {  	s8 =	rddreg [dreg:$0xc]  }
0x44: {  	[tilespmem:s31], [sflag:$0x2] =	stream.linear.gather [hbm4b:s8+s0], $0x80, $0x38;
	[tilespmem:$0x1BE40] =	vst v63  }
0x45: {  	s15 =	simm.s32 $0x280;
	s14 =	rddreg [dreg:$0xd]  }
0x46: {  	[tilespmem:s15], [sflag:$0x6] =	stream.linear.gather [hbm4b:s14+s0], $0x80, $0x38;
	[tilespmem:$0x1BE40] =	vst v63  }
0x47: {  	s17 =	rddreg [dreg:$0xe];
	s7 =	simm.s32 $0x100  }
0x48: {  	[tilespmem:s7], [sflag:$0x3] =	stream.linear.gather [hbm4b:s17+s0], $0x80, $0x38;
	[tilespmem:$0x1BE40] =	vst v63  }
0x49: {  	s26 =	rddreg [dreg:$0xf];
	s17 =	simm.s32 $0x300  }
0x4a: {  	[tilespmem:s17], [sflag:$0x7] =	stream.linear.gather [hbm4b:s26+s0], $0x80, $0x38;
	[tilespmem:$0x1BE40] =	vst v63  }
0x4b: {  	s30 =	rddreg [dreg:$0x10];
	s14 =	simm.s32 $0x180  }
0x4c: {  	[tilespmem:s14], [sflag:$0x4] =	stream.linear.gather [hbm4b:s30+s0], $0x80, $0x38;
	[tilespmem:$0x1BE40] =	vst v63  }
0x4d: {  	s8 =	rddreg [dreg:$0x11];
	s26 =	simm.s32 $0x1;
	s30 =	simm.s32 $0x380  }
0x4e: {  	[tilespmem:s30], [sflag:$0x8] =	stream.linear.gather [hbm4b:s8+s0], $0x80, $0x38;
	[tilespmem:$0x1BE40] =	vst v63  }
0x4f: {  	_ =	swait.ge [sflag:s26], $0x80  }
0x50: {  	[sflag:s26] =	ssyncset.done $0x0  }
0x51: {  	s4 =	simm.s32 $0x400;
	s8 =	simm.s32 $0x2;
	[sflag:s26] =	ssyncadd.s32 $0xFFFFFF80  }
0x52: {  	[tilespmem:s4], [sflag:$0x9] =	stream.indirect.gather [spmem:s1], $0x40, s0, s31, $0xb8;
	[tilespmem:$0x1BE40] =	vst v63  }
0x53: {  	_ =	swait.ge [sflag:s8], $0x80  }
0x54: {  	[sflag:s8] =	ssyncset.done $0x0  }
0x55: {  	s26 =	simm.s32 $0x3;
	[sflag:s8] =	ssyncadd.s32 $0xFFFFFF80;
	s8 =	simm.s32 $0x2400  }
0x56: {  	[tilespmem:s8], [sflag:$0xA] =	stream.indirect.gather [spmem:s1], $0x40, s31, s31, $0xb8;
	[tilespmem:$0x1BE40] =	vst v63  }
0x57: {  	_ =	swait.ge [sflag:s26], $0x80  }
0x58: {  	[sflag:s26] =	ssyncset.done $0x0  }
0x59: {  	s0 =	simm.s32 $0x4400;
	[sflag:s26] =	ssyncadd.s32 $0xFFFFFF80  }
0x5a: {  	[tilespmem:s0], [sflag:$0xB] =	stream.indirect.gather [spmem:s1], $0x40, s7, s31, $0xb8;
	[tilespmem:$0x1BE40] =	vst v63  }
0x5b: {  	_ =	swait.ge [sflag:s19], $0x2000  }
0x5c: {  	[sflag:s19] =	ssyncset.done $0x0  }
0x5d: {  	[sflag:s19] =	ssyncadd.s32 $0xFFFFE000  }
0x5e: {  	_ =	swait.ge [sflag:s20], $0x80  }
0x5f: {  	[sflag:s20] =	ssyncset.done $0x0  }
0x60: {  	[sflag:s20] =	ssyncadd.s32 $0xFFFFFF80  }
0x61: {  	[spmem:s2] =	stream.indirect.scatter.add.f32 [tilespmem:s4], [sflag:$0xD], $0x40, s12, s31, $0xb8;
	[tilespmem:$0x1BE40] =	vst v63  }
0x62: {  	p5 =	sle.u32 s6, $0x4;
	_ =	swait.ge [sflag:s29], $0x2000  }
0x63: {  	s4 =	sadd.s32 @!p5 $0x0, s13;
	[sflag:s29] =	ssyncset.done $0x0  }
0x64: {  	s12 =	simm.s32 @!p5 $0x0;
	s7 =	sadd.s32 @!p5 $0x400, s4;
	[sflag:s29] =	ssyncadd.s32 $0xFFFFE000  }
0x65: {  	[tilespmem:s12], [sflag:$0x1] =	stream.linear.gather @!p5 [hbm4b:s7+s12], $0x80, $0x38;
	[tilespmem:$0x1BE40] =	vst v63  }
0x66: {  	s4 =	sadd.s32 @!p5 $0xA040, s4;
	s7 =	simm.s32 @!p5 $0x200  }
0x67: {  	[tilespmem:s7], [sflag:$0x5] =	stream.linear.gather @!p5 [hbm4b:s4+s12], $0x80, $0x38;
	[tilespmem:$0x1BE40] =	vst v63  }
0x68: {  	_ =	swait.ge [sflag:s21], $0x80  }
0x69: {  	[sflag:s21] =	ssyncset.done $0x0  }
0x6a: {  	[sflag:s21] =	ssyncadd.s32 $0xFFFFFF80  }
0x6b: {  	[tilespmem:s22], [sflag:$0xC] =	stream.indirect.gather [spmem:s1], $0x40, s14, s31, $0xb8;
	[tilespmem:$0x1BE40] =	vst v63  }
0x6c: {  	_ =	swait.ge [sflag:s23], $0x2000  }
0x6d: {  	[sflag:s23] =	ssyncset.done $0x0  }
0x6e: {  	[sflag:s23] =	ssyncadd.s32 $0xFFFFE000  }
0x6f: {  	_ =	swait.ge [sflag:s24], $0x80  }
0x70: {  	[sflag:s24] =	ssyncset.done $0x0  }
0x71: {  	[sflag:s24] =	ssyncadd.s32 $0xFFFFFF80  }
0x72: {  	[spmem:s2] =	stream.indirect.scatter.add.f32 [tilespmem:s8], [sflag:$0xD], $0x40, s15, s31, $0xb8;
	[tilespmem:$0x1BE40] =	vst v63  }
0x73: {  	p4 =	sle.u32 s6, $0x5;
	_ =	swait.ge [sflag:s29], $0x2000  }
0x74: {  	s28 =	simm.s32 @!p4 $0x0;
	s4 =	sadd.s32 @!p4 $0x0, s13;
	[sflag:s29] =	ssyncset.done $0x0  }
0x75: {  	s7 =	simm.s32 @!p4 $0x80;
	s26 =	sadd.s32 @!p4 $0x500, s4;
	[sflag:s29] =	ssyncadd.s32 $0xFFFFE000  }
0x76: {  	[tilespmem:s7], [sflag:$0x2] =	stream.linear.gather @!p4 [hbm4b:s26+s28], $0x80, $0x38;
	[tilespmem:$0x1BE40] =	vst v63  }
0x77: {  	s4 =	sadd.s32 @!p4 $0xA140, s4;
	s26 =	simm.s32 @!p4 $0x280  }
0x78: {  	[tilespmem:s26], [sflag:$0x6] =	stream.linear.gather @!p4 [hbm4b:s4+s28], $0x80, $0x38;
	[tilespmem:$0x1BE40] =	vst v63  }
0x79: {  	s4 =	simm.s32 @!p5 $0x1  }
0x7a: {  	_ =	swait.ge @!p5 [sflag:s4], $0x80  }
0x7b: {  	[sflag:s4] =	ssyncset.done @!p5 $0x0  }
0x7c: {  	s26 =	simm.s32 @!p5 $0x400;
	[sflag:s4] =	ssyncadd.s32 @!p5 $0xFFFFFF80;
	s4 =	simm.s32 @!p5 $0x80  }
0x7d: {  	[tilespmem:s26], [sflag:$0x9] =	stream.indirect.gather @!p5 [spmem:s1], $0x40, s12, s4, $0xb8;
	[tilespmem:$0x1BE40] =	vst v63  }
0x7e: {  	_ =	swait.ge [sflag:s25], $0x2000  }
0x7f: {  	[sflag:s25] =	ssyncset.done $0x0  }
0x80: {  	[sflag:s25] =	ssyncadd.s32 $0xFFFFE000  }
0x81: {  	_ =	swait.ge [sflag:s5], $0x80  }
0x82: {  	[sflag:s5] =	ssyncset.done $0x0  }
0x83: {  	[sflag:s5] =	ssyncadd.s32 $0xFFFFFF80  }
0x84: {  	[spmem:s2] =	stream.indirect.scatter.add.f32 [tilespmem:s0], [sflag:$0xD], $0x40, s17, s31, $0xb8;
	[tilespmem:$0x1BE40] =	vst v63  }
0x85: {  	p6 =	sle.u32 s6, $0x6;
	_ =	swait.ge [sflag:s29], $0x2000  }
0x86: {  	s28 =	simm.s32 @!p6 $0x0;
	s4 =	sadd.s32 @!p6 $0x0, s13;
	[sflag:s29] =	ssyncset.done $0x0  }
0x87: {  	s12 =	simm.s32 @!p6 $0x100;
	s26 =	sadd.s32 @!p6 $0x600, s4;
	[sflag:s29] =	ssyncadd.s32 $0xFFFFE000  }
0x88: {  	[tilespmem:s12], [sflag:$0x3] =	stream.linear.gather @!p6 [hbm4b:s26+s28], $0x80, $0x38;
	[tilespmem:$0x1BE40] =	vst v63  }
0x89: {  	s4 =	sadd.s32 @!p6 $0xA240, s4;
	s26 =	simm.s32 @!p6 $0x300  }
0x8a: {  	[tilespmem:s26], [sflag:$0x7] =	stream.linear.gather @!p6 [hbm4b:s4+s28], $0x80, $0x38;
	[tilespmem:$0x1BE40] =	vst v63  }
0x8b: {  	s4 =	simm.s32 @!p4 $0x2  }
0x8c: {  	_ =	swait.ge @!p4 [sflag:s4], $0x80  }
0x8d: {  	[sflag:s4] =	ssyncset.done @!p4 $0x0  }
0x8e: {  	[sflag:s4] =	ssyncadd.s32 @!p4 $0xFFFFFF80;
	s4 =	simm.s32 @!p4 $0x2400  }
0x8f: {  	[tilespmem:s4], [sflag:$0xA] =	stream.indirect.gather @!p4 [spmem:s1], $0x40, s7, s7, $0xb8;
	[tilespmem:$0x1BE40] =	vst v63  }
0x90: {  	_ =	swait.ge [sflag:s3], $0x2000  }
0x91: {  	[sflag:s3] =	ssyncset.done $0x0  }
0x92: {  	[sflag:s3] =	ssyncadd.s32 $0xFFFFE000  }
0x93: {  	_ =	swait.ge [sflag:s11], $0x80  }
0x94: {  	[sflag:s11] =	ssyncset.done $0x0  }
0x95: {  	[sflag:s11] =	ssyncadd.s32 $0xFFFFFF80  }
0x96: {  	[spmem:s2] =	stream.indirect.scatter.add.f32 [tilespmem:s22], [sflag:$0xD], $0x40, s30, s31, $0xb8;
	[tilespmem:$0x1BE40] =	vst v63  }
0x97: {  	p4 =	sle.u32 s6, $0x7;
	_ =	swait.ge [sflag:s29], $0x2000  }
0x98: {  	s4 =	sadd.s32 @!p4 $0x0, s13;
	s7 =	simm.s32 @!p4 $0x180;
	[sflag:s29] =	ssyncset.done $0x0  }
0x99: {  	s28 =	simm.s32 @!p4 $0x0;
	s26 =	sadd.s32 @!p4 $0x700, s4;
	[sflag:s29] =	ssyncadd.s32 $0xFFFFE000  }
0x9a: {  	[tilespmem:s7], [sflag:$0x4] =	stream.linear.gather @!p4 [hbm4b:s26+s28], $0x80, $0x38;
	[tilespmem:$0x1BE40] =	vst v63  }
0x9b: {  	s17 =	simm.s32 @!p6 $0x3;
	s4 =	sadd.s32 @!p4 $0xA340, s4;
	s7 =	simm.s32 @!p4 $0x380  }
0x9c: {  	[tilespmem:s7], [sflag:$0x8] =	stream.linear.gather @!p4 [hbm4b:s4+s28], $0x80, $0x38;
	[tilespmem:$0x1BE40] =	vst v63  }
0x9d: {  	s14 =	simm.s32 $0x280;
	s8 =	simm.s32 $0x380;
	_ =	swait.ge @!p6 [sflag:s17], $0x80  }
0x9e: {  	s26 =	simm.s32 $0xB;
	s7 =	simm.s32 $0x400;
	[sflag:s17] =	ssyncset.done @!p6 $0x0  }
0x9f: {  	s4 =	simm.s32 @!p6 $0x80;
	s28 =	simm.s32 @!p6 $0x4400;
	[sflag:s17] =	ssyncadd.s32 @!p6 $0xFFFFFF80  }
.LBB2_2:
0xa0: {  	[tilespmem:s28], [sflag:$0xB] =	stream.indirect.gather @!p6 [spmem:s1], $0x40, s12, s4, $0xb8;
	[tilespmem:$0x1BE40] =	vst v63  }
0xa1: {  	s28 =	smov.u32 s7;
	s7 =	sadd.s32 $0x400, s7  }
0xa2: {  	p5 =	sne.s32 s7, $0x9C00;
	_ =	swait.ge [sflag:s19], $0x2000  }
0xa3: {  	[sflag:s19] =	ssyncset.done $0x0  }
0xa4: {  	[sflag:s19] =	ssyncadd.s32 $0xFFFFE000  }
0xa5: {  	_ =	swait.ge [sflag:s20], $0x80  }
0xa6: {  	s4 =	sadd.s32 $0xFFFFFFFD, s26;
	[sflag:s20] =	ssyncset.done $0x0  }
0xa7: {  	s0 =	simm.s32 $0x200;
	s12 =	simm.s32 $0x400;
	[sflag:s20] =	ssyncadd.s32 $0xFFFFFF80  }
0xa8: {  	[spmem:s2] =	stream.indirect.scatter.add.f32 [tilespmem:s12], [sflag:$0xD], $0x40, s0, s31, $0xb8;
	[tilespmem:$0x1BE40] =	vst v63  }
0xa9: {  	p6 =	sge.u32 s4, s6;
	_ =	swait.ge [sflag:s29], $0x2000  }
0xaa: {  	s4 =	sadd.s32 @!p6 s28, s13;
	[sflag:s29] =	ssyncset.done $0x0  }
0xab: {  	s17 =	simm.s32 @!p6 $0x0;
	s12 =	sadd.s32 @!p6 $0x400, s4;
	[sflag:s29] =	ssyncadd.s32 $0xFFFFE000  }
0xac: {  	[tilespmem:s17], [sflag:$0x1] =	stream.linear.gather @!p6 [hbm4b:s12+s17], $0x80, $0x38;
	[tilespmem:$0x1BE40] =	vst v63  }
0xad: {  	s4 =	sadd.s32 @!p6 $0xA040, s4;
	s12 =	simm.s32 @!p6 $0x200  }
0xae: {  	[tilespmem:s12], [sflag:$0x5] =	stream.linear.gather @!p6 [hbm4b:s4+s17], $0x80, $0x38;
	[tilespmem:$0x1BE40] =	vst v63  }
0xaf: {  	_ =	swait.ge [sflag:s21], $0x80  }
0xb0: {  	[sflag:s21] =	ssyncset.done $0x0  }
0xb1: {  	[sflag:s21] =	ssyncadd.s32 $0xFFFFFF80  }
0xb2: {  	[tilespmem:s22], [sflag:$0xC] =	stream.indirect.gather [spmem:s1], $0x40, s18, s31, $0xb8;
	[tilespmem:$0x1BE40] =	vst v63  }
0xb3: {  	_ =	swait.ge [sflag:s23], $0x2000  }
0xb4: {  	[sflag:s23] =	ssyncset.done $0x0  }
0xb5: {  	[sflag:s23] =	ssyncadd.s32 $0xFFFFE000  }
0xb6: {  	_ =	swait.ge [sflag:s24], $0x80  }
0xb7: {  	[sflag:s24] =	ssyncset.done $0x0  }
0xb8: {  	s4 =	sadd.s32 $0xFFFFFFFE, s26;
	[sflag:s24] =	ssyncadd.s32 $0xFFFFFF80  }
0xb9: {  	[spmem:s2] =	stream.indirect.scatter.add.f32 [tilespmem:s10], [sflag:$0xD], $0x40, s14, s31, $0xb8;
	[tilespmem:$0x1BE40] =	vst v63  }
0xba: {  	p4 =	sge.u32 s4, s6;
	_ =	swait.ge [sflag:s29], $0x2000  }
0xbb: {  	s12 =	sadd.s32 @!p4 s28, s13;
	s4 =	simm.s32 @!p4 $0x80;
	[sflag:s29] =	ssyncset.done $0x0  }
0xbc: {  	s30 =	simm.s32 @!p4 $0x0;
	s15 =	sadd.s32 @!p4 $0x500, s12;
	[sflag:s29] =	ssyncadd.s32 $0xFFFFE000  }
0xbd: {  	[tilespmem:s4], [sflag:$0x2] =	stream.linear.gather @!p4 [hbm4b:s15+s30], $0x80, $0x38;
	[tilespmem:$0x1BE40] =	vst v63  }
0xbe: {  	s0 =	simm.s32 @!p6 $0x1;
	s12 =	sadd.s32 @!p4 $0xA140, s12;
	s15 =	simm.s32 @!p4 $0x280  }
0xbf: {  	[tilespmem:s15], [sflag:$0x6] =	stream.linear.gather @!p4 [hbm4b:s12+s30], $0x80, $0x38;
	[tilespmem:$0x1BE40] =	vst v63  }
0xc0: {  	_ =	swait.ge @!p6 [sflag:s0], $0x80  }
0xc1: {  	[sflag:s0] =	ssyncset.done @!p6 $0x0  }
0xc2: {  	s12 =	simm.s32 @!p6 $0x400;
	[sflag:s0] =	ssyncadd.s32 @!p6 $0xFFFFFF80;
	s0 =	simm.s32 @!p6 $0x80  }
0xc3: {  	[tilespmem:s12], [sflag:$0x9] =	stream.indirect.gather @!p6 [spmem:s1], $0x40, s17, s0, $0xb8;
	[tilespmem:$0x1BE40] =	vst v63  }
0xc4: {  	_ =	swait.ge [sflag:s25], $0x2000  }
0xc5: {  	[sflag:s25] =	ssyncset.done $0x0  }
0xc6: {  	[sflag:s25] =	ssyncadd.s32 $0xFFFFE000  }
0xc7: {  	_ =	swait.ge [sflag:s5], $0x80  }
0xc8: {  	[sflag:s5] =	ssyncset.done $0x0  }
0xc9: {  	s0 =	sadd.s32 $0xFFFFFFFF, s26;
	[sflag:s5] =	ssyncadd.s32 $0xFFFFFF80  }
0xca: {  	[spmem:s2] =	stream.indirect.scatter.add.f32 [tilespmem:s9], [sflag:$0xD], $0x40, s16, s31, $0xb8;
	[tilespmem:$0x1BE40] =	vst v63  }
0xcb: {  	p6 =	sge.u32 s0, s6;
	_ =	swait.ge [sflag:s29], $0x2000  }
0xcc: {  	s0 =	sadd.s32 @!p6 s28, s13;
	s12 =	simm.s32 @!p6 $0x100;
	[sflag:s29] =	ssyncset.done $0x0  }
0xcd: {  	s17 =	simm.s32 @!p6 $0x0;
	s15 =	sadd.s32 @!p6 $0x600, s0;
	[sflag:s29] =	ssyncadd.s32 $0xFFFFE000  }
0xce: {  	[tilespmem:s12], [sflag:$0x3] =	stream.linear.gather @!p6 [hbm4b:s15+s17], $0x80, $0x38;
	[tilespmem:$0x1BE40] =	vst v63  }
0xcf: {  	s30 =	simm.s32 @!p4 $0x2;
	s0 =	sadd.s32 @!p6 $0xA240, s0;
	s15 =	simm.s32 @!p6 $0x300  }
0xd0: {  	[tilespmem:s15], [sflag:$0x7] =	stream.linear.gather @!p6 [hbm4b:s0+s17], $0x80, $0x38;
	[tilespmem:$0x1BE40] =	vst v63  }
0xd1: {  	_ =	swait.ge @!p4 [sflag:s30], $0x80  }
0xd2: {  	[sflag:s30] =	ssyncset.done @!p4 $0x0  }
0xd3: {  	s0 =	simm.s32 @!p4 $0x2400;
	[sflag:s30] =	ssyncadd.s32 @!p4 $0xFFFFFF80  }
0xd4: {  	[tilespmem:s0], [sflag:$0xA] =	stream.indirect.gather @!p4 [spmem:s1], $0x40, s4, s4, $0xb8;
	[tilespmem:$0x1BE40] =	vst v63  }
0xd5: {  	_ =	swait.ge [sflag:s3], $0x2000  }
0xd6: {  	[sflag:s3] =	ssyncset.done $0x0  }
0xd7: {  	[sflag:s3] =	ssyncadd.s32 $0xFFFFE000  }
0xd8: {  	_ =	swait.ge [sflag:s11], $0x80  }
0xd9: {  	[sflag:s11] =	ssyncset.done $0x0  }
0xda: {  	p4 =	sge.u32 s26, s6;
	[sflag:s11] =	ssyncadd.s32 $0xFFFFFF80  }
0xdb: {  	[spmem:s2] =	stream.indirect.scatter.add.f32 [tilespmem:s22], [sflag:$0xD], $0x40, s8, s31, $0xb8;
	[tilespmem:$0x1BE40] =	vst v63  }
0xdc: {  	s0 =	sadd.s32 @!p4 s28, s13;
	_ =	swait.ge [sflag:s29], $0x2000  }
0xdd: {  	s4 =	simm.s32 @!p4 $0x180;
	s17 =	simm.s32 @!p4 $0x0;
	[sflag:s29] =	ssyncset.done $0x0  }
0xde: {  	s15 =	sadd.s32 @!p4 $0x700, s0;
	s0 =	sadd.s32 @!p4 $0xA340, s0;
	[sflag:s29] =	ssyncadd.s32 $0xFFFFE000  }
0xdf: {  	[tilespmem:s4], [sflag:$0x4] =	stream.linear.gather @!p4 [hbm4b:s15+s17], $0x80, $0x38;
	[tilespmem:$0x1BE40] =	vst v63  }
.Ltmp0:
0xe0: {  	s4 =	simm.s32 @!p4 $0x380;
	s15 =	simm.s32 @!p6 $0x3;
	(pc) =	sbr.rel @p5 .LBB2_2-.Ltmp0, $4  }
0xe1: {  	[tilespmem:s4], [sflag:$0x8] =	stream.linear.gather @!p4 [hbm4b:s0+s17], $0x80, $0x38;
	[tilespmem:$0x1BE40] =	vst v63  }
0xe2: {  	_ =	swait.ge @!p6 [sflag:s15], $0x80  }
0xe3: {  	s26 =	sadd.s32 $0x4, s26;
	[sflag:s15] =	ssyncset.done @!p6 $0x0  }
0xe4: {  	s28 =	simm.s32 @!p6 $0x4400;
	s4 =	simm.s32 @!p6 $0x80;
	[sflag:s15] =	ssyncadd.s32 @!p6 $0xFFFFFF80  }
0xe5: {  	s0 =	sld [smem:$0x7FD];
	_ =	sdelay $0x1  }
0xe6: {  	[tilespmem:s28], [sflag:$0xB] =	stream.indirect.gather @!p6 [spmem:s1], $0x40, s12, s4, $0xb8;
	[tilespmem:$0x1BE40] =	vst v63  }
0xe7: {  	p4 =	seq.s32 s0, $0x1  }
0xe8: {  	s0 =	simm.s32 @!p4 $0x9  }
0xe9: {  	_ =	swait.ge @!p4 [sflag:s0], $0x2000  }
0xea: {  	[sflag:s0] =	ssyncset.done @!p4 $0x0  }
0xeb: {  	[sflag:s0] =	ssyncadd.s32 @!p4 $0xFFFFE000;
	s0 =	simm.s32 @!p4 $0x5  }
0xec: {  	_ =	swait.ge @!p4 [sflag:s0], $0x80  }
0xed: {  	s4 =	simm.s32 @!p4 $0x200;
	[sflag:s0] =	ssyncset.done @!p4 $0x0  }
0xee: {  	s7 =	simm.s32 @!p4 $0x400;
	[sflag:s0] =	ssyncadd.s32 @!p4 $0xFFFFFF80;
	s0 =	simm.s32 @!p4 $0x80  }
0xef: {  	[spmem:s2] =	stream.indirect.scatter.add.f32 @!p4 [tilespmem:s7], [sflag:$0xD], $0x40, s4, s0, $0xb8;
	[tilespmem:$0x1BE40] =	vst v63  }
0xf0: {  	s0 =	simm.s32 @!p4 $0xD  }
0xf1: {  	_ =	swait.ge @!p4 [sflag:s0], $0x2000  }
0xf2: {  	[sflag:s0] =	ssyncset.done @!p4 $0x0  }
0xf3: {  	[sflag:s0] =	ssyncadd.s32 @!p4 $0xFFFFE000  }
0xf4: {  	[bflag:$0x0] =	sbarrier.arrive $0xFFFF  }
0xf5: {  	s17 =	rddreg [dreg:$0x18]  }
0xf6: {  	s12 =	simm.s32 @!p0 $0x8;
	s4 =	simm.s32 @!p0 $0x1;
	s15 =	rddreg [dreg:$0x13]  }
0xf7: {  	s7 =	simm.s32 @!p0 $0x10;
	s8 =	rddreg [dreg:$0x1a];
	s0 =	sshrl.u32 @!p0 s17, $0x3  }
0xf8: {  	[hbm:s15@s7], [sflag:s8] =	dma.strided @!p0 [spmem:s0@s12], $0x1040, s4, $0x8   }
0xf9: {  	s0 =	simm.s32 @!p0 $0xD  }
0xfa: {  	s4 =	simm.s32 @!p1 $0x1;
	s7 =	simm.s32 @!p1 $0x10;
	_ =	swait.ge @!p0 [sflag:s0], $0x1040  }
0xfb: {  	s12 =	simm.s32 @!p1 $0x8;
	[sflag:s0] =	ssyncset.done @!p0 $0x0;
	s30 =	rddreg [dreg:$0xa]  }
0xfc: {  	s15 =	rddreg [dreg:$0x12];
	[sflag:s0] =	ssyncadd.s32 @!p0 $0xFFFFEFC0;
	s0 =	sshrl.u32 @!p1 s30, $0x3  }
0xfd: {  	[hbm:s15@s7], [sflag:s8] =	dma.strided @!p1 [spmem:s0@s12], $0x13C0, s4, $0x8   }
0xfe: {  	s0 =	simm.s32 @!p1 $0xD  }
0xff: {  	s4 =	simm.s32 @!p2 $0x1;
	_ =	swait.ge @!p1 [sflag:s0], $0x13C0  }
0x100: {  	s7 =	simm.s32 @!p2 $0x10;
	s12 =	simm.s32 @!p2 $0x8;
	[sflag:s0] =	ssyncset.done @!p1 $0x0  }
0x101: {  	s15 =	rddreg [dreg:$0x15];
	[sflag:s0] =	ssyncadd.s32 @!p1 $0xFFFFEC40;
	s0 =	sshrl.u32 @!p2 s17, $0x3  }
0x102: {  	[hbm:s15@s7], [sflag:s8] =	dma.strided @!p2 [spmem:s0@s12], $0x1040, s4, $0x8   }
0x103: {  	s0 =	simm.s32 @!p2 $0xD  }
0x104: {  	s4 =	simm.s32 @!p3 $0x1;
	_ =	swait.ge @!p2 [sflag:s0], $0x1040  }
0x105: {  	s7 =	simm.s32 @!p3 $0x10;
	s12 =	simm.s32 @!p3 $0x8;
	[sflag:s0] =	ssyncset.done @!p2 $0x0  }
0x106: {  	s15 =	rddreg [dreg:$0x14];
	[sflag:s0] =	ssyncadd.s32 @!p2 $0xFFFFEFC0;
	s0 =	sshrl.u32 @!p3 s30, $0x3  }
0x107: {  	[hbm:s15@s7], [sflag:s8] =	dma.strided @!p3 [spmem:s0@s12], $0x13C0, s4, $0x8   }
0x108: {  	s0 =	simm.s32 @!p3 $0xD  }
0x109: {  	_ =	swait.ge @!p3 [sflag:s0], $0x13C0  }
0x10a: {  	s26 =	rddreg [dreg:$0x19]  }
0x10b: {  	s28 =	rddreg [dreg:$0x16];
	s7 =	sadd.s32 $0x1, s26  }
0x10c: {  	p4 =	sne.s32 s7, s28  }
.Ltmp1:
0x10d: {  	_ = 	snop;
	(pc) =	sbr.rel @p4 .LBB2_1-.Ltmp1, $3  }
0x10e: {  	_ =	sdelay $0x1  }
0x10f: {  	[sflag:s0] =	ssyncset.done @!p3 $0x0  }
0x110: {  	[sflag:s0] =	ssyncadd.s32 @!p3 $0xFFFFEC40  }
0x111: {  	_ =	sfence.sel $0x180000  }
0x112: {  	[bflag:$0x0] =	sbarrier.arrive $0xFFFF  }
0x113: {  	_ =	strace $0x9000004D  }
0x114: {  	s0 =	stileid.u32;
	[bflag:$0x2] =	sbarrier.arrive $0xFFFF  }
0x115: {  	p0 =	sne.s32 s0, $0x0;
	s0 =	rddreg [dreg:$0x3]  }
0x116: {  	s0 =	sadd.s32 @!p0 $0x100000, s0  }
0x117: {  	[sflag:s0] =	ssyncadd.tile.s32 @!p0 $0x1;
	_ =	shalt  }
.Lfunc_end2:
_tile_overlayer_lowered:
.L_overlay_start_2:
0x118: {  	(tag) =	ssettag $0x2  }
0x119: {  	s0 =	rddreg [dreg:$0x0];
	s2 =	stileid.u32  }
0x11a: {  	s1 =	rddreg [dreg:$0x1];
	p0 =	sne.s32 s2, $0x0  }
0x11b: {  	s3 =	rddreg [dreg:$0x2];
	[bflag:$0x3] =	sbarrier.arrive $0xFFFF;
	s2 =	simm.s32 @!p0 $0x1C0D  }
0x11c: {  	[timem:s3], [sflag:s2] =	dma.local @!p0 [hbm:s0], s1  }
0x11d: {  	s0 =	simm.s32 @!p0 $0xD  }
0x11e: {  	_ =	swait.ge @!p0 [sflag:s0], s1  }
0x11f: {  	s1 =	ssub.s32 @!p0 $0x0, s1;
	[sflag:s0] =	ssyncset.done @!p0 $0x0  }
0x120: {  	[sflag:s0] =	ssyncadd.s32 @!p0 s1  }
0x121: {  	[bflag:$0x3] =	sbarrier.arrive $0xFFFF  }
0x122: {  	_ =	shalt  }

// kernel: kernel.19.cloned.1.call-start
scs
__scs_entry_jumppad:
0x0: {  	(pc) =	sbr.rel $0x88, $3  }
0x1: {  	(tag) =	ssettag $0x0;
	lr =	simm.s32 $0x1  }
0x2: {  	[smem:$0x3F99] =	sst lr;
	_ =	strace $0xD0000000  }
0x3: {  	_ = 	snop  }
0x4: {  	_ = 	snop  }
0x5: {  	_ = 	snop  }
0x6: {  	_ = 	snop  }
0x7: {  	_ = 	snop  }
__scs_overlays_trampoline_lowered:
0x8: {  	[smem:$0x3FA8] =	sst s0  }
0x9: {  	[smem:$0x3FA9] =	sst s1  }
0xa: {  	[smem:$0x3FAA] =	sst s2  }
0xb: {  	[smem:$0x3FAB] =	sst s3  }
0xc: {  	[smem:$0x3FAC] =	sst s4  }
0xd: {  	[smem:$0x3FAD] =	sst s5  }
0xe: {  	[smem:$0x3FAE] =	sst s6  }
0xf: {  	[smem:$0x3FAF] =	sst s7  }
0x10: {  	[smem:$0x3FB0] =	sst s8  }
0x11: {  	[smem:$0x3FB1] =	sst s9;
	s0 =	simm.s32 @!p0 $0x0  }
0x12: {  	s1 =	sld [smem:$0x3F97];
	s0 =	simm.s32 @p0 $0x1  }
0x13: {  	[smem:$0x3FB2] =	sst s0;
	s0 =	simm.s32 @!p1 $0x0  }
0x14: {  	s2 =	sld [smem:$0x3F96];
	s0 =	simm.s32 @p1 $0x1  }
0x15: {  	[smem:$0x3FB3] =	sst s0;
	s0 =	simm.s32 @!p2 $0x0  }
0x16: {  	s3 =	sld [smem:$0x3FDB];
	s0 =	simm.s32 @p2 $0x1  }
0x17: {  	s4 =	simm.s32 $0x1BF5;
	[smem:$0x3FB5] =	sst s0  }
0x18: {  	s0 =	sld [smem:$0x3F98];
	_ =	swait.ge [sflag:s4], $0x0  }
0x19: {  	s7 =	sld [smem:$0x3F99]  }
0x1a: {  	s8 =	sadd.s32 $0xFFFFE003, lr  }
0x1b: {  	s9 =	sadd.s32 $0xFFFFFEF7, lr;
	s5 =	simm.s32 $0xFFFFFFFF;
	p2 =	slt.u32 s8, $0xFFFFF086  }
0x1c: {  	p1 =	slt.u32 s9, $0xF7A;
	s5 =	simm.s32 @!p2 $0x0  }
0x1d: {  	s5 =	simm.s32 @p1 $0x1;
	p0 =	seq.s32 s7, s2  }
0x1e: {  	s7 =	smul.u32 @!p0 $0xF7A, s2;
	p2 =	seq.s32 @!p0 s5, $0x0  }
0x1f: {  	s9 =	smul.u32 $0xF7A, s1;
	s8 =	simm.s32 @!p0 $0x1BF5;
	p2 =	por !p2, p0  }
0x20: {  	[sflag:s8] =	ssyncset.s32 @!p0 $0xFFFFF086;
	s6 =	sadd.s32 @!p0 s3, s7;
	s7 =	simm.s32 @!p0 $0x108  }
0x21: {  	s3 =	sadd.s32 s3, s9;
	s6 =	sadd.s32 @!p0 $0x88, s6;
	s7 =	simm.s32 @p2 $0x1082  }
0x22: {  	[simem:s7], [sflag:s8] =	dma.local @!p0 [hbm:s6], $0xF7A  }
0x23: {  	s9 =	sor.u32 $0xD0000000, s2;
	s6 =	simm.s32 $0x108;
	_ =	swait.ge @!p0 [sflag:s8], $0x0  }
0x24: {  	s3 =	sadd.s32 $0x88, s3;
	s6 =	simm.s32 @!p1 $0x1082;
	[sflag:s4] =	ssyncset.s32 $0xFFFFF086  }
0x25: {  	[simem:s6], [sflag:s4] =	dma.local [hbm:s3], $0xF7A  }
0x26: {  	[smem:$0x3F99] =	sst s1;
	(tag) =	ssettag s2;
	_ =	strace s9  }
0x27: {  	s1 =	sld [smem:$0x3FA9]  }
0x28: {  	s2 =	sld [smem:$0x3FAA]  }
0x29: {  	s4 =	sld [smem:$0x3FAC]  }
0x2a: {  	p0 =	seq.s32 s5, $0x0;
	s5 =	sld [smem:$0x3FAD]  }
0x2b: {  	s6 =	sld [smem:$0x3FAE]  }
0x2c: {  	s7 =	sld [smem:$0x3FAF]  }
0x2d: {  	s3 =	simm.s32 $0x108;
	s8 =	sld [smem:$0x3FB0]  }
0x2e: {  	s3 =	simm.s32 @!p0 $0x1082;
	s9 =	sld [smem:$0x3FB1]  }
0x2f: {  	lr =	sadd.s32 s0, s3;
	s0 =	sld [smem:$0x3FA8]  }
0x30: {  	s3 =	sld [smem:$0x3FAB]  }
0x31: {  	[smem:$0x3FB4] =	sst s10  }
0x32: {  	s10 =	sld [smem:$0x3FB2];
	_ =	sdelay $0x3  }
0x33: {  	p0 =	seq.s32 s10, $0x1;
	s10 =	sld [smem:$0x3FB4];
	_ =	sdelay $0x3  }
0x34: {  	[smem:$0x3FB4] =	sst s10  }
0x35: {  	s10 =	sld [smem:$0x3FB3];
	_ =	sdelay $0x3  }
0x36: {  	p1 =	seq.s32 s10, $0x1;
	s10 =	sld [smem:$0x3FB4];
	_ =	sdelay $0x3  }
0x37: {  	[smem:$0x3FB4] =	sst s10  }
0x38: {  	s10 =	sld [smem:$0x3FB5]  }
0x39: {  	_ = 	snop;
	(pc) =	sbr.ind lr, $3  }
0x3a: {  	_ = 	snop  }
0x3b: {  	_ = 	snop  }
0x3c: {  	p2 =	seq.s32 s10, $0x1;
	s10 =	sld [smem:$0x3FB4]  }
0x3d: {  	_ =	shalt  }
0x3e: {  	_ =	shalt  }
0x3f: {  	_ =	shalt  }
0x40: {  	_ =	shalt  }
0x41: {  	_ =	shalt  }
0x42: {  	_ =	shalt  }
0x43: {  	_ =	shalt  }
0x44: {  	_ =	shalt  }
0x45: {  	_ =	shalt  }
0x46: {  	_ =	shalt  }
0x47: {  	_ =	shalt  }
0x48: {  	_ =	shalt  }
0x49: {  	_ =	shalt  }
0x4a: {  	_ =	shalt  }
0x4b: {  	_ =	shalt  }
0x4c: {  	_ =	shalt  }
0x4d: {  	_ =	shalt  }
0x4e: {  	_ =	shalt  }
0x4f: {  	_ =	shalt  }
0x50: {  	_ =	shalt  }
0x51: {  	_ =	shalt  }
0x52: {  	_ =	shalt  }
0x53: {  	_ =	shalt  }
0x54: {  	_ =	shalt  }
0x55: {  	_ =	shalt  }
0x56: {  	_ =	shalt  }
0x57: {  	_ =	shalt  }
0x58: {  	_ =	shalt  }
0x59: {  	_ =	shalt  }
0x5a: {  	_ =	shalt  }
0x5b: {  	_ =	shalt  }
0x5c: {  	_ =	shalt  }
0x5d: {  	_ =	shalt  }
0x5e: {  	_ =	shalt  }
0x5f: {  	_ =	shalt  }
0x60: {  	_ =	shalt  }
0x61: {  	_ =	shalt  }
0x62: {  	_ =	shalt  }
0x63: {  	_ =	shalt  }
0x64: {  	_ =	shalt  }
0x65: {  	_ =	shalt  }
0x66: {  	_ =	shalt  }
0x67: {  	_ =	shalt  }
0x68: {  	_ =	shalt  }
0x69: {  	_ =	shalt  }
0x6a: {  	_ =	shalt  }
0x6b: {  	_ =	shalt  }
0x6c: {  	_ =	shalt  }
0x6d: {  	_ =	shalt  }
0x6e: {  	_ =	shalt  }
0x6f: {  	_ =	shalt  }
0x70: {  	_ =	shalt  }
0x71: {  	_ =	shalt  }
0x72: {  	_ =	shalt  }
0x73: {  	_ =	shalt  }
0x74: {  	_ =	shalt  }
0x75: {  	_ =	shalt  }
0x76: {  	_ =	shalt  }
0x77: {  	_ =	shalt  }
0x78: {  	_ =	shalt  }
0x79: {  	_ =	shalt  }
0x7a: {  	_ =	shalt  }
0x7b: {  	_ =	shalt  }
0x7c: {  	_ =	shalt  }
0x7d: {  	_ =	shalt  }
0x7e: {  	_ =	shalt  }
0x7f: {  	_ =	shalt  }
0x80: {  	_ =	shalt  }
0x81: {  	_ =	shalt  }
0x82: {  	_ =	shalt  }
0x83: {  	_ =	shalt  }
0x84: {  	_ =	shalt  }
0x85: {  	_ =	shalt  }
0x86: {  	_ =	shalt  }
0x87: {  	_ =	shalt  }
.Lfunc_end0:
.L_simem_size_0:
called_computation.3_lowered:
.L_overlay_start_0:
0x88: {  	s2 =	sld [smem:$0x3FD9]  }
0x89: {  	s3 =	sld [smem:$0x3FFE];
	_ =	sdelay $0x1  }
0x8a: {  	s1 =	srdreg.scid  }
0x8b: {  	s0 =	sand.u32 $0x1, s1  }
0x8c: {  	s16 =	sshll.u32 s0, $0xA;
	s2 =	sadd.s32 s3, s2  }
0x8d: {  	s2 =	sadd.s32 s2, s16  }
0x8e: {  	[smem:$0x3FC0] =	sst s2  }
0x8f: {  	_ = 	snop  }
0x90: {  	(tm) =	ssettm $0x1  }
0x91: {  	s17 =	sld [smem:$0x3FFB];
	_ =	sdelay $0x3  }
0x92: {  	_ =	strace s17  }
0x93: {  	s2 =	sld [smem:$0x3FFC];
	_ =	sdelay $0x3  }
0x94: {  	_ =	strace s2  }
0x95: {  	s2 =	sld [smem:$0x3FFD];
	_ =	sdelay $0x3  }
0x96: {  	_ =	strace s2  }
0x97: {  	_ =	strace $0x8FFFFFFF  }
0x98: {  	s18 =	sld [smem:$0x3FDB];
	_ =	sdelay $0x1  }
0x99: {  	s19 =	simm.s32 $_scs_section_size  }
0x9a: {  	s4 =	simm.s32 $_size__tile_overlayer_lowered;
	s5 =	simm.s32 $_tile_overlayer_lowered  }
0x9b: {  	s22 =	simm.s32 $0x1BFF;
	s21 =	sshll.u32 s5, $0x1;
	s2 =	sadd.s32 s19, s18  }
0x9c: {  	s6 =	simm.s32 $0x0;
	s20 =	sshll.u32 s4, $0x1;
	s4 =	sadd.s32 s21, s2  }
0x9d: {  	[timem:s6], [sflag:s22] =	dma.local [hbm:s4], s20  }
0x9e: {  	_ =	swait.ge [sflag:s22], s20  }
0x9f: {  	s3 =	ssub.s32 $0x0, s20;
	[sflag:s22] =	ssyncset.done $0x0  }
0xa0: {  	[sflag:s22] =	ssyncadd.s32 s3;
	_ =	sdelay $0x1  }
0xa1: {  	s23 =	simm.s32 $0x1B8B  }
0xa2: {  	_ =	swait.ge [sflag:s23], $0x1  }
0xa3: {  	[sflag:s23] =	ssyncset.done $0x0  }
0xa4: {  	s25 =	simm.s32 $0x1B8E;
	s24 =	sld [smem:$0x3FFE];
	[sflag:s23] =	ssyncadd.s32 $0xFFFFFFFF  }
0xa5: {  	s26 =	simm.s32 $execute0_lowered;
	[smem:$0x3FD2] =	sst s25  }
0xa6: {  	s4 =	sshll.u32 s26, $0x1;
	_ =	strace $0x8000004F;
	[dreg:$0x1] =	wrdreg $0xFFFFFFFF  }
0xa7: {  	s28 =	simm.s32 $_size_execute0_lowered;
	s2 =	sadd.s32 s2, s4;
	[dreg:$0x0] =	wrdreg $0x0  }
0xa8: {  	s4 =	sshll.u32 s28, $0x1;
	[dreg:$0x2] =	wrdreg s2  }
0xa9: {  	[dreg:$0x3] =	wrdreg s4  }
0xaa: {  	[dreg:$0x4] =	wrdreg $0xC0  }
0xab: {  	_ =	task [dreg:s6], $0x5FFFF  }
0xac: {  	[dreg:$0x1] =	wrdreg $0xFFFFFFFF  }
0xad: {  	[dreg:$0x0] =	wrdreg $0x60  }
0xae: {  	[dreg:$0x2] =	wrdreg s24  }
0xaf: {  	[dreg:$0x3] =	wrdreg $0x34000  }
0xb0: {  	[dreg:$0x4] =	wrdreg $0x6E980  }
0xb1: {  	[dreg:$0x5] =	wrdreg $0x9  }
0xb2: {  	_ =	task.clear_ibuf [dreg:s6], $0x6FFFF;
	_ =	strace $0x9000004F  }
0xb3: {  	s29 =	simm.s32 $0x9;
	_ =	strace $0x80000051  }
0xb4: {  	_ =	swait.ge [sflag:s29], $0x1  }
0xb5: {  	[sflag:s29] =	ssyncadd.s32 $0xFFFFFFFF  }
0xb6: {  	_ =	strace $0x90000051  }
0xb7: {  	_ =	sfence  }
0xb8: {  	s30 =	sld [smem:$0x0];
	_ =	sdelay $0x2  }
0xb9: {  	s31 =	sshll.u32 s1, $0xD;
	s1 =	sshrl.u32 s1, $0x2  }
0xba: {  	s3 =	sand.u32 $0x4000, s31;
	s1 =	sadd.s32 s1, s30  }
0xbb: {  	s0 =	sor.u32 s3, s0;
	s1 =	sshll.u32 s1, $0x11  }
0xbc: {  	s0 =	sor.u32 s1, s0  }
0xbd: {  	s0 =	sadd.s32 $0x8F2B, s0  }
0xbe: {  	[sflag:s0] =	ssyncadd.remote.s32 $0x1  }
0xbf: {  	_ =	sfence.sel $0xFFFF  }
0xc0: {  	[dreg:$0x0] =	wrdreg $0xFFFFFFFF;
	(pc) =	sbr.abs _section_cstart, $3  }
0xc1: {  	[dreg:$0x1] =	wrdreg $0xFFFFFFFF  }
0xc2: {  	_ =	task.clear_ibuf [dreg:s6], $0x2FFFF;
	_ =	strace $0x9FFFFFFF  }
0xc3: {  	(tm) =	ssettm $0x7FFFFFFF  }
tec
execute0_lowered:
.L_overlay_start_1:
0x0: {  	(tag) =	ssettag $0x1  }
0x1: {  	s0 =	rddreg [dreg:$0x0]  }
0x2: {  	s1 =	rddreg [dreg:$0x1]  }
0x3: {  	s2 =	rddreg [dreg:$0x2];
	s3 =	simm.s32 $0x0;
	s10 =	stileid.u32  }
0x4: {  	s5 =	srdreg.scid;
	s29 =	simm.s32 $0xD;
	s31 =	simm.s32 $0x80  }
0x5: {  	[smem:$0x7FF] =	sst s3;
	s9 =	sshll.u32 s10, $0x4;
	s4 =	smul.u32 $0xED0, s10  }
0x6: {  	s6 =	sadd.s32 $0x25400, s0;
	s5 =	sand.u32 $0x1, s5;
	s8 =	smul.u32 $0xED00, s10  }
0x7: {  	s13 =	sadd.s32 $0x24633, s0;
	_ =	strace $0x80000050;
	[dreg:$0x4] =	wrdreg s6  }
0x8: {  	p0 =	slt.u32 s10, $0x4;
	s15 =	sadd.s32 $0x24630, s0;
	[dreg:$0x7] =	wrdreg s13  }
0x9: {  	s23 =	sadd.s32 $0x33A33, s0;
	s26 =	sadd.s32 $0x378C0, s1;
	[dreg:$0x9] =	wrdreg s15  }
0xa: {  	s28 =	sadd.s32 $0x378C0, s2;
	s3 =	sadd.s32 s9, s0;
	[dreg:$0x13] =	wrdreg s23  }
0xb: {  	s7 =	ssub.s32 $0x2, s5;
	s6 =	simm.s32 $0x9D;
	[dreg:$0x17] =	wrdreg s26  }
0xc: {  	p3 =	sne.s32 s5, $0x0;
	[dreg:$0x18] =	wrdreg s28;
	s23 =	simm.s32 $0xA  }
0xd: {  	s5 =	simm.s32 $0x7;
	s4 =	sadd.s32 s4, s0;
	s9 =	sshrl.u32 s7, $0x1  }
0xe: {  	s6 =	simm.s32 @!p0 $0x9C;
	s8 =	sshrl.u32 s8, $0x2;
	s13 =	sadd.s32 $0x2E00, s3  }
0xf: {  	s16 =	sadd.s32 $0xCA40, s3;
	s17 =	sadd.s32 $0x2F00, s3;
	s18 =	sadd.s32 $0xCB40, s3  }
0x10: {  	s19 =	sadd.s32 $0x3000, s3;
	s20 =	sadd.s32 $0xCC40, s3;
	[dreg:$0xb] =	wrdreg s16  }
0x11: {  	s21 =	sadd.s32 $0x3100, s3;
	s3 =	sadd.s32 $0xCD40, s3;
	[dreg:$0xc] =	wrdreg s17  }
0x12: {  	s0 =	sadd.s32 $0x33A30, s0;
	p1 =	seq.s32 @p3 s10, $0xF;
	[dreg:$0xd] =	wrdreg s18  }
0x13: {  	p4 =	seq.s32 @!p3 s10, $0xF;
	s7 =	ssub.s32 s7, s9;
	[dreg:$0xe] =	wrdreg s19  }
0x14: {  	s11 =	sadd.s32 s8, s1;
	s12 =	sadd.s32 $0x16803, s4;
	[dreg:$0xf] =	wrdreg s20  }
0x15: {  	s14 =	sadd.s32 $0x16800, s4;
	s30 =	sadd.s32 s8, s2;
	[dreg:$0x10] =	wrdreg s21  }
0x16: {  	[dreg:$0x11] =	wrdreg s3;
	s22 =	sadd.s32 $0x25C03, s4;
	s24 =	sadd.s32 $0x25C00, s4  }
0x17: {  	[dreg:$0x15] =	wrdreg s0;
	p0 =	por !p1, !p3;
	p1 =	por p1, !p3  }
0x18: {  	p2 =	por !p4, p3;
	p3 =	por p4, p3;
	p4 =	sgt.u32 s10, $0x3  }
0x19: {  	s19 =	simm.s32 $0x9;
	s20 =	simm.s32 $0x5;
	[dreg:$0x5] =	wrdreg s11  }
0x1a: {  	s21 =	simm.s32 $0x4;
	s3 =	simm.s32 $0xC;
	[dreg:$0x6] =	wrdreg s12  }
0x1b: {  	s18 =	simm.s32 $0x180;
	s10 =	simm.s32 $0x1000;
	[dreg:$0x8] =	wrdreg s14  }
0x1c: {  	s16 =	simm.s32 $0x300;
	s9 =	simm.s32 $0x1C00;
	[dreg:$0x12] =	wrdreg s22  }
0x1d: {  	[dreg:$0x14] =	wrdreg s24;
	s25 =	smax.u32 s7, $0x1;
	s0 =	simm.s32 @!p4 $0x0  }
0x1e: {  	s22 =	simm.s32 $0x2800;
	s24 =	simm.s32 $0x6;
	[dreg:$0xa] =	wrdreg s30  }
0x1f: {  	s11 =	simm.s32 $0x8;
	[dreg:$0x16] =	wrdreg s25;
	s0 =	simm.s32 @p4 $0x1  }
0x20: {  	s7 =	simm.s32 $0x0;
	s25 =	simm.s32 $0xB;
	[smem:$0x7FD] =	sst s0  }
.LBB2_1:
0x21: {  	[dreg:$0x19] =	wrdreg s7  }
0x22: {  	s12 =	rddreg [dreg:$0x17]  }
0x23: {  	s7 =	simm.s32 @!p0 $0x1;
	s15 =	simm.s32 @!p0 $0x3;
	s17 =	simm.s32 @!p0 $0x6  }
0x24: {  	s26 =	simm.s32 @!p0 $0x1FCD;
	s0 =	rddreg [dreg:$0x7];
	s4 =	sshrl.u32 @!p0 s12, $0x3  }
0x25: {  	[spmem:s4@s15], [sflag:s26] =	dma.strided @!p0 [hbm:s0@s17], $0x618, s7, $0x3   }
0x26: {  	s8 =	stileid.u32;
	s4 =	simm.s32 @!p0 $0xD  }
0x27: {  	s7 =	sshll.u32 @!p1 s8, $0x6;
	_ =	swait.ge @!p0 [sflag:s4], $0x618  }
0x28: {  	s0 =	simm.s32 @!p1 $0x1;
	s17 =	simm.s32 @!p1 $0x3;
	s15 =	rddreg [dreg:$0x5]  }
0x29: {  	s26 =	simm.s32 @!p1 $0x6;
	[sflag:s4] =	ssyncset.done @!p0 $0x0;
	s28 =	rddreg [dreg:$0x6]  }
0x2a: {  	[sflag:s4] =	ssyncadd.s32 @!p0 $0xFFFFF9E8;
	s4 =	sor.u32 @!p1 $0x1C0D, s7;
	s7 =	sshrl.u32 @!p1 s15, $0x3  }
0x2b: {  	[spmem:s7@s17], [sflag:s4] =	dma.strided @!p1 [hbm:s28@s26], $0x768, s0, $0x3   }
0x2c: {  	s4 =	simm.s32 @!p1 $0xD  }
0x2d: {  	s7 =	simm.s32 @!p2 $0x1;
	s17 =	simm.s32 @!p2 $0x6;
	_ =	swait.ge @!p1 [sflag:s4], $0x768  }
0x2e: {  	s26 =	simm.s32 @!p2 $0x1FCD;
	[sflag:s4] =	ssyncset.done @!p1 $0x0;
	s28 =	rddreg [dreg:$0x9]  }
0x2f: {  	[sflag:s4] =	ssyncadd.s32 @!p1 $0xFFFFF898;
	s4 =	sshrl.u32 @!p2 s12, $0x3;
	s12 =	simm.s32 @!p2 $0x3  }
0x30: {  	[spmem:s4@s12], [sflag:s26] =	dma.strided @!p2 [hbm:s28@s17], $0x618, s7, $0x3   }
0x31: {  	s4 =	simm.s32 @!p2 $0xD  }
0x32: {  	_ =	swait.ge @!p2 [sflag:s4], $0x618  }
0x33: {  	s7 =	sshll.u32 @!p3 s8, $0x6;
	s12 =	simm.s32 @!p3 $0x1;
	[sflag:s4] =	ssyncset.done @!p2 $0x0  }
0x34: {  	s17 =	simm.s32 @!p3 $0x3;
	s26 =	simm.s32 @!p3 $0x6;
	[sflag:s4] =	ssyncadd.s32 @!p2 $0xFFFFF9E8  }
0x35: {  	s4 =	sor.u32 @!p3 $0x1C0D, s7;
	s7 =	sshrl.u32 @!p3 s15, $0x3;
	s15 =	rddreg [dreg:$0x8]  }
0x36: {  	[spmem:s7@s17], [sflag:s4] =	dma.strided @!p3 [hbm:s15@s26], $0x768, s12, $0x3   }
0x37: {  	s4 =	simm.s32 @!p3 $0xD  }
0x38: {  	s17 =	sshll.u32 s8, $0x6;
	s26 =	sshrl.u32 s30, $0x3;
	_ =	swait.ge @!p3 [sflag:s4], $0x768  }
0x39: {  	s7 =	sor.u32 $0x1C0D, s17;
	[sflag:s4] =	ssyncset.done @!p3 $0x0;
	s30 =	rddreg [dreg:$0x4]  }
0x3a: {  	[dreg:$0x1a] =	wrdreg s7;
	[sflag:s4] =	ssyncadd.s32 @!p3 $0xFFFFF898  }
0x3b: {  	[spmem:s26], [sflag:s7] =	dma.local [hbm:s30], $0x768  }
0x3c: {  	_ =	swait.ge [sflag:s29], $0x768  }
0x3d: {  	[sflag:s29] =	ssyncset.done $0x0  }
0x3e: {  	[sflag:s29] =	ssyncadd.s32 $0xFFFFF898  }
0x3f: {  	s0 =	simm.s32 $0x0;
	[bflag:$0x0] =	sbarrier.arrive $0xFFFF  }
0x40: {  	[tilespmem:s0], [sflag:$0x1] =	stream.linear.gather [hbm4b:s13+s0], $0x80, $0x38;
	[tilespmem:$0xA9D8] =	vst v63  }
0x41: {  	s12 =	simm.s32 $0x200;
	s7 =	rddreg [dreg:$0xb]  }
0x42: {  	[tilespmem:s12], [sflag:$0x5] =	stream.linear.gather [hbm4b:s7+s0], $0x80, $0x38;
	[tilespmem:$0xA9D8] =	vst v63  }
0x43: {  	s8 =	rddreg [dreg:$0xc]  }
0x44: {  	[tilespmem:s31], [sflag:$0x2] =	stream.linear.gather [hbm4b:s8+s0], $0x80, $0x38;
	[tilespmem:$0xA9D8] =	vst v63  }
0x45: {  	s15 =	simm.s32 $0x280;
	s14 =	rddreg [dreg:$0xd]  }
0x46: {  	[tilespmem:s15], [sflag:$0x6] =	stream.linear.gather [hbm4b:s14+s0], $0x80, $0x38;
	[tilespmem:$0xA9D8] =	vst v63  }
0x47: {  	s17 =	rddreg [dreg:$0xe];
	s7 =	simm.s32 $0x100  }
0x48: {  	[tilespmem:s7], [sflag:$0x3] =	stream.linear.gather [hbm4b:s17+s0], $0x80, $0x38;
	[tilespmem:$0xA9D8] =	vst v63  }
0x49: {  	s26 =	rddreg [dreg:$0xf];
	s17 =	simm.s32 $0x300  }
0x4a: {  	[tilespmem:s17], [sflag:$0x7] =	stream.linear.gather [hbm4b:s26+s0], $0x80, $0x38;
	[tilespmem:$0xA9D8] =	vst v63  }
0x4b: {  	s30 =	rddreg [dreg:$0x10];
	s14 =	simm.s32 $0x180  }
0x4c: {  	[tilespmem:s14], [sflag:$0x4] =	stream.linear.gather [hbm4b:s30+s0], $0x80, $0x38;
	[tilespmem:$0xA9D8] =	vst v63  }
0x4d: {  	s8 =	rddreg [dreg:$0x11];
	s26 =	simm.s32 $0x1;
	s30 =	simm.s32 $0x380  }
0x4e: {  	[tilespmem:s30], [sflag:$0x8] =	stream.linear.gather [hbm4b:s8+s0], $0x80, $0x38;
	[tilespmem:$0xA9D8] =	vst v63  }
0x4f: {  	_ =	swait.ge [sflag:s26], $0x80  }
0x50: {  	[sflag:s26] =	ssyncset.done $0x0  }
0x51: {  	s4 =	simm.s32 $0x400;
	s8 =	simm.s32 $0x2;
	[sflag:s26] =	ssyncadd.s32 $0xFFFFFF80  }
0x52: {  	[tilespmem:s4], [sflag:$0x9] =	stream.indirect.gather [spmem:s1], $0x18, s0, s31, $0xb8;
	[tilespmem:$0xA9D8] =	vst v63  }
0x53: {  	_ =	swait.ge [sflag:s8], $0x80  }
0x54: {  	[sflag:s8] =	ssyncset.done $0x0  }
0x55: {  	s26 =	simm.s32 $0x3;
	[sflag:s8] =	ssyncadd.s32 $0xFFFFFF80;
	s8 =	simm.s32 $0x1000  }
0x56: {  	[tilespmem:s8], [sflag:$0xA] =	stream.indirect.gather [spmem:s1], $0x18, s31, s31, $0xb8;
	[tilespmem:$0xA9D8] =	vst v63  }
0x57: {  	_ =	swait.ge [sflag:s26], $0x80  }
0x58: {  	[sflag:s26] =	ssyncset.done $0x0  }
0x59: {  	s0 =	simm.s32 $0x1C00;
	[sflag:s26] =	ssyncadd.s32 $0xFFFFFF80  }
0x5a: {  	[tilespmem:s0], [sflag:$0xB] =	stream.indirect.gather [spmem:s1], $0x18, s7, s31, $0xb8;
	[tilespmem:$0xA9D8] =	vst v63  }
0x5b: {  	_ =	swait.ge [sflag:s19], $0xC00  }
0x5c: {  	[sflag:s19] =	ssyncset.done $0x0  }
0x5d: {  	[sflag:s19] =	ssyncadd.s32 $0xFFFFF400  }
0x5e: {  	_ =	swait.ge [sflag:s20], $0x80  }
0x5f: {  	[sflag:s20] =	ssyncset.done $0x0  }
0x60: {  	[sflag:s20] =	ssyncadd.s32 $0xFFFFFF80  }
0x61: {  	[spmem:s2] =	stream.indirect.scatter.add.f32 [tilespmem:s4], [sflag:$0xD], $0x18, s12, s31, $0xb8;
	[tilespmem:$0xA9D8] =	vst v63  }
0x62: {  	p5 =	sle.u32 s6, $0x4;
	_ =	swait.ge [sflag:s29], $0xC00  }
0x63: {  	s4 =	sadd.s32 @!p5 $0x0, s13;
	[sflag:s29] =	ssyncset.done $0x0  }
0x64: {  	s12 =	simm.s32 @!p5 $0x0;
	s7 =	sadd.s32 @!p5 $0x400, s4;
	[sflag:s29] =	ssyncadd.s32 $0xFFFFF400  }
0x65: {  	[tilespmem:s12], [sflag:$0x1] =	stream.linear.gather @!p5 [hbm4b:s7+s12], $0x80, $0x38;
	[tilespmem:$0xA9D8] =	vst v63  }
0x66: {  	s4 =	sadd.s32 @!p5 $0xA040, s4;
	s7 =	simm.s32 @!p5 $0x200  }
0x67: {  	[tilespmem:s7], [sflag:$0x5] =	stream.linear.gather @!p5 [hbm4b:s4+s12], $0x80, $0x38;
	[tilespmem:$0xA9D8] =	vst v63  }
0x68: {  	_ =	swait.ge [sflag:s21], $0x80  }
0x69: {  	[sflag:s21] =	ssyncset.done $0x0  }
0x6a: {  	[sflag:s21] =	ssyncadd.s32 $0xFFFFFF80  }
0x6b: {  	[tilespmem:s22], [sflag:$0xC] =	stream.indirect.gather [spmem:s1], $0x18, s14, s31, $0xb8;
	[tilespmem:$0xA9D8] =	vst v63  }
0x6c: {  	_ =	swait.ge [sflag:s23], $0xC00  }
0x6d: {  	[sflag:s23] =	ssyncset.done $0x0  }
0x6e: {  	[sflag:s23] =	ssyncadd.s32 $0xFFFFF400  }
0x6f: {  	_ =	swait.ge [sflag:s24], $0x80  }
0x70: {  	[sflag:s24] =	ssyncset.done $0x0  }
0x71: {  	[sflag:s24] =	ssyncadd.s32 $0xFFFFFF80  }
0x72: {  	[spmem:s2] =	stream.indirect.scatter.add.f32 [tilespmem:s8], [sflag:$0xD], $0x18, s15, s31, $0xb8;
	[tilespmem:$0xA9D8] =	vst v63  }
0x73: {  	p4 =	sle.u32 s6, $0x5;
	_ =	swait.ge [sflag:s29], $0xC00  }
0x74: {  	s28 =	simm.s32 @!p4 $0x0;
	s4 =	sadd.s32 @!p4 $0x0, s13;
	[sflag:s29] =	ssyncset.done $0x0  }
0x75: {  	s7 =	simm.s32 @!p4 $0x80;
	s26 =	sadd.s32 @!p4 $0x500, s4;
	[sflag:s29] =	ssyncadd.s32 $0xFFFFF400  }
0x76: {  	[tilespmem:s7], [sflag:$0x2] =	stream.linear.gather @!p4 [hbm4b:s26+s28], $0x80, $0x38;
	[tilespmem:$0xA9D8] =	vst v63  }
0x77: {  	s4 =	sadd.s32 @!p4 $0xA140, s4;
	s26 =	simm.s32 @!p4 $0x280  }
0x78: {  	[tilespmem:s26], [sflag:$0x6] =	stream.linear.gather @!p4 [hbm4b:s4+s28], $0x80, $0x38;
	[tilespmem:$0xA9D8] =	vst v63  }
0x79: {  	s4 =	simm.s32 @!p5 $0x1  }
0x7a: {  	_ =	swait.ge @!p5 [sflag:s4], $0x80  }
0x7b: {  	[sflag:s4] =	ssyncset.done @!p5 $0x0  }
0x7c: {  	s26 =	simm.s32 @!p5 $0x400;
	[sflag:s4] =	ssyncadd.s32 @!p5 $0xFFFFFF80;
	s4 =	simm.s32 @!p5 $0x80  }
0x7d: {  	[tilespmem:s26], [sflag:$0x9] =	stream.indirect.gather @!p5 [spmem:s1], $0x18, s12, s4, $0xb8;
	[tilespmem:$0xA9D8] =	vst v63  }
0x7e: {  	_ =	swait.ge [sflag:s25], $0xC00  }
0x7f: {  	[sflag:s25] =	ssyncset.done $0x0  }
0x80: {  	[sflag:s25] =	ssyncadd.s32 $0xFFFFF400  }
0x81: {  	_ =	swait.ge [sflag:s5], $0x80  }
0x82: {  	[sflag:s5] =	ssyncset.done $0x0  }
0x83: {  	[sflag:s5] =	ssyncadd.s32 $0xFFFFFF80  }
0x84: {  	[spmem:s2] =	stream.indirect.scatter.add.f32 [tilespmem:s0], [sflag:$0xD], $0x18, s17, s31, $0xb8;
	[tilespmem:$0xA9D8] =	vst v63  }
0x85: {  	p6 =	sle.u32 s6, $0x6;
	_ =	swait.ge [sflag:s29], $0xC00  }
0x86: {  	s28 =	simm.s32 @!p6 $0x0;
	s4 =	sadd.s32 @!p6 $0x0, s13;
	[sflag:s29] =	ssyncset.done $0x0  }
0x87: {  	s12 =	simm.s32 @!p6 $0x100;
	s26 =	sadd.s32 @!p6 $0x600, s4;
	[sflag:s29] =	ssyncadd.s32 $0xFFFFF400  }
0x88: {  	[tilespmem:s12], [sflag:$0x3] =	stream.linear.gather @!p6 [hbm4b:s26+s28], $0x80, $0x38;
	[tilespmem:$0xA9D8] =	vst v63  }
0x89: {  	s4 =	sadd.s32 @!p6 $0xA240, s4;
	s26 =	simm.s32 @!p6 $0x300  }
0x8a: {  	[tilespmem:s26], [sflag:$0x7] =	stream.linear.gather @!p6 [hbm4b:s4+s28], $0x80, $0x38;
	[tilespmem:$0xA9D8] =	vst v63  }
0x8b: {  	s4 =	simm.s32 @!p4 $0x2  }
0x8c: {  	_ =	swait.ge @!p4 [sflag:s4], $0x80  }
0x8d: {  	[sflag:s4] =	ssyncset.done @!p4 $0x0  }
0x8e: {  	[sflag:s4] =	ssyncadd.s32 @!p4 $0xFFFFFF80;
	s4 =	simm.s32 @!p4 $0x1000  }
0x8f: {  	[tilespmem:s4], [sflag:$0xA] =	stream.indirect.gather @!p4 [spmem:s1], $0x18, s7, s7, $0xb8;
	[tilespmem:$0xA9D8] =	vst v63  }
0x90: {  	_ =	swait.ge [sflag:s3], $0xC00  }
0x91: {  	[sflag:s3] =	ssyncset.done $0x0  }
0x92: {  	[sflag:s3] =	ssyncadd.s32 $0xFFFFF400  }
0x93: {  	_ =	swait.ge [sflag:s11], $0x80  }
0x94: {  	[sflag:s11] =	ssyncset.done $0x0  }
0x95: {  	[sflag:s11] =	ssyncadd.s32 $0xFFFFFF80  }
0x96: {  	[spmem:s2] =	stream.indirect.scatter.add.f32 [tilespmem:s22], [sflag:$0xD], $0x18, s30, s31, $0xb8;
	[tilespmem:$0xA9D8] =	vst v63  }
0x97: {  	p4 =	sle.u32 s6, $0x7;
	_ =	swait.ge [sflag:s29], $0xC00  }
0x98: {  	s4 =	sadd.s32 @!p4 $0x0, s13;
	s7 =	simm.s32 @!p4 $0x180;
	[sflag:s29] =	ssyncset.done $0x0  }
0x99: {  	s28 =	simm.s32 @!p4 $0x0;
	s26 =	sadd.s32 @!p4 $0x700, s4;
	[sflag:s29] =	ssyncadd.s32 $0xFFFFF400  }
0x9a: {  	[tilespmem:s7], [sflag:$0x4] =	stream.linear.gather @!p4 [hbm4b:s26+s28], $0x80, $0x38;
	[tilespmem:$0xA9D8] =	vst v63  }
0x9b: {  	s17 =	simm.s32 @!p6 $0x3;
	s4 =	sadd.s32 @!p4 $0xA340, s4;
	s7 =	simm.s32 @!p4 $0x380  }
0x9c: {  	[tilespmem:s7], [sflag:$0x8] =	stream.linear.gather @!p4 [hbm4b:s4+s28], $0x80, $0x38;
	[tilespmem:$0xA9D8] =	vst v63  }
0x9d: {  	s14 =	simm.s32 $0x280;
	s8 =	simm.s32 $0x380;
	_ =	swait.ge @!p6 [sflag:s17], $0x80  }
0x9e: {  	s26 =	simm.s32 $0xB;
	s7 =	simm.s32 $0x400;
	[sflag:s17] =	ssyncset.done @!p6 $0x0  }
0x9f: {  	s4 =	simm.s32 @!p6 $0x80;
	s28 =	simm.s32 @!p6 $0x1C00;
	[sflag:s17] =	ssyncadd.s32 @!p6 $0xFFFFFF80  }
.LBB2_2:
0xa0: {  	[tilespmem:s28], [sflag:$0xB] =	stream.indirect.gather @!p6 [spmem:s1], $0x18, s12, s4, $0xb8;
	[tilespmem:$0xA9D8] =	vst v63  }
0xa1: {  	s28 =	smov.u32 s7;
	s7 =	sadd.s32 $0x400, s7  }
0xa2: {  	p5 =	sne.s32 s7, $0x9C00;
	_ =	swait.ge [sflag:s19], $0xC00  }
0xa3: {  	[sflag:s19] =	ssyncset.done $0x0  }
0xa4: {  	[sflag:s19] =	ssyncadd.s32 $0xFFFFF400  }
0xa5: {  	_ =	swait.ge [sflag:s20], $0x80  }
0xa6: {  	s4 =	sadd.s32 $0xFFFFFFFD, s26;
	[sflag:s20] =	ssyncset.done $0x0  }
0xa7: {  	s0 =	simm.s32 $0x200;
	s12 =	simm.s32 $0x400;
	[sflag:s20] =	ssyncadd.s32 $0xFFFFFF80  }
0xa8: {  	[spmem:s2] =	stream.indirect.scatter.add.f32 [tilespmem:s12], [sflag:$0xD], $0x18, s0, s31, $0xb8;
	[tilespmem:$0xA9D8] =	vst v63  }
0xa9: {  	p6 =	sge.u32 s4, s6;
	_ =	swait.ge [sflag:s29], $0xC00  }
0xaa: {  	s4 =	sadd.s32 @!p6 s28, s13;
	[sflag:s29] =	ssyncset.done $0x0  }
0xab: {  	s17 =	simm.s32 @!p6 $0x0;
	s12 =	sadd.s32 @!p6 $0x400, s4;
	[sflag:s29] =	ssyncadd.s32 $0xFFFFF400  }
0xac: {  	[tilespmem:s17], [sflag:$0x1] =	stream.linear.gather @!p6 [hbm4b:s12+s17], $0x80, $0x38;
	[tilespmem:$0xA9D8] =	vst v63  }
0xad: {  	s4 =	sadd.s32 @!p6 $0xA040, s4;
	s12 =	simm.s32 @!p6 $0x200  }
0xae: {  	[tilespmem:s12], [sflag:$0x5] =	stream.linear.gather @!p6 [hbm4b:s4+s17], $0x80, $0x38;
	[tilespmem:$0xA9D8] =	vst v63  }
0xaf: {  	_ =	swait.ge [sflag:s21], $0x80  }
0xb0: {  	[sflag:s21] =	ssyncset.done $0x0  }
0xb1: {  	[sflag:s21] =	ssyncadd.s32 $0xFFFFFF80  }
0xb2: {  	[tilespmem:s22], [sflag:$0xC] =	stream.indirect.gather [spmem:s1], $0x18, s18, s31, $0xb8;
	[tilespmem:$0xA9D8] =	vst v63  }
0xb3: {  	_ =	swait.ge [sflag:s23], $0xC00  }
0xb4: {  	[sflag:s23] =	ssyncset.done $0x0  }
0xb5: {  	[sflag:s23] =	ssyncadd.s32 $0xFFFFF400  }
0xb6: {  	_ =	swait.ge [sflag:s24], $0x80  }
0xb7: {  	[sflag:s24] =	ssyncset.done $0x0  }
0xb8: {  	s4 =	sadd.s32 $0xFFFFFFFE, s26;
	[sflag:s24] =	ssyncadd.s32 $0xFFFFFF80  }
0xb9: {  	[spmem:s2] =	stream.indirect.scatter.add.f32 [tilespmem:s10], [sflag:$0xD], $0x18, s14, s31, $0xb8;
	[tilespmem:$0xA9D8] =	vst v63  }
0xba: {  	p4 =	sge.u32 s4, s6;
	_ =	swait.ge [sflag:s29], $0xC00  }
0xbb: {  	s12 =	sadd.s32 @!p4 s28, s13;
	s4 =	simm.s32 @!p4 $0x80;
	[sflag:s29] =	ssyncset.done $0x0  }
0xbc: {  	s30 =	simm.s32 @!p4 $0x0;
	s15 =	sadd.s32 @!p4 $0x500, s12;
	[sflag:s29] =	ssyncadd.s32 $0xFFFFF400  }
0xbd: {  	[tilespmem:s4], [sflag:$0x2] =	stream.linear.gather @!p4 [hbm4b:s15+s30], $0x80, $0x38;
	[tilespmem:$0xA9D8] =	vst v63  }
0xbe: {  	s0 =	simm.s32 @!p6 $0x1;
	s12 =	sadd.s32 @!p4 $0xA140, s12;
	s15 =	simm.s32 @!p4 $0x280  }
0xbf: {  	[tilespmem:s15], [sflag:$0x6] =	stream.linear.gather @!p4 [hbm4b:s12+s30], $0x80, $0x38;
	[tilespmem:$0xA9D8] =	vst v63  }
0xc0: {  	_ =	swait.ge @!p6 [sflag:s0], $0x80  }
0xc1: {  	[sflag:s0] =	ssyncset.done @!p6 $0x0  }
0xc2: {  	s12 =	simm.s32 @!p6 $0x400;
	[sflag:s0] =	ssyncadd.s32 @!p6 $0xFFFFFF80;
	s0 =	simm.s32 @!p6 $0x80  }
0xc3: {  	[tilespmem:s12], [sflag:$0x9] =	stream.indirect.gather @!p6 [spmem:s1], $0x18, s17, s0, $0xb8;
	[tilespmem:$0xA9D8] =	vst v63  }
0xc4: {  	_ =	swait.ge [sflag:s25], $0xC00  }
0xc5: {  	[sflag:s25] =	ssyncset.done $0x0  }
0xc6: {  	[sflag:s25] =	ssyncadd.s32 $0xFFFFF400  }
0xc7: {  	_ =	swait.ge [sflag:s5], $0x80  }
0xc8: {  	[sflag:s5] =	ssyncset.done $0x0  }
0xc9: {  	s0 =	sadd.s32 $0xFFFFFFFF, s26;
	[sflag:s5] =	ssyncadd.s32 $0xFFFFFF80  }
0xca: {  	[spmem:s2] =	stream.indirect.scatter.add.f32 [tilespmem:s9], [sflag:$0xD], $0x18, s16, s31, $0xb8;
	[tilespmem:$0xA9D8] =	vst v63  }
0xcb: {  	p6 =	sge.u32 s0, s6;
	_ =	swait.ge [sflag:s29], $0xC00  }
0xcc: {  	s0 =	sadd.s32 @!p6 s28, s13;
	s12 =	simm.s32 @!p6 $0x100;
	[sflag:s29] =	ssyncset.done $0x0  }
0xcd: {  	s17 =	simm.s32 @!p6 $0x0;
	s15 =	sadd.s32 @!p6 $0x600, s0;
	[sflag:s29] =	ssyncadd.s32 $0xFFFFF400  }
0xce: {  	[tilespmem:s12], [sflag:$0x3] =	stream.linear.gather @!p6 [hbm4b:s15+s17], $0x80, $0x38;
	[tilespmem:$0xA9D8] =	vst v63  }
0xcf: {  	s30 =	simm.s32 @!p4 $0x2;
	s0 =	sadd.s32 @!p6 $0xA240, s0;
	s15 =	simm.s32 @!p6 $0x300  }
0xd0: {  	[tilespmem:s15], [sflag:$0x7] =	stream.linear.gather @!p6 [hbm4b:s0+s17], $0x80, $0x38;
	[tilespmem:$0xA9D8] =	vst v63  }
0xd1: {  	_ =	swait.ge @!p4 [sflag:s30], $0x80  }
0xd2: {  	[sflag:s30] =	ssyncset.done @!p4 $0x0  }
0xd3: {  	s0 =	simm.s32 @!p4 $0x1000;
	[sflag:s30] =	ssyncadd.s32 @!p4 $0xFFFFFF80  }
0xd4: {  	[tilespmem:s0], [sflag:$0xA] =	stream.indirect.gather @!p4 [spmem:s1], $0x18, s4, s4, $0xb8;
	[tilespmem:$0xA9D8] =	vst v63  }
0xd5: {  	_ =	swait.ge [sflag:s3], $0xC00  }
0xd6: {  	[sflag:s3] =	ssyncset.done $0x0  }
0xd7: {  	[sflag:s3] =	ssyncadd.s32 $0xFFFFF400  }
0xd8: {  	_ =	swait.ge [sflag:s11], $0x80  }
0xd9: {  	[sflag:s11] =	ssyncset.done $0x0  }
0xda: {  	p4 =	sge.u32 s26, s6;
	[sflag:s11] =	ssyncadd.s32 $0xFFFFFF80  }
0xdb: {  	[spmem:s2] =	stream.indirect.scatter.add.f32 [tilespmem:s22], [sflag:$0xD], $0x18, s8, s31, $0xb8;
	[tilespmem:$0xA9D8] =	vst v63  }
0xdc: {  	s0 =	sadd.s32 @!p4 s28, s13;
	_ =	swait.ge [sflag:s29], $0xC00  }
0xdd: {  	s4 =	simm.s32 @!p4 $0x180;
	s17 =	simm.s32 @!p4 $0x0;
	[sflag:s29] =	ssyncset.done $0x0  }
0xde: {  	s15 =	sadd.s32 @!p4 $0x700, s0;
	s0 =	sadd.s32 @!p4 $0xA340, s0;
	[sflag:s29] =	ssyncadd.s32 $0xFFFFF400  }
0xdf: {  	[tilespmem:s4], [sflag:$0x4] =	stream.linear.gather @!p4 [hbm4b:s15+s17], $0x80, $0x38;
	[tilespmem:$0xA9D8] =	vst v63  }
.Ltmp0:
0xe0: {  	s4 =	simm.s32 @!p4 $0x380;
	s15 =	simm.s32 @!p6 $0x3;
	(pc) =	sbr.rel @p5 .LBB2_2-.Ltmp0, $4  }
0xe1: {  	[tilespmem:s4], [sflag:$0x8] =	stream.linear.gather @!p4 [hbm4b:s0+s17], $0x80, $0x38;
	[tilespmem:$0xA9D8] =	vst v63  }
0xe2: {  	_ =	swait.ge @!p6 [sflag:s15], $0x80  }
0xe3: {  	s26 =	sadd.s32 $0x4, s26;
	[sflag:s15] =	ssyncset.done @!p6 $0x0  }
0xe4: {  	s28 =	simm.s32 @!p6 $0x1C00;
	s4 =	simm.s32 @!p6 $0x80;
	[sflag:s15] =	ssyncadd.s32 @!p6 $0xFFFFFF80  }
0xe5: {  	s0 =	sld [smem:$0x7FD];
	_ =	sdelay $0x1  }
0xe6: {  	[tilespmem:s28], [sflag:$0xB] =	stream.indirect.gather @!p6 [spmem:s1], $0x18, s12, s4, $0xb8;
	[tilespmem:$0xA9D8] =	vst v63  }
0xe7: {  	p4 =	seq.s32 s0, $0x1  }
0xe8: {  	s0 =	simm.s32 @!p4 $0x9  }
0xe9: {  	_ =	swait.ge @!p4 [sflag:s0], $0xC00  }
0xea: {  	[sflag:s0] =	ssyncset.done @!p4 $0x0  }
0xeb: {  	[sflag:s0] =	ssyncadd.s32 @!p4 $0xFFFFF400;
	s0 =	simm.s32 @!p4 $0x5  }
0xec: {  	_ =	swait.ge @!p4 [sflag:s0], $0x80  }
0xed: {  	s4 =	simm.s32 @!p4 $0x200;
	[sflag:s0] =	ssyncset.done @!p4 $0x0  }
0xee: {  	s7 =	simm.s32 @!p4 $0x400;
	[sflag:s0] =	ssyncadd.s32 @!p4 $0xFFFFFF80;
	s0 =	simm.s32 @!p4 $0x80  }
0xef: {  	[spmem:s2] =	stream.indirect.scatter.add.f32 @!p4 [tilespmem:s7], [sflag:$0xD], $0x18, s4, s0, $0xb8;
	[tilespmem:$0xA9D8] =	vst v63  }
0xf0: {  	s0 =	simm.s32 @!p4 $0xD  }
0xf1: {  	_ =	swait.ge @!p4 [sflag:s0], $0xC00  }
0xf2: {  	[sflag:s0] =	ssyncset.done @!p4 $0x0  }
0xf3: {  	[sflag:s0] =	ssyncadd.s32 @!p4 $0xFFFFF400  }
0xf4: {  	[bflag:$0x0] =	sbarrier.arrive $0xFFFF  }
0xf5: {  	s17 =	rddreg [dreg:$0x18]  }
0xf6: {  	s12 =	simm.s32 @!p0 $0x3;
	s4 =	simm.s32 @!p0 $0x1;
	s15 =	rddreg [dreg:$0x13]  }
0xf7: {  	s7 =	simm.s32 @!p0 $0x6;
	s8 =	rddreg [dreg:$0x1a];
	s0 =	sshrl.u32 @!p0 s17, $0x3  }
0xf8: {  	[hbm:s15@s7], [sflag:s8] =	dma.strided @!p0 [spmem:s0@s12], $0x618, s4, $0x3   }
0xf9: {  	s0 =	simm.s32 @!p0 $0xD  }
0xfa: {  	s4 =	simm.s32 @!p1 $0x1;
	s7 =	simm.s32 @!p1 $0x6;
	_ =	swait.ge @!p0 [sflag:s0], $0x618  }
0xfb: {  	s12 =	simm.s32 @!p1 $0x3;
	[sflag:s0] =	ssyncset.done @!p0 $0x0;
	s30 =	rddreg [dreg:$0xa]  }
0xfc: {  	s15 =	rddreg [dreg:$0x12];
	[sflag:s0] =	ssyncadd.s32 @!p0 $0xFFFFF9E8;
	s0 =	sshrl.u32 @!p1 s30, $0x3  }
0xfd: {  	[hbm:s15@s7], [sflag:s8] =	dma.strided @!p1 [spmem:s0@s12], $0x768, s4, $0x3   }
0xfe: {  	s0 =	simm.s32 @!p1 $0xD  }
0xff: {  	s4 =	simm.s32 @!p2 $0x1;
	_ =	swait.ge @!p1 [sflag:s0], $0x768  }
0x100: {  	s7 =	simm.s32 @!p2 $0x6;
	s12 =	simm.s32 @!p2 $0x3;
	[sflag:s0] =	ssyncset.done @!p1 $0x0  }
0x101: {  	s15 =	rddreg [dreg:$0x15];
	[sflag:s0] =	ssyncadd.s32 @!p1 $0xFFFFF898;
	s0 =	sshrl.u32 @!p2 s17, $0x3  }
0x102: {  	[hbm:s15@s7], [sflag:s8] =	dma.strided @!p2 [spmem:s0@s12], $0x618, s4, $0x3   }
0x103: {  	s0 =	simm.s32 @!p2 $0xD  }
0x104: {  	s4 =	simm.s32 @!p3 $0x1;
	_ =	swait.ge @!p2 [sflag:s0], $0x618  }
0x105: {  	s7 =	simm.s32 @!p3 $0x6;
	s12 =	simm.s32 @!p3 $0x3;
	[sflag:s0] =	ssyncset.done @!p2 $0x0  }
0x106: {  	s15 =	rddreg [dreg:$0x14];
	[sflag:s0] =	ssyncadd.s32 @!p2 $0xFFFFF9E8;
	s0 =	sshrl.u32 @!p3 s30, $0x3  }
0x107: {  	[hbm:s15@s7], [sflag:s8] =	dma.strided @!p3 [spmem:s0@s12], $0x768, s4, $0x3   }
0x108: {  	s0 =	simm.s32 @!p3 $0xD  }
0x109: {  	_ =	swait.ge @!p3 [sflag:s0], $0x768  }
0x10a: {  	s26 =	rddreg [dreg:$0x19]  }
0x10b: {  	s28 =	rddreg [dreg:$0x16];
	s7 =	sadd.s32 $0x1, s26  }
0x10c: {  	p4 =	sne.s32 s7, s28  }
.Ltmp1:
0x10d: {  	_ = 	snop;
	(pc) =	sbr.rel @p4 .LBB2_1-.Ltmp1, $3  }
0x10e: {  	_ =	sdelay $0x1  }
0x10f: {  	[sflag:s0] =	ssyncset.done @!p3 $0x0  }
0x110: {  	[sflag:s0] =	ssyncadd.s32 @!p3 $0xFFFFF898  }
0x111: {  	_ =	sfence.sel $0x180000  }
0x112: {  	[bflag:$0x0] =	sbarrier.arrive $0xFFFF  }
0x113: {  	_ =	strace $0x90000050  }
0x114: {  	s0 =	stileid.u32;
	[bflag:$0x2] =	sbarrier.arrive $0xFFFF  }
0x115: {  	p0 =	sne.s32 s0, $0x0;
	s0 =	rddreg [dreg:$0x3]  }
0x116: {  	s0 =	sadd.s32 @!p0 $0x100000, s0  }
0x117: {  	[sflag:s0] =	ssyncadd.tile.s32 @!p0 $0x1;
	_ =	shalt  }
.Lfunc_end2:
_tile_overlayer_lowered:
.L_overlay_start_2:
0x118: {  	(tag) =	ssettag $0x2  }
0x119: {  	s0 =	rddreg [dreg:$0x0];
	s2 =	stileid.u32  }
0x11a: {  	s1 =	rddreg [dreg:$0x1];
	p0 =	sne.s32 s2, $0x0  }
0x11b: {  	s3 =	rddreg [dreg:$0x2];
	[bflag:$0x3] =	sbarrier.arrive $0xFFFF;
	s2 =	simm.s32 @!p0 $0x1C0D  }
0x11c: {  	[timem:s3], [sflag:s2] =	dma.local @!p0 [hbm:s0], s1  }
0x11d: {  	s0 =	simm.s32 @!p0 $0xD  }
0x11e: {  	_ =	swait.ge @!p0 [sflag:s0], s1  }
0x11f: {  	s1 =	ssub.s32 @!p0 $0x0, s1;
	[sflag:s0] =	ssyncset.done @!p0 $0x0  }
0x120: {  	[sflag:s0] =	ssyncadd.s32 @!p0 s1  }
0x121: {  	[bflag:$0x3] =	sbarrier.arrive $0xFFFF  }
0x122: {  	_ =	shalt  }

</sc_bundles>
